<compile_context>
chip_gen: v7x
topology: tpu7x:2x2x1
jax: 0.10.2.dev20260603
libtpu: 0.0.44.dev20260713+nightly
codegen_flags: <defaults>
</compile_context>

<pallas_src>
import functools

import jax
import jax.numpy as jnp
from jax import lax
from jax.experimental import pallas as pl
from jax.experimental.pallas import tpu as pltpu
from jax.experimental.pallas import tpu_sc as plsc

NC, NS, L = 2, 16, 16
NW = NC * NS
B = 16384
D = 64
OUT_D = 2 * D + 1
BPW = B // NW
NCHUNK = BPW // L
NBUCKETS = 10
GATHER_CHUNK = 128
NG = BPW // GATHER_CHUNK

_mesh = plsc.VectorSubcoreMesh(core_axis_name="c", subcore_axis_name="s")


@functools.partial(
    pl.kernel,
    out_type=jax.ShapeDtypeStruct((B, OUT_D), jnp.float32),
    mesh=_mesh,
    compiler_params=pltpu.CompilerParams(
        use_tc_tiling_on_sc=False, needs_layout_passes=False),
    scratch_types=[
        pltpu.VMEM((BPW,), jnp.int32),
        pltpu.VMEM((BPW,), jnp.float32),
        pltpu.VMEM((BPW,), jnp.int32),
        pltpu.VMEM((BPW,), jnp.int32),
        pltpu.VMEM((BPW, 1), jnp.float32),
        pltpu.VMEM((NBUCKETS * L,), jnp.float32),
        pltpu.VMEM((2 * L,), jnp.float32),
        pltpu.VMEM((BPW, D), jnp.float32),
        pltpu.VMEM((BPW, D), jnp.float32),
        pltpu.SemaphoreType.DMA,
        pltpu.SemaphoreType.DMA,
    ],
)
def _user_model_sc(uid_hbm, age_hbm, utab_hbm, atab_hbm, bb_hbm, stats_hbm,
                   out_hbm, uid_v, age_v, idx_v, bins_v, norm_v, bb_v,
                   stats_v, urows_v, arows_v, usem, asem):
    wid = lax.axis_index("s") * NC + lax.axis_index("c")
    base = wid * BPW

    pltpu.sync_copy(uid_hbm.at[pl.ds(base, BPW)], uid_v)
    pltpu.sync_copy(age_hbm.at[pl.ds(base, BPW)], age_v)
    pltpu.sync_copy(bb_hbm, bb_v)
    pltpu.sync_copy(stats_hbm, stats_v)

    mean = stats_v[pl.ds(0, L)]
    inv_std = stats_v[pl.ds(L, L)]
    lane = lax.iota(jnp.int32, L)
    zero = jnp.zeros((L,), jnp.int32)
    for c in range(NCHUNK):
        sl = pl.ds(c * L, L)
        idx_v[sl] = uid_v[sl] + 1
        a = age_v[sl]
        cnt = jnp.zeros((L,), jnp.int32)
        ones = jnp.ones((L,), jnp.int32)
        zeros32 = jnp.zeros((L,), jnp.int32)
        for i in range(NBUCKETS):
            cnt = cnt + jnp.where(a >= bb_v[pl.ds(i * L, L)], ones, zeros32)
        bins_v[sl] = cnt
        row_idx = lane + jnp.full((L,), c * L, jnp.int32)
        plsc.store_scatter(norm_v, [row_idx, zero], (a - mean) * inv_std)

    ucopies = []
    acopies = []
    for g in range(NG):
        gs = pl.ds(g * GATHER_CHUNK, GATHER_CHUNK)
        ucopies.append(
            pltpu.async_copy(utab_hbm.at[idx_v.at[gs]], urows_v.at[gs], usem))
        acopies.append(
            pltpu.async_copy(atab_hbm.at[bins_v.at[gs]], arows_v.at[gs], asem))
    for cp in ucopies:
        cp.wait()
    for cp in acopies:
        cp.wait()

    rows = pl.ds(base, BPW)
    pltpu.sync_copy(urows_v, out_hbm.at[rows, pl.ds(0, D)])
    pltpu.sync_copy(arows_v, out_hbm.at[rows, pl.ds(D, D)])
    pltpu.sync_copy(norm_v, out_hbm.at[rows, pl.ds(2 * D, 1)])


def kernel(user_id, age, user_table, age_table, age_buckets, age_mean, age_var):
    bb = jnp.broadcast_to(age_buckets[:, None], (NBUCKETS, L)).reshape(-1)
    inv_std = lax.rsqrt(age_var.astype(jnp.float32))
    stats = jnp.concatenate([
        jnp.broadcast_to(jnp.asarray(age_mean, jnp.float32), (L,)),
        jnp.broadcast_to(inv_std, (L,)),
    ])
    return _user_model_sc(user_id, age, user_table, age_table, bb, stats)

# --- scband reference (transcript-rebuilt; emitter-appended) ---
"""Pipeline reference for scband-user-model-781684048686 (READ-ONLY COPY).

The authoritative reference and input builder live on the scoring server;
editing this copy changes nothing except your own understanding.
"""

import jax, jax.numpy as jnp
import numpy as np

VOCAB = 1000000
NUM_BUCKETS = 10
EMB = 64
BATCH = 16384

def setup_inputs(seed: int = 0) -> dict:
    key = jax.random.key(seed)
    k1, k2, k3, k4 = jax.random.split(key, 4)
    user_id = jax.random.randint(k1, (BATCH,), 0, VOCAB, dtype=jnp.int32)
    age = jax.random.uniform(k2, (BATCH,), dtype=jnp.float32)
    # learned params: Embedding(len(unique_users)+1, 64) and Embedding(len(age_buckets)+1, 64)
    user_table = jax.random.normal(k3, (VOCAB + 1, EMB), dtype=jnp.float32) * 0.05
    age_table = jax.random.normal(k4, (NUM_BUCKETS + 1, EMB), dtype=jnp.float32) * 0.05
    # Discretization boundaries (non-trainable, adapted/fixed)
    age_buckets = jnp.linspace(0.05, 0.95, NUM_BUCKETS).astype(jnp.float32)
    # Normalization layer adapted stats (mean/var of uniform[0,1))
    age_mean = jnp.float32(0.5)
    age_var = jnp.float32(1.0 / 12.0)
    return {"user_id": user_id, "age": age, "user_table": user_table, "age_table": age_table, "age_buckets": age_buckets, "age_mean": age_mean, "age_var": age_var}

def reference(user_id, age, user_table, age_table, age_buckets, age_mean, age_var):
    # IntegerLookup(vocabulary=arange(VOCAB), mask_token=None, num_oov_indices=1):
    # in-vocab token t maps to index t + 1 (index 0 reserved for OOV)
    lookup_idx = user_id + 1
    user_emb = jnp.take(user_table, lookup_idx, axis=0)
    # Discretization: value < b[0] -> 0; b[i-1] <= value < b[i] -> i; value >= b[-1] -> NUM_BUCKETS
    bins = jnp.searchsorted(age_buckets, age, side='right')
    age_emb = jnp.take(age_table, bins, axis=0)
    # Normalization(axis=None): (x - mean) / sqrt(var)
    norm_age = (age - age_mean) / jnp.sqrt(age_var)
    return jnp.concatenate([user_emb, age_emb, jnp.reshape(norm_age, (-1, 1))], axis=1)

if __name__ == "__main__":
    import jax
    _d = setup_inputs()
    print(jax.jit(kernel)(*tuple(_d.values())))

</pallas_src>

<mosaic_0001>
#map = affine_map<(d0, d1) -> (0)>
#map1 = affine_map<(d0, d1) -> (0, 0)>
module attributes {stable_mosaic.version = 14 : i64} {
  func.func @_user_model_sc(%arg0: i32, %arg1: i32, %arg2: memref<16384xi32, #tpu.memory_space<hbm>>, %arg3: memref<16384xf32, #tpu.memory_space<hbm>>, %arg4: memref<1000001x64xf32, #tpu.memory_space<hbm>>, %arg5: memref<11x64xf32, #tpu.memory_space<hbm>>, %arg6: memref<160xf32, #tpu.memory_space<hbm>>, %arg7: memref<32xf32, #tpu.memory_space<hbm>>, %arg8: memref<16384x129xf32, #tpu.memory_space<hbm>>, %arg9: memref<512xi32, #tpu.memory_space<vmem>>, %arg10: memref<512xf32, #tpu.memory_space<vmem>>, %arg11: memref<512xi32, #tpu.memory_space<vmem>>, %arg12: memref<512xi32, #tpu.memory_space<vmem>>, %arg13: memref<512x1xf32, #tpu.memory_space<vmem>>, %arg14: memref<160xf32, #tpu.memory_space<vmem>>, %arg15: memref<32xf32, #tpu.memory_space<vmem>>, %arg16: memref<512x64xf32, #tpu.memory_space<vmem>>, %arg17: memref<512x64xf32, #tpu.memory_space<vmem>>, %arg18: memref<!tpu.dma_semaphore, #tpu.memory_space<semaphore_mem>>, %arg19: memref<!tpu.dma_semaphore, #tpu.memory_space<semaphore_mem>>) attributes {dimension_semantics = [#tpu.dimension_semantics<core_parallel>, #tpu.dimension_semantics<subcore_parallel>], iteration_bounds = array<i64: 2, 16>, scalar_prefetch = 0 : i64, scratch_operands = 11 : i64, tpu.core_type = #tpu.core_type<sc_vector_subcore>, window_params = [{transform_indices = #map}, {transform_indices = #map}, {transform_indices = #map1}, {transform_indices = #map1}, {transform_indices = #map}, {transform_indices = #map}, {transform_indices = #map1}]} {
    %mul3A = arith.constant 2 : i32
    %mul3A_0 = arith.muli %arg1, %mul3A : i32
    %add3A = arith.addi %mul3A_0, %arg0 : i32
    %mul3A_1 = arith.constant 512 : i32
    %mul3A_2 = arith.muli %add3A, %mul3A_1 : i32
    "tpu.region"() ({
      %run_scoped3A = tpu.sem_alloc : memref<!tpu.dma_semaphore, #tpu.memory_space<semaphore_mem>>
      %dma_start3A_2433 = tpu.memref_slice %arg2[%mul3A_2] : memref<16384xi32, #tpu.memory_space<hbm>> -> memref<512xi32, #tpu.memory_space<hbm>>
      %dma_start3A_2434 = tpu.memref_slice %arg2[%mul3A_2] : memref<16384xi32, #tpu.memory_space<hbm>> -> memref<512xi32, #tpu.memory_space<hbm>>
      tpu.enqueue_dma source(%dma_start3A_2434 : memref<512xi32, #tpu.memory_space<hbm>>) target(%arg9 : memref<512xi32, #tpu.memory_space<vmem>>) target_semaphore(%run_scoped3A : memref<!tpu.dma_semaphore, #tpu.memory_space<semaphore_mem>>)
      %dma_wait3A_2435 = tpu.memref_slice %arg2[%mul3A_2] : memref<16384xi32, #tpu.memory_space<hbm>> -> memref<512xi32, #tpu.memory_space<hbm>>
      %dma_wait3A_2436 = tpu.memref_slice %arg2[%mul3A_2] : memref<16384xi32, #tpu.memory_space<hbm>> -> memref<512xi32, #tpu.memory_space<hbm>>
      tpu.wait_dma2 semaphore(%run_scoped3A : memref<!tpu.dma_semaphore, #tpu.memory_space<semaphore_mem>>) src(%dma_wait3A_2436 : memref<512xi32, #tpu.memory_space<hbm>>) dst(%arg9 : memref<512xi32, #tpu.memory_space<vmem>>)
      tpu.yield
    }) : () -> ()
    "tpu.region"() ({
      %run_scoped3A = tpu.sem_alloc : memref<!tpu.dma_semaphore, #tpu.memory_space<semaphore_mem>>
      %dma_start3A_2433 = tpu.memref_slice %arg3[%mul3A_2] : memref<16384xf32, #tpu.memory_space<hbm>> -> memref<512xf32, #tpu.memory_space<hbm>>
      %dma_start3A_2434 = tpu.memref_slice %arg3[%mul3A_2] : memref<16384xf32, #tpu.memory_space<hbm>> -> memref<512xf32, #tpu.memory_space<hbm>>
      tpu.enqueue_dma source(%dma_start3A_2434 : memref<512xf32, #tpu.memory_space<hbm>>) target(%arg10 : memref<512xf32, #tpu.memory_space<vmem>>) target_semaphore(%run_scoped3A : memref<!tpu.dma_semaphore, #tpu.memory_space<semaphore_mem>>)
      %dma_wait3A_2435 = tpu.memref_slice %arg3[%mul3A_2] : memref<16384xf32, #tpu.memory_space<hbm>> -> memref<512xf32, #tpu.memory_space<hbm>>
      %dma_wait3A_2436 = tpu.memref_slice %arg3[%mul3A_2] : memref<16384xf32, #tpu.memory_space<hbm>> -> memref<512xf32, #tpu.memory_space<hbm>>
      tpu.wait_dma2 semaphore(%run_scoped3A : memref<!tpu.dma_semaphore, #tpu.memory_space<semaphore_mem>>) src(%dma_wait3A_2436 : memref<512xf32, #tpu.memory_space<hbm>>) dst(%arg10 : memref<512xf32, #tpu.memory_space<vmem>>)
      tpu.yield
    }) : () -> ()
    "tpu.region"() ({
      %run_scoped3A = tpu.sem_alloc : memref<!tpu.dma_semaphore, #tpu.memory_space<semaphore_mem>>
      tpu.enqueue_dma source(%arg6 : memref<160xf32, #tpu.memory_space<hbm>>) target(%arg14 : memref<160xf32, #tpu.memory_space<vmem>>) target_semaphore(%run_scoped3A : memref<!tpu.dma_semaphore, #tpu.memory_space<semaphore_mem>>)
      tpu.wait_dma2 semaphore(%run_scoped3A : memref<!tpu.dma_semaphore, #tpu.memory_space<semaphore_mem>>) src(%arg6 : memref<160xf32, #tpu.memory_space<hbm>>) dst(%arg14 : memref<160xf32, #tpu.memory_space<vmem>>)
      tpu.yield
    }) : () -> ()
    "tpu.region"() ({
      %run_scoped3A = tpu.sem_alloc : memref<!tpu.dma_semaphore, #tpu.memory_space<semaphore_mem>>
      tpu.enqueue_dma source(%arg7 : memref<32xf32, #tpu.memory_space<hbm>>) target(%arg15 : memref<32xf32, #tpu.memory_space<vmem>>) target_semaphore(%run_scoped3A : memref<!tpu.dma_semaphore, #tpu.memory_space<semaphore_mem>>)
      tpu.wait_dma2 semaphore(%run_scoped3A : memref<!tpu.dma_semaphore, #tpu.memory_space<semaphore_mem>>) src(%arg7 : memref<32xf32, #tpu.memory_space<hbm>>) dst(%arg15 : memref<32xf32, #tpu.memory_space<vmem>>)
      tpu.yield
    }) : () -> ()
    %get3A = arith.constant 0 : index
    %get3A_3 = tpu.vector_load %arg15[%get3A] {strides = array<i32>} : memref<32xf32, #tpu.memory_space<vmem>>, vector<16xf32>,
    %get3A_4 = arith.constant 16 : index
    %get3A_5 = tpu.vector_load %arg15[%get3A_4] {strides = array<i32>} : memref<32xf32, #tpu.memory_space<vmem>>, vector<16xf32>,
    %iota3A = tpu.iota {dimensions = array<i32: 0>} : vector<16xi32>
    %broadcast_in_dim3A = arith.constant 0 : i32
    %broadcast_in_dim3A_6 = vector.broadcast %broadcast_in_dim3A : i32 to vector<16xi32>
    %get3A_7 = arith.constant 0 : index
    %get3A_8 = tpu.vector_load %arg9[%get3A_7] {strides = array<i32>} : memref<512xi32, #tpu.memory_space<vmem>>, vector<16xi32>,
    %add3A_9 = arith.constant 1 : i32
    %add3A_10 = vector.broadcast %add3A_9 : i32 to vector<16xi32>
    %add3A_11 = arith.addi %get3A_8, %add3A_10 : vector<16xi32>
    %swap3A = arith.constant 0 : index
    %swap3A_12 = tpu.vector_load %arg11[%swap3A] {strides = array<i32>} : memref<512xi32, #tpu.memory_space<vmem>>, vector<16xi32>,
    tpu.vector_store %arg11[%swap3A], %add3A_11 {strides = array<i32>} : memref<512xi32, #tpu.memory_space<vmem>>, vector<16xi32>,
    %get3A_13 = arith.constant 0 : index
    %get3A_14 = tpu.vector_load %arg10[%get3A_13] {strides = array<i32>} : memref<512xf32, #tpu.memory_space<vmem>>, vector<16xf32>,
    %broadcast_in_dim3A_15 = arith.constant 0 : i32
    %broadcast_in_dim3A_16 = vector.broadcast %broadcast_in_dim3A_15 : i32 to vector<16xi32>
    %broadcast_in_dim3A_17 = arith.constant 1 : i32
    %broadcast_in_dim3A_18 = vector.broadcast %broadcast_in_dim3A_17 : i32 to vector<16xi32>
    %broadcast_in_dim3A_19 = arith.constant 0 : i32
    %broadcast_in_dim3A_20 = vector.broadcast %broadcast_in_dim3A_19 : i32 to vector<16xi32>
    %get3A_21 = arith.constant 0 : index
    %get3A_22 = tpu.vector_load %arg14[%get3A_21] {strides = array<i32>} : memref<160xf32, #tpu.memory_space<vmem>>, vector<16xf32>,
    %ge3A = arith.cmpf oge, %get3A_14, %get3A_22 : vector<16xf32>
    %select_n3A = arith.select %ge3A, %broadcast_in_dim3A_18, %broadcast_in_dim3A_20 : vector<16xi1>, vector<16xi32>
    %add3A_23 = arith.addi %broadcast_in_dim3A_16, %select_n3A : vector<16xi32>
    %get3A_24 = arith.constant 16 : index
    %get3A_25 = tpu.vector_load %arg14[%get3A_24] {strides = array<i32>} : memref<160xf32, #tpu.memory_space<vmem>>, vector<16xf32>,
    %ge3A_26 = arith.cmpf oge, %get3A_14, %get3A_25 : vector<16xf32>
    %select_n3A_27 = arith.select %ge3A_26, %broadcast_in_dim3A_18, %broadcast_in_dim3A_20 : vector<16xi1>, vector<16xi32>
    %add3A_28 = arith.addi %add3A_23, %select_n3A_27 : vector<16xi32>
    %get3A_29 = arith.constant 32 : index
    %get3A_30 = tpu.vector_load %arg14[%get3A_29] {strides = array<i32>} : memref<160xf32, #tpu.memory_space<vmem>>, vector<16xf32>,
    %ge3A_31 = arith.cmpf oge, %get3A_14, %get3A_30 : vector<16xf32>
    %select_n3A_32 = arith.select %ge3A_31, %broadcast_in_dim3A_18, %broadcast_in_dim3A_20 : vector<16xi1>, vector<16xi32>
    %add3A_33 = arith.addi %add3A_28, %select_n3A_32 : vector<16xi32>
    %get3A_34 = arith.constant 48 : index
    %get3A_35 = tpu.vector_load %arg14[%get3A_34] {strides = array<i32>} : memref<160xf32, #tpu.memory_space<vmem>>, vector<16xf32>,
    %ge3A_36 = arith.cmpf oge, %get3A_14, %get3A_35 : vector<16xf32>
    %select_n3A_37 = arith.select %ge3A_36, %broadcast_in_dim3A_18, %broadcast_in_dim3A_20 : vector<16xi1>, vector<16xi32>
    %add3A_38 = arith.addi %add3A_33, %select_n3A_37 : vector<16xi32>
    %get3A_39 = arith.constant 64 : index
    %get3A_40 = tpu.vector_load %arg14[%get3A_39] {strides = array<i32>} : memref<160xf32, #tpu.memory_space<vmem>>, vector<16xf32>,
    %ge3A_41 = arith.cmpf oge, %get3A_14, %get3A_40 : vector<16xf32>
    %select_n3A_42 = arith.select %ge3A_41, %broadcast_in_dim3A_18, %broadcast_in_dim3A_20 : vector<16xi1>, vector<16xi32>
    %add3A_43 = arith.addi %add3A_38, %select_n3A_42 : vector<16xi32>
    %get3A_44 = arith.constant 80 : index
    %get3A_45 = tpu.vector_load %arg14[%get3A_44] {strides = array<i32>} : memref<160xf32, #tpu.memory_space<vmem>>, vector<16xf32>,
    %ge3A_46 = arith.cmpf oge, %get3A_14, %get3A_45 : vector<16xf32>
    %select_n3A_47 = arith.select %ge3A_46, %broadcast_in_dim3A_18, %broadcast_in_dim3A_20 : vector<16xi1>, vector<16xi32>
    %add3A_48 = arith.addi %add3A_43, %select_n3A_47 : vector<16xi32>
    %get3A_49 = arith.constant 96 : index
    %get3A_50 = tpu.vector_load %arg14[%get3A_49] {strides = array<i32>} : memref<160xf32, #tpu.memory_space<vmem>>, vector<16xf32>,
    %ge3A_51 = arith.cmpf oge, %get3A_14, %get3A_50 : vector<16xf32>
    %select_n3A_52 = arith.select %ge3A_51, %broadcast_in_dim3A_18, %broadcast_in_dim3A_20 : vector<16xi1>, vector<16xi32>
    %add3A_53 = arith.addi %add3A_48, %select_n3A_52 : vector<16xi32>
    %get3A_54 = arith.constant 112 : index
    %get3A_55 = tpu.vector_load %arg14[%get3A_54] {strides = array<i32>} : memref<160xf32, #tpu.memory_space<vmem>>, vector<16xf32>,
    %ge3A_56 = arith.cmpf oge, %get3A_14, %get3A_55 : vector<16xf32>
    %select_n3A_57 = arith.select %ge3A_56, %broadcast_in_dim3A_18, %broadcast_in_dim3A_20 : vector<16xi1>, vector<16xi32>
    %add3A_58 = arith.addi %add3A_53, %select_n3A_57 : vector<16xi32>
    %get3A_59 = arith.constant 128 : index
    %get3A_60 = tpu.vector_load %arg14[%get3A_59] {strides = array<i32>} : memref<160xf32, #tpu.memory_space<vmem>>, vector<16xf32>,
    %ge3A_61 = arith.cmpf oge, %get3A_14, %get3A_60 : vector<16xf32>
    %select_n3A_62 = arith.select %ge3A_61, %broadcast_in_dim3A_18, %broadcast_in_dim3A_20 : vector<16xi1>, vector<16xi32>
    %add3A_63 = arith.addi %add3A_58, %select_n3A_62 : vector<16xi32>
    %get3A_64 = arith.constant 144 : index
    %get3A_65 = tpu.vector_load %arg14[%get3A_64] {strides = array<i32>} : memref<160xf32, #tpu.memory_space<vmem>>, vector<16xf32>,
    %ge3A_66 = arith.cmpf oge, %get3A_14, %get3A_65 : vector<16xf32>
    %select_n3A_67 = arith.select %ge3A_66, %broadcast_in_dim3A_18, %broadcast_in_dim3A_20 : vector<16xi1>, vector<16xi32>
    %add3A_68 = arith.addi %add3A_63, %select_n3A_67 : vector<16xi32>
    %swap3A_69 = arith.constant 0 : index
    %swap3A_70 = tpu.vector_load %arg12[%swap3A_69] {strides = array<i32>} : memref<512xi32, #tpu.memory_space<vmem>>, vector<16xi32>,
    tpu.vector_store %arg12[%swap3A_69], %add3A_68 {strides = array<i32>} : memref<512xi32, #tpu.memory_space<vmem>>, vector<16xi32>,
    %broadcast_in_dim3A_71 = arith.constant 0 : i32
    %broadcast_in_dim3A_72 = vector.broadcast %broadcast_in_dim3A_71 : i32 to vector<16xi32>
    %add3A_73 = arith.addi %iota3A, %broadcast_in_dim3A_72 : vector<16xi32>
    %sub3A = arith.subf %get3A_14, %get3A_3 : vector<16xf32>
    %mul3A_74 = arith.mulf %sub3A, %get3A_5 : vector<16xf32>
    tpu.vector_store_idx %arg13[%add3A_73, %broadcast_in_dim3A_6], %mul3A_74 : memref<512x1xf32, #tpu.memory_space<vmem>>[vector<16xi32>, vector<16xi32>], vector<16xf32>,
    %get3A_75 = arith.constant 16 : index
    %get3A_76 = tpu.vector_load %arg9[%get3A_75] {strides = array<i32>} : memref<512xi32, #tpu.memory_space<vmem>>, vector<16xi32>,
    %add3A_77 = arith.constant 1 : i32
    %add3A_78 = vector.broadcast %add3A_77 : i32 to vector<16xi32>
    %add3A_79 = arith.addi %get3A_76, %add3A_78 : vector<16xi32>
    %swap3A_80 = arith.constant 16 : index
    %swap3A_81 = tpu.vector_load %arg11[%swap3A_80] {strides = array<i32>} : memref<512xi32, #tpu.memory_space<vmem>>, vector<16xi32>,
    tpu.vector_store %arg11[%swap3A_80], %add3A_79 {strides = array<i32>} : memref<512xi32, #tpu.memory_space<vmem>>, vector<16xi32>,
    %get3A_82 = arith.constant 16 : index
    %get3A_83 = tpu.vector_load %arg10[%get3A_82] {strides = array<i32>} : memref<512xf32, #tpu.memory_space<vmem>>, vector<16xf32>,
    %broadcast_in_dim3A_84 = arith.constant 0 : i32
    %broadcast_in_dim3A_85 = vector.broadcast %broadcast_in_dim3A_84 : i32 to vector<16xi32>
    %broadcast_in_dim3A_86 = arith.constant 1 : i32
    %broadcast_in_dim3A_87 = vector.broadcast %broadcast_in_dim3A_86 : i32 to vector<16xi32>
    %broadcast_in_dim3A_88 = arith.constant 0 : i32
    %broadcast_in_dim3A_89 = vector.broadcast %broadcast_in_dim3A_88 : i32 to vector<16xi32>
    %get3A_90 = arith.constant 0 : index
    %get3A_91 = tpu.vector_load %arg14[%get3A_90] {strides = array<i32>} : memref<160xf32, #tpu.memory_space<vmem>>, vector<16xf32>,
    %ge3A_92 = arith.cmpf oge, %get3A_83, %get3A_91 : vector<16xf32>
    %select_n3A_93 = arith.select %ge3A_92, %broadcast_in_dim3A_87, %broadcast_in_dim3A_89 : vector<16xi1>, vector<16xi32>
    %add3A_94 = arith.addi %broadcast_in_dim3A_85, %select_n3A_93 : vector<16xi32>
    %get3A_95 = arith.constant 16 : index
    %get3A_96 = tpu.vector_load %arg14[%get3A_95] {strides = array<i32>} : memref<160xf32, #tpu.memory_space<vmem>>, vector<16xf32>,
    %ge3A_97 = arith.cmpf oge, %get3A_83, %get3A_96 : vector<16xf32>
    %select_n3A_98 = arith.select %ge3A_97, %broadcast_in_dim3A_87, %broadcast_in_dim3A_89 : vector<16xi1>, vector<16xi32>
    %add3A_99 = arith.addi %add3A_94, %select_n3A_98 : vector<16xi32>
    %get3A_100 = arith.constant 32 : index
    %get3A_101 = tpu.vector_load %arg14[%get3A_100] {strides = array<i32>} : memref<160xf32, #tpu.memory_space<vmem>>, vector<16xf32>,
    %ge3A_102 = arith.cmpf oge, %get3A_83, %get3A_101 : vector<16xf32>
    %select_n3A_103 = arith.select %ge3A_102, %broadcast_in_dim3A_87, %broadcast_in_dim3A_89 : vector<16xi1>, vector<16xi32>
    %add3A_104 = arith.addi %add3A_99, %select_n3A_103 : vector<16xi32>
    %get3A_105 = arith.constant 48 : index
    %get3A_106 = tpu.vector_load %arg14[%get3A_105] {strides = array<i32>} : memref<160xf32, #tpu.memory_space<vmem>>, vector<16xf32>,
    %ge3A_107 = arith.cmpf oge, %get3A_83, %get3A_106 : vector<16xf32>
    %select_n3A_108 = arith.select %ge3A_107, %broadcast_in_dim3A_87, %broadcast_in_dim3A_89 : vector<16xi1>, vector<16xi32>
    %add3A_109 = arith.addi %add3A_104, %select_n3A_108 : vector<16xi32>
    %get3A_110 = arith.constant 64 : index
    %get3A_111 = tpu.vector_load %arg14[%get3A_110] {strides = array<i32>} : memref<160xf32, #tpu.memory_space<vmem>>, vector<16xf32>,
    %ge3A_112 = arith.cmpf oge, %get3A_83, %get3A_111 : vector<16xf32>
    %select_n3A_113 = arith.select %ge3A_112, %broadcast_in_dim3A_87, %broadcast_in_dim3A_89 : vector<16xi1>, vector<16xi32>
    %add3A_114 = arith.addi %add3A_109, %select_n3A_113 : vector<16xi32>
    %get3A_115 = arith.constant 80 : index
    %get3A_116 = tpu.vector_load %arg14[%get3A_115] {strides = array<i32>} : memref<160xf32, #tpu.memory_space<vmem>>, vector<16xf32>,
    %ge3A_117 = arith.cmpf oge, %get3A_83, %get3A_116 : vector<16xf32>
    %select_n3A_118 = arith.select %ge3A_117, %broadcast_in_dim3A_87, %broadcast_in_dim3A_89 : vector<16xi1>, vector<16xi32>
    %add3A_119 = arith.addi %add3A_114, %select_n3A_118 : vector<16xi32>
    %get3A_120 = arith.constant 96 : index
    %get3A_121 = tpu.vector_load %arg14[%get3A_120] {strides = array<i32>} : memref<160xf32, #tpu.memory_space<vmem>>, vector<16xf32>,
    %ge3A_122 = arith.cmpf oge, %get3A_83, %get3A_121 : vector<16xf32>
    %select_n3A_123 = arith.select %ge3A_122, %broadcast_in_dim3A_87, %broadcast_in_dim3A_89 : vector<16xi1>, vector<16xi32>
    %add3A_124 = arith.addi %add3A_119, %select_n3A_123 : vector<16xi32>
    %get3A_125 = arith.constant 112 : index
    %get3A_126 = tpu.vector_load %arg14[%get3A_125] {strides = array<i32>} : memref<160xf32, #tpu.memory_space<vmem>>, vector<16xf32>,
    %ge3A_127 = arith.cmpf oge, %get3A_83, %get3A_126 : vector<16xf32>
    %select_n3A_128 = arith.select %ge3A_127, %broadcast_in_dim3A_87, %broadcast_in_dim3A_89 : vector<16xi1>, vector<16xi32>
    %add3A_129 = arith.addi %add3A_124, %select_n3A_128 : vector<16xi32>
    %get3A_130 = arith.constant 128 : index
    %get3A_131 = tpu.vector_load %arg14[%get3A_130] {strides = array<i32>} : memref<160xf32, #tpu.memory_space<vmem>>, vector<16xf32>,
    %ge3A_132 = arith.cmpf oge, %get3A_83, %get3A_131 : vector<16xf32>
    %select_n3A_133 = arith.select %ge3A_132, %broadcast_in_dim3A_87, %broadcast_in_dim3A_89 : vector<16xi1>, vector<16xi32>
    %add3A_134 = arith.addi %add3A_129, %select_n3A_133 : vector<16xi32>
    %get3A_135 = arith.constant 144 : index
    %get3A_136 = tpu.vector_load %arg14[%get3A_135] {strides = array<i32>} : memref<160xf32, #tpu.memory_space<vmem>>, vector<16xf32>,
    %ge3A_137 = arith.cmpf oge, %get3A_83, %get3A_136 : vector<16xf32>
    %select_n3A_138 = arith.select %ge3A_137, %broadcast_in_dim3A_87, %broadcast_in_dim3A_89 : vector<16xi1>, vector<16xi32>
    %add3A_139 = arith.addi %add3A_134, %select_n3A_138 : vector<16xi32>
    %swap3A_140 = arith.constant 16 : index
    %swap3A_141 = tpu.vector_load %arg12[%swap3A_140] {strides = array<i32>} : memref<512xi32, #tpu.memory_space<vmem>>, vector<16xi32>,
    tpu.vector_store %arg12[%swap3A_140], %add3A_139 {strides = array<i32>} : memref<512xi32, #tpu.memory_space<vmem>>, vector<16xi32>,
    %broadcast_in_dim3A_142 = arith.constant 16 : i32
    %broadcast_in_dim3A_143 = vector.broadcast %broadcast_in_dim3A_142 : i32 to vector<16xi32>
    %add3A_144 = arith.addi %iota3A, %broadcast_in_dim3A_143 : vector<16xi32>
    %sub3A_145 = arith.subf %get3A_83, %get3A_3 : vector<16xf32>
    %mul3A_146 = arith.mulf %sub3A_145, %get3A_5 : vector<16xf32>
    tpu.vector_store_idx %arg13[%add3A_144, %broadcast_in_dim3A_6], %mul3A_146 : memref<512x1xf32, #tpu.memory_space<vmem>>[vector<16xi32>, vector<16xi32>], vector<16xf32>,
    %get3A_147 = arith.constant 32 : index
    %get3A_148 = tpu.vector_load %arg9[%get3A_147] {strides = array<i32>} : memref<512xi32, #tpu.memory_space<vmem>>, vector<16xi32>,
    %add3A_149 = arith.constant 1 : i32
    %add3A_150 = vector.broadcast %add3A_149 : i32 to vector<16xi32>
    %add3A_151 = arith.addi %get3A_148, %add3A_150 : vector<16xi32>
    %swap3A_152 = arith.constant 32 : index
    %swap3A_153 = tpu.vector_load %arg11[%swap3A_152] {strides = array<i32>} : memref<512xi32, #tpu.memory_space<vmem>>, vector<16xi32>,
    tpu.vector_store %arg11[%swap3A_152], %add3A_151 {strides = array<i32>} : memref<512xi32, #tpu.memory_space<vmem>>, vector<16xi32>,
    %get3A_154 = arith.constant 32 : index
    %get3A_155 = tpu.vector_load %arg10[%get3A_154] {strides = array<i32>} : memref<512xf32, #tpu.memory_space<vmem>>, vector<16xf32>,
    %broadcast_in_dim3A_156 = arith.constant 0 : i32
    %broadcast_in_dim3A_157 = vector.broadcast %broadcast_in_dim3A_156 : i32 to vector<16xi32>
    %broadcast_in_dim3A_158 = arith.constant 1 : i32
    %broadcast_in_dim3A_159 = vector.broadcast %broadcast_in_dim3A_158 : i32 to vector<16xi32>
    %broadcast_in_dim3A_160 = arith.constant 0 : i32
    %broadcast_in_dim3A_161 = vector.broadcast %broadcast_in_dim3A_160 : i32 to vector<16xi32>
    %get3A_162 = arith.constant 0 : index
    %get3A_163 = tpu.vector_load %arg14[%get3A_162] {strides = array<i32>} : memref<160xf32, #tpu.memory_space<vmem>>, vector<16xf32>,
    %ge3A_164 = arith.cmpf oge, %get3A_155, %get3A_163 : vector<16xf32>
    %select_n3A_165 = arith.select %ge3A_164, %broadcast_in_dim3A_159, %broadcast_in_dim3A_161 : vector<16xi1>, vector<16xi32>
    %add3A_166 = arith.addi %broadcast_in_dim3A_157, %select_n3A_165 : vector<16xi32>
    %get3A_167 = arith.constant 16 : index
    %get3A_168 = tpu.vector_load %arg14[%get3A_167] {strides = array<i32>} : memref<160xf32, #tpu.memory_space<vmem>>, vector<16xf32>,
    %ge3A_169 = arith.cmpf oge, %get3A_155, %get3A_168 : vector<16xf32>
    %select_n3A_170 = arith.select %ge3A_169, %broadcast_in_dim3A_159, %broadcast_in_dim3A_161 : vector<16xi1>, vector<16xi32>
    %add3A_171 = arith.addi %add3A_166, %select_n3A_170 : vector<16xi32>
    %get3A_172 = arith.constant 32 : index
    %get3A_173 = tpu.vector_load %arg14[%get3A_172] {strides = array<i32>} : memref<160xf32, #tpu.memory_space<vmem>>, vector<16xf32>,
    %ge3A_174 = arith.cmpf oge, %get3A_155, %get3A_173 : vector<16xf32>
    %select_n3A_175 = arith.select %ge3A_174, %broadcast_in_dim3A_159, %broadcast_in_dim3A_161 : vector<16xi1>, vector<16xi32>
    %add3A_176 = arith.addi %add3A_171, %select_n3A_175 : vector<16xi32>
    %get3A_177 = arith.constant 48 : index
    %get3A_178 = tpu.vector_load %arg14[%get3A_177] {strides = array<i32>} : memref<160xf32, #tpu.memory_space<vmem>>, vector<16xf32>,
    %ge3A_179 = arith.cmpf oge, %get3A_155, %get3A_178 : vector<16xf32>
    %select_n3A_180 = arith.select %ge3A_179, %broadcast_in_dim3A_159, %broadcast_in_dim3A_161 : vector<16xi1>, vector<16xi32>
    %add3A_181 = arith.addi %add3A_176, %select_n3A_180 : vector<16xi32>
    %get3A_182 = arith.constant 64 : index
    %get3A_183 = tpu.vector_load %arg14[%get3A_182] {strides = array<i32>} : memref<160xf32, #tpu.memory_space<vmem>>, vector<16xf32>,
    %ge3A_184 = arith.cmpf oge, %get3A_155, %get3A_183 : vector<16xf32>
    %select_n3A_185 = arith.select %ge3A_184, %broadcast_in_dim3A_159, %broadcast_in_dim3A_161 : vector<16xi1>, vector<16xi32>
    %add3A_186 = arith.addi %add3A_181, %select_n3A_185 : vector<16xi32>
    %get3A_187 = arith.constant 80 : index
    %get3A_188 = tpu.vector_load %arg14[%get3A_187] {strides = array<i32>} : memref<160xf32, #tpu.memory_space<vmem>>, vector<16xf32>,
    %ge3A_189 = arith.cmpf oge, %get3A_155, %get3A_188 : vector<16xf32>
    %select_n3A_190 = arith.select %ge3A_189, %broadcast_in_dim3A_159, %broadcast_in_dim3A_161 : vector<16xi1>, vector<16xi32>
    %add3A_191 = arith.addi %add3A_186, %select_n3A_190 : vector<16xi32>
    %get3A_192 = arith.constant 96 : index
    %get3A_193 = tpu.vector_load %arg14[%get3A_192] {strides = array<i32>} : memref<160xf32, #tpu.memory_space<vmem>>, vector<16xf32>,
    %ge3A_194 = arith.cmpf oge, %get3A_155, %get3A_193 : vector<16xf32>
    %select_n3A_195 = arith.select %ge3A_194, %broadcast_in_dim3A_159, %broadcast_in_dim3A_161 : vector<16xi1>, vector<16xi32>
    %add3A_196 = arith.addi %add3A_191, %select_n3A_195 : vector<16xi32>
    %get3A_197 = arith.constant 112 : index
    %get3A_198 = tpu.vector_load %arg14[%get3A_197] {strides = array<i32>} : memref<160xf32, #tpu.memory_space<vmem>>, vector<16xf32>,
    %ge3A_199 = arith.cmpf oge, %get3A_155, %get3A_198 : vector<16xf32>
    %select_n3A_200 = arith.select %ge3A_199, %broadcast_in_dim3A_159, %broadcast_in_dim3A_161 : vector<16xi1>, vector<16xi32>
    %add3A_201 = arith.addi %add3A_196, %select_n3A_200 : vector<16xi32>
    %get3A_202 = arith.constant 128 : index
    %get3A_203 = tpu.vector_load %arg14[%get3A_202] {strides = array<i32>} : memref<160xf32, #tpu.memory_space<vmem>>, vector<16xf32>,
    %ge3A_204 = arith.cmpf oge, %get3A_155, %get3A_203 : vector<16xf32>
    %select_n3A_205 = arith.select %ge3A_204, %broadcast_in_dim3A_159, %broadcast_in_dim3A_161 : vector<16xi1>, vector<16xi32>
    %add3A_206 = arith.addi %add3A_201, %select_n3A_205 : vector<16xi32>
    %get3A_207 = arith.constant 144 : index
    %get3A_208 = tpu.vector_load %arg14[%get3A_207] {strides = array<i32>} : memref<160xf32, #tpu.memory_space<vmem>>, vector<16xf32>,
    %ge3A_209 = arith.cmpf oge, %get3A_155, %get3A_208 : vector<16xf32>
    %select_n3A_210 = arith.select %ge3A_209, %broadcast_in_dim3A_159, %broadcast_in_dim3A_161 : vector<16xi1>, vector<16xi32>
    %add3A_211 = arith.addi %add3A_206, %select_n3A_210 : vector<16xi32>
    %swap3A_212 = arith.constant 32 : index
    %swap3A_213 = tpu.vector_load %arg12[%swap3A_212] {strides = array<i32>} : memref<512xi32, #tpu.memory_space<vmem>>, vector<16xi32>,
    tpu.vector_store %arg12[%swap3A_212], %add3A_211 {strides = array<i32>} : memref<512xi32, #tpu.memory_space<vmem>>, vector<16xi32>,
    %broadcast_in_dim3A_214 = arith.constant 32 : i32
    %broadcast_in_dim3A_215 = vector.broadcast %broadcast_in_dim3A_214 : i32 to vector<16xi32>
    %add3A_216 = arith.addi %iota3A, %broadcast_in_dim3A_215 : vector<16xi32>
    %sub3A_217 = arith.subf %get3A_155, %get3A_3 : vector<16xf32>
    %mul3A_218 = arith.mulf %sub3A_217, %get3A_5 : vector<16xf32>
    tpu.vector_store_idx %arg13[%add3A_216, %broadcast_in_dim3A_6], %mul3A_218 : memref<512x1xf32, #tpu.memory_space<vmem>>[vector<16xi32>, vector<16xi32>], vector<16xf32>,
    %get3A_219 = arith.constant 48 : index
    %get3A_220 = tpu.vector_load %arg9[%get3A_219] {strides = array<i32>} : memref<512xi32, #tpu.memory_space<vmem>>, vector<16xi32>,
    %add3A_221 = arith.constant 1 : i32
    %add3A_222 = vector.broadcast %add3A_221 : i32 to vector<16xi32>
    %add3A_223 = arith.addi %get3A_220, %add3A_222 : vector<16xi32>
    %swap3A_224 = arith.constant 48 : index
    %swap3A_225 = tpu.vector_load %arg11[%swap3A_224] {strides = array<i32>} : memref<512xi32, #tpu.memory_space<vmem>>, vector<16xi32>,
    tpu.vector_store %arg11[%swap3A_224], %add3A_223 {strides = array<i32>} : memref<512xi32, #tpu.memory_space<vmem>>, vector<16xi32>,
    %get3A_226 = arith.constant 48 : index
    %get3A_227 = tpu.vector_load %arg10[%get3A_226] {strides = array<i32>} : memref<512xf32, #tpu.memory_space<vmem>>, vector<16xf32>,
    %broadcast_in_dim3A_228 = arith.constant 0 : i32
    %broadcast_in_dim3A_229 = vector.broadcast %broadcast_in_dim3A_228 : i32 to vector<16xi32>
    %broadcast_in_dim3A_230 = arith.constant 1 : i32
    %broadcast_in_dim3A_231 = vector.broadcast %broadcast_in_dim3A_230 : i32 to vector<16xi32>
    %broadcast_in_dim3A_232 = arith.constant 0 : i32
    %broadcast_in_dim3A_233 = vector.broadcast %broadcast_in_dim3A_232 : i32 to vector<16xi32>
    %get3A_234 = arith.constant 0 : index
    %get3A_235 = tpu.vector_load %arg14[%get3A_234] {strides = array<i32>} : memref<160xf32, #tpu.memory_space<vmem>>, vector<16xf32>,
    %ge3A_236 = arith.cmpf oge, %get3A_227, %get3A_235 : vector<16xf32>
    %select_n3A_237 = arith.select %ge3A_236, %broadcast_in_dim3A_231, %broadcast_in_dim3A_233 : vector<16xi1>, vector<16xi32>
    %add3A_238 = arith.addi %broadcast_in_dim3A_229, %select_n3A_237 : vector<16xi32>
    %get3A_239 = arith.constant 16 : index
    %get3A_240 = tpu.vector_load %arg14[%get3A_239] {strides = array<i32>} : memref<160xf32, #tpu.memory_space<vmem>>, vector<16xf32>,
    %ge3A_241 = arith.cmpf oge, %get3A_227, %get3A_240 : vector<16xf32>
    %select_n3A_242 = arith.select %ge3A_241, %broadcast_in_dim3A_231, %broadcast_in_dim3A_233 : vector<16xi1>, vector<16xi32>
    %add3A_243 = arith.addi %add3A_238, %select_n3A_242 : vector<16xi32>
    %get3A_244 = arith.constant 32 : index
    %get3A_245 = tpu.vector_load %arg14[%get3A_244] {strides = array<i32>} : memref<160xf32, #tpu.memory_space<vmem>>, vector<16xf32>,
    %ge3A_246 = arith.cmpf oge, %get3A_227, %get3A_245 : vector<16xf32>
    %select_n3A_247 = arith.select %ge3A_246, %broadcast_in_dim3A_231, %broadcast_in_dim3A_233 : vector<16xi1>, vector<16xi32>
    %add3A_248 = arith.addi %add3A_243, %select_n3A_247 : vector<16xi32>
    %get3A_249 = arith.constant 48 : index
    %get3A_250 = tpu.vector_load %arg14[%get3A_249] {strides = array<i32>} : memref<160xf32, #tpu.memory_space<vmem>>, vector<16xf32>,
    %ge3A_251 = arith.cmpf oge, %get3A_227, %get3A_250 : vector<16xf32>
    %select_n3A_252 = arith.select %ge3A_251, %broadcast_in_dim3A_231, %broadcast_in_dim3A_233 : vector<16xi1>, vector<16xi32>
    %add3A_253 = arith.addi %add3A_248, %select_n3A_252 : vector<16xi32>
    %get3A_254 = arith.constant 64 : index
    %get3A_255 = tpu.vector_load %arg14[%get3A_254] {strides = array<i32>} : memref<160xf32, #tpu.memory_space<vmem>>, vector<16xf32>,
    %ge3A_256 = arith.cmpf oge, %get3A_227, %get3A_255 : vector<16xf32>
    %select_n3A_257 = arith.select %ge3A_256, %broadcast_in_dim3A_231, %broadcast_in_dim3A_233 : vector<16xi1>, vector<16xi32>
    %add3A_258 = arith.addi %add3A_253, %select_n3A_257 : vector<16xi32>
    %get3A_259 = arith.constant 80 : index
    %get3A_260 = tpu.vector_load %arg14[%get3A_259] {strides = array<i32>} : memref<160xf32, #tpu.memory_space<vmem>>, vector<16xf32>,
    %ge3A_261 = arith.cmpf oge, %get3A_227, %get3A_260 : vector<16xf32>
    %select_n3A_262 = arith.select %ge3A_261, %broadcast_in_dim3A_231, %broadcast_in_dim3A_233 : vector<16xi1>, vector<16xi32>
    %add3A_263 = arith.addi %add3A_258, %select_n3A_262 : vector<16xi32>
    %get3A_264 = arith.constant 96 : index
    %get3A_265 = tpu.vector_load %arg14[%get3A_264] {strides = array<i32>} : memref<160xf32, #tpu.memory_space<vmem>>, vector<16xf32>,
    %ge3A_266 = arith.cmpf oge, %get3A_227, %get3A_265 : vector<16xf32>
    %select_n3A_267 = arith.select %ge3A_266, %broadcast_in_dim3A_231, %broadcast_in_dim3A_233 : vector<16xi1>, vector<16xi32>
    %add3A_268 = arith.addi %add3A_263, %select_n3A_267 : vector<16xi32>
    %get3A_269 = arith.constant 112 : index
    %get3A_270 = tpu.vector_load %arg14[%get3A_269] {strides = array<i32>} : memref<160xf32, #tpu.memory_space<vmem>>, vector<16xf32>,
    %ge3A_271 = arith.cmpf oge, %get3A_227, %get3A_270 : vector<16xf32>
    %select_n3A_272 = arith.select %ge3A_271, %broadcast_in_dim3A_231, %broadcast_in_dim3A_233 : vector<16xi1>, vector<16xi32>
    %add3A_273 = arith.addi %add3A_268, %select_n3A_272 : vector<16xi32>
    %get3A_274 = arith.constant 128 : index
    %get3A_275 = tpu.vector_load %arg14[%get3A_274] {strides = array<i32>} : memref<160xf32, #tpu.memory_space<vmem>>, vector<16xf32>,
    %ge3A_276 = arith.cmpf oge, %get3A_227, %get3A_275 : vector<16xf32>
    %select_n3A_277 = arith.select %ge3A_276, %broadcast_in_dim3A_231, %broadcast_in_dim3A_233 : vector<16xi1>, vector<16xi32>
    %add3A_278 = arith.addi %add3A_273, %select_n3A_277 : vector<16xi32>
    %get3A_279 = arith.constant 144 : index
    %get3A_280 = tpu.vector_load %arg14[%get3A_279] {strides = array<i32>} : memref<160xf32, #tpu.memory_space<vmem>>, vector<16xf32>,
    %ge3A_281 = arith.cmpf oge, %get3A_227, %get3A_280 : vector<16xf32>
    %select_n3A_282 = arith.select %ge3A_281, %broadcast_in_dim3A_231, %broadcast_in_dim3A_233 : vector<16xi1>, vector<16xi32>
    %add3A_283 = arith.addi %add3A_278, %select_n3A_282 : vector<16xi32>
    %swap3A_284 = arith.constant 48 : index
    %swap3A_285 = tpu.vector_load %arg12[%swap3A_284] {strides = array<i32>} : memref<512xi32, #tpu.memory_space<vmem>>, vector<16xi32>,
    tpu.vector_store %arg12[%swap3A_284], %add3A_283 {strides = array<i32>} : memref<512xi32, #tpu.memory_space<vmem>>, vector<16xi32>,
    %broadcast_in_dim3A_286 = arith.constant 48 : i32
    %broadcast_in_dim3A_287 = vector.broadcast %broadcast_in_dim3A_286 : i32 to vector<16xi32>
    %add3A_288 = arith.addi %iota3A, %broadcast_in_dim3A_287 : vector<16xi32>
    %sub3A_289 = arith.subf %get3A_227, %get3A_3 : vector<16xf32>
    %mul3A_290 = arith.mulf %sub3A_289, %get3A_5 : vector<16xf32>
    tpu.vector_store_idx %arg13[%add3A_288, %broadcast_in_dim3A_6], %mul3A_290 : memref<512x1xf32, #tpu.memory_space<vmem>>[vector<16xi32>, vector<16xi32>], vector<16xf32>,
    %get3A_291 = arith.constant 64 : index
    %get3A_292 = tpu.vector_load %arg9[%get3A_291] {strides = array<i32>} : memref<512xi32, #tpu.memory_space<vmem>>, vector<16xi32>,
    %add3A_293 = arith.constant 1 : i32
    %add3A_294 = vector.broadcast %add3A_293 : i32 to vector<16xi32>
    %add3A_295 = arith.addi %get3A_292, %add3A_294 : vector<16xi32>
    %swap3A_296 = arith.constant 64 : index
    %swap3A_297 = tpu.vector_load %arg11[%swap3A_296] {strides = array<i32>} : memref<512xi32, #tpu.memory_space<vmem>>, vector<16xi32>,
    tpu.vector_store %arg11[%swap3A_296], %add3A_295 {strides = array<i32>} : memref<512xi32, #tpu.memory_space<vmem>>, vector<16xi32>,
    %get3A_298 = arith.constant 64 : index
    %get3A_299 = tpu.vector_load %arg10[%get3A_298] {strides = array<i32>} : memref<512xf32, #tpu.memory_space<vmem>>, vector<16xf32>,
    %broadcast_in_dim3A_300 = arith.constant 0 : i32
    %broadcast_in_dim3A_301 = vector.broadcast %broadcast_in_dim3A_300 : i32 to vector<16xi32>
    %broadcast_in_dim3A_302 = arith.constant 1 : i32
    %broadcast_in_dim3A_303 = vector.broadcast %broadcast_in_dim3A_302 : i32 to vector<16xi32>
    %broadcast_in_dim3A_304 = arith.constant 0 : i32
    %broadcast_in_dim3A_305 = vector.broadcast %broadcast_in_dim3A_304 : i32 to vector<16xi32>
    %get3A_306 = arith.constant 0 : index
    %get3A_307 = tpu.vector_load %arg14[%get3A_306] {strides = array<i32>} : memref<160xf32, #tpu.memory_space<vmem>>, vector<16xf32>,
    %ge3A_308 = arith.cmpf oge, %get3A_299, %get3A_307 : vector<16xf32>
    %select_n3A_309 = arith.select %ge3A_308, %broadcast_in_dim3A_303, %broadcast_in_dim3A_305 : vector<16xi1>, vector<16xi32>
    %add3A_310 = arith.addi %broadcast_in_dim3A_301, %select_n3A_309 : vector<16xi32>
    %get3A_311 = arith.constant 16 : index
    %get3A_312 = tpu.vector_load %arg14[%get3A_311] {strides = array<i32>} : memref<160xf32, #tpu.memory_space<vmem>>, vector<16xf32>,
    %ge3A_313 = arith.cmpf oge, %get3A_299, %get3A_312 : vector<16xf32>
    %select_n3A_314 = arith.select %ge3A_313, %broadcast_in_dim3A_303, %broadcast_in_dim3A_305 : vector<16xi1>, vector<16xi32>
    %add3A_315 = arith.addi %add3A_310, %select_n3A_314 : vector<16xi32>
    %get3A_316 = arith.constant 32 : index
    %get3A_317 = tpu.vector_load %arg14[%get3A_316] {strides = array<i32>} : memref<160xf32, #tpu.memory_space<vmem>>, vector<16xf32>,
    %ge3A_318 = arith.cmpf oge, %get3A_299, %get3A_317 : vector<16xf32>
    %select_n3A_319 = arith.select %ge3A_318, %broadcast_in_dim3A_303, %broadcast_in_dim3A_305 : vector<16xi1>, vector<16xi32>
    %add3A_320 = arith.addi %add3A_315, %select_n3A_319 : vector<16xi32>
    %get3A_321 = arith.constant 48 : index
    %get3A_322 = tpu.vector_load %arg14[%get3A_321] {strides = array<i32>} : memref<160xf32, #tpu.memory_space<vmem>>, vector<16xf32>,
    %ge3A_323 = arith.cmpf oge, %get3A_299, %get3A_322 : vector<16xf32>
    %select_n3A_324 = arith.select %ge3A_323, %broadcast_in_dim3A_303, %broadcast_in_dim3A_305 : vector<16xi1>, vector<16xi32>
    %add3A_325 = arith.addi %add3A_320, %select_n3A_324 : vector<16xi32>
    %get3A_326 = arith.constant 64 : index
    %get3A_327 = tpu.vector_load %arg14[%get3A_326] {strides = array<i32>} : memref<160xf32, #tpu.memory_space<vmem>>, vector<16xf32>,
    %ge3A_328 = arith.cmpf oge, %get3A_299, %get3A_327 : vector<16xf32>
    %select_n3A_329 = arith.select %ge3A_328, %broadcast_in_dim3A_303, %broadcast_in_dim3A_305 : vector<16xi1>, vector<16xi32>
    %add3A_330 = arith.addi %add3A_325, %select_n3A_329 : vector<16xi32>
    %get3A_331 = arith.constant 80 : index
    %get3A_332 = tpu.vector_load %arg14[%get3A_331] {strides = array<i32>} : memref<160xf32, #tpu.memory_space<vmem>>, vector<16xf32>,
    %ge3A_333 = arith.cmpf oge, %get3A_299, %get3A_332 : vector<16xf32>
    %select_n3A_334 = arith.select %ge3A_333, %broadcast_in_dim3A_303, %broadcast_in_dim3A_305 : vector<16xi1>, vector<16xi32>
    %add3A_335 = arith.addi %add3A_330, %select_n3A_334 : vector<16xi32>
    %get3A_336 = arith.constant 96 : index
    %get3A_337 = tpu.vector_load %arg14[%get3A_336] {strides = array<i32>} : memref<160xf32, #tpu.memory_space<vmem>>, vector<16xf32>,
    %ge3A_338 = arith.cmpf oge, %get3A_299, %get3A_337 : vector<16xf32>
    %select_n3A_339 = arith.select %ge3A_338, %broadcast_in_dim3A_303, %broadcast_in_dim3A_305 : vector<16xi1>, vector<16xi32>
    %add3A_340 = arith.addi %add3A_335, %select_n3A_339 : vector<16xi32>
    %get3A_341 = arith.constant 112 : index
    %get3A_342 = tpu.vector_load %arg14[%get3A_341] {strides = array<i32>} : memref<160xf32, #tpu.memory_space<vmem>>, vector<16xf32>,
    %ge3A_343 = arith.cmpf oge, %get3A_299, %get3A_342 : vector<16xf32>
    %select_n3A_344 = arith.select %ge3A_343, %broadcast_in_dim3A_303, %broadcast_in_dim3A_305 : vector<16xi1>, vector<16xi32>
    %add3A_345 = arith.addi %add3A_340, %select_n3A_344 : vector<16xi32>
    %get3A_346 = arith.constant 128 : index
    %get3A_347 = tpu.vector_load %arg14[%get3A_346] {strides = array<i32>} : memref<160xf32, #tpu.memory_space<vmem>>, vector<16xf32>,
    %ge3A_348 = arith.cmpf oge, %get3A_299, %get3A_347 : vector<16xf32>
    %select_n3A_349 = arith.select %ge3A_348, %broadcast_in_dim3A_303, %broadcast_in_dim3A_305 : vector<16xi1>, vector<16xi32>
    %add3A_350 = arith.addi %add3A_345, %select_n3A_349 : vector<16xi32>
    %get3A_351 = arith.constant 144 : index
    %get3A_352 = tpu.vector_load %arg14[%get3A_351] {strides = array<i32>} : memref<160xf32, #tpu.memory_space<vmem>>, vector<16xf32>,
    %ge3A_353 = arith.cmpf oge, %get3A_299, %get3A_352 : vector<16xf32>
    %select_n3A_354 = arith.select %ge3A_353, %broadcast_in_dim3A_303, %broadcast_in_dim3A_305 : vector<16xi1>, vector<16xi32>
    %add3A_355 = arith.addi %add3A_350, %select_n3A_354 : vector<16xi32>
    %swap3A_356 = arith.constant 64 : index
    %swap3A_357 = tpu.vector_load %arg12[%swap3A_356] {strides = array<i32>} : memref<512xi32, #tpu.memory_space<vmem>>, vector<16xi32>,
    tpu.vector_store %arg12[%swap3A_356], %add3A_355 {strides = array<i32>} : memref<512xi32, #tpu.memory_space<vmem>>, vector<16xi32>,
    %broadcast_in_dim3A_358 = arith.constant 64 : i32
    %broadcast_in_dim3A_359 = vector.broadcast %broadcast_in_dim3A_358 : i32 to vector<16xi32>
    %add3A_360 = arith.addi %iota3A, %broadcast_in_dim3A_359 : vector<16xi32>
    %sub3A_361 = arith.subf %get3A_299, %get3A_3 : vector<16xf32>
    %mul3A_362 = arith.mulf %sub3A_361, %get3A_5 : vector<16xf32>
    tpu.vector_store_idx %arg13[%add3A_360, %broadcast_in_dim3A_6], %mul3A_362 : memref<512x1xf32, #tpu.memory_space<vmem>>[vector<16xi32>, vector<16xi32>], vector<16xf32>,
    %get3A_363 = arith.constant 80 : index
    %get3A_364 = tpu.vector_load %arg9[%get3A_363] {strides = array<i32>} : memref<512xi32, #tpu.memory_space<vmem>>, vector<16xi32>,
    %add3A_365 = arith.constant 1 : i32
    %add3A_366 = vector.broadcast %add3A_365 : i32 to vector<16xi32>
    %add3A_367 = arith.addi %get3A_364, %add3A_366 : vector<16xi32>
    %swap3A_368 = arith.constant 80 : index
    %swap3A_369 = tpu.vector_load %arg11[%swap3A_368] {strides = array<i32>} : memref<512xi32, #tpu.memory_space<vmem>>, vector<16xi32>,
    tpu.vector_store %arg11[%swap3A_368], %add3A_367 {strides = array<i32>} : memref<512xi32, #tpu.memory_space<vmem>>, vector<16xi32>,
    %get3A_370 = arith.constant 80 : index
    %get3A_371 = tpu.vector_load %arg10[%get3A_370] {strides = array<i32>} : memref<512xf32, #tpu.memory_space<vmem>>, vector<16xf32>,
    %broadcast_in_dim3A_372 = arith.constant 0 : i32
    %broadcast_in_dim3A_373 = vector.broadcast %broadcast_in_dim3A_372 : i32 to vector<16xi32>
    %broadcast_in_dim3A_374 = arith.constant 1 : i32
    %broadcast_in_dim3A_375 = vector.broadcast %broadcast_in_dim3A_374 : i32 to vector<16xi32>
    %broadcast_in_dim3A_376 = arith.constant 0 : i32
    %broadcast_in_dim3A_377 = vector.broadcast %broadcast_in_dim3A_376 : i32 to vector<16xi32>
    %get3A_378 = arith.constant 0 : index
    %get3A_379 = tpu.vector_load %arg14[%get3A_378] {strides = array<i32>} : memref<160xf32, #tpu.memory_space<vmem>>, vector<16xf32>,
    %ge3A_380 = arith.cmpf oge, %get3A_371, %get3A_379 : vector<16xf32>
    %select_n3A_381 = arith.select %ge3A_380, %broadcast_in_dim3A_375, %broadcast_in_dim3A_377 : vector<16xi1>, vector<16xi32>
    %add3A_382 = arith.addi %broadcast_in_dim3A_373, %select_n3A_381 : vector<16xi32>
    %get3A_383 = arith.constant 16 : index
    %get3A_384 = tpu.vector_load %arg14[%get3A_383] {strides = array<i32>} : memref<160xf32, #tpu.memory_space<vmem>>, vector<16xf32>,
    %ge3A_385 = arith.cmpf oge, %get3A_371, %get3A_384 : vector<16xf32>
    %select_n3A_386 = arith.select %ge3A_385, %broadcast_in_dim3A_375, %broadcast_in_dim3A_377 : vector<16xi1>, vector<16xi32>
    %add3A_387 = arith.addi %add3A_382, %select_n3A_386 : vector<16xi32>
    %get3A_388 = arith.constant 32 : index
    %get3A_389 = tpu.vector_load %arg14[%get3A_388] {strides = array<i32>} : memref<160xf32, #tpu.memory_space<vmem>>, vector<16xf32>,
    %ge3A_390 = arith.cmpf oge, %get3A_371, %get3A_389 : vector<16xf32>
    %select_n3A_391 = arith.select %ge3A_390, %broadcast_in_dim3A_375, %broadcast_in_dim3A_377 : vector<16xi1>, vector<16xi32>
    %add3A_392 = arith.addi %add3A_387, %select_n3A_391 : vector<16xi32>
    %get3A_393 = arith.constant 48 : index
    %get3A_394 = tpu.vector_load %arg14[%get3A_393] {strides = array<i32>} : memref<160xf32, #tpu.memory_space<vmem>>, vector<16xf32>,
    %ge3A_395 = arith.cmpf oge, %get3A_371, %get3A_394 : vector<16xf32>
    %select_n3A_396 = arith.select %ge3A_395, %broadcast_in_dim3A_375, %broadcast_in_dim3A_377 : vector<16xi1>, vector<16xi32>
    %add3A_397 = arith.addi %add3A_392, %select_n3A_396 : vector<16xi32>
    %get3A_398 = arith.constant 64 : index
    %get3A_399 = tpu.vector_load %arg14[%get3A_398] {strides = array<i32>} : memref<160xf32, #tpu.memory_space<vmem>>, vector<16xf32>,
    %ge3A_400 = arith.cmpf oge, %get3A_371, %get3A_399 : vector<16xf32>
    %select_n3A_401 = arith.select %ge3A_400, %broadcast_in_dim3A_375, %broadcast_in_dim3A_377 : vector<16xi1>, vector<16xi32>
    %add3A_402 = arith.addi %add3A_397, %select_n3A_401 : vector<16xi32>
    %get3A_403 = arith.constant 80 : index
    %get3A_404 = tpu.vector_load %arg14[%get3A_403] {strides = array<i32>} : memref<160xf32, #tpu.memory_space<vmem>>, vector<16xf32>,
    %ge3A_405 = arith.cmpf oge, %get3A_371, %get3A_404 : vector<16xf32>
    %select_n3A_406 = arith.select %ge3A_405, %broadcast_in_dim3A_375, %broadcast_in_dim3A_377 : vector<16xi1>, vector<16xi32>
    %add3A_407 = arith.addi %add3A_402, %select_n3A_406 : vector<16xi32>
    %get3A_408 = arith.constant 96 : index
    %get3A_409 = tpu.vector_load %arg14[%get3A_408] {strides = array<i32>} : memref<160xf32, #tpu.memory_space<vmem>>, vector<16xf32>,
    %ge3A_410 = arith.cmpf oge, %get3A_371, %get3A_409 : vector<16xf32>
    %select_n3A_411 = arith.select %ge3A_410, %broadcast_in_dim3A_375, %broadcast_in_dim3A_377 : vector<16xi1>, vector<16xi32>
    %add3A_412 = arith.addi %add3A_407, %select_n3A_411 : vector<16xi32>
    %get3A_413 = arith.constant 112 : index
    %get3A_414 = tpu.vector_load %arg14[%get3A_413] {strides = array<i32>} : memref<160xf32, #tpu.memory_space<vmem>>, vector<16xf32>,
    %ge3A_415 = arith.cmpf oge, %get3A_371, %get3A_414 : vector<16xf32>
    %select_n3A_416 = arith.select %ge3A_415, %broadcast_in_dim3A_375, %broadcast_in_dim3A_377 : vector<16xi1>, vector<16xi32>
    %add3A_417 = arith.addi %add3A_412, %select_n3A_416 : vector<16xi32>
    %get3A_418 = arith.constant 128 : index
    %get3A_419 = tpu.vector_load %arg14[%get3A_418] {strides = array<i32>} : memref<160xf32, #tpu.memory_space<vmem>>, vector<16xf32>,
    %ge3A_420 = arith.cmpf oge, %get3A_371, %get3A_419 : vector<16xf32>
    %select_n3A_421 = arith.select %ge3A_420, %broadcast_in_dim3A_375, %broadcast_in_dim3A_377 : vector<16xi1>, vector<16xi32>
    %add3A_422 = arith.addi %add3A_417, %select_n3A_421 : vector<16xi32>
    %get3A_423 = arith.constant 144 : index
    %get3A_424 = tpu.vector_load %arg14[%get3A_423] {strides = array<i32>} : memref<160xf32, #tpu.memory_space<vmem>>, vector<16xf32>,
    %ge3A_425 = arith.cmpf oge, %get3A_371, %get3A_424 : vector<16xf32>
    %select_n3A_426 = arith.select %ge3A_425, %broadcast_in_dim3A_375, %broadcast_in_dim3A_377 : vector<16xi1>, vector<16xi32>
    %add3A_427 = arith.addi %add3A_422, %select_n3A_426 : vector<16xi32>
    %swap3A_428 = arith.constant 80 : index
    %swap3A_429 = tpu.vector_load %arg12[%swap3A_428] {strides = array<i32>} : memref<512xi32, #tpu.memory_space<vmem>>, vector<16xi32>,
    tpu.vector_store %arg12[%swap3A_428], %add3A_427 {strides = array<i32>} : memref<512xi32, #tpu.memory_space<vmem>>, vector<16xi32>,
    %broadcast_in_dim3A_430 = arith.constant 80 : i32
    %broadcast_in_dim3A_431 = vector.broadcast %broadcast_in_dim3A_430 : i32 to vector<16xi32>
    %add3A_432 = arith.addi %iota3A, %broadcast_in_dim3A_431 : vector<16xi32>
    %sub3A_433 = arith.subf %get3A_371, %get3A_3 : vector<16xf32>
    %mul3A_434 = arith.mulf %sub3A_433, %get3A_5 : vector<16xf32>
    tpu.vector_store_idx %arg13[%add3A_432, %broadcast_in_dim3A_6], %mul3A_434 : memref<512x1xf32, #tpu.memory_space<vmem>>[vector<16xi32>, vector<16xi32>], vector<16xf32>,
    %get3A_435 = arith.constant 96 : index
    %get3A_436 = tpu.vector_load %arg9[%get3A_435] {strides = array<i32>} : memref<512xi32, #tpu.memory_space<vmem>>, vector<16xi32>,
    %add3A_437 = arith.constant 1 : i32
    %add3A_438 = vector.broadcast %add3A_437 : i32 to vector<16xi32>
    %add3A_439 = arith.addi %get3A_436, %add3A_438 : vector<16xi32>
    %swap3A_440 = arith.constant 96 : index
    %swap3A_441 = tpu.vector_load %arg11[%swap3A_440] {strides = array<i32>} : memref<512xi32, #tpu.memory_space<vmem>>, vector<16xi32>,
    tpu.vector_store %arg11[%swap3A_440], %add3A_439 {strides = array<i32>} : memref<512xi32, #tpu.memory_space<vmem>>, vector<16xi32>,
    %get3A_442 = arith.constant 96 : index
    %get3A_443 = tpu.vector_load %arg10[%get3A_442] {strides = array<i32>} : memref<512xf32, #tpu.memory_space<vmem>>, vector<16xf32>,
    %broadcast_in_dim3A_444 = arith.constant 0 : i32
    %broadcast_in_dim3A_445 = vector.broadcast %broadcast_in_dim3A_444 : i32 to vector<16xi32>
    %broadcast_in_dim3A_446 = arith.constant 1 : i32
    %broadcast_in_dim3A_447 = vector.broadcast %broadcast_in_dim3A_446 : i32 to vector<16xi32>
    %broadcast_in_dim3A_448 = arith.constant 0 : i32
    %broadcast_in_dim3A_449 = vector.broadcast %broadcast_in_dim3A_448 : i32 to vector<16xi32>
    %get3A_450 = arith.constant 0 : index
    %get3A_451 = tpu.vector_load %arg14[%get3A_450] {strides = array<i32>} : memref<160xf32, #tpu.memory_space<vmem>>, vector<16xf32>,
    %ge3A_452 = arith.cmpf oge, %get3A_443, %get3A_451 : vector<16xf32>
    %select_n3A_453 = arith.select %ge3A_452, %broadcast_in_dim3A_447, %broadcast_in_dim3A_449 : vector<16xi1>, vector<16xi32>
    %add3A_454 = arith.addi %broadcast_in_dim3A_445, %select_n3A_453 : vector<16xi32>
    %get3A_455 = arith.constant 16 : index
    %get3A_456 = tpu.vector_load %arg14[%get3A_455] {strides = array<i32>} : memref<160xf32, #tpu.memory_space<vmem>>, vector<16xf32>,
    %ge3A_457 = arith.cmpf oge, %get3A_443, %get3A_456 : vector<16xf32>
    %select_n3A_458 = arith.select %ge3A_457, %broadcast_in_dim3A_447, %broadcast_in_dim3A_449 : vector<16xi1>, vector<16xi32>
    %add3A_459 = arith.addi %add3A_454, %select_n3A_458 : vector<16xi32>
    %get3A_460 = arith.constant 32 : index
    %get3A_461 = tpu.vector_load %arg14[%get3A_460] {strides = array<i32>} : memref<160xf32, #tpu.memory_space<vmem>>, vector<16xf32>,
    %ge3A_462 = arith.cmpf oge, %get3A_443, %get3A_461 : vector<16xf32>
    %select_n3A_463 = arith.select %ge3A_462, %broadcast_in_dim3A_447, %broadcast_in_dim3A_449 : vector<16xi1>, vector<16xi32>
    %add3A_464 = arith.addi %add3A_459, %select_n3A_463 : vector<16xi32>
    %get3A_465 = arith.constant 48 : index
    %get3A_466 = tpu.vector_load %arg14[%get3A_465] {strides = array<i32>} : memref<160xf32, #tpu.memory_space<vmem>>, vector<16xf32>,
    %ge3A_467 = arith.cmpf oge, %get3A_443, %get3A_466 : vector<16xf32>
    %select_n3A_468 = arith.select %ge3A_467, %broadcast_in_dim3A_447, %broadcast_in_dim3A_449 : vector<16xi1>, vector<16xi32>
    %add3A_469 = arith.addi %add3A_464, %select_n3A_468 : vector<16xi32>
    %get3A_470 = arith.constant 64 : index
    %get3A_471 = tpu.vector_load %arg14[%get3A_470] {strides = array<i32>} : memref<160xf32, #tpu.memory_space<vmem>>, vector<16xf32>,
    %ge3A_472 = arith.cmpf oge, %get3A_443, %get3A_471 : vector<16xf32>
    %select_n3A_473 = arith.select %ge3A_472, %broadcast_in_dim3A_447, %broadcast_in_dim3A_449 : vector<16xi1>, vector<16xi32>
    %add3A_474 = arith.addi %add3A_469, %select_n3A_473 : vector<16xi32>
    %get3A_475 = arith.constant 80 : index
    %get3A_476 = tpu.vector_load %arg14[%get3A_475] {strides = array<i32>} : memref<160xf32, #tpu.memory_space<vmem>>, vector<16xf32>,
    %ge3A_477 = arith.cmpf oge, %get3A_443, %get3A_476 : vector<16xf32>
    %select_n3A_478 = arith.select %ge3A_477, %broadcast_in_dim3A_447, %broadcast_in_dim3A_449 : vector<16xi1>, vector<16xi32>
    %add3A_479 = arith.addi %add3A_474, %select_n3A_478 : vector<16xi32>
    %get3A_480 = arith.constant 96 : index
    %get3A_481 = tpu.vector_load %arg14[%get3A_480] {strides = array<i32>} : memref<160xf32, #tpu.memory_space<vmem>>, vector<16xf32>,
    %ge3A_482 = arith.cmpf oge, %get3A_443, %get3A_481 : vector<16xf32>
    %select_n3A_483 = arith.select %ge3A_482, %broadcast_in_dim3A_447, %broadcast_in_dim3A_449 : vector<16xi1>, vector<16xi32>
    %add3A_484 = arith.addi %add3A_479, %select_n3A_483 : vector<16xi32>
    %get3A_485 = arith.constant 112 : index
    %get3A_486 = tpu.vector_load %arg14[%get3A_485] {strides = array<i32>} : memref<160xf32, #tpu.memory_space<vmem>>, vector<16xf32>,
    %ge3A_487 = arith.cmpf oge, %get3A_443, %get3A_486 : vector<16xf32>
    %select_n3A_488 = arith.select %ge3A_487, %broadcast_in_dim3A_447, %broadcast_in_dim3A_449 : vector<16xi1>, vector<16xi32>
    %add3A_489 = arith.addi %add3A_484, %select_n3A_488 : vector<16xi32>
    %get3A_490 = arith.constant 128 : index
    %get3A_491 = tpu.vector_load %arg14[%get3A_490] {strides = array<i32>} : memref<160xf32, #tpu.memory_space<vmem>>, vector<16xf32>,
    %ge3A_492 = arith.cmpf oge, %get3A_443, %get3A_491 : vector<16xf32>
    %select_n3A_493 = arith.select %ge3A_492, %broadcast_in_dim3A_447, %broadcast_in_dim3A_449 : vector<16xi1>, vector<16xi32>
    %add3A_494 = arith.addi %add3A_489, %select_n3A_493 : vector<16xi32>
    %get3A_495 = arith.constant 144 : index
    %get3A_496 = tpu.vector_load %arg14[%get3A_495] {strides = array<i32>} : memref<160xf32, #tpu.memory_space<vmem>>, vector<16xf32>,
    %ge3A_497 = arith.cmpf oge, %get3A_443, %get3A_496 : vector<16xf32>
    %select_n3A_498 = arith.select %ge3A_497, %broadcast_in_dim3A_447, %broadcast_in_dim3A_449 : vector<16xi1>, vector<16xi32>
    %add3A_499 = arith.addi %add3A_494, %select_n3A_498 : vector<16xi32>
    %swap3A_500 = arith.constant 96 : index
    %swap3A_501 = tpu.vector_load %arg12[%swap3A_500] {strides = array<i32>} : memref<512xi32, #tpu.memory_space<vmem>>, vector<16xi32>,
    tpu.vector_store %arg12[%swap3A_500], %add3A_499 {strides = array<i32>} : memref<512xi32, #tpu.memory_space<vmem>>, vector<16xi32>,
    %broadcast_in_dim3A_502 = arith.constant 96 : i32
    %broadcast_in_dim3A_503 = vector.broadcast %broadcast_in_dim3A_502 : i32 to vector<16xi32>
    %add3A_504 = arith.addi %iota3A, %broadcast_in_dim3A_503 : vector<16xi32>
    %sub3A_505 = arith.subf %get3A_443, %get3A_3 : vector<16xf32>
    %mul3A_506 = arith.mulf %sub3A_505, %get3A_5 : vector<16xf32>
    tpu.vector_store_idx %arg13[%add3A_504, %broadcast_in_dim3A_6], %mul3A_506 : memref<512x1xf32, #tpu.memory_space<vmem>>[vector<16xi32>, vector<16xi32>], vector<16xf32>,
    %get3A_507 = arith.constant 112 : index
    %get3A_508 = tpu.vector_load %arg9[%get3A_507] {strides = array<i32>} : memref<512xi32, #tpu.memory_space<vmem>>, vector<16xi32>,
    %add3A_509 = arith.constant 1 : i32
    %add3A_510 = vector.broadcast %add3A_509 : i32 to vector<16xi32>
    %add3A_511 = arith.addi %get3A_508, %add3A_510 : vector<16xi32>
    %swap3A_512 = arith.constant 112 : index
    %swap3A_513 = tpu.vector_load %arg11[%swap3A_512] {strides = array<i32>} : memref<512xi32, #tpu.memory_space<vmem>>, vector<16xi32>,
    tpu.vector_store %arg11[%swap3A_512], %add3A_511 {strides = array<i32>} : memref<512xi32, #tpu.memory_space<vmem>>, vector<16xi32>,
    %get3A_514 = arith.constant 112 : index
    %get3A_515 = tpu.vector_load %arg10[%get3A_514] {strides = array<i32>} : memref<512xf32, #tpu.memory_space<vmem>>, vector<16xf32>,
    %broadcast_in_dim3A_516 = arith.constant 0 : i32
    %broadcast_in_dim3A_517 = vector.broadcast %broadcast_in_dim3A_516 : i32 to vector<16xi32>
    %broadcast_in_dim3A_518 = arith.constant 1 : i32
    %broadcast_in_dim3A_519 = vector.broadcast %broadcast_in_dim3A_518 : i32 to vector<16xi32>
    %broadcast_in_dim3A_520 = arith.constant 0 : i32
    %broadcast_in_dim3A_521 = vector.broadcast %broadcast_in_dim3A_520 : i32 to vector<16xi32>
    %get3A_522 = arith.constant 0 : index
    %get3A_523 = tpu.vector_load %arg14[%get3A_522] {strides = array<i32>} : memref<160xf32, #tpu.memory_space<vmem>>, vector<16xf32>,
    %ge3A_524 = arith.cmpf oge, %get3A_515, %get3A_523 : vector<16xf32>
    %select_n3A_525 = arith.select %ge3A_524, %broadcast_in_dim3A_519, %broadcast_in_dim3A_521 : vector<16xi1>, vector<16xi32>
    %add3A_526 = arith.addi %broadcast_in_dim3A_517, %select_n3A_525 : vector<16xi32>
    %get3A_527 = arith.constant 16 : index
    %get3A_528 = tpu.vector_load %arg14[%get3A_527] {strides = array<i32>} : memref<160xf32, #tpu.memory_space<vmem>>, vector<16xf32>,
    %ge3A_529 = arith.cmpf oge, %get3A_515, %get3A_528 : vector<16xf32>
    %select_n3A_530 = arith.select %ge3A_529, %broadcast_in_dim3A_519, %broadcast_in_dim3A_521 : vector<16xi1>, vector<16xi32>
    %add3A_531 = arith.addi %add3A_526, %select_n3A_530 : vector<16xi32>
    %get3A_532 = arith.constant 32 : index
    %get3A_533 = tpu.vector_load %arg14[%get3A_532] {strides = array<i32>} : memref<160xf32, #tpu.memory_space<vmem>>, vector<16xf32>,
    %ge3A_534 = arith.cmpf oge, %get3A_515, %get3A_533 : vector<16xf32>
    %select_n3A_535 = arith.select %ge3A_534, %broadcast_in_dim3A_519, %broadcast_in_dim3A_521 : vector<16xi1>, vector<16xi32>
    %add3A_536 = arith.addi %add3A_531, %select_n3A_535 : vector<16xi32>
    %get3A_537 = arith.constant 48 : index
    %get3A_538 = tpu.vector_load %arg14[%get3A_537] {strides = array<i32>} : memref<160xf32, #tpu.memory_space<vmem>>, vector<16xf32>,
    %ge3A_539 = arith.cmpf oge, %get3A_515, %get3A_538 : vector<16xf32>
    %select_n3A_540 = arith.select %ge3A_539, %broadcast_in_dim3A_519, %broadcast_in_dim3A_521 : vector<16xi1>, vector<16xi32>
    %add3A_541 = arith.addi %add3A_536, %select_n3A_540 : vector<16xi32>
    %get3A_542 = arith.constant 64 : index
    %get3A_543 = tpu.vector_load %arg14[%get3A_542] {strides = array<i32>} : memref<160xf32, #tpu.memory_space<vmem>>, vector<16xf32>,
    %ge3A_544 = arith.cmpf oge, %get3A_515, %get3A_543 : vector<16xf32>
    %select_n3A_545 = arith.select %ge3A_544, %broadcast_in_dim3A_519, %broadcast_in_dim3A_521 : vector<16xi1>, vector<16xi32>
    %add3A_546 = arith.addi %add3A_541, %select_n3A_545 : vector<16xi32>
    %get3A_547 = arith.constant 80 : index
    %get3A_548 = tpu.vector_load %arg14[%get3A_547] {strides = array<i32>} : memref<160xf32, #tpu.memory_space<vmem>>, vector<16xf32>,
    %ge3A_549 = arith.cmpf oge, %get3A_515, %get3A_548 : vector<16xf32>
    %select_n3A_550 = arith.select %ge3A_549, %broadcast_in_dim3A_519, %broadcast_in_dim3A_521 : vector<16xi1>, vector<16xi32>
    %add3A_551 = arith.addi %add3A_546, %select_n3A_550 : vector<16xi32>
    %get3A_552 = arith.constant 96 : index
    %get3A_553 = tpu.vector_load %arg14[%get3A_552] {strides = array<i32>} : memref<160xf32, #tpu.memory_space<vmem>>, vector<16xf32>,
    %ge3A_554 = arith.cmpf oge, %get3A_515, %get3A_553 : vector<16xf32>
    %select_n3A_555 = arith.select %ge3A_554, %broadcast_in_dim3A_519, %broadcast_in_dim3A_521 : vector<16xi1>, vector<16xi32>
    %add3A_556 = arith.addi %add3A_551, %select_n3A_555 : vector<16xi32>
    %get3A_557 = arith.constant 112 : index
    %get3A_558 = tpu.vector_load %arg14[%get3A_557] {strides = array<i32>} : memref<160xf32, #tpu.memory_space<vmem>>, vector<16xf32>,
    %ge3A_559 = arith.cmpf oge, %get3A_515, %get3A_558 : vector<16xf32>
    %select_n3A_560 = arith.select %ge3A_559, %broadcast_in_dim3A_519, %broadcast_in_dim3A_521 : vector<16xi1>, vector<16xi32>
    %add3A_561 = arith.addi %add3A_556, %select_n3A_560 : vector<16xi32>
    %get3A_562 = arith.constant 128 : index
    %get3A_563 = tpu.vector_load %arg14[%get3A_562] {strides = array<i32>} : memref<160xf32, #tpu.memory_space<vmem>>, vector<16xf32>,
    %ge3A_564 = arith.cmpf oge, %get3A_515, %get3A_563 : vector<16xf32>
    %select_n3A_565 = arith.select %ge3A_564, %broadcast_in_dim3A_519, %broadcast_in_dim3A_521 : vector<16xi1>, vector<16xi32>
    %add3A_566 = arith.addi %add3A_561, %select_n3A_565 : vector<16xi32>
    %get3A_567 = arith.constant 144 : index
    %get3A_568 = tpu.vector_load %arg14[%get3A_567] {strides = array<i32>} : memref<160xf32, #tpu.memory_space<vmem>>, vector<16xf32>,
    %ge3A_569 = arith.cmpf oge, %get3A_515, %get3A_568 : vector<16xf32>
    %select_n3A_570 = arith.select %ge3A_569, %broadcast_in_dim3A_519, %broadcast_in_dim3A_521 : vector<16xi1>, vector<16xi32>
    %add3A_571 = arith.addi %add3A_566, %select_n3A_570 : vector<16xi32>
    %swap3A_572 = arith.constant 112 : index
    %swap3A_573 = tpu.vector_load %arg12[%swap3A_572] {strides = array<i32>} : memref<512xi32, #tpu.memory_space<vmem>>, vector<16xi32>,
    tpu.vector_store %arg12[%swap3A_572], %add3A_571 {strides = array<i32>} : memref<512xi32, #tpu.memory_space<vmem>>, vector<16xi32>,
    %broadcast_in_dim3A_574 = arith.constant 112 : i32
    %broadcast_in_dim3A_575 = vector.broadcast %broadcast_in_dim3A_574 : i32 to vector<16xi32>
    %add3A_576 = arith.addi %iota3A, %broadcast_in_dim3A_575 : vector<16xi32>
    %sub3A_577 = arith.subf %get3A_515, %get3A_3 : vector<16xf32>
    %mul3A_578 = arith.mulf %sub3A_577, %get3A_5 : vector<16xf32>
    tpu.vector_store_idx %arg13[%add3A_576, %broadcast_in_dim3A_6], %mul3A_578 : memref<512x1xf32, #tpu.memory_space<vmem>>[vector<16xi32>, vector<16xi32>], vector<16xf32>,
    %get3A_579 = arith.constant 128 : index
    %get3A_580 = tpu.vector_load %arg9[%get3A_579] {strides = array<i32>} : memref<512xi32, #tpu.memory_space<vmem>>, vector<16xi32>,
    %add3A_581 = arith.constant 1 : i32
    %add3A_582 = vector.broadcast %add3A_581 : i32 to vector<16xi32>
    %add3A_583 = arith.addi %get3A_580, %add3A_582 : vector<16xi32>
    %swap3A_584 = arith.constant 128 : index
    %swap3A_585 = tpu.vector_load %arg11[%swap3A_584] {strides = array<i32>} : memref<512xi32, #tpu.memory_space<vmem>>, vector<16xi32>,
    tpu.vector_store %arg11[%swap3A_584], %add3A_583 {strides = array<i32>} : memref<512xi32, #tpu.memory_space<vmem>>, vector<16xi32>,
    %get3A_586 = arith.constant 128 : index
    %get3A_587 = tpu.vector_load %arg10[%get3A_586] {strides = array<i32>} : memref<512xf32, #tpu.memory_space<vmem>>, vector<16xf32>,
    %broadcast_in_dim3A_588 = arith.constant 0 : i32
    %broadcast_in_dim3A_589 = vector.broadcast %broadcast_in_dim3A_588 : i32 to vector<16xi32>
    %broadcast_in_dim3A_590 = arith.constant 1 : i32
    %broadcast_in_dim3A_591 = vector.broadcast %broadcast_in_dim3A_590 : i32 to vector<16xi32>
    %broadcast_in_dim3A_592 = arith.constant 0 : i32
    %broadcast_in_dim3A_593 = vector.broadcast %broadcast_in_dim3A_592 : i32 to vector<16xi32>
    %get3A_594 = arith.constant 0 : index
    %get3A_595 = tpu.vector_load %arg14[%get3A_594] {strides = array<i32>} : memref<160xf32, #tpu.memory_space<vmem>>, vector<16xf32>,
    %ge3A_596 = arith.cmpf oge, %get3A_587, %get3A_595 : vector<16xf32>
    %select_n3A_597 = arith.select %ge3A_596, %broadcast_in_dim3A_591, %broadcast_in_dim3A_593 : vector<16xi1>, vector<16xi32>
    %add3A_598 = arith.addi %broadcast_in_dim3A_589, %select_n3A_597 : vector<16xi32>
    %get3A_599 = arith.constant 16 : index
    %get3A_600 = tpu.vector_load %arg14[%get3A_599] {strides = array<i32>} : memref<160xf32, #tpu.memory_space<vmem>>, vector<16xf32>,
    %ge3A_601 = arith.cmpf oge, %get3A_587, %get3A_600 : vector<16xf32>
    %select_n3A_602 = arith.select %ge3A_601, %broadcast_in_dim3A_591, %broadcast_in_dim3A_593 : vector<16xi1>, vector<16xi32>
    %add3A_603 = arith.addi %add3A_598, %select_n3A_602 : vector<16xi32>
    %get3A_604 = arith.constant 32 : index
    %get3A_605 = tpu.vector_load %arg14[%get3A_604] {strides = array<i32>} : memref<160xf32, #tpu.memory_space<vmem>>, vector<16xf32>,
    %ge3A_606 = arith.cmpf oge, %get3A_587, %get3A_605 : vector<16xf32>
    %select_n3A_607 = arith.select %ge3A_606, %broadcast_in_dim3A_591, %broadcast_in_dim3A_593 : vector<16xi1>, vector<16xi32>
    %add3A_608 = arith.addi %add3A_603, %select_n3A_607 : vector<16xi32>
    %get3A_609 = arith.constant 48 : index
    %get3A_610 = tpu.vector_load %arg14[%get3A_609] {strides = array<i32>} : memref<160xf32, #tpu.memory_space<vmem>>, vector<16xf32>,
    %ge3A_611 = arith.cmpf oge, %get3A_587, %get3A_610 : vector<16xf32>
    %select_n3A_612 = arith.select %ge3A_611, %broadcast_in_dim3A_591, %broadcast_in_dim3A_593 : vector<16xi1>, vector<16xi32>
    %add3A_613 = arith.addi %add3A_608, %select_n3A_612 : vector<16xi32>
    %get3A_614 = arith.constant 64 : index
    %get3A_615 = tpu.vector_load %arg14[%get3A_614] {strides = array<i32>} : memref<160xf32, #tpu.memory_space<vmem>>, vector<16xf32>,
    %ge3A_616 = arith.cmpf oge, %get3A_587, %get3A_615 : vector<16xf32>
    %select_n3A_617 = arith.select %ge3A_616, %broadcast_in_dim3A_591, %broadcast_in_dim3A_593 : vector<16xi1>, vector<16xi32>
    %add3A_618 = arith.addi %add3A_613, %select_n3A_617 : vector<16xi32>
    %get3A_619 = arith.constant 80 : index
    %get3A_620 = tpu.vector_load %arg14[%get3A_619] {strides = array<i32>} : memref<160xf32, #tpu.memory_space<vmem>>, vector<16xf32>,
    %ge3A_621 = arith.cmpf oge, %get3A_587, %get3A_620 : vector<16xf32>
    %select_n3A_622 = arith.select %ge3A_621, %broadcast_in_dim3A_591, %broadcast_in_dim3A_593 : vector<16xi1>, vector<16xi32>
    %add3A_623 = arith.addi %add3A_618, %select_n3A_622 : vector<16xi32>
    %get3A_624 = arith.constant 96 : index
    %get3A_625 = tpu.vector_load %arg14[%get3A_624] {strides = array<i32>} : memref<160xf32, #tpu.memory_space<vmem>>, vector<16xf32>,
    %ge3A_626 = arith.cmpf oge, %get3A_587, %get3A_625 : vector<16xf32>
    %select_n3A_627 = arith.select %ge3A_626, %broadcast_in_dim3A_591, %broadcast_in_dim3A_593 : vector<16xi1>, vector<16xi32>
    %add3A_628 = arith.addi %add3A_623, %select_n3A_627 : vector<16xi32>
    %get3A_629 = arith.constant 112 : index
    %get3A_630 = tpu.vector_load %arg14[%get3A_629] {strides = array<i32>} : memref<160xf32, #tpu.memory_space<vmem>>, vector<16xf32>,
    %ge3A_631 = arith.cmpf oge, %get3A_587, %get3A_630 : vector<16xf32>
    %select_n3A_632 = arith.select %ge3A_631, %broadcast_in_dim3A_591, %broadcast_in_dim3A_593 : vector<16xi1>, vector<16xi32>
    %add3A_633 = arith.addi %add3A_628, %select_n3A_632 : vector<16xi32>
    %get3A_634 = arith.constant 128 : index
    %get3A_635 = tpu.vector_load %arg14[%get3A_634] {strides = array<i32>} : memref<160xf32, #tpu.memory_space<vmem>>, vector<16xf32>,
    %ge3A_636 = arith.cmpf oge, %get3A_587, %get3A_635 : vector<16xf32>
    %select_n3A_637 = arith.select %ge3A_636, %broadcast_in_dim3A_591, %broadcast_in_dim3A_593 : vector<16xi1>, vector<16xi32>
    %add3A_638 = arith.addi %add3A_633, %select_n3A_637 : vector<16xi32>
    %get3A_639 = arith.constant 144 : index
    %get3A_640 = tpu.vector_load %arg14[%get3A_639] {strides = array<i32>} : memref<160xf32, #tpu.memory_space<vmem>>, vector<16xf32>,
    %ge3A_641 = arith.cmpf oge, %get3A_587, %get3A_640 : vector<16xf32>
    %select_n3A_642 = arith.select %ge3A_641, %broadcast_in_dim3A_591, %broadcast_in_dim3A_593 : vector<16xi1>, vector<16xi32>
    %add3A_643 = arith.addi %add3A_638, %select_n3A_642 : vector<16xi32>
    %swap3A_644 = arith.constant 128 : index
    %swap3A_645 = tpu.vector_load %arg12[%swap3A_644] {strides = array<i32>} : memref<512xi32, #tpu.memory_space<vmem>>, vector<16xi32>,
    tpu.vector_store %arg12[%swap3A_644], %add3A_643 {strides = array<i32>} : memref<512xi32, #tpu.memory_space<vmem>>, vector<16xi32>,
    %broadcast_in_dim3A_646 = arith.constant 128 : i32
    %broadcast_in_dim3A_647 = vector.broadcast %broadcast_in_dim3A_646 : i32 to vector<16xi32>
    %add3A_648 = arith.addi %iota3A, %broadcast_in_dim3A_647 : vector<16xi32>
    %sub3A_649 = arith.subf %get3A_587, %get3A_3 : vector<16xf32>
    %mul3A_650 = arith.mulf %sub3A_649, %get3A_5 : vector<16xf32>
    tpu.vector_store_idx %arg13[%add3A_648, %broadcast_in_dim3A_6], %mul3A_650 : memref<512x1xf32, #tpu.memory_space<vmem>>[vector<16xi32>, vector<16xi32>], vector<16xf32>,
    %get3A_651 = arith.constant 144 : index
    %get3A_652 = tpu.vector_load %arg9[%get3A_651] {strides = array<i32>} : memref<512xi32, #tpu.memory_space<vmem>>, vector<16xi32>,
    %add3A_653 = arith.constant 1 : i32
    %add3A_654 = vector.broadcast %add3A_653 : i32 to vector<16xi32>
    %add3A_655 = arith.addi %get3A_652, %add3A_654 : vector<16xi32>
    %swap3A_656 = arith.constant 144 : index
    %swap3A_657 = tpu.vector_load %arg11[%swap3A_656] {strides = array<i32>} : memref<512xi32, #tpu.memory_space<vmem>>, vector<16xi32>,
    tpu.vector_store %arg11[%swap3A_656], %add3A_655 {strides = array<i32>} : memref<512xi32, #tpu.memory_space<vmem>>, vector<16xi32>,
    %get3A_658 = arith.constant 144 : index
    %get3A_659 = tpu.vector_load %arg10[%get3A_658] {strides = array<i32>} : memref<512xf32, #tpu.memory_space<vmem>>, vector<16xf32>,
    %broadcast_in_dim3A_660 = arith.constant 0 : i32
    %broadcast_in_dim3A_661 = vector.broadcast %broadcast_in_dim3A_660 : i32 to vector<16xi32>
    %broadcast_in_dim3A_662 = arith.constant 1 : i32
    %broadcast_in_dim3A_663 = vector.broadcast %broadcast_in_dim3A_662 : i32 to vector<16xi32>
    %broadcast_in_dim3A_664 = arith.constant 0 : i32
    %broadcast_in_dim3A_665 = vector.broadcast %broadcast_in_dim3A_664 : i32 to vector<16xi32>
    %get3A_666 = arith.constant 0 : index
    %get3A_667 = tpu.vector_load %arg14[%get3A_666] {strides = array<i32>} : memref<160xf32, #tpu.memory_space<vmem>>, vector<16xf32>,
    %ge3A_668 = arith.cmpf oge, %get3A_659, %get3A_667 : vector<16xf32>
    %select_n3A_669 = arith.select %ge3A_668, %broadcast_in_dim3A_663, %broadcast_in_dim3A_665 : vector<16xi1>, vector<16xi32>
    %add3A_670 = arith.addi %broadcast_in_dim3A_661, %select_n3A_669 : vector<16xi32>
    %get3A_671 = arith.constant 16 : index
    %get3A_672 = tpu.vector_load %arg14[%get3A_671] {strides = array<i32>} : memref<160xf32, #tpu.memory_space<vmem>>, vector<16xf32>,
    %ge3A_673 = arith.cmpf oge, %get3A_659, %get3A_672 : vector<16xf32>
    %select_n3A_674 = arith.select %ge3A_673, %broadcast_in_dim3A_663, %broadcast_in_dim3A_665 : vector<16xi1>, vector<16xi32>
    %add3A_675 = arith.addi %add3A_670, %select_n3A_674 : vector<16xi32>
    %get3A_676 = arith.constant 32 : index
    %get3A_677 = tpu.vector_load %arg14[%get3A_676] {strides = array<i32>} : memref<160xf32, #tpu.memory_space<vmem>>, vector<16xf32>,
    %ge3A_678 = arith.cmpf oge, %get3A_659, %get3A_677 : vector<16xf32>
    %select_n3A_679 = arith.select %ge3A_678, %broadcast_in_dim3A_663, %broadcast_in_dim3A_665 : vector<16xi1>, vector<16xi32>
    %add3A_680 = arith.addi %add3A_675, %select_n3A_679 : vector<16xi32>
    %get3A_681 = arith.constant 48 : index
    %get3A_682 = tpu.vector_load %arg14[%get3A_681] {strides = array<i32>} : memref<160xf32, #tpu.memory_space<vmem>>, vector<16xf32>,
    %ge3A_683 = arith.cmpf oge, %get3A_659, %get3A_682 : vector<16xf32>
    %select_n3A_684 = arith.select %ge3A_683, %broadcast_in_dim3A_663, %broadcast_in_dim3A_665 : vector<16xi1>, vector<16xi32>
    %add3A_685 = arith.addi %add3A_680, %select_n3A_684 : vector<16xi32>
    %get3A_686 = arith.constant 64 : index
    %get3A_687 = tpu.vector_load %arg14[%get3A_686] {strides = array<i32>} : memref<160xf32, #tpu.memory_space<vmem>>, vector<16xf32>,
    %ge3A_688 = arith.cmpf oge, %get3A_659, %get3A_687 : vector<16xf32>
    %select_n3A_689 = arith.select %ge3A_688, %broadcast_in_dim3A_663, %broadcast_in_dim3A_665 : vector<16xi1>, vector<16xi32>
    %add3A_690 = arith.addi %add3A_685, %select_n3A_689 : vector<16xi32>
    %get3A_691 = arith.constant 80 : index
    %get3A_692 = tpu.vector_load %arg14[%get3A_691] {strides = array<i32>} : memref<160xf32, #tpu.memory_space<vmem>>, vector<16xf32>,
    %ge3A_693 = arith.cmpf oge, %get3A_659, %get3A_692 : vector<16xf32>
    %select_n3A_694 = arith.select %ge3A_693, %broadcast_in_dim3A_663, %broadcast_in_dim3A_665 : vector<16xi1>, vector<16xi32>
    %add3A_695 = arith.addi %add3A_690, %select_n3A_694 : vector<16xi32>
    %get3A_696 = arith.constant 96 : index
    %get3A_697 = tpu.vector_load %arg14[%get3A_696] {strides = array<i32>} : memref<160xf32, #tpu.memory_space<vmem>>, vector<16xf32>,
    %ge3A_698 = arith.cmpf oge, %get3A_659, %get3A_697 : vector<16xf32>
    %select_n3A_699 = arith.select %ge3A_698, %broadcast_in_dim3A_663, %broadcast_in_dim3A_665 : vector<16xi1>, vector<16xi32>
    %add3A_700 = arith.addi %add3A_695, %select_n3A_699 : vector<16xi32>
    %get3A_701 = arith.constant 112 : index
    %get3A_702 = tpu.vector_load %arg14[%get3A_701] {strides = array<i32>} : memref<160xf32, #tpu.memory_space<vmem>>, vector<16xf32>,
    %ge3A_703 = arith.cmpf oge, %get3A_659, %get3A_702 : vector<16xf32>
    %select_n3A_704 = arith.select %ge3A_703, %broadcast_in_dim3A_663, %broadcast_in_dim3A_665 : vector<16xi1>, vector<16xi32>
    %add3A_705 = arith.addi %add3A_700, %select_n3A_704 : vector<16xi32>
    %get3A_706 = arith.constant 128 : index
    %get3A_707 = tpu.vector_load %arg14[%get3A_706] {strides = array<i32>} : memref<160xf32, #tpu.memory_space<vmem>>, vector<16xf32>,
    %ge3A_708 = arith.cmpf oge, %get3A_659, %get3A_707 : vector<16xf32>
    %select_n3A_709 = arith.select %ge3A_708, %broadcast_in_dim3A_663, %broadcast_in_dim3A_665 : vector<16xi1>, vector<16xi32>
    %add3A_710 = arith.addi %add3A_705, %select_n3A_709 : vector<16xi32>
    %get3A_711 = arith.constant 144 : index
    %get3A_712 = tpu.vector_load %arg14[%get3A_711] {strides = array<i32>} : memref<160xf32, #tpu.memory_space<vmem>>, vector<16xf32>,
    %ge3A_713 = arith.cmpf oge, %get3A_659, %get3A_712 : vector<16xf32>
    %select_n3A_714 = arith.select %ge3A_713, %broadcast_in_dim3A_663, %broadcast_in_dim3A_665 : vector<16xi1>, vector<16xi32>
    %add3A_715 = arith.addi %add3A_710, %select_n3A_714 : vector<16xi32>
    %swap3A_716 = arith.constant 144 : index
    %swap3A_717 = tpu.vector_load %arg12[%swap3A_716] {strides = array<i32>} : memref<512xi32, #tpu.memory_space<vmem>>, vector<16xi32>,
    tpu.vector_store %arg12[%swap3A_716], %add3A_715 {strides = array<i32>} : memref<512xi32, #tpu.memory_space<vmem>>, vector<16xi32>,
    %broadcast_in_dim3A_718 = arith.constant 144 : i32
    %broadcast_in_dim3A_719 = vector.broadcast %broadcast_in_dim3A_718 : i32 to vector<16xi32>
    %add3A_720 = arith.addi %iota3A, %broadcast_in_dim3A_719 : vector<16xi32>
    %sub3A_721 = arith.subf %get3A_659, %get3A_3 : vector<16xf32>
    %mul3A_722 = arith.mulf %sub3A_721, %get3A_5 : vector<16xf32>
    tpu.vector_store_idx %arg13[%add3A_720, %broadcast_in_dim3A_6], %mul3A_722 : memref<512x1xf32, #tpu.memory_space<vmem>>[vector<16xi32>, vector<16xi32>], vector<16xf32>,
    %get3A_723 = arith.constant 160 : index
    %get3A_724 = tpu.vector_load %arg9[%get3A_723] {strides = array<i32>} : memref<512xi32, #tpu.memory_space<vmem>>, vector<16xi32>,
    %add3A_725 = arith.constant 1 : i32
    %add3A_726 = vector.broadcast %add3A_725 : i32 to vector<16xi32>
    %add3A_727 = arith.addi %get3A_724, %add3A_726 : vector<16xi32>
    %swap3A_728 = arith.constant 160 : index
    %swap3A_729 = tpu.vector_load %arg11[%swap3A_728] {strides = array<i32>} : memref<512xi32, #tpu.memory_space<vmem>>, vector<16xi32>,
    tpu.vector_store %arg11[%swap3A_728], %add3A_727 {strides = array<i32>} : memref<512xi32, #tpu.memory_space<vmem>>, vector<16xi32>,
    %get3A_730 = arith.constant 160 : index
    %get3A_731 = tpu.vector_load %arg10[%get3A_730] {strides = array<i32>} : memref<512xf32, #tpu.memory_space<vmem>>, vector<16xf32>,
    %broadcast_in_dim3A_732 = arith.constant 0 : i32
    %broadcast_in_dim3A_733 = vector.broadcast %broadcast_in_dim3A_732 : i32 to vector<16xi32>
    %broadcast_in_dim3A_734 = arith.constant 1 : i32
    %broadcast_in_dim3A_735 = vector.broadcast %broadcast_in_dim3A_734 : i32 to vector<16xi32>
    %broadcast_in_dim3A_736 = arith.constant 0 : i32
    %broadcast_in_dim3A_737 = vector.broadcast %broadcast_in_dim3A_736 : i32 to vector<16xi32>
    %get3A_738 = arith.constant 0 : index
    %get3A_739 = tpu.vector_load %arg14[%get3A_738] {strides = array<i32>} : memref<160xf32, #tpu.memory_space<vmem>>, vector<16xf32>,
    %ge3A_740 = arith.cmpf oge, %get3A_731, %get3A_739 : vector<16xf32>
    %select_n3A_741 = arith.select %ge3A_740, %broadcast_in_dim3A_735, %broadcast_in_dim3A_737 : vector<16xi1>, vector<16xi32>
    %add3A_742 = arith.addi %broadcast_in_dim3A_733, %select_n3A_741 : vector<16xi32>
    %get3A_743 = arith.constant 16 : index
    %get3A_744 = tpu.vector_load %arg14[%get3A_743] {strides = array<i32>} : memref<160xf32, #tpu.memory_space<vmem>>, vector<16xf32>,
    %ge3A_745 = arith.cmpf oge, %get3A_731, %get3A_744 : vector<16xf32>
    %select_n3A_746 = arith.select %ge3A_745, %broadcast_in_dim3A_735, %broadcast_in_dim3A_737 : vector<16xi1>, vector<16xi32>
    %add3A_747 = arith.addi %add3A_742, %select_n3A_746 : vector<16xi32>
    %get3A_748 = arith.constant 32 : index
    %get3A_749 = tpu.vector_load %arg14[%get3A_748] {strides = array<i32>} : memref<160xf32, #tpu.memory_space<vmem>>, vector<16xf32>,
    %ge3A_750 = arith.cmpf oge, %get3A_731, %get3A_749 : vector<16xf32>
    %select_n3A_751 = arith.select %ge3A_750, %broadcast_in_dim3A_735, %broadcast_in_dim3A_737 : vector<16xi1>, vector<16xi32>
    %add3A_752 = arith.addi %add3A_747, %select_n3A_751 : vector<16xi32>
    %get3A_753 = arith.constant 48 : index
    %get3A_754 = tpu.vector_load %arg14[%get3A_753] {strides = array<i32>} : memref<160xf32, #tpu.memory_space<vmem>>, vector<16xf32>,
    %ge3A_755 = arith.cmpf oge, %get3A_731, %get3A_754 : vector<16xf32>
    %select_n3A_756 = arith.select %ge3A_755, %broadcast_in_dim3A_735, %broadcast_in_dim3A_737 : vector<16xi1>, vector<16xi32>
    %add3A_757 = arith.addi %add3A_752, %select_n3A_756 : vector<16xi32>
    %get3A_758 = arith.constant 64 : index
    %get3A_759 = tpu.vector_load %arg14[%get3A_758] {strides = array<i32>} : memref<160xf32, #tpu.memory_space<vmem>>, vector<16xf32>,
    %ge3A_760 = arith.cmpf oge, %get3A_731, %get3A_759 : vector<16xf32>
    %select_n3A_761 = arith.select %ge3A_760, %broadcast_in_dim3A_735, %broadcast_in_dim3A_737 : vector<16xi1>, vector<16xi32>
    %add3A_762 = arith.addi %add3A_757, %select_n3A_761 : vector<16xi32>
    %get3A_763 = arith.constant 80 : index
    %get3A_764 = tpu.vector_load %arg14[%get3A_763] {strides = array<i32>} : memref<160xf32, #tpu.memory_space<vmem>>, vector<16xf32>,
    %ge3A_765 = arith.cmpf oge, %get3A_731, %get3A_764 : vector<16xf32>
    %select_n3A_766 = arith.select %ge3A_765, %broadcast_in_dim3A_735, %broadcast_in_dim3A_737 : vector<16xi1>, vector<16xi32>
    %add3A_767 = arith.addi %add3A_762, %select_n3A_766 : vector<16xi32>
    %get3A_768 = arith.constant 96 : index
    %get3A_769 = tpu.vector_load %arg14[%get3A_768] {strides = array<i32>} : memref<160xf32, #tpu.memory_space<vmem>>, vector<16xf32>,
    %ge3A_770 = arith.cmpf oge, %get3A_731, %get3A_769 : vector<16xf32>
    %select_n3A_771 = arith.select %ge3A_770, %broadcast_in_dim3A_735, %broadcast_in_dim3A_737 : vector<16xi1>, vector<16xi32>
    %add3A_772 = arith.addi %add3A_767, %select_n3A_771 : vector<16xi32>
    %get3A_773 = arith.constant 112 : index
    %get3A_774 = tpu.vector_load %arg14[%get3A_773] {strides = array<i32>} : memref<160xf32, #tpu.memory_space<vmem>>, vector<16xf32>,
    %ge3A_775 = arith.cmpf oge, %get3A_731, %get3A_774 : vector<16xf32>
    %select_n3A_776 = arith.select %ge3A_775, %broadcast_in_dim3A_735, %broadcast_in_dim3A_737 : vector<16xi1>, vector<16xi32>
    %add3A_777 = arith.addi %add3A_772, %select_n3A_776 : vector<16xi32>
    %get3A_778 = arith.constant 128 : index
    %get3A_779 = tpu.vector_load %arg14[%get3A_778] {strides = array<i32>} : memref<160xf32, #tpu.memory_space<vmem>>, vector<16xf32>,
    %ge3A_780 = arith.cmpf oge, %get3A_731, %get3A_779 : vector<16xf32>
    %select_n3A_781 = arith.select %ge3A_780, %broadcast_in_dim3A_735, %broadcast_in_dim3A_737 : vector<16xi1>, vector<16xi32>
    %add3A_782 = arith.addi %add3A_777, %select_n3A_781 : vector<16xi32>
    %get3A_783 = arith.constant 144 : index
    %get3A_784 = tpu.vector_load %arg14[%get3A_783] {strides = array<i32>} : memref<160xf32, #tpu.memory_space<vmem>>, vector<16xf32>,
    %ge3A_785 = arith.cmpf oge, %get3A_731, %get3A_784 : vector<16xf32>
    %select_n3A_786 = arith.select %ge3A_785, %broadcast_in_dim3A_735, %broadcast_in_dim3A_737 : vector<16xi1>, vector<16xi32>
    %add3A_787 = arith.addi %add3A_782, %select_n3A_786 : vector<16xi32>
    %swap3A_788 = arith.constant 160 : index
    %swap3A_789 = tpu.vector_load %arg12[%swap3A_788] {strides = array<i32>} : memref<512xi32, #tpu.memory_space<vmem>>, vector<16xi32>,
    tpu.vector_store %arg12[%swap3A_788], %add3A_787 {strides = array<i32>} : memref<512xi32, #tpu.memory_space<vmem>>, vector<16xi32>,
    %broadcast_in_dim3A_790 = arith.constant 160 : i32
    %broadcast_in_dim3A_791 = vector.broadcast %broadcast_in_dim3A_790 : i32 to vector<16xi32>
    %add3A_792 = arith.addi %iota3A, %broadcast_in_dim3A_791 : vector<16xi32>
    %sub3A_793 = arith.subf %get3A_731, %get3A_3 : vector<16xf32>
    %mul3A_794 = arith.mulf %sub3A_793, %get3A_5 : vector<16xf32>
    tpu.vector_store_idx %arg13[%add3A_792, %broadcast_in_dim3A_6], %mul3A_794 : memref<512x1xf32, #tpu.memory_space<vmem>>[vector<16xi32>, vector<16xi32>], vector<16xf32>,
    %get3A_795 = arith.constant 176 : index
    %get3A_796 = tpu.vector_load %arg9[%get3A_795] {strides = array<i32>} : memref<512xi32, #tpu.memory_space<vmem>>, vector<16xi32>,
    %add3A_797 = arith.constant 1 : i32
    %add3A_798 = vector.broadcast %add3A_797 : i32 to vector<16xi32>
    %add3A_799 = arith.addi %get3A_796, %add3A_798 : vector<16xi32>
    %swap3A_800 = arith.constant 176 : index
    %swap3A_801 = tpu.vector_load %arg11[%swap3A_800] {strides = array<i32>} : memref<512xi32, #tpu.memory_space<vmem>>, vector<16xi32>,
    tpu.vector_store %arg11[%swap3A_800], %add3A_799 {strides = array<i32>} : memref<512xi32, #tpu.memory_space<vmem>>, vector<16xi32>,
    %get3A_802 = arith.constant 176 : index
    %get3A_803 = tpu.vector_load %arg10[%get3A_802] {strides = array<i32>} : memref<512xf32, #tpu.memory_space<vmem>>, vector<16xf32>,
    %broadcast_in_dim3A_804 = arith.constant 0 : i32
    %broadcast_in_dim3A_805 = vector.broadcast %broadcast_in_dim3A_804 : i32 to vector<16xi32>
    %broadcast_in_dim3A_806 = arith.constant 1 : i32
    %broadcast_in_dim3A_807 = vector.broadcast %broadcast_in_dim3A_806 : i32 to vector<16xi32>
    %broadcast_in_dim3A_808 = arith.constant 0 : i32
    %broadcast_in_dim3A_809 = vector.broadcast %broadcast_in_dim3A_808 : i32 to vector<16xi32>
    %get3A_810 = arith.constant 0 : index
    %get3A_811 = tpu.vector_load %arg14[%get3A_810] {strides = array<i32>} : memref<160xf32, #tpu.memory_space<vmem>>, vector<16xf32>,
    %ge3A_812 = arith.cmpf oge, %get3A_803, %get3A_811 : vector<16xf32>
    %select_n3A_813 = arith.select %ge3A_812, %broadcast_in_dim3A_807, %broadcast_in_dim3A_809 : vector<16xi1>, vector<16xi32>
    %add3A_814 = arith.addi %broadcast_in_dim3A_805, %select_n3A_813 : vector<16xi32>
    %get3A_815 = arith.constant 16 : index
    %get3A_816 = tpu.vector_load %arg14[%get3A_815] {strides = array<i32>} : memref<160xf32, #tpu.memory_space<vmem>>, vector<16xf32>,
    %ge3A_817 = arith.cmpf oge, %get3A_803, %get3A_816 : vector<16xf32>
    %select_n3A_818 = arith.select %ge3A_817, %broadcast_in_dim3A_807, %broadcast_in_dim3A_809 : vector<16xi1>, vector<16xi32>
    %add3A_819 = arith.addi %add3A_814, %select_n3A_818 : vector<16xi32>
    %get3A_820 = arith.constant 32 : index
    %get3A_821 = tpu.vector_load %arg14[%get3A_820] {strides = array<i32>} : memref<160xf32, #tpu.memory_space<vmem>>, vector<16xf32>,
    %ge3A_822 = arith.cmpf oge, %get3A_803, %get3A_821 : vector<16xf32>
    %select_n3A_823 = arith.select %ge3A_822, %broadcast_in_dim3A_807, %broadcast_in_dim3A_809 : vector<16xi1>, vector<16xi32>
    %add3A_824 = arith.addi %add3A_819, %select_n3A_823 : vector<16xi32>
    %get3A_825 = arith.constant 48 : index
    %get3A_826 = tpu.vector_load %arg14[%get3A_825] {strides = array<i32>} : memref<160xf32, #tpu.memory_space<vmem>>, vector<16xf32>,
    %ge3A_827 = arith.cmpf oge, %get3A_803, %get3A_826 : vector<16xf32>
    %select_n3A_828 = arith.select %ge3A_827, %broadcast_in_dim3A_807, %broadcast_in_dim3A_809 : vector<16xi1>, vector<16xi32>
    %add3A_829 = arith.addi %add3A_824, %select_n3A_828 : vector<16xi32>
    %get3A_830 = arith.constant 64 : index
    %get3A_831 = tpu.vector_load %arg14[%get3A_830] {strides = array<i32>} : memref<160xf32, #tpu.memory_space<vmem>>, vector<16xf32>,
    %ge3A_832 = arith.cmpf oge, %get3A_803, %get3A_831 : vector<16xf32>
    %select_n3A_833 = arith.select %ge3A_832, %broadcast_in_dim3A_807, %broadcast_in_dim3A_809 : vector<16xi1>, vector<16xi32>
    %add3A_834 = arith.addi %add3A_829, %select_n3A_833 : vector<16xi32>
    %get3A_835 = arith.constant 80 : index
    %get3A_836 = tpu.vector_load %arg14[%get3A_835] {strides = array<i32>} : memref<160xf32, #tpu.memory_space<vmem>>, vector<16xf32>,
    %ge3A_837 = arith.cmpf oge, %get3A_803, %get3A_836 : vector<16xf32>
    %select_n3A_838 = arith.select %ge3A_837, %broadcast_in_dim3A_807, %broadcast_in_dim3A_809 : vector<16xi1>, vector<16xi32>
    %add3A_839 = arith.addi %add3A_834, %select_n3A_838 : vector<16xi32>
    %get3A_840 = arith.constant 96 : index
    %get3A_841 = tpu.vector_load %arg14[%get3A_840] {strides = array<i32>} : memref<160xf32, #tpu.memory_space<vmem>>, vector<16xf32>,
    %ge3A_842 = arith.cmpf oge, %get3A_803, %get3A_841 : vector<16xf32>
    %select_n3A_843 = arith.select %ge3A_842, %broadcast_in_dim3A_807, %broadcast_in_dim3A_809 : vector<16xi1>, vector<16xi32>
    %add3A_844 = arith.addi %add3A_839, %select_n3A_843 : vector<16xi32>
    %get3A_845 = arith.constant 112 : index
    %get3A_846 = tpu.vector_load %arg14[%get3A_845] {strides = array<i32>} : memref<160xf32, #tpu.memory_space<vmem>>, vector<16xf32>,
    %ge3A_847 = arith.cmpf oge, %get3A_803, %get3A_846 : vector<16xf32>
    %select_n3A_848 = arith.select %ge3A_847, %broadcast_in_dim3A_807, %broadcast_in_dim3A_809 : vector<16xi1>, vector<16xi32>
    %add3A_849 = arith.addi %add3A_844, %select_n3A_848 : vector<16xi32>
    %get3A_850 = arith.constant 128 : index
    %get3A_851 = tpu.vector_load %arg14[%get3A_850] {strides = array<i32>} : memref<160xf32, #tpu.memory_space<vmem>>, vector<16xf32>,
    %ge3A_852 = arith.cmpf oge, %get3A_803, %get3A_851 : vector<16xf32>
    %select_n3A_853 = arith.select %ge3A_852, %broadcast_in_dim3A_807, %broadcast_in_dim3A_809 : vector<16xi1>, vector<16xi32>
    %add3A_854 = arith.addi %add3A_849, %select_n3A_853 : vector<16xi32>
    %get3A_855 = arith.constant 144 : index
    %get3A_856 = tpu.vector_load %arg14[%get3A_855] {strides = array<i32>} : memref<160xf32, #tpu.memory_space<vmem>>, vector<16xf32>,
    %ge3A_857 = arith.cmpf oge, %get3A_803, %get3A_856 : vector<16xf32>
    %select_n3A_858 = arith.select %ge3A_857, %broadcast_in_dim3A_807, %broadcast_in_dim3A_809 : vector<16xi1>, vector<16xi32>
    %add3A_859 = arith.addi %add3A_854, %select_n3A_858 : vector<16xi32>
    %swap3A_860 = arith.constant 176 : index
    %swap3A_861 = tpu.vector_load %arg12[%swap3A_860] {strides = array<i32>} : memref<512xi32, #tpu.memory_space<vmem>>, vector<16xi32>,
    tpu.vector_store %arg12[%swap3A_860], %add3A_859 {strides = array<i32>} : memref<512xi32, #tpu.memory_space<vmem>>, vector<16xi32>,
    %broadcast_in_dim3A_862 = arith.constant 176 : i32
    %broadcast_in_dim3A_863 = vector.broadcast %broadcast_in_dim3A_862 : i32 to vector<16xi32>
    %add3A_864 = arith.addi %iota3A, %broadcast_in_dim3A_863 : vector<16xi32>
    %sub3A_865 = arith.subf %get3A_803, %get3A_3 : vector<16xf32>
    %mul3A_866 = arith.mulf %sub3A_865, %get3A_5 : vector<16xf32>
    tpu.vector_store_idx %arg13[%add3A_864, %broadcast_in_dim3A_6], %mul3A_866 : memref<512x1xf32, #tpu.memory_space<vmem>>[vector<16xi32>, vector<16xi32>], vector<16xf32>,
    %get3A_867 = arith.constant 192 : index
    %get3A_868 = tpu.vector_load %arg9[%get3A_867] {strides = array<i32>} : memref<512xi32, #tpu.memory_space<vmem>>, vector<16xi32>,
    %add3A_869 = arith.constant 1 : i32
    %add3A_870 = vector.broadcast %add3A_869 : i32 to vector<16xi32>
    %add3A_871 = arith.addi %get3A_868, %add3A_870 : vector<16xi32>
    %swap3A_872 = arith.constant 192 : index
    %swap3A_873 = tpu.vector_load %arg11[%swap3A_872] {strides = array<i32>} : memref<512xi32, #tpu.memory_space<vmem>>, vector<16xi32>,
    tpu.vector_store %arg11[%swap3A_872], %add3A_871 {strides = array<i32>} : memref<512xi32, #tpu.memory_space<vmem>>, vector<16xi32>,
    %get3A_874 = arith.constant 192 : index
    %get3A_875 = tpu.vector_load %arg10[%get3A_874] {strides = array<i32>} : memref<512xf32, #tpu.memory_space<vmem>>, vector<16xf32>,
    %broadcast_in_dim3A_876 = arith.constant 0 : i32
    %broadcast_in_dim3A_877 = vector.broadcast %broadcast_in_dim3A_876 : i32 to vector<16xi32>
    %broadcast_in_dim3A_878 = arith.constant 1 : i32
    %broadcast_in_dim3A_879 = vector.broadcast %broadcast_in_dim3A_878 : i32 to vector<16xi32>
    %broadcast_in_dim3A_880 = arith.constant 0 : i32
    %broadcast_in_dim3A_881 = vector.broadcast %broadcast_in_dim3A_880 : i32 to vector<16xi32>
    %get3A_882 = arith.constant 0 : index
    %get3A_883 = tpu.vector_load %arg14[%get3A_882] {strides = array<i32>} : memref<160xf32, #tpu.memory_space<vmem>>, vector<16xf32>,
    %ge3A_884 = arith.cmpf oge, %get3A_875, %get3A_883 : vector<16xf32>
    %select_n3A_885 = arith.select %ge3A_884, %broadcast_in_dim3A_879, %broadcast_in_dim3A_881 : vector<16xi1>, vector<16xi32>
    %add3A_886 = arith.addi %broadcast_in_dim3A_877, %select_n3A_885 : vector<16xi32>
    %get3A_887 = arith.constant 16 : index
    %get3A_888 = tpu.vector_load %arg14[%get3A_887] {strides = array<i32>} : memref<160xf32, #tpu.memory_space<vmem>>, vector<16xf32>,
    %ge3A_889 = arith.cmpf oge, %get3A_875, %get3A_888 : vector<16xf32>
    %select_n3A_890 = arith.select %ge3A_889, %broadcast_in_dim3A_879, %broadcast_in_dim3A_881 : vector<16xi1>, vector<16xi32>
    %add3A_891 = arith.addi %add3A_886, %select_n3A_890 : vector<16xi32>
    %get3A_892 = arith.constant 32 : index
    %get3A_893 = tpu.vector_load %arg14[%get3A_892] {strides = array<i32>} : memref<160xf32, #tpu.memory_space<vmem>>, vector<16xf32>,
    %ge3A_894 = arith.cmpf oge, %get3A_875, %get3A_893 : vector<16xf32>
    %select_n3A_895 = arith.select %ge3A_894, %broadcast_in_dim3A_879, %broadcast_in_dim3A_881 : vector<16xi1>, vector<16xi32>
    %add3A_896 = arith.addi %add3A_891, %select_n3A_895 : vector<16xi32>
    %get3A_897 = arith.constant 48 : index
    %get3A_898 = tpu.vector_load %arg14[%get3A_897] {strides = array<i32>} : memref<160xf32, #tpu.memory_space<vmem>>, vector<16xf32>,
    %ge3A_899 = arith.cmpf oge, %get3A_875, %get3A_898 : vector<16xf32>
    %select_n3A_900 = arith.select %ge3A_899, %broadcast_in_dim3A_879, %broadcast_in_dim3A_881 : vector<16xi1>, vector<16xi32>
    %add3A_901 = arith.addi %add3A_896, %select_n3A_900 : vector<16xi32>
    %get3A_902 = arith.constant 64 : index
    %get3A_903 = tpu.vector_load %arg14[%get3A_902] {strides = array<i32>} : memref<160xf32, #tpu.memory_space<vmem>>, vector<16xf32>,
    %ge3A_904 = arith.cmpf oge, %get3A_875, %get3A_903 : vector<16xf32>
    %select_n3A_905 = arith.select %ge3A_904, %broadcast_in_dim3A_879, %broadcast_in_dim3A_881 : vector<16xi1>, vector<16xi32>
    %add3A_906 = arith.addi %add3A_901, %select_n3A_905 : vector<16xi32>
    %get3A_907 = arith.constant 80 : index
    %get3A_908 = tpu.vector_load %arg14[%get3A_907] {strides = array<i32>} : memref<160xf32, #tpu.memory_space<vmem>>, vector<16xf32>,
    %ge3A_909 = arith.cmpf oge, %get3A_875, %get3A_908 : vector<16xf32>
    %select_n3A_910 = arith.select %ge3A_909, %broadcast_in_dim3A_879, %broadcast_in_dim3A_881 : vector<16xi1>, vector<16xi32>
    %add3A_911 = arith.addi %add3A_906, %select_n3A_910 : vector<16xi32>
    %get3A_912 = arith.constant 96 : index
    %get3A_913 = tpu.vector_load %arg14[%get3A_912] {strides = array<i32>} : memref<160xf32, #tpu.memory_space<vmem>>, vector<16xf32>,
    %ge3A_914 = arith.cmpf oge, %get3A_875, %get3A_913 : vector<16xf32>
    %select_n3A_915 = arith.select %ge3A_914, %broadcast_in_dim3A_879, %broadcast_in_dim3A_881 : vector<16xi1>, vector<16xi32>
    %add3A_916 = arith.addi %add3A_911, %select_n3A_915 : vector<16xi32>
    %get3A_917 = arith.constant 112 : index
    %get3A_918 = tpu.vector_load %arg14[%get3A_917] {strides = array<i32>} : memref<160xf32, #tpu.memory_space<vmem>>, vector<16xf32>,
    %ge3A_919 = arith.cmpf oge, %get3A_875, %get3A_918 : vector<16xf32>
    %select_n3A_920 = arith.select %ge3A_919, %broadcast_in_dim3A_879, %broadcast_in_dim3A_881 : vector<16xi1>, vector<16xi32>
    %add3A_921 = arith.addi %add3A_916, %select_n3A_920 : vector<16xi32>
    %get3A_922 = arith.constant 128 : index
    %get3A_923 = tpu.vector_load %arg14[%get3A_922] {strides = array<i32>} : memref<160xf32, #tpu.memory_space<vmem>>, vector<16xf32>,
    %ge3A_924 = arith.cmpf oge, %get3A_875, %get3A_923 : vector<16xf32>
    %select_n3A_925 = arith.select %ge3A_924, %broadcast_in_dim3A_879, %broadcast_in_dim3A_881 : vector<16xi1>, vector<16xi32>
    %add3A_926 = arith.addi %add3A_921, %select_n3A_925 : vector<16xi32>
    %get3A_927 = arith.constant 144 : index
    %get3A_928 = tpu.vector_load %arg14[%get3A_927] {strides = array<i32>} : memref<160xf32, #tpu.memory_space<vmem>>, vector<16xf32>,
    %ge3A_929 = arith.cmpf oge, %get3A_875, %get3A_928 : vector<16xf32>
    %select_n3A_930 = arith.select %ge3A_929, %broadcast_in_dim3A_879, %broadcast_in_dim3A_881 : vector<16xi1>, vector<16xi32>
    %add3A_931 = arith.addi %add3A_926, %select_n3A_930 : vector<16xi32>
    %swap3A_932 = arith.constant 192 : index
    %swap3A_933 = tpu.vector_load %arg12[%swap3A_932] {strides = array<i32>} : memref<512xi32, #tpu.memory_space<vmem>>, vector<16xi32>,
    tpu.vector_store %arg12[%swap3A_932], %add3A_931 {strides = array<i32>} : memref<512xi32, #tpu.memory_space<vmem>>, vector<16xi32>,
    %broadcast_in_dim3A_934 = arith.constant 192 : i32
    %broadcast_in_dim3A_935 = vector.broadcast %broadcast_in_dim3A_934 : i32 to vector<16xi32>
    %add3A_936 = arith.addi %iota3A, %broadcast_in_dim3A_935 : vector<16xi32>
    %sub3A_937 = arith.subf %get3A_875, %get3A_3 : vector<16xf32>
    %mul3A_938 = arith.mulf %sub3A_937, %get3A_5 : vector<16xf32>
    tpu.vector_store_idx %arg13[%add3A_936, %broadcast_in_dim3A_6], %mul3A_938 : memref<512x1xf32, #tpu.memory_space<vmem>>[vector<16xi32>, vector<16xi32>], vector<16xf32>,
    %get3A_939 = arith.constant 208 : index
    %get3A_940 = tpu.vector_load %arg9[%get3A_939] {strides = array<i32>} : memref<512xi32, #tpu.memory_space<vmem>>, vector<16xi32>,
    %add3A_941 = arith.constant 1 : i32
    %add3A_942 = vector.broadcast %add3A_941 : i32 to vector<16xi32>
    %add3A_943 = arith.addi %get3A_940, %add3A_942 : vector<16xi32>
    %swap3A_944 = arith.constant 208 : index
    %swap3A_945 = tpu.vector_load %arg11[%swap3A_944] {strides = array<i32>} : memref<512xi32, #tpu.memory_space<vmem>>, vector<16xi32>,
    tpu.vector_store %arg11[%swap3A_944], %add3A_943 {strides = array<i32>} : memref<512xi32, #tpu.memory_space<vmem>>, vector<16xi32>,
    %get3A_946 = arith.constant 208 : index
    %get3A_947 = tpu.vector_load %arg10[%get3A_946] {strides = array<i32>} : memref<512xf32, #tpu.memory_space<vmem>>, vector<16xf32>,
    %broadcast_in_dim3A_948 = arith.constant 0 : i32
    %broadcast_in_dim3A_949 = vector.broadcast %broadcast_in_dim3A_948 : i32 to vector<16xi32>
    %broadcast_in_dim3A_950 = arith.constant 1 : i32
    %broadcast_in_dim3A_951 = vector.broadcast %broadcast_in_dim3A_950 : i32 to vector<16xi32>
    %broadcast_in_dim3A_952 = arith.constant 0 : i32
    %broadcast_in_dim3A_953 = vector.broadcast %broadcast_in_dim3A_952 : i32 to vector<16xi32>
    %get3A_954 = arith.constant 0 : index
    %get3A_955 = tpu.vector_load %arg14[%get3A_954] {strides = array<i32>} : memref<160xf32, #tpu.memory_space<vmem>>, vector<16xf32>,
    %ge3A_956 = arith.cmpf oge, %get3A_947, %get3A_955 : vector<16xf32>
    %select_n3A_957 = arith.select %ge3A_956, %broadcast_in_dim3A_951, %broadcast_in_dim3A_953 : vector<16xi1>, vector<16xi32>
    %add3A_958 = arith.addi %broadcast_in_dim3A_949, %select_n3A_957 : vector<16xi32>
    %get3A_959 = arith.constant 16 : index
    %get3A_960 = tpu.vector_load %arg14[%get3A_959] {strides = array<i32>} : memref<160xf32, #tpu.memory_space<vmem>>, vector<16xf32>,
    %ge3A_961 = arith.cmpf oge, %get3A_947, %get3A_960 : vector<16xf32>
    %select_n3A_962 = arith.select %ge3A_961, %broadcast_in_dim3A_951, %broadcast_in_dim3A_953 : vector<16xi1>, vector<16xi32>
    %add3A_963 = arith.addi %add3A_958, %select_n3A_962 : vector<16xi32>
    %get3A_964 = arith.constant 32 : index
    %get3A_965 = tpu.vector_load %arg14[%get3A_964] {strides = array<i32>} : memref<160xf32, #tpu.memory_space<vmem>>, vector<16xf32>,
    %ge3A_966 = arith.cmpf oge, %get3A_947, %get3A_965 : vector<16xf32>
    %select_n3A_967 = arith.select %ge3A_966, %broadcast_in_dim3A_951, %broadcast_in_dim3A_953 : vector<16xi1>, vector<16xi32>
    %add3A_968 = arith.addi %add3A_963, %select_n3A_967 : vector<16xi32>
    %get3A_969 = arith.constant 48 : index
    %get3A_970 = tpu.vector_load %arg14[%get3A_969] {strides = array<i32>} : memref<160xf32, #tpu.memory_space<vmem>>, vector<16xf32>,
    %ge3A_971 = arith.cmpf oge, %get3A_947, %get3A_970 : vector<16xf32>
    %select_n3A_972 = arith.select %ge3A_971, %broadcast_in_dim3A_951, %broadcast_in_dim3A_953 : vector<16xi1>, vector<16xi32>
    %add3A_973 = arith.addi %add3A_968, %select_n3A_972 : vector<16xi32>
    %get3A_974 = arith.constant 64 : index
    %get3A_975 = tpu.vector_load %arg14[%get3A_974] {strides = array<i32>} : memref<160xf32, #tpu.memory_space<vmem>>, vector<16xf32>,
    %ge3A_976 = arith.cmpf oge, %get3A_947, %get3A_975 : vector<16xf32>
    %select_n3A_977 = arith.select %ge3A_976, %broadcast_in_dim3A_951, %broadcast_in_dim3A_953 : vector<16xi1>, vector<16xi32>
    %add3A_978 = arith.addi %add3A_973, %select_n3A_977 : vector<16xi32>
    %get3A_979 = arith.constant 80 : index
    %get3A_980 = tpu.vector_load %arg14[%get3A_979] {strides = array<i32>} : memref<160xf32, #tpu.memory_space<vmem>>, vector<16xf32>,
    %ge3A_981 = arith.cmpf oge, %get3A_947, %get3A_980 : vector<16xf32>
    %select_n3A_982 = arith.select %ge3A_981, %broadcast_in_dim3A_951, %broadcast_in_dim3A_953 : vector<16xi1>, vector<16xi32>
    %add3A_983 = arith.addi %add3A_978, %select_n3A_982 : vector<16xi32>
    %get3A_984 = arith.constant 96 : index
    %get3A_985 = tpu.vector_load %arg14[%get3A_984] {strides = array<i32>} : memref<160xf32, #tpu.memory_space<vmem>>, vector<16xf32>,
    %ge3A_986 = arith.cmpf oge, %get3A_947, %get3A_985 : vector<16xf32>
    %select_n3A_987 = arith.select %ge3A_986, %broadcast_in_dim3A_951, %broadcast_in_dim3A_953 : vector<16xi1>, vector<16xi32>
    %add3A_988 = arith.addi %add3A_983, %select_n3A_987 : vector<16xi32>
    %get3A_989 = arith.constant 112 : index
    %get3A_990 = tpu.vector_load %arg14[%get3A_989] {strides = array<i32>} : memref<160xf32, #tpu.memory_space<vmem>>, vector<16xf32>,
    %ge3A_991 = arith.cmpf oge, %get3A_947, %get3A_990 : vector<16xf32>
    %select_n3A_992 = arith.select %ge3A_991, %broadcast_in_dim3A_951, %broadcast_in_dim3A_953 : vector<16xi1>, vector<16xi32>
    %add3A_993 = arith.addi %add3A_988, %select_n3A_992 : vector<16xi32>
    %get3A_994 = arith.constant 128 : index
    %get3A_995 = tpu.vector_load %arg14[%get3A_994] {strides = array<i32>} : memref<160xf32, #tpu.memory_space<vmem>>, vector<16xf32>,
    %ge3A_996 = arith.cmpf oge, %get3A_947, %get3A_995 : vector<16xf32>
    %select_n3A_997 = arith.select %ge3A_996, %broadcast_in_dim3A_951, %broadcast_in_dim3A_953 : vector<16xi1>, vector<16xi32>
    %add3A_998 = arith.addi %add3A_993, %select_n3A_997 : vector<16xi32>
    %get3A_999 = arith.constant 144 : index
    %get3A_1000 = tpu.vector_load %arg14[%get3A_999] {strides = array<i32>} : memref<160xf32, #tpu.memory_space<vmem>>, vector<16xf32>,
    %ge3A_1001 = arith.cmpf oge, %get3A_947, %get3A_1000 : vector<16xf32>
    %select_n3A_1002 = arith.select %ge3A_1001, %broadcast_in_dim3A_951, %broadcast_in_dim3A_953 : vector<16xi1>, vector<16xi32>
    %add3A_1003 = arith.addi %add3A_998, %select_n3A_1002 : vector<16xi32>
    %swap3A_1004 = arith.constant 208 : index
    %swap3A_1005 = tpu.vector_load %arg12[%swap3A_1004] {strides = array<i32>} : memref<512xi32, #tpu.memory_space<vmem>>, vector<16xi32>,
    tpu.vector_store %arg12[%swap3A_1004], %add3A_1003 {strides = array<i32>} : memref<512xi32, #tpu.memory_space<vmem>>, vector<16xi32>,
    %broadcast_in_dim3A_1006 = arith.constant 208 : i32
    %broadcast_in_dim3A_1007 = vector.broadcast %broadcast_in_dim3A_1006 : i32 to vector<16xi32>
    %add3A_1008 = arith.addi %iota3A, %broadcast_in_dim3A_1007 : vector<16xi32>
    %sub3A_1009 = arith.subf %get3A_947, %get3A_3 : vector<16xf32>
    %mul3A_1010 = arith.mulf %sub3A_1009, %get3A_5 : vector<16xf32>
    tpu.vector_store_idx %arg13[%add3A_1008, %broadcast_in_dim3A_6], %mul3A_1010 : memref<512x1xf32, #tpu.memory_space<vmem>>[vector<16xi32>, vector<16xi32>], vector<16xf32>,
    %get3A_1011 = arith.constant 224 : index
    %get3A_1012 = tpu.vector_load %arg9[%get3A_1011] {strides = array<i32>} : memref<512xi32, #tpu.memory_space<vmem>>, vector<16xi32>,
    %add3A_1013 = arith.constant 1 : i32
    %add3A_1014 = vector.broadcast %add3A_1013 : i32 to vector<16xi32>
    %add3A_1015 = arith.addi %get3A_1012, %add3A_1014 : vector<16xi32>
    %swap3A_1016 = arith.constant 224 : index
    %swap3A_1017 = tpu.vector_load %arg11[%swap3A_1016] {strides = array<i32>} : memref<512xi32, #tpu.memory_space<vmem>>, vector<16xi32>,
    tpu.vector_store %arg11[%swap3A_1016], %add3A_1015 {strides = array<i32>} : memref<512xi32, #tpu.memory_space<vmem>>, vector<16xi32>,
    %get3A_1018 = arith.constant 224 : index
    %get3A_1019 = tpu.vector_load %arg10[%get3A_1018] {strides = array<i32>} : memref<512xf32, #tpu.memory_space<vmem>>, vector<16xf32>,
    %broadcast_in_dim3A_1020 = arith.constant 0 : i32
    %broadcast_in_dim3A_1021 = vector.broadcast %broadcast_in_dim3A_1020 : i32 to vector<16xi32>
    %broadcast_in_dim3A_1022 = arith.constant 1 : i32
    %broadcast_in_dim3A_1023 = vector.broadcast %broadcast_in_dim3A_1022 : i32 to vector<16xi32>
    %broadcast_in_dim3A_1024 = arith.constant 0 : i32
    %broadcast_in_dim3A_1025 = vector.broadcast %broadcast_in_dim3A_1024 : i32 to vector<16xi32>
    %get3A_1026 = arith.constant 0 : index
    %get3A_1027 = tpu.vector_load %arg14[%get3A_1026] {strides = array<i32>} : memref<160xf32, #tpu.memory_space<vmem>>, vector<16xf32>,
    %ge3A_1028 = arith.cmpf oge, %get3A_1019, %get3A_1027 : vector<16xf32>
    %select_n3A_1029 = arith.select %ge3A_1028, %broadcast_in_dim3A_1023, %broadcast_in_dim3A_1025 : vector<16xi1>, vector<16xi32>
    %add3A_1030 = arith.addi %broadcast_in_dim3A_1021, %select_n3A_1029 : vector<16xi32>
    %get3A_1031 = arith.constant 16 : index
    %get3A_1032 = tpu.vector_load %arg14[%get3A_1031] {strides = array<i32>} : memref<160xf32, #tpu.memory_space<vmem>>, vector<16xf32>,
    %ge3A_1033 = arith.cmpf oge, %get3A_1019, %get3A_1032 : vector<16xf32>
    %select_n3A_1034 = arith.select %ge3A_1033, %broadcast_in_dim3A_1023, %broadcast_in_dim3A_1025 : vector<16xi1>, vector<16xi32>
    %add3A_1035 = arith.addi %add3A_1030, %select_n3A_1034 : vector<16xi32>
    %get3A_1036 = arith.constant 32 : index
    %get3A_1037 = tpu.vector_load %arg14[%get3A_1036] {strides = array<i32>} : memref<160xf32, #tpu.memory_space<vmem>>, vector<16xf32>,
    %ge3A_1038 = arith.cmpf oge, %get3A_1019, %get3A_1037 : vector<16xf32>
    %select_n3A_1039 = arith.select %ge3A_1038, %broadcast_in_dim3A_1023, %broadcast_in_dim3A_1025 : vector<16xi1>, vector<16xi32>
    %add3A_1040 = arith.addi %add3A_1035, %select_n3A_1039 : vector<16xi32>
    %get3A_1041 = arith.constant 48 : index
    %get3A_1042 = tpu.vector_load %arg14[%get3A_1041] {strides = array<i32>} : memref<160xf32, #tpu.memory_space<vmem>>, vector<16xf32>,
    %ge3A_1043 = arith.cmpf oge, %get3A_1019, %get3A_1042 : vector<16xf32>
    %select_n3A_1044 = arith.select %ge3A_1043, %broadcast_in_dim3A_1023, %broadcast_in_dim3A_1025 : vector<16xi1>, vector<16xi32>
    %add3A_1045 = arith.addi %add3A_1040, %select_n3A_1044 : vector<16xi32>
    %get3A_1046 = arith.constant 64 : index
    %get3A_1047 = tpu.vector_load %arg14[%get3A_1046] {strides = array<i32>} : memref<160xf32, #tpu.memory_space<vmem>>, vector<16xf32>,
    %ge3A_1048 = arith.cmpf oge, %get3A_1019, %get3A_1047 : vector<16xf32>
    %select_n3A_1049 = arith.select %ge3A_1048, %broadcast_in_dim3A_1023, %broadcast_in_dim3A_1025 : vector<16xi1>, vector<16xi32>
    %add3A_1050 = arith.addi %add3A_1045, %select_n3A_1049 : vector<16xi32>
    %get3A_1051 = arith.constant 80 : index
    %get3A_1052 = tpu.vector_load %arg14[%get3A_1051] {strides = array<i32>} : memref<160xf32, #tpu.memory_space<vmem>>, vector<16xf32>,
    %ge3A_1053 = arith.cmpf oge, %get3A_1019, %get3A_1052 : vector<16xf32>
    %select_n3A_1054 = arith.select %ge3A_1053, %broadcast_in_dim3A_1023, %broadcast_in_dim3A_1025 : vector<16xi1>, vector<16xi32>
    %add3A_1055 = arith.addi %add3A_1050, %select_n3A_1054 : vector<16xi32>
    %get3A_1056 = arith.constant 96 : index
    %get3A_1057 = tpu.vector_load %arg14[%get3A_1056] {strides = array<i32>} : memref<160xf32, #tpu.memory_space<vmem>>, vector<16xf32>,
    %ge3A_1058 = arith.cmpf oge, %get3A_1019, %get3A_1057 : vector<16xf32>
    %select_n3A_1059 = arith.select %ge3A_1058, %broadcast_in_dim3A_1023, %broadcast_in_dim3A_1025 : vector<16xi1>, vector<16xi32>
    %add3A_1060 = arith.addi %add3A_1055, %select_n3A_1059 : vector<16xi32>
    %get3A_1061 = arith.constant 112 : index
    %get3A_1062 = tpu.vector_load %arg14[%get3A_1061] {strides = array<i32>} : memref<160xf32, #tpu.memory_space<vmem>>, vector<16xf32>,
    %ge3A_1063 = arith.cmpf oge, %get3A_1019, %get3A_1062 : vector<16xf32>
    %select_n3A_1064 = arith.select %ge3A_1063, %broadcast_in_dim3A_1023, %broadcast_in_dim3A_1025 : vector<16xi1>, vector<16xi32>
    %add3A_1065 = arith.addi %add3A_1060, %select_n3A_1064 : vector<16xi32>
    %get3A_1066 = arith.constant 128 : index
    %get3A_1067 = tpu.vector_load %arg14[%get3A_1066] {strides = array<i32>} : memref<160xf32, #tpu.memory_space<vmem>>, vector<16xf32>,
    %ge3A_1068 = arith.cmpf oge, %get3A_1019, %get3A_1067 : vector<16xf32>
    %select_n3A_1069 = arith.select %ge3A_1068, %broadcast_in_dim3A_1023, %broadcast_in_dim3A_1025 : vector<16xi1>, vector<16xi32>
    %add3A_1070 = arith.addi %add3A_1065, %select_n3A_1069 : vector<16xi32>
    %get3A_1071 = arith.constant 144 : index
    %get3A_1072 = tpu.vector_load %arg14[%get3A_1071] {strides = array<i32>} : memref<160xf32, #tpu.memory_space<vmem>>, vector<16xf32>,
    %ge3A_1073 = arith.cmpf oge, %get3A_1019, %get3A_1072 : vector<16xf32>
    %select_n3A_1074 = arith.select %ge3A_1073, %broadcast_in_dim3A_1023, %broadcast_in_dim3A_1025 : vector<16xi1>, vector<16xi32>
    %add3A_1075 = arith.addi %add3A_1070, %select_n3A_1074 : vector<16xi32>
    %swap3A_1076 = arith.constant 224 : index
    %swap3A_1077 = tpu.vector_load %arg12[%swap3A_1076] {strides = array<i32>} : memref<512xi32, #tpu.memory_space<vmem>>, vector<16xi32>,
    tpu.vector_store %arg12[%swap3A_1076], %add3A_1075 {strides = array<i32>} : memref<512xi32, #tpu.memory_space<vmem>>, vector<16xi32>,
    %broadcast_in_dim3A_1078 = arith.constant 224 : i32
    %broadcast_in_dim3A_1079 = vector.broadcast %broadcast_in_dim3A_1078 : i32 to vector<16xi32>
    %add3A_1080 = arith.addi %iota3A, %broadcast_in_dim3A_1079 : vector<16xi32>
    %sub3A_1081 = arith.subf %get3A_1019, %get3A_3 : vector<16xf32>
    %mul3A_1082 = arith.mulf %sub3A_1081, %get3A_5 : vector<16xf32>
    tpu.vector_store_idx %arg13[%add3A_1080, %broadcast_in_dim3A_6], %mul3A_1082 : memref<512x1xf32, #tpu.memory_space<vmem>>[vector<16xi32>, vector<16xi32>], vector<16xf32>,
    %get3A_1083 = arith.constant 240 : index
    %get3A_1084 = tpu.vector_load %arg9[%get3A_1083] {strides = array<i32>} : memref<512xi32, #tpu.memory_space<vmem>>, vector<16xi32>,
    %add3A_1085 = arith.constant 1 : i32
    %add3A_1086 = vector.broadcast %add3A_1085 : i32 to vector<16xi32>
    %add3A_1087 = arith.addi %get3A_1084, %add3A_1086 : vector<16xi32>
    %swap3A_1088 = arith.constant 240 : index
    %swap3A_1089 = tpu.vector_load %arg11[%swap3A_1088] {strides = array<i32>} : memref<512xi32, #tpu.memory_space<vmem>>, vector<16xi32>,
    tpu.vector_store %arg11[%swap3A_1088], %add3A_1087 {strides = array<i32>} : memref<512xi32, #tpu.memory_space<vmem>>, vector<16xi32>,
    %get3A_1090 = arith.constant 240 : index
    %get3A_1091 = tpu.vector_load %arg10[%get3A_1090] {strides = array<i32>} : memref<512xf32, #tpu.memory_space<vmem>>, vector<16xf32>,
    %broadcast_in_dim3A_1092 = arith.constant 0 : i32
    %broadcast_in_dim3A_1093 = vector.broadcast %broadcast_in_dim3A_1092 : i32 to vector<16xi32>
    %broadcast_in_dim3A_1094 = arith.constant 1 : i32
    %broadcast_in_dim3A_1095 = vector.broadcast %broadcast_in_dim3A_1094 : i32 to vector<16xi32>
    %broadcast_in_dim3A_1096 = arith.constant 0 : i32
    %broadcast_in_dim3A_1097 = vector.broadcast %broadcast_in_dim3A_1096 : i32 to vector<16xi32>
    %get3A_1098 = arith.constant 0 : index
    %get3A_1099 = tpu.vector_load %arg14[%get3A_1098] {strides = array<i32>} : memref<160xf32, #tpu.memory_space<vmem>>, vector<16xf32>,
    %ge3A_1100 = arith.cmpf oge, %get3A_1091, %get3A_1099 : vector<16xf32>
    %select_n3A_1101 = arith.select %ge3A_1100, %broadcast_in_dim3A_1095, %broadcast_in_dim3A_1097 : vector<16xi1>, vector<16xi32>
    %add3A_1102 = arith.addi %broadcast_in_dim3A_1093, %select_n3A_1101 : vector<16xi32>
    %get3A_1103 = arith.constant 16 : index
    %get3A_1104 = tpu.vector_load %arg14[%get3A_1103] {strides = array<i32>} : memref<160xf32, #tpu.memory_space<vmem>>, vector<16xf32>,
    %ge3A_1105 = arith.cmpf oge, %get3A_1091, %get3A_1104 : vector<16xf32>
    %select_n3A_1106 = arith.select %ge3A_1105, %broadcast_in_dim3A_1095, %broadcast_in_dim3A_1097 : vector<16xi1>, vector<16xi32>
    %add3A_1107 = arith.addi %add3A_1102, %select_n3A_1106 : vector<16xi32>
    %get3A_1108 = arith.constant 32 : index
    %get3A_1109 = tpu.vector_load %arg14[%get3A_1108] {strides = array<i32>} : memref<160xf32, #tpu.memory_space<vmem>>, vector<16xf32>,
    %ge3A_1110 = arith.cmpf oge, %get3A_1091, %get3A_1109 : vector<16xf32>
    %select_n3A_1111 = arith.select %ge3A_1110, %broadcast_in_dim3A_1095, %broadcast_in_dim3A_1097 : vector<16xi1>, vector<16xi32>
    %add3A_1112 = arith.addi %add3A_1107, %select_n3A_1111 : vector<16xi32>
    %get3A_1113 = arith.constant 48 : index
    %get3A_1114 = tpu.vector_load %arg14[%get3A_1113] {strides = array<i32>} : memref<160xf32, #tpu.memory_space<vmem>>, vector<16xf32>,
    %ge3A_1115 = arith.cmpf oge, %get3A_1091, %get3A_1114 : vector<16xf32>
    %select_n3A_1116 = arith.select %ge3A_1115, %broadcast_in_dim3A_1095, %broadcast_in_dim3A_1097 : vector<16xi1>, vector<16xi32>
    %add3A_1117 = arith.addi %add3A_1112, %select_n3A_1116 : vector<16xi32>
    %get3A_1118 = arith.constant 64 : index
    %get3A_1119 = tpu.vector_load %arg14[%get3A_1118] {strides = array<i32>} : memref<160xf32, #tpu.memory_space<vmem>>, vector<16xf32>,
    %ge3A_1120 = arith.cmpf oge, %get3A_1091, %get3A_1119 : vector<16xf32>
    %select_n3A_1121 = arith.select %ge3A_1120, %broadcast_in_dim3A_1095, %broadcast_in_dim3A_1097 : vector<16xi1>, vector<16xi32>
    %add3A_1122 = arith.addi %add3A_1117, %select_n3A_1121 : vector<16xi32>
    %get3A_1123 = arith.constant 80 : index
    %get3A_1124 = tpu.vector_load %arg14[%get3A_1123] {strides = array<i32>} : memref<160xf32, #tpu.memory_space<vmem>>, vector<16xf32>,
    %ge3A_1125 = arith.cmpf oge, %get3A_1091, %get3A_1124 : vector<16xf32>
    %select_n3A_1126 = arith.select %ge3A_1125, %broadcast_in_dim3A_1095, %broadcast_in_dim3A_1097 : vector<16xi1>, vector<16xi32>
    %add3A_1127 = arith.addi %add3A_1122, %select_n3A_1126 : vector<16xi32>
    %get3A_1128 = arith.constant 96 : index
    %get3A_1129 = tpu.vector_load %arg14[%get3A_1128] {strides = array<i32>} : memref<160xf32, #tpu.memory_space<vmem>>, vector<16xf32>,
    %ge3A_1130 = arith.cmpf oge, %get3A_1091, %get3A_1129 : vector<16xf32>
    %select_n3A_1131 = arith.select %ge3A_1130, %broadcast_in_dim3A_1095, %broadcast_in_dim3A_1097 : vector<16xi1>, vector<16xi32>
    %add3A_1132 = arith.addi %add3A_1127, %select_n3A_1131 : vector<16xi32>
    %get3A_1133 = arith.constant 112 : index
    %get3A_1134 = tpu.vector_load %arg14[%get3A_1133] {strides = array<i32>} : memref<160xf32, #tpu.memory_space<vmem>>, vector<16xf32>,
    %ge3A_1135 = arith.cmpf oge, %get3A_1091, %get3A_1134 : vector<16xf32>
    %select_n3A_1136 = arith.select %ge3A_1135, %broadcast_in_dim3A_1095, %broadcast_in_dim3A_1097 : vector<16xi1>, vector<16xi32>
    %add3A_1137 = arith.addi %add3A_1132, %select_n3A_1136 : vector<16xi32>
    %get3A_1138 = arith.constant 128 : index
    %get3A_1139 = tpu.vector_load %arg14[%get3A_1138] {strides = array<i32>} : memref<160xf32, #tpu.memory_space<vmem>>, vector<16xf32>,
    %ge3A_1140 = arith.cmpf oge, %get3A_1091, %get3A_1139 : vector<16xf32>
    %select_n3A_1141 = arith.select %ge3A_1140, %broadcast_in_dim3A_1095, %broadcast_in_dim3A_1097 : vector<16xi1>, vector<16xi32>
    %add3A_1142 = arith.addi %add3A_1137, %select_n3A_1141 : vector<16xi32>
    %get3A_1143 = arith.constant 144 : index
    %get3A_1144 = tpu.vector_load %arg14[%get3A_1143] {strides = array<i32>} : memref<160xf32, #tpu.memory_space<vmem>>, vector<16xf32>,
    %ge3A_1145 = arith.cmpf oge, %get3A_1091, %get3A_1144 : vector<16xf32>
    %select_n3A_1146 = arith.select %ge3A_1145, %broadcast_in_dim3A_1095, %broadcast_in_dim3A_1097 : vector<16xi1>, vector<16xi32>
    %add3A_1147 = arith.addi %add3A_1142, %select_n3A_1146 : vector<16xi32>
    %swap3A_1148 = arith.constant 240 : index
    %swap3A_1149 = tpu.vector_load %arg12[%swap3A_1148] {strides = array<i32>} : memref<512xi32, #tpu.memory_space<vmem>>, vector<16xi32>,
    tpu.vector_store %arg12[%swap3A_1148], %add3A_1147 {strides = array<i32>} : memref<512xi32, #tpu.memory_space<vmem>>, vector<16xi32>,
    %broadcast_in_dim3A_1150 = arith.constant 240 : i32
    %broadcast_in_dim3A_1151 = vector.broadcast %broadcast_in_dim3A_1150 : i32 to vector<16xi32>
    %add3A_1152 = arith.addi %iota3A, %broadcast_in_dim3A_1151 : vector<16xi32>
    %sub3A_1153 = arith.subf %get3A_1091, %get3A_3 : vector<16xf32>
    %mul3A_1154 = arith.mulf %sub3A_1153, %get3A_5 : vector<16xf32>
    tpu.vector_store_idx %arg13[%add3A_1152, %broadcast_in_dim3A_6], %mul3A_1154 : memref<512x1xf32, #tpu.memory_space<vmem>>[vector<16xi32>, vector<16xi32>], vector<16xf32>,
    %get3A_1155 = arith.constant 256 : index
    %get3A_1156 = tpu.vector_load %arg9[%get3A_1155] {strides = array<i32>} : memref<512xi32, #tpu.memory_space<vmem>>, vector<16xi32>,
    %add3A_1157 = arith.constant 1 : i32
    %add3A_1158 = vector.broadcast %add3A_1157 : i32 to vector<16xi32>
    %add3A_1159 = arith.addi %get3A_1156, %add3A_1158 : vector<16xi32>
    %swap3A_1160 = arith.constant 256 : index
    %swap3A_1161 = tpu.vector_load %arg11[%swap3A_1160] {strides = array<i32>} : memref<512xi32, #tpu.memory_space<vmem>>, vector<16xi32>,
    tpu.vector_store %arg11[%swap3A_1160], %add3A_1159 {strides = array<i32>} : memref<512xi32, #tpu.memory_space<vmem>>, vector<16xi32>,
    %get3A_1162 = arith.constant 256 : index
    %get3A_1163 = tpu.vector_load %arg10[%get3A_1162] {strides = array<i32>} : memref<512xf32, #tpu.memory_space<vmem>>, vector<16xf32>,
    %broadcast_in_dim3A_1164 = arith.constant 0 : i32
    %broadcast_in_dim3A_1165 = vector.broadcast %broadcast_in_dim3A_1164 : i32 to vector<16xi32>
    %broadcast_in_dim3A_1166 = arith.constant 1 : i32
    %broadcast_in_dim3A_1167 = vector.broadcast %broadcast_in_dim3A_1166 : i32 to vector<16xi32>
    %broadcast_in_dim3A_1168 = arith.constant 0 : i32
    %broadcast_in_dim3A_1169 = vector.broadcast %broadcast_in_dim3A_1168 : i32 to vector<16xi32>
    %get3A_1170 = arith.constant 0 : index
    %get3A_1171 = tpu.vector_load %arg14[%get3A_1170] {strides = array<i32>} : memref<160xf32, #tpu.memory_space<vmem>>, vector<16xf32>,
    %ge3A_1172 = arith.cmpf oge, %get3A_1163, %get3A_1171 : vector<16xf32>
    %select_n3A_1173 = arith.select %ge3A_1172, %broadcast_in_dim3A_1167, %broadcast_in_dim3A_1169 : vector<16xi1>, vector<16xi32>
    %add3A_1174 = arith.addi %broadcast_in_dim3A_1165, %select_n3A_1173 : vector<16xi32>
    %get3A_1175 = arith.constant 16 : index
    %get3A_1176 = tpu.vector_load %arg14[%get3A_1175] {strides = array<i32>} : memref<160xf32, #tpu.memory_space<vmem>>, vector<16xf32>,
    %ge3A_1177 = arith.cmpf oge, %get3A_1163, %get3A_1176 : vector<16xf32>
    %select_n3A_1178 = arith.select %ge3A_1177, %broadcast_in_dim3A_1167, %broadcast_in_dim3A_1169 : vector<16xi1>, vector<16xi32>
    %add3A_1179 = arith.addi %add3A_1174, %select_n3A_1178 : vector<16xi32>
    %get3A_1180 = arith.constant 32 : index
    %get3A_1181 = tpu.vector_load %arg14[%get3A_1180] {strides = array<i32>} : memref<160xf32, #tpu.memory_space<vmem>>, vector<16xf32>,
    %ge3A_1182 = arith.cmpf oge, %get3A_1163, %get3A_1181 : vector<16xf32>
    %select_n3A_1183 = arith.select %ge3A_1182, %broadcast_in_dim3A_1167, %broadcast_in_dim3A_1169 : vector<16xi1>, vector<16xi32>
    %add3A_1184 = arith.addi %add3A_1179, %select_n3A_1183 : vector<16xi32>
    %get3A_1185 = arith.constant 48 : index
    %get3A_1186 = tpu.vector_load %arg14[%get3A_1185] {strides = array<i32>} : memref<160xf32, #tpu.memory_space<vmem>>, vector<16xf32>,
    %ge3A_1187 = arith.cmpf oge, %get3A_1163, %get3A_1186 : vector<16xf32>
    %select_n3A_1188 = arith.select %ge3A_1187, %broadcast_in_dim3A_1167, %broadcast_in_dim3A_1169 : vector<16xi1>, vector<16xi32>
    %add3A_1189 = arith.addi %add3A_1184, %select_n3A_1188 : vector<16xi32>
    %get3A_1190 = arith.constant 64 : index
    %get3A_1191 = tpu.vector_load %arg14[%get3A_1190] {strides = array<i32>} : memref<160xf32, #tpu.memory_space<vmem>>, vector<16xf32>,
    %ge3A_1192 = arith.cmpf oge, %get3A_1163, %get3A_1191 : vector<16xf32>
    %select_n3A_1193 = arith.select %ge3A_1192, %broadcast_in_dim3A_1167, %broadcast_in_dim3A_1169 : vector<16xi1>, vector<16xi32>
    %add3A_1194 = arith.addi %add3A_1189, %select_n3A_1193 : vector<16xi32>
    %get3A_1195 = arith.constant 80 : index
    %get3A_1196 = tpu.vector_load %arg14[%get3A_1195] {strides = array<i32>} : memref<160xf32, #tpu.memory_space<vmem>>, vector<16xf32>,
    %ge3A_1197 = arith.cmpf oge, %get3A_1163, %get3A_1196 : vector<16xf32>
    %select_n3A_1198 = arith.select %ge3A_1197, %broadcast_in_dim3A_1167, %broadcast_in_dim3A_1169 : vector<16xi1>, vector<16xi32>
    %add3A_1199 = arith.addi %add3A_1194, %select_n3A_1198 : vector<16xi32>
    %get3A_1200 = arith.constant 96 : index
    %get3A_1201 = tpu.vector_load %arg14[%get3A_1200] {strides = array<i32>} : memref<160xf32, #tpu.memory_space<vmem>>, vector<16xf32>,
    %ge3A_1202 = arith.cmpf oge, %get3A_1163, %get3A_1201 : vector<16xf32>
    %select_n3A_1203 = arith.select %ge3A_1202, %broadcast_in_dim3A_1167, %broadcast_in_dim3A_1169 : vector<16xi1>, vector<16xi32>
    %add3A_1204 = arith.addi %add3A_1199, %select_n3A_1203 : vector<16xi32>
    %get3A_1205 = arith.constant 112 : index
    %get3A_1206 = tpu.vector_load %arg14[%get3A_1205] {strides = array<i32>} : memref<160xf32, #tpu.memory_space<vmem>>, vector<16xf32>,
    %ge3A_1207 = arith.cmpf oge, %get3A_1163, %get3A_1206 : vector<16xf32>
    %select_n3A_1208 = arith.select %ge3A_1207, %broadcast_in_dim3A_1167, %broadcast_in_dim3A_1169 : vector<16xi1>, vector<16xi32>
    %add3A_1209 = arith.addi %add3A_1204, %select_n3A_1208 : vector<16xi32>
    %get3A_1210 = arith.constant 128 : index
    %get3A_1211 = tpu.vector_load %arg14[%get3A_1210] {strides = array<i32>} : memref<160xf32, #tpu.memory_space<vmem>>, vector<16xf32>,
    %ge3A_1212 = arith.cmpf oge, %get3A_1163, %get3A_1211 : vector<16xf32>
    %select_n3A_1213 = arith.select %ge3A_1212, %broadcast_in_dim3A_1167, %broadcast_in_dim3A_1169 : vector<16xi1>, vector<16xi32>
    %add3A_1214 = arith.addi %add3A_1209, %select_n3A_1213 : vector<16xi32>
    %get3A_1215 = arith.constant 144 : index
    %get3A_1216 = tpu.vector_load %arg14[%get3A_1215] {strides = array<i32>} : memref<160xf32, #tpu.memory_space<vmem>>, vector<16xf32>,
    %ge3A_1217 = arith.cmpf oge, %get3A_1163, %get3A_1216 : vector<16xf32>
    %select_n3A_1218 = arith.select %ge3A_1217, %broadcast_in_dim3A_1167, %broadcast_in_dim3A_1169 : vector<16xi1>, vector<16xi32>
    %add3A_1219 = arith.addi %add3A_1214, %select_n3A_1218 : vector<16xi32>
    %swap3A_1220 = arith.constant 256 : index
    %swap3A_1221 = tpu.vector_load %arg12[%swap3A_1220] {strides = array<i32>} : memref<512xi32, #tpu.memory_space<vmem>>, vector<16xi32>,
    tpu.vector_store %arg12[%swap3A_1220], %add3A_1219 {strides = array<i32>} : memref<512xi32, #tpu.memory_space<vmem>>, vector<16xi32>,
    %broadcast_in_dim3A_1222 = arith.constant 256 : i32
    %broadcast_in_dim3A_1223 = vector.broadcast %broadcast_in_dim3A_1222 : i32 to vector<16xi32>
    %add3A_1224 = arith.addi %iota3A, %broadcast_in_dim3A_1223 : vector<16xi32>
    %sub3A_1225 = arith.subf %get3A_1163, %get3A_3 : vector<16xf32>
    %mul3A_1226 = arith.mulf %sub3A_1225, %get3A_5 : vector<16xf32>
    tpu.vector_store_idx %arg13[%add3A_1224, %broadcast_in_dim3A_6], %mul3A_1226 : memref<512x1xf32, #tpu.memory_space<vmem>>[vector<16xi32>, vector<16xi32>], vector<16xf32>,
    %get3A_1227 = arith.constant 272 : index
    %get3A_1228 = tpu.vector_load %arg9[%get3A_1227] {strides = array<i32>} : memref<512xi32, #tpu.memory_space<vmem>>, vector<16xi32>,
    %add3A_1229 = arith.constant 1 : i32
    %add3A_1230 = vector.broadcast %add3A_1229 : i32 to vector<16xi32>
    %add3A_1231 = arith.addi %get3A_1228, %add3A_1230 : vector<16xi32>
    %swap3A_1232 = arith.constant 272 : index
    %swap3A_1233 = tpu.vector_load %arg11[%swap3A_1232] {strides = array<i32>} : memref<512xi32, #tpu.memory_space<vmem>>, vector<16xi32>,
    tpu.vector_store %arg11[%swap3A_1232], %add3A_1231 {strides = array<i32>} : memref<512xi32, #tpu.memory_space<vmem>>, vector<16xi32>,
    %get3A_1234 = arith.constant 272 : index
    %get3A_1235 = tpu.vector_load %arg10[%get3A_1234] {strides = array<i32>} : memref<512xf32, #tpu.memory_space<vmem>>, vector<16xf32>,
    %broadcast_in_dim3A_1236 = arith.constant 0 : i32
    %broadcast_in_dim3A_1237 = vector.broadcast %broadcast_in_dim3A_1236 : i32 to vector<16xi32>
    %broadcast_in_dim3A_1238 = arith.constant 1 : i32
    %broadcast_in_dim3A_1239 = vector.broadcast %broadcast_in_dim3A_1238 : i32 to vector<16xi32>
    %broadcast_in_dim3A_1240 = arith.constant 0 : i32
    %broadcast_in_dim3A_1241 = vector.broadcast %broadcast_in_dim3A_1240 : i32 to vector<16xi32>
    %get3A_1242 = arith.constant 0 : index
    %get3A_1243 = tpu.vector_load %arg14[%get3A_1242] {strides = array<i32>} : memref<160xf32, #tpu.memory_space<vmem>>, vector<16xf32>,
    %ge3A_1244 = arith.cmpf oge, %get3A_1235, %get3A_1243 : vector<16xf32>
    %select_n3A_1245 = arith.select %ge3A_1244, %broadcast_in_dim3A_1239, %broadcast_in_dim3A_1241 : vector<16xi1>, vector<16xi32>
    %add3A_1246 = arith.addi %broadcast_in_dim3A_1237, %select_n3A_1245 : vector<16xi32>
    %get3A_1247 = arith.constant 16 : index
    %get3A_1248 = tpu.vector_load %arg14[%get3A_1247] {strides = array<i32>} : memref<160xf32, #tpu.memory_space<vmem>>, vector<16xf32>,
    %ge3A_1249 = arith.cmpf oge, %get3A_1235, %get3A_1248 : vector<16xf32>
    %select_n3A_1250 = arith.select %ge3A_1249, %broadcast_in_dim3A_1239, %broadcast_in_dim3A_1241 : vector<16xi1>, vector<16xi32>
    %add3A_1251 = arith.addi %add3A_1246, %select_n3A_1250 : vector<16xi32>
    %get3A_1252 = arith.constant 32 : index
    %get3A_1253 = tpu.vector_load %arg14[%get3A_1252] {strides = array<i32>} : memref<160xf32, #tpu.memory_space<vmem>>, vector<16xf32>,
    %ge3A_1254 = arith.cmpf oge, %get3A_1235, %get3A_1253 : vector<16xf32>
    %select_n3A_1255 = arith.select %ge3A_1254, %broadcast_in_dim3A_1239, %broadcast_in_dim3A_1241 : vector<16xi1>, vector<16xi32>
    %add3A_1256 = arith.addi %add3A_1251, %select_n3A_1255 : vector<16xi32>
    %get3A_1257 = arith.constant 48 : index
    %get3A_1258 = tpu.vector_load %arg14[%get3A_1257] {strides = array<i32>} : memref<160xf32, #tpu.memory_space<vmem>>, vector<16xf32>,
    %ge3A_1259 = arith.cmpf oge, %get3A_1235, %get3A_1258 : vector<16xf32>
    %select_n3A_1260 = arith.select %ge3A_1259, %broadcast_in_dim3A_1239, %broadcast_in_dim3A_1241 : vector<16xi1>, vector<16xi32>
    %add3A_1261 = arith.addi %add3A_1256, %select_n3A_1260 : vector<16xi32>
    %get3A_1262 = arith.constant 64 : index
    %get3A_1263 = tpu.vector_load %arg14[%get3A_1262] {strides = array<i32>} : memref<160xf32, #tpu.memory_space<vmem>>, vector<16xf32>,
    %ge3A_1264 = arith.cmpf oge, %get3A_1235, %get3A_1263 : vector<16xf32>
    %select_n3A_1265 = arith.select %ge3A_1264, %broadcast_in_dim3A_1239, %broadcast_in_dim3A_1241 : vector<16xi1>, vector<16xi32>
    %add3A_1266 = arith.addi %add3A_1261, %select_n3A_1265 : vector<16xi32>
    %get3A_1267 = arith.constant 80 : index
    %get3A_1268 = tpu.vector_load %arg14[%get3A_1267] {strides = array<i32>} : memref<160xf32, #tpu.memory_space<vmem>>, vector<16xf32>,
    %ge3A_1269 = arith.cmpf oge, %get3A_1235, %get3A_1268 : vector<16xf32>
    %select_n3A_1270 = arith.select %ge3A_1269, %broadcast_in_dim3A_1239, %broadcast_in_dim3A_1241 : vector<16xi1>, vector<16xi32>
    %add3A_1271 = arith.addi %add3A_1266, %select_n3A_1270 : vector<16xi32>
    %get3A_1272 = arith.constant 96 : index
    %get3A_1273 = tpu.vector_load %arg14[%get3A_1272] {strides = array<i32>} : memref<160xf32, #tpu.memory_space<vmem>>, vector<16xf32>,
    %ge3A_1274 = arith.cmpf oge, %get3A_1235, %get3A_1273 : vector<16xf32>
    %select_n3A_1275 = arith.select %ge3A_1274, %broadcast_in_dim3A_1239, %broadcast_in_dim3A_1241 : vector<16xi1>, vector<16xi32>
    %add3A_1276 = arith.addi %add3A_1271, %select_n3A_1275 : vector<16xi32>
    %get3A_1277 = arith.constant 112 : index
    %get3A_1278 = tpu.vector_load %arg14[%get3A_1277] {strides = array<i32>} : memref<160xf32, #tpu.memory_space<vmem>>, vector<16xf32>,
    %ge3A_1279 = arith.cmpf oge, %get3A_1235, %get3A_1278 : vector<16xf32>
    %select_n3A_1280 = arith.select %ge3A_1279, %broadcast_in_dim3A_1239, %broadcast_in_dim3A_1241 : vector<16xi1>, vector<16xi32>
    %add3A_1281 = arith.addi %add3A_1276, %select_n3A_1280 : vector<16xi32>
    %get3A_1282 = arith.constant 128 : index
    %get3A_1283 = tpu.vector_load %arg14[%get3A_1282] {strides = array<i32>} : memref<160xf32, #tpu.memory_space<vmem>>, vector<16xf32>,
    %ge3A_1284 = arith.cmpf oge, %get3A_1235, %get3A_1283 : vector<16xf32>
    %select_n3A_1285 = arith.select %ge3A_1284, %broadcast_in_dim3A_1239, %broadcast_in_dim3A_1241 : vector<16xi1>, vector<16xi32>
    %add3A_1286 = arith.addi %add3A_1281, %select_n3A_1285 : vector<16xi32>
    %get3A_1287 = arith.constant 144 : index
    %get3A_1288 = tpu.vector_load %arg14[%get3A_1287] {strides = array<i32>} : memref<160xf32, #tpu.memory_space<vmem>>, vector<16xf32>,
    %ge3A_1289 = arith.cmpf oge, %get3A_1235, %get3A_1288 : vector<16xf32>
    %select_n3A_1290 = arith.select %ge3A_1289, %broadcast_in_dim3A_1239, %broadcast_in_dim3A_1241 : vector<16xi1>, vector<16xi32>
    %add3A_1291 = arith.addi %add3A_1286, %select_n3A_1290 : vector<16xi32>
    %swap3A_1292 = arith.constant 272 : index
    %swap3A_1293 = tpu.vector_load %arg12[%swap3A_1292] {strides = array<i32>} : memref<512xi32, #tpu.memory_space<vmem>>, vector<16xi32>,
    tpu.vector_store %arg12[%swap3A_1292], %add3A_1291 {strides = array<i32>} : memref<512xi32, #tpu.memory_space<vmem>>, vector<16xi32>,
    %broadcast_in_dim3A_1294 = arith.constant 272 : i32
    %broadcast_in_dim3A_1295 = vector.broadcast %broadcast_in_dim3A_1294 : i32 to vector<16xi32>
    %add3A_1296 = arith.addi %iota3A, %broadcast_in_dim3A_1295 : vector<16xi32>
    %sub3A_1297 = arith.subf %get3A_1235, %get3A_3 : vector<16xf32>
    %mul3A_1298 = arith.mulf %sub3A_1297, %get3A_5 : vector<16xf32>
    tpu.vector_store_idx %arg13[%add3A_1296, %broadcast_in_dim3A_6], %mul3A_1298 : memref<512x1xf32, #tpu.memory_space<vmem>>[vector<16xi32>, vector<16xi32>], vector<16xf32>,
    %get3A_1299 = arith.constant 288 : index
    %get3A_1300 = tpu.vector_load %arg9[%get3A_1299] {strides = array<i32>} : memref<512xi32, #tpu.memory_space<vmem>>, vector<16xi32>,
    %add3A_1301 = arith.constant 1 : i32
    %add3A_1302 = vector.broadcast %add3A_1301 : i32 to vector<16xi32>
    %add3A_1303 = arith.addi %get3A_1300, %add3A_1302 : vector<16xi32>
    %swap3A_1304 = arith.constant 288 : index
    %swap3A_1305 = tpu.vector_load %arg11[%swap3A_1304] {strides = array<i32>} : memref<512xi32, #tpu.memory_space<vmem>>, vector<16xi32>,
    tpu.vector_store %arg11[%swap3A_1304], %add3A_1303 {strides = array<i32>} : memref<512xi32, #tpu.memory_space<vmem>>, vector<16xi32>,
    %get3A_1306 = arith.constant 288 : index
    %get3A_1307 = tpu.vector_load %arg10[%get3A_1306] {strides = array<i32>} : memref<512xf32, #tpu.memory_space<vmem>>, vector<16xf32>,
    %broadcast_in_dim3A_1308 = arith.constant 0 : i32
    %broadcast_in_dim3A_1309 = vector.broadcast %broadcast_in_dim3A_1308 : i32 to vector<16xi32>
    %broadcast_in_dim3A_1310 = arith.constant 1 : i32
    %broadcast_in_dim3A_1311 = vector.broadcast %broadcast_in_dim3A_1310 : i32 to vector<16xi32>
    %broadcast_in_dim3A_1312 = arith.constant 0 : i32
    %broadcast_in_dim3A_1313 = vector.broadcast %broadcast_in_dim3A_1312 : i32 to vector<16xi32>
    %get3A_1314 = arith.constant 0 : index
    %get3A_1315 = tpu.vector_load %arg14[%get3A_1314] {strides = array<i32>} : memref<160xf32, #tpu.memory_space<vmem>>, vector<16xf32>,
    %ge3A_1316 = arith.cmpf oge, %get3A_1307, %get3A_1315 : vector<16xf32>
    %select_n3A_1317 = arith.select %ge3A_1316, %broadcast_in_dim3A_1311, %broadcast_in_dim3A_1313 : vector<16xi1>, vector<16xi32>
    %add3A_1318 = arith.addi %broadcast_in_dim3A_1309, %select_n3A_1317 : vector<16xi32>
    %get3A_1319 = arith.constant 16 : index
    %get3A_1320 = tpu.vector_load %arg14[%get3A_1319] {strides = array<i32>} : memref<160xf32, #tpu.memory_space<vmem>>, vector<16xf32>,
    %ge3A_1321 = arith.cmpf oge, %get3A_1307, %get3A_1320 : vector<16xf32>
    %select_n3A_1322 = arith.select %ge3A_1321, %broadcast_in_dim3A_1311, %broadcast_in_dim3A_1313 : vector<16xi1>, vector<16xi32>
    %add3A_1323 = arith.addi %add3A_1318, %select_n3A_1322 : vector<16xi32>
    %get3A_1324 = arith.constant 32 : index
    %get3A_1325 = tpu.vector_load %arg14[%get3A_1324] {strides = array<i32>} : memref<160xf32, #tpu.memory_space<vmem>>, vector<16xf32>,
    %ge3A_1326 = arith.cmpf oge, %get3A_1307, %get3A_1325 : vector<16xf32>
    %select_n3A_1327 = arith.select %ge3A_1326, %broadcast_in_dim3A_1311, %broadcast_in_dim3A_1313 : vector<16xi1>, vector<16xi32>
    %add3A_1328 = arith.addi %add3A_1323, %select_n3A_1327 : vector<16xi32>
    %get3A_1329 = arith.constant 48 : index
    %get3A_1330 = tpu.vector_load %arg14[%get3A_1329] {strides = array<i32>} : memref<160xf32, #tpu.memory_space<vmem>>, vector<16xf32>,
    %ge3A_1331 = arith.cmpf oge, %get3A_1307, %get3A_1330 : vector<16xf32>
    %select_n3A_1332 = arith.select %ge3A_1331, %broadcast_in_dim3A_1311, %broadcast_in_dim3A_1313 : vector<16xi1>, vector<16xi32>
    %add3A_1333 = arith.addi %add3A_1328, %select_n3A_1332 : vector<16xi32>
    %get3A_1334 = arith.constant 64 : index
    %get3A_1335 = tpu.vector_load %arg14[%get3A_1334] {strides = array<i32>} : memref<160xf32, #tpu.memory_space<vmem>>, vector<16xf32>,
    %ge3A_1336 = arith.cmpf oge, %get3A_1307, %get3A_1335 : vector<16xf32>
    %select_n3A_1337 = arith.select %ge3A_1336, %broadcast_in_dim3A_1311, %broadcast_in_dim3A_1313 : vector<16xi1>, vector<16xi32>
    %add3A_1338 = arith.addi %add3A_1333, %select_n3A_1337 : vector<16xi32>
    %get3A_1339 = arith.constant 80 : index
    %get3A_1340 = tpu.vector_load %arg14[%get3A_1339] {strides = array<i32>} : memref<160xf32, #tpu.memory_space<vmem>>, vector<16xf32>,
    %ge3A_1341 = arith.cmpf oge, %get3A_1307, %get3A_1340 : vector<16xf32>
    %select_n3A_1342 = arith.select %ge3A_1341, %broadcast_in_dim3A_1311, %broadcast_in_dim3A_1313 : vector<16xi1>, vector<16xi32>
    %add3A_1343 = arith.addi %add3A_1338, %select_n3A_1342 : vector<16xi32>
    %get3A_1344 = arith.constant 96 : index
    %get3A_1345 = tpu.vector_load %arg14[%get3A_1344] {strides = array<i32>} : memref<160xf32, #tpu.memory_space<vmem>>, vector<16xf32>,
    %ge3A_1346 = arith.cmpf oge, %get3A_1307, %get3A_1345 : vector<16xf32>
    %select_n3A_1347 = arith.select %ge3A_1346, %broadcast_in_dim3A_1311, %broadcast_in_dim3A_1313 : vector<16xi1>, vector<16xi32>
    %add3A_1348 = arith.addi %add3A_1343, %select_n3A_1347 : vector<16xi32>
    %get3A_1349 = arith.constant 112 : index
    %get3A_1350 = tpu.vector_load %arg14[%get3A_1349] {strides = array<i32>} : memref<160xf32, #tpu.memory_space<vmem>>, vector<16xf32>,
    %ge3A_1351 = arith.cmpf oge, %get3A_1307, %get3A_1350 : vector<16xf32>
    %select_n3A_1352 = arith.select %ge3A_1351, %broadcast_in_dim3A_1311, %broadcast_in_dim3A_1313 : vector<16xi1>, vector<16xi32>
    %add3A_1353 = arith.addi %add3A_1348, %select_n3A_1352 : vector<16xi32>
    %get3A_1354 = arith.constant 128 : index
    %get3A_1355 = tpu.vector_load %arg14[%get3A_1354] {strides = array<i32>} : memref<160xf32, #tpu.memory_space<vmem>>, vector<16xf32>,
    %ge3A_1356 = arith.cmpf oge, %get3A_1307, %get3A_1355 : vector<16xf32>
    %select_n3A_1357 = arith.select %ge3A_1356, %broadcast_in_dim3A_1311, %broadcast_in_dim3A_1313 : vector<16xi1>, vector<16xi32>
    %add3A_1358 = arith.addi %add3A_1353, %select_n3A_1357 : vector<16xi32>
    %get3A_1359 = arith.constant 144 : index
    %get3A_1360 = tpu.vector_load %arg14[%get3A_1359] {strides = array<i32>} : memref<160xf32, #tpu.memory_space<vmem>>, vector<16xf32>,
    %ge3A_1361 = arith.cmpf oge, %get3A_1307, %get3A_1360 : vector<16xf32>
    %select_n3A_1362 = arith.select %ge3A_1361, %broadcast_in_dim3A_1311, %broadcast_in_dim3A_1313 : vector<16xi1>, vector<16xi32>
    %add3A_1363 = arith.addi %add3A_1358, %select_n3A_1362 : vector<16xi32>
    %swap3A_1364 = arith.constant 288 : index
    %swap3A_1365 = tpu.vector_load %arg12[%swap3A_1364] {strides = array<i32>} : memref<512xi32, #tpu.memory_space<vmem>>, vector<16xi32>,
    tpu.vector_store %arg12[%swap3A_1364], %add3A_1363 {strides = array<i32>} : memref<512xi32, #tpu.memory_space<vmem>>, vector<16xi32>,
    %broadcast_in_dim3A_1366 = arith.constant 288 : i32
    %broadcast_in_dim3A_1367 = vector.broadcast %broadcast_in_dim3A_1366 : i32 to vector<16xi32>
    %add3A_1368 = arith.addi %iota3A, %broadcast_in_dim3A_1367 : vector<16xi32>
    %sub3A_1369 = arith.subf %get3A_1307, %get3A_3 : vector<16xf32>
    %mul3A_1370 = arith.mulf %sub3A_1369, %get3A_5 : vector<16xf32>
    tpu.vector_store_idx %arg13[%add3A_1368, %broadcast_in_dim3A_6], %mul3A_1370 : memref<512x1xf32, #tpu.memory_space<vmem>>[vector<16xi32>, vector<16xi32>], vector<16xf32>,
    %get3A_1371 = arith.constant 304 : index
    %get3A_1372 = tpu.vector_load %arg9[%get3A_1371] {strides = array<i32>} : memref<512xi32, #tpu.memory_space<vmem>>, vector<16xi32>,
    %add3A_1373 = arith.constant 1 : i32
    %add3A_1374 = vector.broadcast %add3A_1373 : i32 to vector<16xi32>
    %add3A_1375 = arith.addi %get3A_1372, %add3A_1374 : vector<16xi32>
    %swap3A_1376 = arith.constant 304 : index
    %swap3A_1377 = tpu.vector_load %arg11[%swap3A_1376] {strides = array<i32>} : memref<512xi32, #tpu.memory_space<vmem>>, vector<16xi32>,
    tpu.vector_store %arg11[%swap3A_1376], %add3A_1375 {strides = array<i32>} : memref<512xi32, #tpu.memory_space<vmem>>, vector<16xi32>,
    %get3A_1378 = arith.constant 304 : index
    %get3A_1379 = tpu.vector_load %arg10[%get3A_1378] {strides = array<i32>} : memref<512xf32, #tpu.memory_space<vmem>>, vector<16xf32>,
    %broadcast_in_dim3A_1380 = arith.constant 0 : i32
    %broadcast_in_dim3A_1381 = vector.broadcast %broadcast_in_dim3A_1380 : i32 to vector<16xi32>
    %broadcast_in_dim3A_1382 = arith.constant 1 : i32
    %broadcast_in_dim3A_1383 = vector.broadcast %broadcast_in_dim3A_1382 : i32 to vector<16xi32>
    %broadcast_in_dim3A_1384 = arith.constant 0 : i32
    %broadcast_in_dim3A_1385 = vector.broadcast %broadcast_in_dim3A_1384 : i32 to vector<16xi32>
    %get3A_1386 = arith.constant 0 : index
    %get3A_1387 = tpu.vector_load %arg14[%get3A_1386] {strides = array<i32>} : memref<160xf32, #tpu.memory_space<vmem>>, vector<16xf32>,
    %ge3A_1388 = arith.cmpf oge, %get3A_1379, %get3A_1387 : vector<16xf32>
    %select_n3A_1389 = arith.select %ge3A_1388, %broadcast_in_dim3A_1383, %broadcast_in_dim3A_1385 : vector<16xi1>, vector<16xi32>
    %add3A_1390 = arith.addi %broadcast_in_dim3A_1381, %select_n3A_1389 : vector<16xi32>
    %get3A_1391 = arith.constant 16 : index
    %get3A_1392 = tpu.vector_load %arg14[%get3A_1391] {strides = array<i32>} : memref<160xf32, #tpu.memory_space<vmem>>, vector<16xf32>,
    %ge3A_1393 = arith.cmpf oge, %get3A_1379, %get3A_1392 : vector<16xf32>
    %select_n3A_1394 = arith.select %ge3A_1393, %broadcast_in_dim3A_1383, %broadcast_in_dim3A_1385 : vector<16xi1>, vector<16xi32>
    %add3A_1395 = arith.addi %add3A_1390, %select_n3A_1394 : vector<16xi32>
    %get3A_1396 = arith.constant 32 : index
    %get3A_1397 = tpu.vector_load %arg14[%get3A_1396] {strides = array<i32>} : memref<160xf32, #tpu.memory_space<vmem>>, vector<16xf32>,
    %ge3A_1398 = arith.cmpf oge, %get3A_1379, %get3A_1397 : vector<16xf32>
    %select_n3A_1399 = arith.select %ge3A_1398, %broadcast_in_dim3A_1383, %broadcast_in_dim3A_1385 : vector<16xi1>, vector<16xi32>
    %add3A_1400 = arith.addi %add3A_1395, %select_n3A_1399 : vector<16xi32>
    %get3A_1401 = arith.constant 48 : index
    %get3A_1402 = tpu.vector_load %arg14[%get3A_1401] {strides = array<i32>} : memref<160xf32, #tpu.memory_space<vmem>>, vector<16xf32>,
    %ge3A_1403 = arith.cmpf oge, %get3A_1379, %get3A_1402 : vector<16xf32>
    %select_n3A_1404 = arith.select %ge3A_1403, %broadcast_in_dim3A_1383, %broadcast_in_dim3A_1385 : vector<16xi1>, vector<16xi32>
    %add3A_1405 = arith.addi %add3A_1400, %select_n3A_1404 : vector<16xi32>
    %get3A_1406 = arith.constant 64 : index
    %get3A_1407 = tpu.vector_load %arg14[%get3A_1406] {strides = array<i32>} : memref<160xf32, #tpu.memory_space<vmem>>, vector<16xf32>,
    %ge3A_1408 = arith.cmpf oge, %get3A_1379, %get3A_1407 : vector<16xf32>
    %select_n3A_1409 = arith.select %ge3A_1408, %broadcast_in_dim3A_1383, %broadcast_in_dim3A_1385 : vector<16xi1>, vector<16xi32>
    %add3A_1410 = arith.addi %add3A_1405, %select_n3A_1409 : vector<16xi32>
    %get3A_1411 = arith.constant 80 : index
    %get3A_1412 = tpu.vector_load %arg14[%get3A_1411] {strides = array<i32>} : memref<160xf32, #tpu.memory_space<vmem>>, vector<16xf32>,
    %ge3A_1413 = arith.cmpf oge, %get3A_1379, %get3A_1412 : vector<16xf32>
    %select_n3A_1414 = arith.select %ge3A_1413, %broadcast_in_dim3A_1383, %broadcast_in_dim3A_1385 : vector<16xi1>, vector<16xi32>
    %add3A_1415 = arith.addi %add3A_1410, %select_n3A_1414 : vector<16xi32>
    %get3A_1416 = arith.constant 96 : index
    %get3A_1417 = tpu.vector_load %arg14[%get3A_1416] {strides = array<i32>} : memref<160xf32, #tpu.memory_space<vmem>>, vector<16xf32>,
    %ge3A_1418 = arith.cmpf oge, %get3A_1379, %get3A_1417 : vector<16xf32>
    %select_n3A_1419 = arith.select %ge3A_1418, %broadcast_in_dim3A_1383, %broadcast_in_dim3A_1385 : vector<16xi1>, vector<16xi32>
    %add3A_1420 = arith.addi %add3A_1415, %select_n3A_1419 : vector<16xi32>
    %get3A_1421 = arith.constant 112 : index
    %get3A_1422 = tpu.vector_load %arg14[%get3A_1421] {strides = array<i32>} : memref<160xf32, #tpu.memory_space<vmem>>, vector<16xf32>,
    %ge3A_1423 = arith.cmpf oge, %get3A_1379, %get3A_1422 : vector<16xf32>
    %select_n3A_1424 = arith.select %ge3A_1423, %broadcast_in_dim3A_1383, %broadcast_in_dim3A_1385 : vector<16xi1>, vector<16xi32>
    %add3A_1425 = arith.addi %add3A_1420, %select_n3A_1424 : vector<16xi32>
    %get3A_1426 = arith.constant 128 : index
    %get3A_1427 = tpu.vector_load %arg14[%get3A_1426] {strides = array<i32>} : memref<160xf32, #tpu.memory_space<vmem>>, vector<16xf32>,
    %ge3A_1428 = arith.cmpf oge, %get3A_1379, %get3A_1427 : vector<16xf32>
    %select_n3A_1429 = arith.select %ge3A_1428, %broadcast_in_dim3A_1383, %broadcast_in_dim3A_1385 : vector<16xi1>, vector<16xi32>
    %add3A_1430 = arith.addi %add3A_1425, %select_n3A_1429 : vector<16xi32>
    %get3A_1431 = arith.constant 144 : index
    %get3A_1432 = tpu.vector_load %arg14[%get3A_1431] {strides = array<i32>} : memref<160xf32, #tpu.memory_space<vmem>>, vector<16xf32>,
    %ge3A_1433 = arith.cmpf oge, %get3A_1379, %get3A_1432 : vector<16xf32>
    %select_n3A_1434 = arith.select %ge3A_1433, %broadcast_in_dim3A_1383, %broadcast_in_dim3A_1385 : vector<16xi1>, vector<16xi32>
    %add3A_1435 = arith.addi %add3A_1430, %select_n3A_1434 : vector<16xi32>
    %swap3A_1436 = arith.constant 304 : index
    %swap3A_1437 = tpu.vector_load %arg12[%swap3A_1436] {strides = array<i32>} : memref<512xi32, #tpu.memory_space<vmem>>, vector<16xi32>,
    tpu.vector_store %arg12[%swap3A_1436], %add3A_1435 {strides = array<i32>} : memref<512xi32, #tpu.memory_space<vmem>>, vector<16xi32>,
    %broadcast_in_dim3A_1438 = arith.constant 304 : i32
    %broadcast_in_dim3A_1439 = vector.broadcast %broadcast_in_dim3A_1438 : i32 to vector<16xi32>
    %add3A_1440 = arith.addi %iota3A, %broadcast_in_dim3A_1439 : vector<16xi32>
    %sub3A_1441 = arith.subf %get3A_1379, %get3A_3 : vector<16xf32>
    %mul3A_1442 = arith.mulf %sub3A_1441, %get3A_5 : vector<16xf32>
    tpu.vector_store_idx %arg13[%add3A_1440, %broadcast_in_dim3A_6], %mul3A_1442 : memref<512x1xf32, #tpu.memory_space<vmem>>[vector<16xi32>, vector<16xi32>], vector<16xf32>,
    %get3A_1443 = arith.constant 320 : index
    %get3A_1444 = tpu.vector_load %arg9[%get3A_1443] {strides = array<i32>} : memref<512xi32, #tpu.memory_space<vmem>>, vector<16xi32>,
    %add3A_1445 = arith.constant 1 : i32
    %add3A_1446 = vector.broadcast %add3A_1445 : i32 to vector<16xi32>
    %add3A_1447 = arith.addi %get3A_1444, %add3A_1446 : vector<16xi32>
    %swap3A_1448 = arith.constant 320 : index
    %swap3A_1449 = tpu.vector_load %arg11[%swap3A_1448] {strides = array<i32>} : memref<512xi32, #tpu.memory_space<vmem>>, vector<16xi32>,
    tpu.vector_store %arg11[%swap3A_1448], %add3A_1447 {strides = array<i32>} : memref<512xi32, #tpu.memory_space<vmem>>, vector<16xi32>,
    %get3A_1450 = arith.constant 320 : index
    %get3A_1451 = tpu.vector_load %arg10[%get3A_1450] {strides = array<i32>} : memref<512xf32, #tpu.memory_space<vmem>>, vector<16xf32>,
    %broadcast_in_dim3A_1452 = arith.constant 0 : i32
    %broadcast_in_dim3A_1453 = vector.broadcast %broadcast_in_dim3A_1452 : i32 to vector<16xi32>
    %broadcast_in_dim3A_1454 = arith.constant 1 : i32
    %broadcast_in_dim3A_1455 = vector.broadcast %broadcast_in_dim3A_1454 : i32 to vector<16xi32>
    %broadcast_in_dim3A_1456 = arith.constant 0 : i32
    %broadcast_in_dim3A_1457 = vector.broadcast %broadcast_in_dim3A_1456 : i32 to vector<16xi32>
    %get3A_1458 = arith.constant 0 : index
    %get3A_1459 = tpu.vector_load %arg14[%get3A_1458] {strides = array<i32>} : memref<160xf32, #tpu.memory_space<vmem>>, vector<16xf32>,
    %ge3A_1460 = arith.cmpf oge, %get3A_1451, %get3A_1459 : vector<16xf32>
    %select_n3A_1461 = arith.select %ge3A_1460, %broadcast_in_dim3A_1455, %broadcast_in_dim3A_1457 : vector<16xi1>, vector<16xi32>
    %add3A_1462 = arith.addi %broadcast_in_dim3A_1453, %select_n3A_1461 : vector<16xi32>
    %get3A_1463 = arith.constant 16 : index
    %get3A_1464 = tpu.vector_load %arg14[%get3A_1463] {strides = array<i32>} : memref<160xf32, #tpu.memory_space<vmem>>, vector<16xf32>,
    %ge3A_1465 = arith.cmpf oge, %get3A_1451, %get3A_1464 : vector<16xf32>
    %select_n3A_1466 = arith.select %ge3A_1465, %broadcast_in_dim3A_1455, %broadcast_in_dim3A_1457 : vector<16xi1>, vector<16xi32>
    %add3A_1467 = arith.addi %add3A_1462, %select_n3A_1466 : vector<16xi32>
    %get3A_1468 = arith.constant 32 : index
    %get3A_1469 = tpu.vector_load %arg14[%get3A_1468] {strides = array<i32>} : memref<160xf32, #tpu.memory_space<vmem>>, vector<16xf32>,
    %ge3A_1470 = arith.cmpf oge, %get3A_1451, %get3A_1469 : vector<16xf32>
    %select_n3A_1471 = arith.select %ge3A_1470, %broadcast_in_dim3A_1455, %broadcast_in_dim3A_1457 : vector<16xi1>, vector<16xi32>
    %add3A_1472 = arith.addi %add3A_1467, %select_n3A_1471 : vector<16xi32>
    %get3A_1473 = arith.constant 48 : index
    %get3A_1474 = tpu.vector_load %arg14[%get3A_1473] {strides = array<i32>} : memref<160xf32, #tpu.memory_space<vmem>>, vector<16xf32>,
    %ge3A_1475 = arith.cmpf oge, %get3A_1451, %get3A_1474 : vector<16xf32>
    %select_n3A_1476 = arith.select %ge3A_1475, %broadcast_in_dim3A_1455, %broadcast_in_dim3A_1457 : vector<16xi1>, vector<16xi32>
    %add3A_1477 = arith.addi %add3A_1472, %select_n3A_1476 : vector<16xi32>
    %get3A_1478 = arith.constant 64 : index
    %get3A_1479 = tpu.vector_load %arg14[%get3A_1478] {strides = array<i32>} : memref<160xf32, #tpu.memory_space<vmem>>, vector<16xf32>,
    %ge3A_1480 = arith.cmpf oge, %get3A_1451, %get3A_1479 : vector<16xf32>
    %select_n3A_1481 = arith.select %ge3A_1480, %broadcast_in_dim3A_1455, %broadcast_in_dim3A_1457 : vector<16xi1>, vector<16xi32>
    %add3A_1482 = arith.addi %add3A_1477, %select_n3A_1481 : vector<16xi32>
    %get3A_1483 = arith.constant 80 : index
    %get3A_1484 = tpu.vector_load %arg14[%get3A_1483] {strides = array<i32>} : memref<160xf32, #tpu.memory_space<vmem>>, vector<16xf32>,
    %ge3A_1485 = arith.cmpf oge, %get3A_1451, %get3A_1484 : vector<16xf32>
    %select_n3A_1486 = arith.select %ge3A_1485, %broadcast_in_dim3A_1455, %broadcast_in_dim3A_1457 : vector<16xi1>, vector<16xi32>
    %add3A_1487 = arith.addi %add3A_1482, %select_n3A_1486 : vector<16xi32>
    %get3A_1488 = arith.constant 96 : index
    %get3A_1489 = tpu.vector_load %arg14[%get3A_1488] {strides = array<i32>} : memref<160xf32, #tpu.memory_space<vmem>>, vector<16xf32>,
    %ge3A_1490 = arith.cmpf oge, %get3A_1451, %get3A_1489 : vector<16xf32>
    %select_n3A_1491 = arith.select %ge3A_1490, %broadcast_in_dim3A_1455, %broadcast_in_dim3A_1457 : vector<16xi1>, vector<16xi32>
    %add3A_1492 = arith.addi %add3A_1487, %select_n3A_1491 : vector<16xi32>
    %get3A_1493 = arith.constant 112 : index
    %get3A_1494 = tpu.vector_load %arg14[%get3A_1493] {strides = array<i32>} : memref<160xf32, #tpu.memory_space<vmem>>, vector<16xf32>,
    %ge3A_1495 = arith.cmpf oge, %get3A_1451, %get3A_1494 : vector<16xf32>
    %select_n3A_1496 = arith.select %ge3A_1495, %broadcast_in_dim3A_1455, %broadcast_in_dim3A_1457 : vector<16xi1>, vector<16xi32>
    %add3A_1497 = arith.addi %add3A_1492, %select_n3A_1496 : vector<16xi32>
    %get3A_1498 = arith.constant 128 : index
    %get3A_1499 = tpu.vector_load %arg14[%get3A_1498] {strides = array<i32>} : memref<160xf32, #tpu.memory_space<vmem>>, vector<16xf32>,
    %ge3A_1500 = arith.cmpf oge, %get3A_1451, %get3A_1499 : vector<16xf32>
    %select_n3A_1501 = arith.select %ge3A_1500, %broadcast_in_dim3A_1455, %broadcast_in_dim3A_1457 : vector<16xi1>, vector<16xi32>
    %add3A_1502 = arith.addi %add3A_1497, %select_n3A_1501 : vector<16xi32>
    %get3A_1503 = arith.constant 144 : index
    %get3A_1504 = tpu.vector_load %arg14[%get3A_1503] {strides = array<i32>} : memref<160xf32, #tpu.memory_space<vmem>>, vector<16xf32>,
    %ge3A_1505 = arith.cmpf oge, %get3A_1451, %get3A_1504 : vector<16xf32>
    %select_n3A_1506 = arith.select %ge3A_1505, %broadcast_in_dim3A_1455, %broadcast_in_dim3A_1457 : vector<16xi1>, vector<16xi32>
    %add3A_1507 = arith.addi %add3A_1502, %select_n3A_1506 : vector<16xi32>
    %swap3A_1508 = arith.constant 320 : index
    %swap3A_1509 = tpu.vector_load %arg12[%swap3A_1508] {strides = array<i32>} : memref<512xi32, #tpu.memory_space<vmem>>, vector<16xi32>,
    tpu.vector_store %arg12[%swap3A_1508], %add3A_1507 {strides = array<i32>} : memref<512xi32, #tpu.memory_space<vmem>>, vector<16xi32>,
    %broadcast_in_dim3A_1510 = arith.constant 320 : i32
    %broadcast_in_dim3A_1511 = vector.broadcast %broadcast_in_dim3A_1510 : i32 to vector<16xi32>
    %add3A_1512 = arith.addi %iota3A, %broadcast_in_dim3A_1511 : vector<16xi32>
    %sub3A_1513 = arith.subf %get3A_1451, %get3A_3 : vector<16xf32>
    %mul3A_1514 = arith.mulf %sub3A_1513, %get3A_5 : vector<16xf32>
    tpu.vector_store_idx %arg13[%add3A_1512, %broadcast_in_dim3A_6], %mul3A_1514 : memref<512x1xf32, #tpu.memory_space<vmem>>[vector<16xi32>, vector<16xi32>], vector<16xf32>,
    %get3A_1515 = arith.constant 336 : index
    %get3A_1516 = tpu.vector_load %arg9[%get3A_1515] {strides = array<i32>} : memref<512xi32, #tpu.memory_space<vmem>>, vector<16xi32>,
    %add3A_1517 = arith.constant 1 : i32
    %add3A_1518 = vector.broadcast %add3A_1517 : i32 to vector<16xi32>
    %add3A_1519 = arith.addi %get3A_1516, %add3A_1518 : vector<16xi32>
    %swap3A_1520 = arith.constant 336 : index
    %swap3A_1521 = tpu.vector_load %arg11[%swap3A_1520] {strides = array<i32>} : memref<512xi32, #tpu.memory_space<vmem>>, vector<16xi32>,
    tpu.vector_store %arg11[%swap3A_1520], %add3A_1519 {strides = array<i32>} : memref<512xi32, #tpu.memory_space<vmem>>, vector<16xi32>,
    %get3A_1522 = arith.constant 336 : index
    %get3A_1523 = tpu.vector_load %arg10[%get3A_1522] {strides = array<i32>} : memref<512xf32, #tpu.memory_space<vmem>>, vector<16xf32>,
    %broadcast_in_dim3A_1524 = arith.constant 0 : i32
    %broadcast_in_dim3A_1525 = vector.broadcast %broadcast_in_dim3A_1524 : i32 to vector<16xi32>
    %broadcast_in_dim3A_1526 = arith.constant 1 : i32
    %broadcast_in_dim3A_1527 = vector.broadcast %broadcast_in_dim3A_1526 : i32 to vector<16xi32>
    %broadcast_in_dim3A_1528 = arith.constant 0 : i32
    %broadcast_in_dim3A_1529 = vector.broadcast %broadcast_in_dim3A_1528 : i32 to vector<16xi32>
    %get3A_1530 = arith.constant 0 : index
    %get3A_1531 = tpu.vector_load %arg14[%get3A_1530] {strides = array<i32>} : memref<160xf32, #tpu.memory_space<vmem>>, vector<16xf32>,
    %ge3A_1532 = arith.cmpf oge, %get3A_1523, %get3A_1531 : vector<16xf32>
    %select_n3A_1533 = arith.select %ge3A_1532, %broadcast_in_dim3A_1527, %broadcast_in_dim3A_1529 : vector<16xi1>, vector<16xi32>
    %add3A_1534 = arith.addi %broadcast_in_dim3A_1525, %select_n3A_1533 : vector<16xi32>
    %get3A_1535 = arith.constant 16 : index
    %get3A_1536 = tpu.vector_load %arg14[%get3A_1535] {strides = array<i32>} : memref<160xf32, #tpu.memory_space<vmem>>, vector<16xf32>,
    %ge3A_1537 = arith.cmpf oge, %get3A_1523, %get3A_1536 : vector<16xf32>
    %select_n3A_1538 = arith.select %ge3A_1537, %broadcast_in_dim3A_1527, %broadcast_in_dim3A_1529 : vector<16xi1>, vector<16xi32>
    %add3A_1539 = arith.addi %add3A_1534, %select_n3A_1538 : vector<16xi32>
    %get3A_1540 = arith.constant 32 : index
    %get3A_1541 = tpu.vector_load %arg14[%get3A_1540] {strides = array<i32>} : memref<160xf32, #tpu.memory_space<vmem>>, vector<16xf32>,
    %ge3A_1542 = arith.cmpf oge, %get3A_1523, %get3A_1541 : vector<16xf32>
    %select_n3A_1543 = arith.select %ge3A_1542, %broadcast_in_dim3A_1527, %broadcast_in_dim3A_1529 : vector<16xi1>, vector<16xi32>
    %add3A_1544 = arith.addi %add3A_1539, %select_n3A_1543 : vector<16xi32>
    %get3A_1545 = arith.constant 48 : index
    %get3A_1546 = tpu.vector_load %arg14[%get3A_1545] {strides = array<i32>} : memref<160xf32, #tpu.memory_space<vmem>>, vector<16xf32>,
    %ge3A_1547 = arith.cmpf oge, %get3A_1523, %get3A_1546 : vector<16xf32>
    %select_n3A_1548 = arith.select %ge3A_1547, %broadcast_in_dim3A_1527, %broadcast_in_dim3A_1529 : vector<16xi1>, vector<16xi32>
    %add3A_1549 = arith.addi %add3A_1544, %select_n3A_1548 : vector<16xi32>
    %get3A_1550 = arith.constant 64 : index
    %get3A_1551 = tpu.vector_load %arg14[%get3A_1550] {strides = array<i32>} : memref<160xf32, #tpu.memory_space<vmem>>, vector<16xf32>,
    %ge3A_1552 = arith.cmpf oge, %get3A_1523, %get3A_1551 : vector<16xf32>
    %select_n3A_1553 = arith.select %ge3A_1552, %broadcast_in_dim3A_1527, %broadcast_in_dim3A_1529 : vector<16xi1>, vector<16xi32>
    %add3A_1554 = arith.addi %add3A_1549, %select_n3A_1553 : vector<16xi32>
    %get3A_1555 = arith.constant 80 : index
    %get3A_1556 = tpu.vector_load %arg14[%get3A_1555] {strides = array<i32>} : memref<160xf32, #tpu.memory_space<vmem>>, vector<16xf32>,
    %ge3A_1557 = arith.cmpf oge, %get3A_1523, %get3A_1556 : vector<16xf32>
    %select_n3A_1558 = arith.select %ge3A_1557, %broadcast_in_dim3A_1527, %broadcast_in_dim3A_1529 : vector<16xi1>, vector<16xi32>
    %add3A_1559 = arith.addi %add3A_1554, %select_n3A_1558 : vector<16xi32>
    %get3A_1560 = arith.constant 96 : index
    %get3A_1561 = tpu.vector_load %arg14[%get3A_1560] {strides = array<i32>} : memref<160xf32, #tpu.memory_space<vmem>>, vector<16xf32>,
    %ge3A_1562 = arith.cmpf oge, %get3A_1523, %get3A_1561 : vector<16xf32>
    %select_n3A_1563 = arith.select %ge3A_1562, %broadcast_in_dim3A_1527, %broadcast_in_dim3A_1529 : vector<16xi1>, vector<16xi32>
    %add3A_1564 = arith.addi %add3A_1559, %select_n3A_1563 : vector<16xi32>
    %get3A_1565 = arith.constant 112 : index
    %get3A_1566 = tpu.vector_load %arg14[%get3A_1565] {strides = array<i32>} : memref<160xf32, #tpu.memory_space<vmem>>, vector<16xf32>,
    %ge3A_1567 = arith.cmpf oge, %get3A_1523, %get3A_1566 : vector<16xf32>
    %select_n3A_1568 = arith.select %ge3A_1567, %broadcast_in_dim3A_1527, %broadcast_in_dim3A_1529 : vector<16xi1>, vector<16xi32>
    %add3A_1569 = arith.addi %add3A_1564, %select_n3A_1568 : vector<16xi32>
    %get3A_1570 = arith.constant 128 : index
    %get3A_1571 = tpu.vector_load %arg14[%get3A_1570] {strides = array<i32>} : memref<160xf32, #tpu.memory_space<vmem>>, vector<16xf32>,
    %ge3A_1572 = arith.cmpf oge, %get3A_1523, %get3A_1571 : vector<16xf32>
    %select_n3A_1573 = arith.select %ge3A_1572, %broadcast_in_dim3A_1527, %broadcast_in_dim3A_1529 : vector<16xi1>, vector<16xi32>
    %add3A_1574 = arith.addi %add3A_1569, %select_n3A_1573 : vector<16xi32>
    %get3A_1575 = arith.constant 144 : index
    %get3A_1576 = tpu.vector_load %arg14[%get3A_1575] {strides = array<i32>} : memref<160xf32, #tpu.memory_space<vmem>>, vector<16xf32>,
    %ge3A_1577 = arith.cmpf oge, %get3A_1523, %get3A_1576 : vector<16xf32>
    %select_n3A_1578 = arith.select %ge3A_1577, %broadcast_in_dim3A_1527, %broadcast_in_dim3A_1529 : vector<16xi1>, vector<16xi32>
    %add3A_1579 = arith.addi %add3A_1574, %select_n3A_1578 : vector<16xi32>
    %swap3A_1580 = arith.constant 336 : index
    %swap3A_1581 = tpu.vector_load %arg12[%swap3A_1580] {strides = array<i32>} : memref<512xi32, #tpu.memory_space<vmem>>, vector<16xi32>,
    tpu.vector_store %arg12[%swap3A_1580], %add3A_1579 {strides = array<i32>} : memref<512xi32, #tpu.memory_space<vmem>>, vector<16xi32>,
    %broadcast_in_dim3A_1582 = arith.constant 336 : i32
    %broadcast_in_dim3A_1583 = vector.broadcast %broadcast_in_dim3A_1582 : i32 to vector<16xi32>
    %add3A_1584 = arith.addi %iota3A, %broadcast_in_dim3A_1583 : vector<16xi32>
    %sub3A_1585 = arith.subf %get3A_1523, %get3A_3 : vector<16xf32>
    %mul3A_1586 = arith.mulf %sub3A_1585, %get3A_5 : vector<16xf32>
    tpu.vector_store_idx %arg13[%add3A_1584, %broadcast_in_dim3A_6], %mul3A_1586 : memref<512x1xf32, #tpu.memory_space<vmem>>[vector<16xi32>, vector<16xi32>], vector<16xf32>,
    %get3A_1587 = arith.constant 352 : index
    %get3A_1588 = tpu.vector_load %arg9[%get3A_1587] {strides = array<i32>} : memref<512xi32, #tpu.memory_space<vmem>>, vector<16xi32>,
    %add3A_1589 = arith.constant 1 : i32
    %add3A_1590 = vector.broadcast %add3A_1589 : i32 to vector<16xi32>
    %add3A_1591 = arith.addi %get3A_1588, %add3A_1590 : vector<16xi32>
    %swap3A_1592 = arith.constant 352 : index
    %swap3A_1593 = tpu.vector_load %arg11[%swap3A_1592] {strides = array<i32>} : memref<512xi32, #tpu.memory_space<vmem>>, vector<16xi32>,
    tpu.vector_store %arg11[%swap3A_1592], %add3A_1591 {strides = array<i32>} : memref<512xi32, #tpu.memory_space<vmem>>, vector<16xi32>,
    %get3A_1594 = arith.constant 352 : index
    %get3A_1595 = tpu.vector_load %arg10[%get3A_1594] {strides = array<i32>} : memref<512xf32, #tpu.memory_space<vmem>>, vector<16xf32>,
    %broadcast_in_dim3A_1596 = arith.constant 0 : i32
    %broadcast_in_dim3A_1597 = vector.broadcast %broadcast_in_dim3A_1596 : i32 to vector<16xi32>
    %broadcast_in_dim3A_1598 = arith.constant 1 : i32
    %broadcast_in_dim3A_1599 = vector.broadcast %broadcast_in_dim3A_1598 : i32 to vector<16xi32>
    %broadcast_in_dim3A_1600 = arith.constant 0 : i32
    %broadcast_in_dim3A_1601 = vector.broadcast %broadcast_in_dim3A_1600 : i32 to vector<16xi32>
    %get3A_1602 = arith.constant 0 : index
    %get3A_1603 = tpu.vector_load %arg14[%get3A_1602] {strides = array<i32>} : memref<160xf32, #tpu.memory_space<vmem>>, vector<16xf32>,
    %ge3A_1604 = arith.cmpf oge, %get3A_1595, %get3A_1603 : vector<16xf32>
    %select_n3A_1605 = arith.select %ge3A_1604, %broadcast_in_dim3A_1599, %broadcast_in_dim3A_1601 : vector<16xi1>, vector<16xi32>
    %add3A_1606 = arith.addi %broadcast_in_dim3A_1597, %select_n3A_1605 : vector<16xi32>
    %get3A_1607 = arith.constant 16 : index
    %get3A_1608 = tpu.vector_load %arg14[%get3A_1607] {strides = array<i32>} : memref<160xf32, #tpu.memory_space<vmem>>, vector<16xf32>,
    %ge3A_1609 = arith.cmpf oge, %get3A_1595, %get3A_1608 : vector<16xf32>
    %select_n3A_1610 = arith.select %ge3A_1609, %broadcast_in_dim3A_1599, %broadcast_in_dim3A_1601 : vector<16xi1>, vector<16xi32>
    %add3A_1611 = arith.addi %add3A_1606, %select_n3A_1610 : vector<16xi32>
    %get3A_1612 = arith.constant 32 : index
    %get3A_1613 = tpu.vector_load %arg14[%get3A_1612] {strides = array<i32>} : memref<160xf32, #tpu.memory_space<vmem>>, vector<16xf32>,
    %ge3A_1614 = arith.cmpf oge, %get3A_1595, %get3A_1613 : vector<16xf32>
    %select_n3A_1615 = arith.select %ge3A_1614, %broadcast_in_dim3A_1599, %broadcast_in_dim3A_1601 : vector<16xi1>, vector<16xi32>
    %add3A_1616 = arith.addi %add3A_1611, %select_n3A_1615 : vector<16xi32>
    %get3A_1617 = arith.constant 48 : index
    %get3A_1618 = tpu.vector_load %arg14[%get3A_1617] {strides = array<i32>} : memref<160xf32, #tpu.memory_space<vmem>>, vector<16xf32>,
    %ge3A_1619 = arith.cmpf oge, %get3A_1595, %get3A_1618 : vector<16xf32>
    %select_n3A_1620 = arith.select %ge3A_1619, %broadcast_in_dim3A_1599, %broadcast_in_dim3A_1601 : vector<16xi1>, vector<16xi32>
    %add3A_1621 = arith.addi %add3A_1616, %select_n3A_1620 : vector<16xi32>
    %get3A_1622 = arith.constant 64 : index
    %get3A_1623 = tpu.vector_load %arg14[%get3A_1622] {strides = array<i32>} : memref<160xf32, #tpu.memory_space<vmem>>, vector<16xf32>,
    %ge3A_1624 = arith.cmpf oge, %get3A_1595, %get3A_1623 : vector<16xf32>
    %select_n3A_1625 = arith.select %ge3A_1624, %broadcast_in_dim3A_1599, %broadcast_in_dim3A_1601 : vector<16xi1>, vector<16xi32>
    %add3A_1626 = arith.addi %add3A_1621, %select_n3A_1625 : vector<16xi32>
    %get3A_1627 = arith.constant 80 : index
    %get3A_1628 = tpu.vector_load %arg14[%get3A_1627] {strides = array<i32>} : memref<160xf32, #tpu.memory_space<vmem>>, vector<16xf32>,
    %ge3A_1629 = arith.cmpf oge, %get3A_1595, %get3A_1628 : vector<16xf32>
    %select_n3A_1630 = arith.select %ge3A_1629, %broadcast_in_dim3A_1599, %broadcast_in_dim3A_1601 : vector<16xi1>, vector<16xi32>
    %add3A_1631 = arith.addi %add3A_1626, %select_n3A_1630 : vector<16xi32>
    %get3A_1632 = arith.constant 96 : index
    %get3A_1633 = tpu.vector_load %arg14[%get3A_1632] {strides = array<i32>} : memref<160xf32, #tpu.memory_space<vmem>>, vector<16xf32>,
    %ge3A_1634 = arith.cmpf oge, %get3A_1595, %get3A_1633 : vector<16xf32>
    %select_n3A_1635 = arith.select %ge3A_1634, %broadcast_in_dim3A_1599, %broadcast_in_dim3A_1601 : vector<16xi1>, vector<16xi32>
    %add3A_1636 = arith.addi %add3A_1631, %select_n3A_1635 : vector<16xi32>
    %get3A_1637 = arith.constant 112 : index
    %get3A_1638 = tpu.vector_load %arg14[%get3A_1637] {strides = array<i32>} : memref<160xf32, #tpu.memory_space<vmem>>, vector<16xf32>,
    %ge3A_1639 = arith.cmpf oge, %get3A_1595, %get3A_1638 : vector<16xf32>
    %select_n3A_1640 = arith.select %ge3A_1639, %broadcast_in_dim3A_1599, %broadcast_in_dim3A_1601 : vector<16xi1>, vector<16xi32>
    %add3A_1641 = arith.addi %add3A_1636, %select_n3A_1640 : vector<16xi32>
    %get3A_1642 = arith.constant 128 : index
    %get3A_1643 = tpu.vector_load %arg14[%get3A_1642] {strides = array<i32>} : memref<160xf32, #tpu.memory_space<vmem>>, vector<16xf32>,
    %ge3A_1644 = arith.cmpf oge, %get3A_1595, %get3A_1643 : vector<16xf32>
    %select_n3A_1645 = arith.select %ge3A_1644, %broadcast_in_dim3A_1599, %broadcast_in_dim3A_1601 : vector<16xi1>, vector<16xi32>
    %add3A_1646 = arith.addi %add3A_1641, %select_n3A_1645 : vector<16xi32>
    %get3A_1647 = arith.constant 144 : index
    %get3A_1648 = tpu.vector_load %arg14[%get3A_1647] {strides = array<i32>} : memref<160xf32, #tpu.memory_space<vmem>>, vector<16xf32>,
    %ge3A_1649 = arith.cmpf oge, %get3A_1595, %get3A_1648 : vector<16xf32>
    %select_n3A_1650 = arith.select %ge3A_1649, %broadcast_in_dim3A_1599, %broadcast_in_dim3A_1601 : vector<16xi1>, vector<16xi32>
    %add3A_1651 = arith.addi %add3A_1646, %select_n3A_1650 : vector<16xi32>
    %swap3A_1652 = arith.constant 352 : index
    %swap3A_1653 = tpu.vector_load %arg12[%swap3A_1652] {strides = array<i32>} : memref<512xi32, #tpu.memory_space<vmem>>, vector<16xi32>,
    tpu.vector_store %arg12[%swap3A_1652], %add3A_1651 {strides = array<i32>} : memref<512xi32, #tpu.memory_space<vmem>>, vector<16xi32>,
    %broadcast_in_dim3A_1654 = arith.constant 352 : i32
    %broadcast_in_dim3A_1655 = vector.broadcast %broadcast_in_dim3A_1654 : i32 to vector<16xi32>
    %add3A_1656 = arith.addi %iota3A, %broadcast_in_dim3A_1655 : vector<16xi32>
    %sub3A_1657 = arith.subf %get3A_1595, %get3A_3 : vector<16xf32>
    %mul3A_1658 = arith.mulf %sub3A_1657, %get3A_5 : vector<16xf32>
    tpu.vector_store_idx %arg13[%add3A_1656, %broadcast_in_dim3A_6], %mul3A_1658 : memref<512x1xf32, #tpu.memory_space<vmem>>[vector<16xi32>, vector<16xi32>], vector<16xf32>,
    %get3A_1659 = arith.constant 368 : index
    %get3A_1660 = tpu.vector_load %arg9[%get3A_1659] {strides = array<i32>} : memref<512xi32, #tpu.memory_space<vmem>>, vector<16xi32>,
    %add3A_1661 = arith.constant 1 : i32
    %add3A_1662 = vector.broadcast %add3A_1661 : i32 to vector<16xi32>
    %add3A_1663 = arith.addi %get3A_1660, %add3A_1662 : vector<16xi32>
    %swap3A_1664 = arith.constant 368 : index
    %swap3A_1665 = tpu.vector_load %arg11[%swap3A_1664] {strides = array<i32>} : memref<512xi32, #tpu.memory_space<vmem>>, vector<16xi32>,
    tpu.vector_store %arg11[%swap3A_1664], %add3A_1663 {strides = array<i32>} : memref<512xi32, #tpu.memory_space<vmem>>, vector<16xi32>,
    %get3A_1666 = arith.constant 368 : index
    %get3A_1667 = tpu.vector_load %arg10[%get3A_1666] {strides = array<i32>} : memref<512xf32, #tpu.memory_space<vmem>>, vector<16xf32>,
    %broadcast_in_dim3A_1668 = arith.constant 0 : i32
    %broadcast_in_dim3A_1669 = vector.broadcast %broadcast_in_dim3A_1668 : i32 to vector<16xi32>
    %broadcast_in_dim3A_1670 = arith.constant 1 : i32
    %broadcast_in_dim3A_1671 = vector.broadcast %broadcast_in_dim3A_1670 : i32 to vector<16xi32>
    %broadcast_in_dim3A_1672 = arith.constant 0 : i32
    %broadcast_in_dim3A_1673 = vector.broadcast %broadcast_in_dim3A_1672 : i32 to vector<16xi32>
    %get3A_1674 = arith.constant 0 : index
    %get3A_1675 = tpu.vector_load %arg14[%get3A_1674] {strides = array<i32>} : memref<160xf32, #tpu.memory_space<vmem>>, vector<16xf32>,
    %ge3A_1676 = arith.cmpf oge, %get3A_1667, %get3A_1675 : vector<16xf32>
    %select_n3A_1677 = arith.select %ge3A_1676, %broadcast_in_dim3A_1671, %broadcast_in_dim3A_1673 : vector<16xi1>, vector<16xi32>
    %add3A_1678 = arith.addi %broadcast_in_dim3A_1669, %select_n3A_1677 : vector<16xi32>
    %get3A_1679 = arith.constant 16 : index
    %get3A_1680 = tpu.vector_load %arg14[%get3A_1679] {strides = array<i32>} : memref<160xf32, #tpu.memory_space<vmem>>, vector<16xf32>,
    %ge3A_1681 = arith.cmpf oge, %get3A_1667, %get3A_1680 : vector<16xf32>
    %select_n3A_1682 = arith.select %ge3A_1681, %broadcast_in_dim3A_1671, %broadcast_in_dim3A_1673 : vector<16xi1>, vector<16xi32>
    %add3A_1683 = arith.addi %add3A_1678, %select_n3A_1682 : vector<16xi32>
    %get3A_1684 = arith.constant 32 : index
    %get3A_1685 = tpu.vector_load %arg14[%get3A_1684] {strides = array<i32>} : memref<160xf32, #tpu.memory_space<vmem>>, vector<16xf32>,
    %ge3A_1686 = arith.cmpf oge, %get3A_1667, %get3A_1685 : vector<16xf32>
    %select_n3A_1687 = arith.select %ge3A_1686, %broadcast_in_dim3A_1671, %broadcast_in_dim3A_1673 : vector<16xi1>, vector<16xi32>
    %add3A_1688 = arith.addi %add3A_1683, %select_n3A_1687 : vector<16xi32>
    %get3A_1689 = arith.constant 48 : index
    %get3A_1690 = tpu.vector_load %arg14[%get3A_1689] {strides = array<i32>} : memref<160xf32, #tpu.memory_space<vmem>>, vector<16xf32>,
    %ge3A_1691 = arith.cmpf oge, %get3A_1667, %get3A_1690 : vector<16xf32>
    %select_n3A_1692 = arith.select %ge3A_1691, %broadcast_in_dim3A_1671, %broadcast_in_dim3A_1673 : vector<16xi1>, vector<16xi32>
    %add3A_1693 = arith.addi %add3A_1688, %select_n3A_1692 : vector<16xi32>
    %get3A_1694 = arith.constant 64 : index
    %get3A_1695 = tpu.vector_load %arg14[%get3A_1694] {strides = array<i32>} : memref<160xf32, #tpu.memory_space<vmem>>, vector<16xf32>,
    %ge3A_1696 = arith.cmpf oge, %get3A_1667, %get3A_1695 : vector<16xf32>
    %select_n3A_1697 = arith.select %ge3A_1696, %broadcast_in_dim3A_1671, %broadcast_in_dim3A_1673 : vector<16xi1>, vector<16xi32>
    %add3A_1698 = arith.addi %add3A_1693, %select_n3A_1697 : vector<16xi32>
    %get3A_1699 = arith.constant 80 : index
    %get3A_1700 = tpu.vector_load %arg14[%get3A_1699] {strides = array<i32>} : memref<160xf32, #tpu.memory_space<vmem>>, vector<16xf32>,
    %ge3A_1701 = arith.cmpf oge, %get3A_1667, %get3A_1700 : vector<16xf32>
    %select_n3A_1702 = arith.select %ge3A_1701, %broadcast_in_dim3A_1671, %broadcast_in_dim3A_1673 : vector<16xi1>, vector<16xi32>
    %add3A_1703 = arith.addi %add3A_1698, %select_n3A_1702 : vector<16xi32>
    %get3A_1704 = arith.constant 96 : index
    %get3A_1705 = tpu.vector_load %arg14[%get3A_1704] {strides = array<i32>} : memref<160xf32, #tpu.memory_space<vmem>>, vector<16xf32>,
    %ge3A_1706 = arith.cmpf oge, %get3A_1667, %get3A_1705 : vector<16xf32>
    %select_n3A_1707 = arith.select %ge3A_1706, %broadcast_in_dim3A_1671, %broadcast_in_dim3A_1673 : vector<16xi1>, vector<16xi32>
    %add3A_1708 = arith.addi %add3A_1703, %select_n3A_1707 : vector<16xi32>
    %get3A_1709 = arith.constant 112 : index
    %get3A_1710 = tpu.vector_load %arg14[%get3A_1709] {strides = array<i32>} : memref<160xf32, #tpu.memory_space<vmem>>, vector<16xf32>,
    %ge3A_1711 = arith.cmpf oge, %get3A_1667, %get3A_1710 : vector<16xf32>
    %select_n3A_1712 = arith.select %ge3A_1711, %broadcast_in_dim3A_1671, %broadcast_in_dim3A_1673 : vector<16xi1>, vector<16xi32>
    %add3A_1713 = arith.addi %add3A_1708, %select_n3A_1712 : vector<16xi32>
    %get3A_1714 = arith.constant 128 : index
    %get3A_1715 = tpu.vector_load %arg14[%get3A_1714] {strides = array<i32>} : memref<160xf32, #tpu.memory_space<vmem>>, vector<16xf32>,
    %ge3A_1716 = arith.cmpf oge, %get3A_1667, %get3A_1715 : vector<16xf32>
    %select_n3A_1717 = arith.select %ge3A_1716, %broadcast_in_dim3A_1671, %broadcast_in_dim3A_1673 : vector<16xi1>, vector<16xi32>
    %add3A_1718 = arith.addi %add3A_1713, %select_n3A_1717 : vector<16xi32>
    %get3A_1719 = arith.constant 144 : index
    %get3A_1720 = tpu.vector_load %arg14[%get3A_1719] {strides = array<i32>} : memref<160xf32, #tpu.memory_space<vmem>>, vector<16xf32>,
    %ge3A_1721 = arith.cmpf oge, %get3A_1667, %get3A_1720 : vector<16xf32>
    %select_n3A_1722 = arith.select %ge3A_1721, %broadcast_in_dim3A_1671, %broadcast_in_dim3A_1673 : vector<16xi1>, vector<16xi32>
    %add3A_1723 = arith.addi %add3A_1718, %select_n3A_1722 : vector<16xi32>
    %swap3A_1724 = arith.constant 368 : index
    %swap3A_1725 = tpu.vector_load %arg12[%swap3A_1724] {strides = array<i32>} : memref<512xi32, #tpu.memory_space<vmem>>, vector<16xi32>,
    tpu.vector_store %arg12[%swap3A_1724], %add3A_1723 {strides = array<i32>} : memref<512xi32, #tpu.memory_space<vmem>>, vector<16xi32>,
    %broadcast_in_dim3A_1726 = arith.constant 368 : i32
    %broadcast_in_dim3A_1727 = vector.broadcast %broadcast_in_dim3A_1726 : i32 to vector<16xi32>
    %add3A_1728 = arith.addi %iota3A, %broadcast_in_dim3A_1727 : vector<16xi32>
    %sub3A_1729 = arith.subf %get3A_1667, %get3A_3 : vector<16xf32>
    %mul3A_1730 = arith.mulf %sub3A_1729, %get3A_5 : vector<16xf32>
    tpu.vector_store_idx %arg13[%add3A_1728, %broadcast_in_dim3A_6], %mul3A_1730 : memref<512x1xf32, #tpu.memory_space<vmem>>[vector<16xi32>, vector<16xi32>], vector<16xf32>,
    %get3A_1731 = arith.constant 384 : index
    %get3A_1732 = tpu.vector_load %arg9[%get3A_1731] {strides = array<i32>} : memref<512xi32, #tpu.memory_space<vmem>>, vector<16xi32>,
    %add3A_1733 = arith.constant 1 : i32
    %add3A_1734 = vector.broadcast %add3A_1733 : i32 to vector<16xi32>
    %add3A_1735 = arith.addi %get3A_1732, %add3A_1734 : vector<16xi32>
    %swap3A_1736 = arith.constant 384 : index
    %swap3A_1737 = tpu.vector_load %arg11[%swap3A_1736] {strides = array<i32>} : memref<512xi32, #tpu.memory_space<vmem>>, vector<16xi32>,
    tpu.vector_store %arg11[%swap3A_1736], %add3A_1735 {strides = array<i32>} : memref<512xi32, #tpu.memory_space<vmem>>, vector<16xi32>,
    %get3A_1738 = arith.constant 384 : index
    %get3A_1739 = tpu.vector_load %arg10[%get3A_1738] {strides = array<i32>} : memref<512xf32, #tpu.memory_space<vmem>>, vector<16xf32>,
    %broadcast_in_dim3A_1740 = arith.constant 0 : i32
    %broadcast_in_dim3A_1741 = vector.broadcast %broadcast_in_dim3A_1740 : i32 to vector<16xi32>
    %broadcast_in_dim3A_1742 = arith.constant 1 : i32
    %broadcast_in_dim3A_1743 = vector.broadcast %broadcast_in_dim3A_1742 : i32 to vector<16xi32>
    %broadcast_in_dim3A_1744 = arith.constant 0 : i32
    %broadcast_in_dim3A_1745 = vector.broadcast %broadcast_in_dim3A_1744 : i32 to vector<16xi32>
    %get3A_1746 = arith.constant 0 : index
    %get3A_1747 = tpu.vector_load %arg14[%get3A_1746] {strides = array<i32>} : memref<160xf32, #tpu.memory_space<vmem>>, vector<16xf32>,
    %ge3A_1748 = arith.cmpf oge, %get3A_1739, %get3A_1747 : vector<16xf32>
    %select_n3A_1749 = arith.select %ge3A_1748, %broadcast_in_dim3A_1743, %broadcast_in_dim3A_1745 : vector<16xi1>, vector<16xi32>
    %add3A_1750 = arith.addi %broadcast_in_dim3A_1741, %select_n3A_1749 : vector<16xi32>
    %get3A_1751 = arith.constant 16 : index
    %get3A_1752 = tpu.vector_load %arg14[%get3A_1751] {strides = array<i32>} : memref<160xf32, #tpu.memory_space<vmem>>, vector<16xf32>,
    %ge3A_1753 = arith.cmpf oge, %get3A_1739, %get3A_1752 : vector<16xf32>
    %select_n3A_1754 = arith.select %ge3A_1753, %broadcast_in_dim3A_1743, %broadcast_in_dim3A_1745 : vector<16xi1>, vector<16xi32>
    %add3A_1755 = arith.addi %add3A_1750, %select_n3A_1754 : vector<16xi32>
    %get3A_1756 = arith.constant 32 : index
    %get3A_1757 = tpu.vector_load %arg14[%get3A_1756] {strides = array<i32>} : memref<160xf32, #tpu.memory_space<vmem>>, vector<16xf32>,
    %ge3A_1758 = arith.cmpf oge, %get3A_1739, %get3A_1757 : vector<16xf32>
    %select_n3A_1759 = arith.select %ge3A_1758, %broadcast_in_dim3A_1743, %broadcast_in_dim3A_1745 : vector<16xi1>, vector<16xi32>
    %add3A_1760 = arith.addi %add3A_1755, %select_n3A_1759 : vector<16xi32>
    %get3A_1761 = arith.constant 48 : index
    %get3A_1762 = tpu.vector_load %arg14[%get3A_1761] {strides = array<i32>} : memref<160xf32, #tpu.memory_space<vmem>>, vector<16xf32>,
    %ge3A_1763 = arith.cmpf oge, %get3A_1739, %get3A_1762 : vector<16xf32>
    %select_n3A_1764 = arith.select %ge3A_1763, %broadcast_in_dim3A_1743, %broadcast_in_dim3A_1745 : vector<16xi1>, vector<16xi32>
    %add3A_1765 = arith.addi %add3A_1760, %select_n3A_1764 : vector<16xi32>
    %get3A_1766 = arith.constant 64 : index
    %get3A_1767 = tpu.vector_load %arg14[%get3A_1766] {strides = array<i32>} : memref<160xf32, #tpu.memory_space<vmem>>, vector<16xf32>,
    %ge3A_1768 = arith.cmpf oge, %get3A_1739, %get3A_1767 : vector<16xf32>
    %select_n3A_1769 = arith.select %ge3A_1768, %broadcast_in_dim3A_1743, %broadcast_in_dim3A_1745 : vector<16xi1>, vector<16xi32>
    %add3A_1770 = arith.addi %add3A_1765, %select_n3A_1769 : vector<16xi32>
    %get3A_1771 = arith.constant 80 : index
    %get3A_1772 = tpu.vector_load %arg14[%get3A_1771] {strides = array<i32>} : memref<160xf32, #tpu.memory_space<vmem>>, vector<16xf32>,
    %ge3A_1773 = arith.cmpf oge, %get3A_1739, %get3A_1772 : vector<16xf32>
    %select_n3A_1774 = arith.select %ge3A_1773, %broadcast_in_dim3A_1743, %broadcast_in_dim3A_1745 : vector<16xi1>, vector<16xi32>
    %add3A_1775 = arith.addi %add3A_1770, %select_n3A_1774 : vector<16xi32>
    %get3A_1776 = arith.constant 96 : index
    %get3A_1777 = tpu.vector_load %arg14[%get3A_1776] {strides = array<i32>} : memref<160xf32, #tpu.memory_space<vmem>>, vector<16xf32>,
    %ge3A_1778 = arith.cmpf oge, %get3A_1739, %get3A_1777 : vector<16xf32>
    %select_n3A_1779 = arith.select %ge3A_1778, %broadcast_in_dim3A_1743, %broadcast_in_dim3A_1745 : vector<16xi1>, vector<16xi32>
    %add3A_1780 = arith.addi %add3A_1775, %select_n3A_1779 : vector<16xi32>
    %get3A_1781 = arith.constant 112 : index
    %get3A_1782 = tpu.vector_load %arg14[%get3A_1781] {strides = array<i32>} : memref<160xf32, #tpu.memory_space<vmem>>, vector<16xf32>,
    %ge3A_1783 = arith.cmpf oge, %get3A_1739, %get3A_1782 : vector<16xf32>
    %select_n3A_1784 = arith.select %ge3A_1783, %broadcast_in_dim3A_1743, %broadcast_in_dim3A_1745 : vector<16xi1>, vector<16xi32>
    %add3A_1785 = arith.addi %add3A_1780, %select_n3A_1784 : vector<16xi32>
    %get3A_1786 = arith.constant 128 : index
    %get3A_1787 = tpu.vector_load %arg14[%get3A_1786] {strides = array<i32>} : memref<160xf32, #tpu.memory_space<vmem>>, vector<16xf32>,
    %ge3A_1788 = arith.cmpf oge, %get3A_1739, %get3A_1787 : vector<16xf32>
    %select_n3A_1789 = arith.select %ge3A_1788, %broadcast_in_dim3A_1743, %broadcast_in_dim3A_1745 : vector<16xi1>, vector<16xi32>
    %add3A_1790 = arith.addi %add3A_1785, %select_n3A_1789 : vector<16xi32>
    %get3A_1791 = arith.constant 144 : index
    %get3A_1792 = tpu.vector_load %arg14[%get3A_1791] {strides = array<i32>} : memref<160xf32, #tpu.memory_space<vmem>>, vector<16xf32>,
    %ge3A_1793 = arith.cmpf oge, %get3A_1739, %get3A_1792 : vector<16xf32>
    %select_n3A_1794 = arith.select %ge3A_1793, %broadcast_in_dim3A_1743, %broadcast_in_dim3A_1745 : vector<16xi1>, vector<16xi32>
    %add3A_1795 = arith.addi %add3A_1790, %select_n3A_1794 : vector<16xi32>
    %swap3A_1796 = arith.constant 384 : index
    %swap3A_1797 = tpu.vector_load %arg12[%swap3A_1796] {strides = array<i32>} : memref<512xi32, #tpu.memory_space<vmem>>, vector<16xi32>,
    tpu.vector_store %arg12[%swap3A_1796], %add3A_1795 {strides = array<i32>} : memref<512xi32, #tpu.memory_space<vmem>>, vector<16xi32>,
    %broadcast_in_dim3A_1798 = arith.constant 384 : i32
    %broadcast_in_dim3A_1799 = vector.broadcast %broadcast_in_dim3A_1798 : i32 to vector<16xi32>
    %add3A_1800 = arith.addi %iota3A, %broadcast_in_dim3A_1799 : vector<16xi32>
    %sub3A_1801 = arith.subf %get3A_1739, %get3A_3 : vector<16xf32>
    %mul3A_1802 = arith.mulf %sub3A_1801, %get3A_5 : vector<16xf32>
    tpu.vector_store_idx %arg13[%add3A_1800, %broadcast_in_dim3A_6], %mul3A_1802 : memref<512x1xf32, #tpu.memory_space<vmem>>[vector<16xi32>, vector<16xi32>], vector<16xf32>,
    %get3A_1803 = arith.constant 400 : index
    %get3A_1804 = tpu.vector_load %arg9[%get3A_1803] {strides = array<i32>} : memref<512xi32, #tpu.memory_space<vmem>>, vector<16xi32>,
    %add3A_1805 = arith.constant 1 : i32
    %add3A_1806 = vector.broadcast %add3A_1805 : i32 to vector<16xi32>
    %add3A_1807 = arith.addi %get3A_1804, %add3A_1806 : vector<16xi32>
    %swap3A_1808 = arith.constant 400 : index
    %swap3A_1809 = tpu.vector_load %arg11[%swap3A_1808] {strides = array<i32>} : memref<512xi32, #tpu.memory_space<vmem>>, vector<16xi32>,
    tpu.vector_store %arg11[%swap3A_1808], %add3A_1807 {strides = array<i32>} : memref<512xi32, #tpu.memory_space<vmem>>, vector<16xi32>,
    %get3A_1810 = arith.constant 400 : index
    %get3A_1811 = tpu.vector_load %arg10[%get3A_1810] {strides = array<i32>} : memref<512xf32, #tpu.memory_space<vmem>>, vector<16xf32>,
    %broadcast_in_dim3A_1812 = arith.constant 0 : i32
    %broadcast_in_dim3A_1813 = vector.broadcast %broadcast_in_dim3A_1812 : i32 to vector<16xi32>
    %broadcast_in_dim3A_1814 = arith.constant 1 : i32
    %broadcast_in_dim3A_1815 = vector.broadcast %broadcast_in_dim3A_1814 : i32 to vector<16xi32>
    %broadcast_in_dim3A_1816 = arith.constant 0 : i32
    %broadcast_in_dim3A_1817 = vector.broadcast %broadcast_in_dim3A_1816 : i32 to vector<16xi32>
    %get3A_1818 = arith.constant 0 : index
    %get3A_1819 = tpu.vector_load %arg14[%get3A_1818] {strides = array<i32>} : memref<160xf32, #tpu.memory_space<vmem>>, vector<16xf32>,
    %ge3A_1820 = arith.cmpf oge, %get3A_1811, %get3A_1819 : vector<16xf32>
    %select_n3A_1821 = arith.select %ge3A_1820, %broadcast_in_dim3A_1815, %broadcast_in_dim3A_1817 : vector<16xi1>, vector<16xi32>
    %add3A_1822 = arith.addi %broadcast_in_dim3A_1813, %select_n3A_1821 : vector<16xi32>
    %get3A_1823 = arith.constant 16 : index
    %get3A_1824 = tpu.vector_load %arg14[%get3A_1823] {strides = array<i32>} : memref<160xf32, #tpu.memory_space<vmem>>, vector<16xf32>,
    %ge3A_1825 = arith.cmpf oge, %get3A_1811, %get3A_1824 : vector<16xf32>
    %select_n3A_1826 = arith.select %ge3A_1825, %broadcast_in_dim3A_1815, %broadcast_in_dim3A_1817 : vector<16xi1>, vector<16xi32>
    %add3A_1827 = arith.addi %add3A_1822, %select_n3A_1826 : vector<16xi32>
    %get3A_1828 = arith.constant 32 : index
    %get3A_1829 = tpu.vector_load %arg14[%get3A_1828] {strides = array<i32>} : memref<160xf32, #tpu.memory_space<vmem>>, vector<16xf32>,
    %ge3A_1830 = arith.cmpf oge, %get3A_1811, %get3A_1829 : vector<16xf32>
    %select_n3A_1831 = arith.select %ge3A_1830, %broadcast_in_dim3A_1815, %broadcast_in_dim3A_1817 : vector<16xi1>, vector<16xi32>
    %add3A_1832 = arith.addi %add3A_1827, %select_n3A_1831 : vector<16xi32>
    %get3A_1833 = arith.constant 48 : index
    %get3A_1834 = tpu.vector_load %arg14[%get3A_1833] {strides = array<i32>} : memref<160xf32, #tpu.memory_space<vmem>>, vector<16xf32>,
    %ge3A_1835 = arith.cmpf oge, %get3A_1811, %get3A_1834 : vector<16xf32>
    %select_n3A_1836 = arith.select %ge3A_1835, %broadcast_in_dim3A_1815, %broadcast_in_dim3A_1817 : vector<16xi1>, vector<16xi32>
    %add3A_1837 = arith.addi %add3A_1832, %select_n3A_1836 : vector<16xi32>
    %get3A_1838 = arith.constant 64 : index
    %get3A_1839 = tpu.vector_load %arg14[%get3A_1838] {strides = array<i32>} : memref<160xf32, #tpu.memory_space<vmem>>, vector<16xf32>,
    %ge3A_1840 = arith.cmpf oge, %get3A_1811, %get3A_1839 : vector<16xf32>
    %select_n3A_1841 = arith.select %ge3A_1840, %broadcast_in_dim3A_1815, %broadcast_in_dim3A_1817 : vector<16xi1>, vector<16xi32>
    %add3A_1842 = arith.addi %add3A_1837, %select_n3A_1841 : vector<16xi32>
    %get3A_1843 = arith.constant 80 : index
    %get3A_1844 = tpu.vector_load %arg14[%get3A_1843] {strides = array<i32>} : memref<160xf32, #tpu.memory_space<vmem>>, vector<16xf32>,
    %ge3A_1845 = arith.cmpf oge, %get3A_1811, %get3A_1844 : vector<16xf32>
    %select_n3A_1846 = arith.select %ge3A_1845, %broadcast_in_dim3A_1815, %broadcast_in_dim3A_1817 : vector<16xi1>, vector<16xi32>
    %add3A_1847 = arith.addi %add3A_1842, %select_n3A_1846 : vector<16xi32>
    %get3A_1848 = arith.constant 96 : index
    %get3A_1849 = tpu.vector_load %arg14[%get3A_1848] {strides = array<i32>} : memref<160xf32, #tpu.memory_space<vmem>>, vector<16xf32>,
    %ge3A_1850 = arith.cmpf oge, %get3A_1811, %get3A_1849 : vector<16xf32>
    %select_n3A_1851 = arith.select %ge3A_1850, %broadcast_in_dim3A_1815, %broadcast_in_dim3A_1817 : vector<16xi1>, vector<16xi32>
    %add3A_1852 = arith.addi %add3A_1847, %select_n3A_1851 : vector<16xi32>
    %get3A_1853 = arith.constant 112 : index
    %get3A_1854 = tpu.vector_load %arg14[%get3A_1853] {strides = array<i32>} : memref<160xf32, #tpu.memory_space<vmem>>, vector<16xf32>,
    %ge3A_1855 = arith.cmpf oge, %get3A_1811, %get3A_1854 : vector<16xf32>
    %select_n3A_1856 = arith.select %ge3A_1855, %broadcast_in_dim3A_1815, %broadcast_in_dim3A_1817 : vector<16xi1>, vector<16xi32>
    %add3A_1857 = arith.addi %add3A_1852, %select_n3A_1856 : vector<16xi32>
    %get3A_1858 = arith.constant 128 : index
    %get3A_1859 = tpu.vector_load %arg14[%get3A_1858] {strides = array<i32>} : memref<160xf32, #tpu.memory_space<vmem>>, vector<16xf32>,
    %ge3A_1860 = arith.cmpf oge, %get3A_1811, %get3A_1859 : vector<16xf32>
    %select_n3A_1861 = arith.select %ge3A_1860, %broadcast_in_dim3A_1815, %broadcast_in_dim3A_1817 : vector<16xi1>, vector<16xi32>
    %add3A_1862 = arith.addi %add3A_1857, %select_n3A_1861 : vector<16xi32>
    %get3A_1863 = arith.constant 144 : index
    %get3A_1864 = tpu.vector_load %arg14[%get3A_1863] {strides = array<i32>} : memref<160xf32, #tpu.memory_space<vmem>>, vector<16xf32>,
    %ge3A_1865 = arith.cmpf oge, %get3A_1811, %get3A_1864 : vector<16xf32>
    %select_n3A_1866 = arith.select %ge3A_1865, %broadcast_in_dim3A_1815, %broadcast_in_dim3A_1817 : vector<16xi1>, vector<16xi32>
    %add3A_1867 = arith.addi %add3A_1862, %select_n3A_1866 : vector<16xi32>
    %swap3A_1868 = arith.constant 400 : index
    %swap3A_1869 = tpu.vector_load %arg12[%swap3A_1868] {strides = array<i32>} : memref<512xi32, #tpu.memory_space<vmem>>, vector<16xi32>,
    tpu.vector_store %arg12[%swap3A_1868], %add3A_1867 {strides = array<i32>} : memref<512xi32, #tpu.memory_space<vmem>>, vector<16xi32>,
    %broadcast_in_dim3A_1870 = arith.constant 400 : i32
    %broadcast_in_dim3A_1871 = vector.broadcast %broadcast_in_dim3A_1870 : i32 to vector<16xi32>
    %add3A_1872 = arith.addi %iota3A, %broadcast_in_dim3A_1871 : vector<16xi32>
    %sub3A_1873 = arith.subf %get3A_1811, %get3A_3 : vector<16xf32>
    %mul3A_1874 = arith.mulf %sub3A_1873, %get3A_5 : vector<16xf32>
    tpu.vector_store_idx %arg13[%add3A_1872, %broadcast_in_dim3A_6], %mul3A_1874 : memref<512x1xf32, #tpu.memory_space<vmem>>[vector<16xi32>, vector<16xi32>], vector<16xf32>,
    %get3A_1875 = arith.constant 416 : index
    %get3A_1876 = tpu.vector_load %arg9[%get3A_1875] {strides = array<i32>} : memref<512xi32, #tpu.memory_space<vmem>>, vector<16xi32>,
    %add3A_1877 = arith.constant 1 : i32
    %add3A_1878 = vector.broadcast %add3A_1877 : i32 to vector<16xi32>
    %add3A_1879 = arith.addi %get3A_1876, %add3A_1878 : vector<16xi32>
    %swap3A_1880 = arith.constant 416 : index
    %swap3A_1881 = tpu.vector_load %arg11[%swap3A_1880] {strides = array<i32>} : memref<512xi32, #tpu.memory_space<vmem>>, vector<16xi32>,
    tpu.vector_store %arg11[%swap3A_1880], %add3A_1879 {strides = array<i32>} : memref<512xi32, #tpu.memory_space<vmem>>, vector<16xi32>,
    %get3A_1882 = arith.constant 416 : index
    %get3A_1883 = tpu.vector_load %arg10[%get3A_1882] {strides = array<i32>} : memref<512xf32, #tpu.memory_space<vmem>>, vector<16xf32>,
    %broadcast_in_dim3A_1884 = arith.constant 0 : i32
    %broadcast_in_dim3A_1885 = vector.broadcast %broadcast_in_dim3A_1884 : i32 to vector<16xi32>
    %broadcast_in_dim3A_1886 = arith.constant 1 : i32
    %broadcast_in_dim3A_1887 = vector.broadcast %broadcast_in_dim3A_1886 : i32 to vector<16xi32>
    %broadcast_in_dim3A_1888 = arith.constant 0 : i32
    %broadcast_in_dim3A_1889 = vector.broadcast %broadcast_in_dim3A_1888 : i32 to vector<16xi32>
    %get3A_1890 = arith.constant 0 : index
    %get3A_1891 = tpu.vector_load %arg14[%get3A_1890] {strides = array<i32>} : memref<160xf32, #tpu.memory_space<vmem>>, vector<16xf32>,
    %ge3A_1892 = arith.cmpf oge, %get3A_1883, %get3A_1891 : vector<16xf32>
    %select_n3A_1893 = arith.select %ge3A_1892, %broadcast_in_dim3A_1887, %broadcast_in_dim3A_1889 : vector<16xi1>, vector<16xi32>
    %add3A_1894 = arith.addi %broadcast_in_dim3A_1885, %select_n3A_1893 : vector<16xi32>
    %get3A_1895 = arith.constant 16 : index
    %get3A_1896 = tpu.vector_load %arg14[%get3A_1895] {strides = array<i32>} : memref<160xf32, #tpu.memory_space<vmem>>, vector<16xf32>,
    %ge3A_1897 = arith.cmpf oge, %get3A_1883, %get3A_1896 : vector<16xf32>
    %select_n3A_1898 = arith.select %ge3A_1897, %broadcast_in_dim3A_1887, %broadcast_in_dim3A_1889 : vector<16xi1>, vector<16xi32>
    %add3A_1899 = arith.addi %add3A_1894, %select_n3A_1898 : vector<16xi32>
    %get3A_1900 = arith.constant 32 : index
    %get3A_1901 = tpu.vector_load %arg14[%get3A_1900] {strides = array<i32>} : memref<160xf32, #tpu.memory_space<vmem>>, vector<16xf32>,
    %ge3A_1902 = arith.cmpf oge, %get3A_1883, %get3A_1901 : vector<16xf32>
    %select_n3A_1903 = arith.select %ge3A_1902, %broadcast_in_dim3A_1887, %broadcast_in_dim3A_1889 : vector<16xi1>, vector<16xi32>
    %add3A_1904 = arith.addi %add3A_1899, %select_n3A_1903 : vector<16xi32>
    %get3A_1905 = arith.constant 48 : index
    %get3A_1906 = tpu.vector_load %arg14[%get3A_1905] {strides = array<i32>} : memref<160xf32, #tpu.memory_space<vmem>>, vector<16xf32>,
    %ge3A_1907 = arith.cmpf oge, %get3A_1883, %get3A_1906 : vector<16xf32>
    %select_n3A_1908 = arith.select %ge3A_1907, %broadcast_in_dim3A_1887, %broadcast_in_dim3A_1889 : vector<16xi1>, vector<16xi32>
    %add3A_1909 = arith.addi %add3A_1904, %select_n3A_1908 : vector<16xi32>
    %get3A_1910 = arith.constant 64 : index
    %get3A_1911 = tpu.vector_load %arg14[%get3A_1910] {strides = array<i32>} : memref<160xf32, #tpu.memory_space<vmem>>, vector<16xf32>,
    %ge3A_1912 = arith.cmpf oge, %get3A_1883, %get3A_1911 : vector<16xf32>
    %select_n3A_1913 = arith.select %ge3A_1912, %broadcast_in_dim3A_1887, %broadcast_in_dim3A_1889 : vector<16xi1>, vector<16xi32>
    %add3A_1914 = arith.addi %add3A_1909, %select_n3A_1913 : vector<16xi32>
    %get3A_1915 = arith.constant 80 : index
    %get3A_1916 = tpu.vector_load %arg14[%get3A_1915] {strides = array<i32>} : memref<160xf32, #tpu.memory_space<vmem>>, vector<16xf32>,
    %ge3A_1917 = arith.cmpf oge, %get3A_1883, %get3A_1916 : vector<16xf32>
    %select_n3A_1918 = arith.select %ge3A_1917, %broadcast_in_dim3A_1887, %broadcast_in_dim3A_1889 : vector<16xi1>, vector<16xi32>
    %add3A_1919 = arith.addi %add3A_1914, %select_n3A_1918 : vector<16xi32>
    %get3A_1920 = arith.constant 96 : index
    %get3A_1921 = tpu.vector_load %arg14[%get3A_1920] {strides = array<i32>} : memref<160xf32, #tpu.memory_space<vmem>>, vector<16xf32>,
    %ge3A_1922 = arith.cmpf oge, %get3A_1883, %get3A_1921 : vector<16xf32>
    %select_n3A_1923 = arith.select %ge3A_1922, %broadcast_in_dim3A_1887, %broadcast_in_dim3A_1889 : vector<16xi1>, vector<16xi32>
    %add3A_1924 = arith.addi %add3A_1919, %select_n3A_1923 : vector<16xi32>
    %get3A_1925 = arith.constant 112 : index
    %get3A_1926 = tpu.vector_load %arg14[%get3A_1925] {strides = array<i32>} : memref<160xf32, #tpu.memory_space<vmem>>, vector<16xf32>,
    %ge3A_1927 = arith.cmpf oge, %get3A_1883, %get3A_1926 : vector<16xf32>
    %select_n3A_1928 = arith.select %ge3A_1927, %broadcast_in_dim3A_1887, %broadcast_in_dim3A_1889 : vector<16xi1>, vector<16xi32>
    %add3A_1929 = arith.addi %add3A_1924, %select_n3A_1928 : vector<16xi32>
    %get3A_1930 = arith.constant 128 : index
    %get3A_1931 = tpu.vector_load %arg14[%get3A_1930] {strides = array<i32>} : memref<160xf32, #tpu.memory_space<vmem>>, vector<16xf32>,
    %ge3A_1932 = arith.cmpf oge, %get3A_1883, %get3A_1931 : vector<16xf32>
    %select_n3A_1933 = arith.select %ge3A_1932, %broadcast_in_dim3A_1887, %broadcast_in_dim3A_1889 : vector<16xi1>, vector<16xi32>
    %add3A_1934 = arith.addi %add3A_1929, %select_n3A_1933 : vector<16xi32>
    %get3A_1935 = arith.constant 144 : index
    %get3A_1936 = tpu.vector_load %arg14[%get3A_1935] {strides = array<i32>} : memref<160xf32, #tpu.memory_space<vmem>>, vector<16xf32>,
    %ge3A_1937 = arith.cmpf oge, %get3A_1883, %get3A_1936 : vector<16xf32>
    %select_n3A_1938 = arith.select %ge3A_1937, %broadcast_in_dim3A_1887, %broadcast_in_dim3A_1889 : vector<16xi1>, vector<16xi32>
    %add3A_1939 = arith.addi %add3A_1934, %select_n3A_1938 : vector<16xi32>
    %swap3A_1940 = arith.constant 416 : index
    %swap3A_1941 = tpu.vector_load %arg12[%swap3A_1940] {strides = array<i32>} : memref<512xi32, #tpu.memory_space<vmem>>, vector<16xi32>,
    tpu.vector_store %arg12[%swap3A_1940], %add3A_1939 {strides = array<i32>} : memref<512xi32, #tpu.memory_space<vmem>>, vector<16xi32>,
    %broadcast_in_dim3A_1942 = arith.constant 416 : i32
    %broadcast_in_dim3A_1943 = vector.broadcast %broadcast_in_dim3A_1942 : i32 to vector<16xi32>
    %add3A_1944 = arith.addi %iota3A, %broadcast_in_dim3A_1943 : vector<16xi32>
    %sub3A_1945 = arith.subf %get3A_1883, %get3A_3 : vector<16xf32>
    %mul3A_1946 = arith.mulf %sub3A_1945, %get3A_5 : vector<16xf32>
    tpu.vector_store_idx %arg13[%add3A_1944, %broadcast_in_dim3A_6], %mul3A_1946 : memref<512x1xf32, #tpu.memory_space<vmem>>[vector<16xi32>, vector<16xi32>], vector<16xf32>,
    %get3A_1947 = arith.constant 432 : index
    %get3A_1948 = tpu.vector_load %arg9[%get3A_1947] {strides = array<i32>} : memref<512xi32, #tpu.memory_space<vmem>>, vector<16xi32>,
    %add3A_1949 = arith.constant 1 : i32
    %add3A_1950 = vector.broadcast %add3A_1949 : i32 to vector<16xi32>
    %add3A_1951 = arith.addi %get3A_1948, %add3A_1950 : vector<16xi32>
    %swap3A_1952 = arith.constant 432 : index
    %swap3A_1953 = tpu.vector_load %arg11[%swap3A_1952] {strides = array<i32>} : memref<512xi32, #tpu.memory_space<vmem>>, vector<16xi32>,
    tpu.vector_store %arg11[%swap3A_1952], %add3A_1951 {strides = array<i32>} : memref<512xi32, #tpu.memory_space<vmem>>, vector<16xi32>,
    %get3A_1954 = arith.constant 432 : index
    %get3A_1955 = tpu.vector_load %arg10[%get3A_1954] {strides = array<i32>} : memref<512xf32, #tpu.memory_space<vmem>>, vector<16xf32>,
    %broadcast_in_dim3A_1956 = arith.constant 0 : i32
    %broadcast_in_dim3A_1957 = vector.broadcast %broadcast_in_dim3A_1956 : i32 to vector<16xi32>
    %broadcast_in_dim3A_1958 = arith.constant 1 : i32
    %broadcast_in_dim3A_1959 = vector.broadcast %broadcast_in_dim3A_1958 : i32 to vector<16xi32>
    %broadcast_in_dim3A_1960 = arith.constant 0 : i32
    %broadcast_in_dim3A_1961 = vector.broadcast %broadcast_in_dim3A_1960 : i32 to vector<16xi32>
    %get3A_1962 = arith.constant 0 : index
    %get3A_1963 = tpu.vector_load %arg14[%get3A_1962] {strides = array<i32>} : memref<160xf32, #tpu.memory_space<vmem>>, vector<16xf32>,
    %ge3A_1964 = arith.cmpf oge, %get3A_1955, %get3A_1963 : vector<16xf32>
    %select_n3A_1965 = arith.select %ge3A_1964, %broadcast_in_dim3A_1959, %broadcast_in_dim3A_1961 : vector<16xi1>, vector<16xi32>
    %add3A_1966 = arith.addi %broadcast_in_dim3A_1957, %select_n3A_1965 : vector<16xi32>
    %get3A_1967 = arith.constant 16 : index
    %get3A_1968 = tpu.vector_load %arg14[%get3A_1967] {strides = array<i32>} : memref<160xf32, #tpu.memory_space<vmem>>, vector<16xf32>,
    %ge3A_1969 = arith.cmpf oge, %get3A_1955, %get3A_1968 : vector<16xf32>
    %select_n3A_1970 = arith.select %ge3A_1969, %broadcast_in_dim3A_1959, %broadcast_in_dim3A_1961 : vector<16xi1>, vector<16xi32>
    %add3A_1971 = arith.addi %add3A_1966, %select_n3A_1970 : vector<16xi32>
    %get3A_1972 = arith.constant 32 : index
    %get3A_1973 = tpu.vector_load %arg14[%get3A_1972] {strides = array<i32>} : memref<160xf32, #tpu.memory_space<vmem>>, vector<16xf32>,
    %ge3A_1974 = arith.cmpf oge, %get3A_1955, %get3A_1973 : vector<16xf32>
    %select_n3A_1975 = arith.select %ge3A_1974, %broadcast_in_dim3A_1959, %broadcast_in_dim3A_1961 : vector<16xi1>, vector<16xi32>
    %add3A_1976 = arith.addi %add3A_1971, %select_n3A_1975 : vector<16xi32>
    %get3A_1977 = arith.constant 48 : index
    %get3A_1978 = tpu.vector_load %arg14[%get3A_1977] {strides = array<i32>} : memref<160xf32, #tpu.memory_space<vmem>>, vector<16xf32>,
    %ge3A_1979 = arith.cmpf oge, %get3A_1955, %get3A_1978 : vector<16xf32>
    %select_n3A_1980 = arith.select %ge3A_1979, %broadcast_in_dim3A_1959, %broadcast_in_dim3A_1961 : vector<16xi1>, vector<16xi32>
    %add3A_1981 = arith.addi %add3A_1976, %select_n3A_1980 : vector<16xi32>
    %get3A_1982 = arith.constant 64 : index
    %get3A_1983 = tpu.vector_load %arg14[%get3A_1982] {strides = array<i32>} : memref<160xf32, #tpu.memory_space<vmem>>, vector<16xf32>,
    %ge3A_1984 = arith.cmpf oge, %get3A_1955, %get3A_1983 : vector<16xf32>
    %select_n3A_1985 = arith.select %ge3A_1984, %broadcast_in_dim3A_1959, %broadcast_in_dim3A_1961 : vector<16xi1>, vector<16xi32>
    %add3A_1986 = arith.addi %add3A_1981, %select_n3A_1985 : vector<16xi32>
    %get3A_1987 = arith.constant 80 : index
    %get3A_1988 = tpu.vector_load %arg14[%get3A_1987] {strides = array<i32>} : memref<160xf32, #tpu.memory_space<vmem>>, vector<16xf32>,
    %ge3A_1989 = arith.cmpf oge, %get3A_1955, %get3A_1988 : vector<16xf32>
    %select_n3A_1990 = arith.select %ge3A_1989, %broadcast_in_dim3A_1959, %broadcast_in_dim3A_1961 : vector<16xi1>, vector<16xi32>
    %add3A_1991 = arith.addi %add3A_1986, %select_n3A_1990 : vector<16xi32>
    %get3A_1992 = arith.constant 96 : index
    %get3A_1993 = tpu.vector_load %arg14[%get3A_1992] {strides = array<i32>} : memref<160xf32, #tpu.memory_space<vmem>>, vector<16xf32>,
    %ge3A_1994 = arith.cmpf oge, %get3A_1955, %get3A_1993 : vector<16xf32>
    %select_n3A_1995 = arith.select %ge3A_1994, %broadcast_in_dim3A_1959, %broadcast_in_dim3A_1961 : vector<16xi1>, vector<16xi32>
    %add3A_1996 = arith.addi %add3A_1991, %select_n3A_1995 : vector<16xi32>
    %get3A_1997 = arith.constant 112 : index
    %get3A_1998 = tpu.vector_load %arg14[%get3A_1997] {strides = array<i32>} : memref<160xf32, #tpu.memory_space<vmem>>, vector<16xf32>,
    %ge3A_1999 = arith.cmpf oge, %get3A_1955, %get3A_1998 : vector<16xf32>
    %select_n3A_2000 = arith.select %ge3A_1999, %broadcast_in_dim3A_1959, %broadcast_in_dim3A_1961 : vector<16xi1>, vector<16xi32>
    %add3A_2001 = arith.addi %add3A_1996, %select_n3A_2000 : vector<16xi32>
    %get3A_2002 = arith.constant 128 : index
    %get3A_2003 = tpu.vector_load %arg14[%get3A_2002] {strides = array<i32>} : memref<160xf32, #tpu.memory_space<vmem>>, vector<16xf32>,
    %ge3A_2004 = arith.cmpf oge, %get3A_1955, %get3A_2003 : vector<16xf32>
    %select_n3A_2005 = arith.select %ge3A_2004, %broadcast_in_dim3A_1959, %broadcast_in_dim3A_1961 : vector<16xi1>, vector<16xi32>
    %add3A_2006 = arith.addi %add3A_2001, %select_n3A_2005 : vector<16xi32>
    %get3A_2007 = arith.constant 144 : index
    %get3A_2008 = tpu.vector_load %arg14[%get3A_2007] {strides = array<i32>} : memref<160xf32, #tpu.memory_space<vmem>>, vector<16xf32>,
    %ge3A_2009 = arith.cmpf oge, %get3A_1955, %get3A_2008 : vector<16xf32>
    %select_n3A_2010 = arith.select %ge3A_2009, %broadcast_in_dim3A_1959, %broadcast_in_dim3A_1961 : vector<16xi1>, vector<16xi32>
    %add3A_2011 = arith.addi %add3A_2006, %select_n3A_2010 : vector<16xi32>
    %swap3A_2012 = arith.constant 432 : index
    %swap3A_2013 = tpu.vector_load %arg12[%swap3A_2012] {strides = array<i32>} : memref<512xi32, #tpu.memory_space<vmem>>, vector<16xi32>,
    tpu.vector_store %arg12[%swap3A_2012], %add3A_2011 {strides = array<i32>} : memref<512xi32, #tpu.memory_space<vmem>>, vector<16xi32>,
    %broadcast_in_dim3A_2014 = arith.constant 432 : i32
    %broadcast_in_dim3A_2015 = vector.broadcast %broadcast_in_dim3A_2014 : i32 to vector<16xi32>
    %add3A_2016 = arith.addi %iota3A, %broadcast_in_dim3A_2015 : vector<16xi32>
    %sub3A_2017 = arith.subf %get3A_1955, %get3A_3 : vector<16xf32>
    %mul3A_2018 = arith.mulf %sub3A_2017, %get3A_5 : vector<16xf32>
    tpu.vector_store_idx %arg13[%add3A_2016, %broadcast_in_dim3A_6], %mul3A_2018 : memref<512x1xf32, #tpu.memory_space<vmem>>[vector<16xi32>, vector<16xi32>], vector<16xf32>,
    %get3A_2019 = arith.constant 448 : index
    %get3A_2020 = tpu.vector_load %arg9[%get3A_2019] {strides = array<i32>} : memref<512xi32, #tpu.memory_space<vmem>>, vector<16xi32>,
    %add3A_2021 = arith.constant 1 : i32
    %add3A_2022 = vector.broadcast %add3A_2021 : i32 to vector<16xi32>
    %add3A_2023 = arith.addi %get3A_2020, %add3A_2022 : vector<16xi32>
    %swap3A_2024 = arith.constant 448 : index
    %swap3A_2025 = tpu.vector_load %arg11[%swap3A_2024] {strides = array<i32>} : memref<512xi32, #tpu.memory_space<vmem>>, vector<16xi32>,
    tpu.vector_store %arg11[%swap3A_2024], %add3A_2023 {strides = array<i32>} : memref<512xi32, #tpu.memory_space<vmem>>, vector<16xi32>,
    %get3A_2026 = arith.constant 448 : index
    %get3A_2027 = tpu.vector_load %arg10[%get3A_2026] {strides = array<i32>} : memref<512xf32, #tpu.memory_space<vmem>>, vector<16xf32>,
    %broadcast_in_dim3A_2028 = arith.constant 0 : i32
    %broadcast_in_dim3A_2029 = vector.broadcast %broadcast_in_dim3A_2028 : i32 to vector<16xi32>
    %broadcast_in_dim3A_2030 = arith.constant 1 : i32
    %broadcast_in_dim3A_2031 = vector.broadcast %broadcast_in_dim3A_2030 : i32 to vector<16xi32>
    %broadcast_in_dim3A_2032 = arith.constant 0 : i32
    %broadcast_in_dim3A_2033 = vector.broadcast %broadcast_in_dim3A_2032 : i32 to vector<16xi32>
    %get3A_2034 = arith.constant 0 : index
    %get3A_2035 = tpu.vector_load %arg14[%get3A_2034] {strides = array<i32>} : memref<160xf32, #tpu.memory_space<vmem>>, vector<16xf32>,
    %ge3A_2036 = arith.cmpf oge, %get3A_2027, %get3A_2035 : vector<16xf32>
    %select_n3A_2037 = arith.select %ge3A_2036, %broadcast_in_dim3A_2031, %broadcast_in_dim3A_2033 : vector<16xi1>, vector<16xi32>
    %add3A_2038 = arith.addi %broadcast_in_dim3A_2029, %select_n3A_2037 : vector<16xi32>
    %get3A_2039 = arith.constant 16 : index
    %get3A_2040 = tpu.vector_load %arg14[%get3A_2039] {strides = array<i32>} : memref<160xf32, #tpu.memory_space<vmem>>, vector<16xf32>,
    %ge3A_2041 = arith.cmpf oge, %get3A_2027, %get3A_2040 : vector<16xf32>
    %select_n3A_2042 = arith.select %ge3A_2041, %broadcast_in_dim3A_2031, %broadcast_in_dim3A_2033 : vector<16xi1>, vector<16xi32>
    %add3A_2043 = arith.addi %add3A_2038, %select_n3A_2042 : vector<16xi32>
    %get3A_2044 = arith.constant 32 : index
    %get3A_2045 = tpu.vector_load %arg14[%get3A_2044] {strides = array<i32>} : memref<160xf32, #tpu.memory_space<vmem>>, vector<16xf32>,
    %ge3A_2046 = arith.cmpf oge, %get3A_2027, %get3A_2045 : vector<16xf32>
    %select_n3A_2047 = arith.select %ge3A_2046, %broadcast_in_dim3A_2031, %broadcast_in_dim3A_2033 : vector<16xi1>, vector<16xi32>
    %add3A_2048 = arith.addi %add3A_2043, %select_n3A_2047 : vector<16xi32>
    %get3A_2049 = arith.constant 48 : index
    %get3A_2050 = tpu.vector_load %arg14[%get3A_2049] {strides = array<i32>} : memref<160xf32, #tpu.memory_space<vmem>>, vector<16xf32>,
    %ge3A_2051 = arith.cmpf oge, %get3A_2027, %get3A_2050 : vector<16xf32>
    %select_n3A_2052 = arith.select %ge3A_2051, %broadcast_in_dim3A_2031, %broadcast_in_dim3A_2033 : vector<16xi1>, vector<16xi32>
    %add3A_2053 = arith.addi %add3A_2048, %select_n3A_2052 : vector<16xi32>
    %get3A_2054 = arith.constant 64 : index
    %get3A_2055 = tpu.vector_load %arg14[%get3A_2054] {strides = array<i32>} : memref<160xf32, #tpu.memory_space<vmem>>, vector<16xf32>,
    %ge3A_2056 = arith.cmpf oge, %get3A_2027, %get3A_2055 : vector<16xf32>
    %select_n3A_2057 = arith.select %ge3A_2056, %broadcast_in_dim3A_2031, %broadcast_in_dim3A_2033 : vector<16xi1>, vector<16xi32>
    %add3A_2058 = arith.addi %add3A_2053, %select_n3A_2057 : vector<16xi32>
    %get3A_2059 = arith.constant 80 : index
    %get3A_2060 = tpu.vector_load %arg14[%get3A_2059] {strides = array<i32>} : memref<160xf32, #tpu.memory_space<vmem>>, vector<16xf32>,
    %ge3A_2061 = arith.cmpf oge, %get3A_2027, %get3A_2060 : vector<16xf32>
    %select_n3A_2062 = arith.select %ge3A_2061, %broadcast_in_dim3A_2031, %broadcast_in_dim3A_2033 : vector<16xi1>, vector<16xi32>
    %add3A_2063 = arith.addi %add3A_2058, %select_n3A_2062 : vector<16xi32>
    %get3A_2064 = arith.constant 96 : index
    %get3A_2065 = tpu.vector_load %arg14[%get3A_2064] {strides = array<i32>} : memref<160xf32, #tpu.memory_space<vmem>>, vector<16xf32>,
    %ge3A_2066 = arith.cmpf oge, %get3A_2027, %get3A_2065 : vector<16xf32>
    %select_n3A_2067 = arith.select %ge3A_2066, %broadcast_in_dim3A_2031, %broadcast_in_dim3A_2033 : vector<16xi1>, vector<16xi32>
    %add3A_2068 = arith.addi %add3A_2063, %select_n3A_2067 : vector<16xi32>
    %get3A_2069 = arith.constant 112 : index
    %get3A_2070 = tpu.vector_load %arg14[%get3A_2069] {strides = array<i32>} : memref<160xf32, #tpu.memory_space<vmem>>, vector<16xf32>,
    %ge3A_2071 = arith.cmpf oge, %get3A_2027, %get3A_2070 : vector<16xf32>
    %select_n3A_2072 = arith.select %ge3A_2071, %broadcast_in_dim3A_2031, %broadcast_in_dim3A_2033 : vector<16xi1>, vector<16xi32>
    %add3A_2073 = arith.addi %add3A_2068, %select_n3A_2072 : vector<16xi32>
    %get3A_2074 = arith.constant 128 : index
    %get3A_2075 = tpu.vector_load %arg14[%get3A_2074] {strides = array<i32>} : memref<160xf32, #tpu.memory_space<vmem>>, vector<16xf32>,
    %ge3A_2076 = arith.cmpf oge, %get3A_2027, %get3A_2075 : vector<16xf32>
    %select_n3A_2077 = arith.select %ge3A_2076, %broadcast_in_dim3A_2031, %broadcast_in_dim3A_2033 : vector<16xi1>, vector<16xi32>
    %add3A_2078 = arith.addi %add3A_2073, %select_n3A_2077 : vector<16xi32>
    %get3A_2079 = arith.constant 144 : index
    %get3A_2080 = tpu.vector_load %arg14[%get3A_2079] {strides = array<i32>} : memref<160xf32, #tpu.memory_space<vmem>>, vector<16xf32>,
    %ge3A_2081 = arith.cmpf oge, %get3A_2027, %get3A_2080 : vector<16xf32>
    %select_n3A_2082 = arith.select %ge3A_2081, %broadcast_in_dim3A_2031, %broadcast_in_dim3A_2033 : vector<16xi1>, vector<16xi32>
    %add3A_2083 = arith.addi %add3A_2078, %select_n3A_2082 : vector<16xi32>
    %swap3A_2084 = arith.constant 448 : index
    %swap3A_2085 = tpu.vector_load %arg12[%swap3A_2084] {strides = array<i32>} : memref<512xi32, #tpu.memory_space<vmem>>, vector<16xi32>,
    tpu.vector_store %arg12[%swap3A_2084], %add3A_2083 {strides = array<i32>} : memref<512xi32, #tpu.memory_space<vmem>>, vector<16xi32>,
    %broadcast_in_dim3A_2086 = arith.constant 448 : i32
    %broadcast_in_dim3A_2087 = vector.broadcast %broadcast_in_dim3A_2086 : i32 to vector<16xi32>
    %add3A_2088 = arith.addi %iota3A, %broadcast_in_dim3A_2087 : vector<16xi32>
    %sub3A_2089 = arith.subf %get3A_2027, %get3A_3 : vector<16xf32>
    %mul3A_2090 = arith.mulf %sub3A_2089, %get3A_5 : vector<16xf32>
    tpu.vector_store_idx %arg13[%add3A_2088, %broadcast_in_dim3A_6], %mul3A_2090 : memref<512x1xf32, #tpu.memory_space<vmem>>[vector<16xi32>, vector<16xi32>], vector<16xf32>,
    %get3A_2091 = arith.constant 464 : index
    %get3A_2092 = tpu.vector_load %arg9[%get3A_2091] {strides = array<i32>} : memref<512xi32, #tpu.memory_space<vmem>>, vector<16xi32>,
    %add3A_2093 = arith.constant 1 : i32
    %add3A_2094 = vector.broadcast %add3A_2093 : i32 to vector<16xi32>
    %add3A_2095 = arith.addi %get3A_2092, %add3A_2094 : vector<16xi32>
    %swap3A_2096 = arith.constant 464 : index
    %swap3A_2097 = tpu.vector_load %arg11[%swap3A_2096] {strides = array<i32>} : memref<512xi32, #tpu.memory_space<vmem>>, vector<16xi32>,
    tpu.vector_store %arg11[%swap3A_2096], %add3A_2095 {strides = array<i32>} : memref<512xi32, #tpu.memory_space<vmem>>, vector<16xi32>,
    %get3A_2098 = arith.constant 464 : index
    %get3A_2099 = tpu.vector_load %arg10[%get3A_2098] {strides = array<i32>} : memref<512xf32, #tpu.memory_space<vmem>>, vector<16xf32>,
    %broadcast_in_dim3A_2100 = arith.constant 0 : i32
    %broadcast_in_dim3A_2101 = vector.broadcast %broadcast_in_dim3A_2100 : i32 to vector<16xi32>
    %broadcast_in_dim3A_2102 = arith.constant 1 : i32
    %broadcast_in_dim3A_2103 = vector.broadcast %broadcast_in_dim3A_2102 : i32 to vector<16xi32>
    %broadcast_in_dim3A_2104 = arith.constant 0 : i32
    %broadcast_in_dim3A_2105 = vector.broadcast %broadcast_in_dim3A_2104 : i32 to vector<16xi32>
    %get3A_2106 = arith.constant 0 : index
    %get3A_2107 = tpu.vector_load %arg14[%get3A_2106] {strides = array<i32>} : memref<160xf32, #tpu.memory_space<vmem>>, vector<16xf32>,
    %ge3A_2108 = arith.cmpf oge, %get3A_2099, %get3A_2107 : vector<16xf32>
    %select_n3A_2109 = arith.select %ge3A_2108, %broadcast_in_dim3A_2103, %broadcast_in_dim3A_2105 : vector<16xi1>, vector<16xi32>
    %add3A_2110 = arith.addi %broadcast_in_dim3A_2101, %select_n3A_2109 : vector<16xi32>
    %get3A_2111 = arith.constant 16 : index
    %get3A_2112 = tpu.vector_load %arg14[%get3A_2111] {strides = array<i32>} : memref<160xf32, #tpu.memory_space<vmem>>, vector<16xf32>,
    %ge3A_2113 = arith.cmpf oge, %get3A_2099, %get3A_2112 : vector<16xf32>
    %select_n3A_2114 = arith.select %ge3A_2113, %broadcast_in_dim3A_2103, %broadcast_in_dim3A_2105 : vector<16xi1>, vector<16xi32>
    %add3A_2115 = arith.addi %add3A_2110, %select_n3A_2114 : vector<16xi32>
    %get3A_2116 = arith.constant 32 : index
    %get3A_2117 = tpu.vector_load %arg14[%get3A_2116] {strides = array<i32>} : memref<160xf32, #tpu.memory_space<vmem>>, vector<16xf32>,
    %ge3A_2118 = arith.cmpf oge, %get3A_2099, %get3A_2117 : vector<16xf32>
    %select_n3A_2119 = arith.select %ge3A_2118, %broadcast_in_dim3A_2103, %broadcast_in_dim3A_2105 : vector<16xi1>, vector<16xi32>
    %add3A_2120 = arith.addi %add3A_2115, %select_n3A_2119 : vector<16xi32>
    %get3A_2121 = arith.constant 48 : index
    %get3A_2122 = tpu.vector_load %arg14[%get3A_2121] {strides = array<i32>} : memref<160xf32, #tpu.memory_space<vmem>>, vector<16xf32>,
    %ge3A_2123 = arith.cmpf oge, %get3A_2099, %get3A_2122 : vector<16xf32>
    %select_n3A_2124 = arith.select %ge3A_2123, %broadcast_in_dim3A_2103, %broadcast_in_dim3A_2105 : vector<16xi1>, vector<16xi32>
    %add3A_2125 = arith.addi %add3A_2120, %select_n3A_2124 : vector<16xi32>
    %get3A_2126 = arith.constant 64 : index
    %get3A_2127 = tpu.vector_load %arg14[%get3A_2126] {strides = array<i32>} : memref<160xf32, #tpu.memory_space<vmem>>, vector<16xf32>,
    %ge3A_2128 = arith.cmpf oge, %get3A_2099, %get3A_2127 : vector<16xf32>
    %select_n3A_2129 = arith.select %ge3A_2128, %broadcast_in_dim3A_2103, %broadcast_in_dim3A_2105 : vector<16xi1>, vector<16xi32>
    %add3A_2130 = arith.addi %add3A_2125, %select_n3A_2129 : vector<16xi32>
    %get3A_2131 = arith.constant 80 : index
    %get3A_2132 = tpu.vector_load %arg14[%get3A_2131] {strides = array<i32>} : memref<160xf32, #tpu.memory_space<vmem>>, vector<16xf32>,
    %ge3A_2133 = arith.cmpf oge, %get3A_2099, %get3A_2132 : vector<16xf32>
    %select_n3A_2134 = arith.select %ge3A_2133, %broadcast_in_dim3A_2103, %broadcast_in_dim3A_2105 : vector<16xi1>, vector<16xi32>
    %add3A_2135 = arith.addi %add3A_2130, %select_n3A_2134 : vector<16xi32>
    %get3A_2136 = arith.constant 96 : index
    %get3A_2137 = tpu.vector_load %arg14[%get3A_2136] {strides = array<i32>} : memref<160xf32, #tpu.memory_space<vmem>>, vector<16xf32>,
    %ge3A_2138 = arith.cmpf oge, %get3A_2099, %get3A_2137 : vector<16xf32>
    %select_n3A_2139 = arith.select %ge3A_2138, %broadcast_in_dim3A_2103, %broadcast_in_dim3A_2105 : vector<16xi1>, vector<16xi32>
    %add3A_2140 = arith.addi %add3A_2135, %select_n3A_2139 : vector<16xi32>
    %get3A_2141 = arith.constant 112 : index
    %get3A_2142 = tpu.vector_load %arg14[%get3A_2141] {strides = array<i32>} : memref<160xf32, #tpu.memory_space<vmem>>, vector<16xf32>,
    %ge3A_2143 = arith.cmpf oge, %get3A_2099, %get3A_2142 : vector<16xf32>
    %select_n3A_2144 = arith.select %ge3A_2143, %broadcast_in_dim3A_2103, %broadcast_in_dim3A_2105 : vector<16xi1>, vector<16xi32>
    %add3A_2145 = arith.addi %add3A_2140, %select_n3A_2144 : vector<16xi32>
    %get3A_2146 = arith.constant 128 : index
    %get3A_2147 = tpu.vector_load %arg14[%get3A_2146] {strides = array<i32>} : memref<160xf32, #tpu.memory_space<vmem>>, vector<16xf32>,
    %ge3A_2148 = arith.cmpf oge, %get3A_2099, %get3A_2147 : vector<16xf32>
    %select_n3A_2149 = arith.select %ge3A_2148, %broadcast_in_dim3A_2103, %broadcast_in_dim3A_2105 : vector<16xi1>, vector<16xi32>
    %add3A_2150 = arith.addi %add3A_2145, %select_n3A_2149 : vector<16xi32>
    %get3A_2151 = arith.constant 144 : index
    %get3A_2152 = tpu.vector_load %arg14[%get3A_2151] {strides = array<i32>} : memref<160xf32, #tpu.memory_space<vmem>>, vector<16xf32>,
    %ge3A_2153 = arith.cmpf oge, %get3A_2099, %get3A_2152 : vector<16xf32>
    %select_n3A_2154 = arith.select %ge3A_2153, %broadcast_in_dim3A_2103, %broadcast_in_dim3A_2105 : vector<16xi1>, vector<16xi32>
    %add3A_2155 = arith.addi %add3A_2150, %select_n3A_2154 : vector<16xi32>
    %swap3A_2156 = arith.constant 464 : index
    %swap3A_2157 = tpu.vector_load %arg12[%swap3A_2156] {strides = array<i32>} : memref<512xi32, #tpu.memory_space<vmem>>, vector<16xi32>,
    tpu.vector_store %arg12[%swap3A_2156], %add3A_2155 {strides = array<i32>} : memref<512xi32, #tpu.memory_space<vmem>>, vector<16xi32>,
    %broadcast_in_dim3A_2158 = arith.constant 464 : i32
    %broadcast_in_dim3A_2159 = vector.broadcast %broadcast_in_dim3A_2158 : i32 to vector<16xi32>
    %add3A_2160 = arith.addi %iota3A, %broadcast_in_dim3A_2159 : vector<16xi32>
    %sub3A_2161 = arith.subf %get3A_2099, %get3A_3 : vector<16xf32>
    %mul3A_2162 = arith.mulf %sub3A_2161, %get3A_5 : vector<16xf32>
    tpu.vector_store_idx %arg13[%add3A_2160, %broadcast_in_dim3A_6], %mul3A_2162 : memref<512x1xf32, #tpu.memory_space<vmem>>[vector<16xi32>, vector<16xi32>], vector<16xf32>,
    %get3A_2163 = arith.constant 480 : index
    %get3A_2164 = tpu.vector_load %arg9[%get3A_2163] {strides = array<i32>} : memref<512xi32, #tpu.memory_space<vmem>>, vector<16xi32>,
    %add3A_2165 = arith.constant 1 : i32
    %add3A_2166 = vector.broadcast %add3A_2165 : i32 to vector<16xi32>
    %add3A_2167 = arith.addi %get3A_2164, %add3A_2166 : vector<16xi32>
    %swap3A_2168 = arith.constant 480 : index
    %swap3A_2169 = tpu.vector_load %arg11[%swap3A_2168] {strides = array<i32>} : memref<512xi32, #tpu.memory_space<vmem>>, vector<16xi32>,
    tpu.vector_store %arg11[%swap3A_2168], %add3A_2167 {strides = array<i32>} : memref<512xi32, #tpu.memory_space<vmem>>, vector<16xi32>,
    %get3A_2170 = arith.constant 480 : index
    %get3A_2171 = tpu.vector_load %arg10[%get3A_2170] {strides = array<i32>} : memref<512xf32, #tpu.memory_space<vmem>>, vector<16xf32>,
    %broadcast_in_dim3A_2172 = arith.constant 0 : i32
    %broadcast_in_dim3A_2173 = vector.broadcast %broadcast_in_dim3A_2172 : i32 to vector<16xi32>
    %broadcast_in_dim3A_2174 = arith.constant 1 : i32
    %broadcast_in_dim3A_2175 = vector.broadcast %broadcast_in_dim3A_2174 : i32 to vector<16xi32>
    %broadcast_in_dim3A_2176 = arith.constant 0 : i32
    %broadcast_in_dim3A_2177 = vector.broadcast %broadcast_in_dim3A_2176 : i32 to vector<16xi32>
    %get3A_2178 = arith.constant 0 : index
    %get3A_2179 = tpu.vector_load %arg14[%get3A_2178] {strides = array<i32>} : memref<160xf32, #tpu.memory_space<vmem>>, vector<16xf32>,
    %ge3A_2180 = arith.cmpf oge, %get3A_2171, %get3A_2179 : vector<16xf32>
    %select_n3A_2181 = arith.select %ge3A_2180, %broadcast_in_dim3A_2175, %broadcast_in_dim3A_2177 : vector<16xi1>, vector<16xi32>
    %add3A_2182 = arith.addi %broadcast_in_dim3A_2173, %select_n3A_2181 : vector<16xi32>
    %get3A_2183 = arith.constant 16 : index
    %get3A_2184 = tpu.vector_load %arg14[%get3A_2183] {strides = array<i32>} : memref<160xf32, #tpu.memory_space<vmem>>, vector<16xf32>,
    %ge3A_2185 = arith.cmpf oge, %get3A_2171, %get3A_2184 : vector<16xf32>
    %select_n3A_2186 = arith.select %ge3A_2185, %broadcast_in_dim3A_2175, %broadcast_in_dim3A_2177 : vector<16xi1>, vector<16xi32>
    %add3A_2187 = arith.addi %add3A_2182, %select_n3A_2186 : vector<16xi32>
    %get3A_2188 = arith.constant 32 : index
    %get3A_2189 = tpu.vector_load %arg14[%get3A_2188] {strides = array<i32>} : memref<160xf32, #tpu.memory_space<vmem>>, vector<16xf32>,
    %ge3A_2190 = arith.cmpf oge, %get3A_2171, %get3A_2189 : vector<16xf32>
    %select_n3A_2191 = arith.select %ge3A_2190, %broadcast_in_dim3A_2175, %broadcast_in_dim3A_2177 : vector<16xi1>, vector<16xi32>
    %add3A_2192 = arith.addi %add3A_2187, %select_n3A_2191 : vector<16xi32>
    %get3A_2193 = arith.constant 48 : index
    %get3A_2194 = tpu.vector_load %arg14[%get3A_2193] {strides = array<i32>} : memref<160xf32, #tpu.memory_space<vmem>>, vector<16xf32>,
    %ge3A_2195 = arith.cmpf oge, %get3A_2171, %get3A_2194 : vector<16xf32>
    %select_n3A_2196 = arith.select %ge3A_2195, %broadcast_in_dim3A_2175, %broadcast_in_dim3A_2177 : vector<16xi1>, vector<16xi32>
    %add3A_2197 = arith.addi %add3A_2192, %select_n3A_2196 : vector<16xi32>
    %get3A_2198 = arith.constant 64 : index
    %get3A_2199 = tpu.vector_load %arg14[%get3A_2198] {strides = array<i32>} : memref<160xf32, #tpu.memory_space<vmem>>, vector<16xf32>,
    %ge3A_2200 = arith.cmpf oge, %get3A_2171, %get3A_2199 : vector<16xf32>
    %select_n3A_2201 = arith.select %ge3A_2200, %broadcast_in_dim3A_2175, %broadcast_in_dim3A_2177 : vector<16xi1>, vector<16xi32>
    %add3A_2202 = arith.addi %add3A_2197, %select_n3A_2201 : vector<16xi32>
    %get3A_2203 = arith.constant 80 : index
    %get3A_2204 = tpu.vector_load %arg14[%get3A_2203] {strides = array<i32>} : memref<160xf32, #tpu.memory_space<vmem>>, vector<16xf32>,
    %ge3A_2205 = arith.cmpf oge, %get3A_2171, %get3A_2204 : vector<16xf32>
    %select_n3A_2206 = arith.select %ge3A_2205, %broadcast_in_dim3A_2175, %broadcast_in_dim3A_2177 : vector<16xi1>, vector<16xi32>
    %add3A_2207 = arith.addi %add3A_2202, %select_n3A_2206 : vector<16xi32>
    %get3A_2208 = arith.constant 96 : index
    %get3A_2209 = tpu.vector_load %arg14[%get3A_2208] {strides = array<i32>} : memref<160xf32, #tpu.memory_space<vmem>>, vector<16xf32>,
    %ge3A_2210 = arith.cmpf oge, %get3A_2171, %get3A_2209 : vector<16xf32>
    %select_n3A_2211 = arith.select %ge3A_2210, %broadcast_in_dim3A_2175, %broadcast_in_dim3A_2177 : vector<16xi1>, vector<16xi32>
    %add3A_2212 = arith.addi %add3A_2207, %select_n3A_2211 : vector<16xi32>
    %get3A_2213 = arith.constant 112 : index
    %get3A_2214 = tpu.vector_load %arg14[%get3A_2213] {strides = array<i32>} : memref<160xf32, #tpu.memory_space<vmem>>, vector<16xf32>,
    %ge3A_2215 = arith.cmpf oge, %get3A_2171, %get3A_2214 : vector<16xf32>
    %select_n3A_2216 = arith.select %ge3A_2215, %broadcast_in_dim3A_2175, %broadcast_in_dim3A_2177 : vector<16xi1>, vector<16xi32>
    %add3A_2217 = arith.addi %add3A_2212, %select_n3A_2216 : vector<16xi32>
    %get3A_2218 = arith.constant 128 : index
    %get3A_2219 = tpu.vector_load %arg14[%get3A_2218] {strides = array<i32>} : memref<160xf32, #tpu.memory_space<vmem>>, vector<16xf32>,
    %ge3A_2220 = arith.cmpf oge, %get3A_2171, %get3A_2219 : vector<16xf32>
    %select_n3A_2221 = arith.select %ge3A_2220, %broadcast_in_dim3A_2175, %broadcast_in_dim3A_2177 : vector<16xi1>, vector<16xi32>
    %add3A_2222 = arith.addi %add3A_2217, %select_n3A_2221 : vector<16xi32>
    %get3A_2223 = arith.constant 144 : index
    %get3A_2224 = tpu.vector_load %arg14[%get3A_2223] {strides = array<i32>} : memref<160xf32, #tpu.memory_space<vmem>>, vector<16xf32>,
    %ge3A_2225 = arith.cmpf oge, %get3A_2171, %get3A_2224 : vector<16xf32>
    %select_n3A_2226 = arith.select %ge3A_2225, %broadcast_in_dim3A_2175, %broadcast_in_dim3A_2177 : vector<16xi1>, vector<16xi32>
    %add3A_2227 = arith.addi %add3A_2222, %select_n3A_2226 : vector<16xi32>
    %swap3A_2228 = arith.constant 480 : index
    %swap3A_2229 = tpu.vector_load %arg12[%swap3A_2228] {strides = array<i32>} : memref<512xi32, #tpu.memory_space<vmem>>, vector<16xi32>,
    tpu.vector_store %arg12[%swap3A_2228], %add3A_2227 {strides = array<i32>} : memref<512xi32, #tpu.memory_space<vmem>>, vector<16xi32>,
    %broadcast_in_dim3A_2230 = arith.constant 480 : i32
    %broadcast_in_dim3A_2231 = vector.broadcast %broadcast_in_dim3A_2230 : i32 to vector<16xi32>
    %add3A_2232 = arith.addi %iota3A, %broadcast_in_dim3A_2231 : vector<16xi32>
    %sub3A_2233 = arith.subf %get3A_2171, %get3A_3 : vector<16xf32>
    %mul3A_2234 = arith.mulf %sub3A_2233, %get3A_5 : vector<16xf32>
    tpu.vector_store_idx %arg13[%add3A_2232, %broadcast_in_dim3A_6], %mul3A_2234 : memref<512x1xf32, #tpu.memory_space<vmem>>[vector<16xi32>, vector<16xi32>], vector<16xf32>,
    %get3A_2235 = arith.constant 496 : index
    %get3A_2236 = tpu.vector_load %arg9[%get3A_2235] {strides = array<i32>} : memref<512xi32, #tpu.memory_space<vmem>>, vector<16xi32>,
    %add3A_2237 = arith.constant 1 : i32
    %add3A_2238 = vector.broadcast %add3A_2237 : i32 to vector<16xi32>
    %add3A_2239 = arith.addi %get3A_2236, %add3A_2238 : vector<16xi32>
    %swap3A_2240 = arith.constant 496 : index
    %swap3A_2241 = tpu.vector_load %arg11[%swap3A_2240] {strides = array<i32>} : memref<512xi32, #tpu.memory_space<vmem>>, vector<16xi32>,
    tpu.vector_store %arg11[%swap3A_2240], %add3A_2239 {strides = array<i32>} : memref<512xi32, #tpu.memory_space<vmem>>, vector<16xi32>,
    %get3A_2242 = arith.constant 496 : index
    %get3A_2243 = tpu.vector_load %arg10[%get3A_2242] {strides = array<i32>} : memref<512xf32, #tpu.memory_space<vmem>>, vector<16xf32>,
    %broadcast_in_dim3A_2244 = arith.constant 0 : i32
    %broadcast_in_dim3A_2245 = vector.broadcast %broadcast_in_dim3A_2244 : i32 to vector<16xi32>
    %broadcast_in_dim3A_2246 = arith.constant 1 : i32
    %broadcast_in_dim3A_2247 = vector.broadcast %broadcast_in_dim3A_2246 : i32 to vector<16xi32>
    %broadcast_in_dim3A_2248 = arith.constant 0 : i32
    %broadcast_in_dim3A_2249 = vector.broadcast %broadcast_in_dim3A_2248 : i32 to vector<16xi32>
    %get3A_2250 = arith.constant 0 : index
    %get3A_2251 = tpu.vector_load %arg14[%get3A_2250] {strides = array<i32>} : memref<160xf32, #tpu.memory_space<vmem>>, vector<16xf32>,
    %ge3A_2252 = arith.cmpf oge, %get3A_2243, %get3A_2251 : vector<16xf32>
    %select_n3A_2253 = arith.select %ge3A_2252, %broadcast_in_dim3A_2247, %broadcast_in_dim3A_2249 : vector<16xi1>, vector<16xi32>
    %add3A_2254 = arith.addi %broadcast_in_dim3A_2245, %select_n3A_2253 : vector<16xi32>
    %get3A_2255 = arith.constant 16 : index
    %get3A_2256 = tpu.vector_load %arg14[%get3A_2255] {strides = array<i32>} : memref<160xf32, #tpu.memory_space<vmem>>, vector<16xf32>,
    %ge3A_2257 = arith.cmpf oge, %get3A_2243, %get3A_2256 : vector<16xf32>
    %select_n3A_2258 = arith.select %ge3A_2257, %broadcast_in_dim3A_2247, %broadcast_in_dim3A_2249 : vector<16xi1>, vector<16xi32>
    %add3A_2259 = arith.addi %add3A_2254, %select_n3A_2258 : vector<16xi32>
    %get3A_2260 = arith.constant 32 : index
    %get3A_2261 = tpu.vector_load %arg14[%get3A_2260] {strides = array<i32>} : memref<160xf32, #tpu.memory_space<vmem>>, vector<16xf32>,
    %ge3A_2262 = arith.cmpf oge, %get3A_2243, %get3A_2261 : vector<16xf32>
    %select_n3A_2263 = arith.select %ge3A_2262, %broadcast_in_dim3A_2247, %broadcast_in_dim3A_2249 : vector<16xi1>, vector<16xi32>
    %add3A_2264 = arith.addi %add3A_2259, %select_n3A_2263 : vector<16xi32>
    %get3A_2265 = arith.constant 48 : index
    %get3A_2266 = tpu.vector_load %arg14[%get3A_2265] {strides = array<i32>} : memref<160xf32, #tpu.memory_space<vmem>>, vector<16xf32>,
    %ge3A_2267 = arith.cmpf oge, %get3A_2243, %get3A_2266 : vector<16xf32>
    %select_n3A_2268 = arith.select %ge3A_2267, %broadcast_in_dim3A_2247, %broadcast_in_dim3A_2249 : vector<16xi1>, vector<16xi32>
    %add3A_2269 = arith.addi %add3A_2264, %select_n3A_2268 : vector<16xi32>
    %get3A_2270 = arith.constant 64 : index
    %get3A_2271 = tpu.vector_load %arg14[%get3A_2270] {strides = array<i32>} : memref<160xf32, #tpu.memory_space<vmem>>, vector<16xf32>,
    %ge3A_2272 = arith.cmpf oge, %get3A_2243, %get3A_2271 : vector<16xf32>
    %select_n3A_2273 = arith.select %ge3A_2272, %broadcast_in_dim3A_2247, %broadcast_in_dim3A_2249 : vector<16xi1>, vector<16xi32>
    %add3A_2274 = arith.addi %add3A_2269, %select_n3A_2273 : vector<16xi32>
    %get3A_2275 = arith.constant 80 : index
    %get3A_2276 = tpu.vector_load %arg14[%get3A_2275] {strides = array<i32>} : memref<160xf32, #tpu.memory_space<vmem>>, vector<16xf32>,
    %ge3A_2277 = arith.cmpf oge, %get3A_2243, %get3A_2276 : vector<16xf32>
    %select_n3A_2278 = arith.select %ge3A_2277, %broadcast_in_dim3A_2247, %broadcast_in_dim3A_2249 : vector<16xi1>, vector<16xi32>
    %add3A_2279 = arith.addi %add3A_2274, %select_n3A_2278 : vector<16xi32>
    %get3A_2280 = arith.constant 96 : index
    %get3A_2281 = tpu.vector_load %arg14[%get3A_2280] {strides = array<i32>} : memref<160xf32, #tpu.memory_space<vmem>>, vector<16xf32>,
    %ge3A_2282 = arith.cmpf oge, %get3A_2243, %get3A_2281 : vector<16xf32>
    %select_n3A_2283 = arith.select %ge3A_2282, %broadcast_in_dim3A_2247, %broadcast_in_dim3A_2249 : vector<16xi1>, vector<16xi32>
    %add3A_2284 = arith.addi %add3A_2279, %select_n3A_2283 : vector<16xi32>
    %get3A_2285 = arith.constant 112 : index
    %get3A_2286 = tpu.vector_load %arg14[%get3A_2285] {strides = array<i32>} : memref<160xf32, #tpu.memory_space<vmem>>, vector<16xf32>,
    %ge3A_2287 = arith.cmpf oge, %get3A_2243, %get3A_2286 : vector<16xf32>
    %select_n3A_2288 = arith.select %ge3A_2287, %broadcast_in_dim3A_2247, %broadcast_in_dim3A_2249 : vector<16xi1>, vector<16xi32>
    %add3A_2289 = arith.addi %add3A_2284, %select_n3A_2288 : vector<16xi32>
    %get3A_2290 = arith.constant 128 : index
    %get3A_2291 = tpu.vector_load %arg14[%get3A_2290] {strides = array<i32>} : memref<160xf32, #tpu.memory_space<vmem>>, vector<16xf32>,
    %ge3A_2292 = arith.cmpf oge, %get3A_2243, %get3A_2291 : vector<16xf32>
    %select_n3A_2293 = arith.select %ge3A_2292, %broadcast_in_dim3A_2247, %broadcast_in_dim3A_2249 : vector<16xi1>, vector<16xi32>
    %add3A_2294 = arith.addi %add3A_2289, %select_n3A_2293 : vector<16xi32>
    %get3A_2295 = arith.constant 144 : index
    %get3A_2296 = tpu.vector_load %arg14[%get3A_2295] {strides = array<i32>} : memref<160xf32, #tpu.memory_space<vmem>>, vector<16xf32>,
    %ge3A_2297 = arith.cmpf oge, %get3A_2243, %get3A_2296 : vector<16xf32>
    %select_n3A_2298 = arith.select %ge3A_2297, %broadcast_in_dim3A_2247, %broadcast_in_dim3A_2249 : vector<16xi1>, vector<16xi32>
    %add3A_2299 = arith.addi %add3A_2294, %select_n3A_2298 : vector<16xi32>
    %swap3A_2300 = arith.constant 496 : index
    %swap3A_2301 = tpu.vector_load %arg12[%swap3A_2300] {strides = array<i32>} : memref<512xi32, #tpu.memory_space<vmem>>, vector<16xi32>,
    tpu.vector_store %arg12[%swap3A_2300], %add3A_2299 {strides = array<i32>} : memref<512xi32, #tpu.memory_space<vmem>>, vector<16xi32>,
    %broadcast_in_dim3A_2302 = arith.constant 496 : i32
    %broadcast_in_dim3A_2303 = vector.broadcast %broadcast_in_dim3A_2302 : i32 to vector<16xi32>
    %add3A_2304 = arith.addi %iota3A, %broadcast_in_dim3A_2303 : vector<16xi32>
    %sub3A_2305 = arith.subf %get3A_2243, %get3A_3 : vector<16xf32>
    %mul3A_2306 = arith.mulf %sub3A_2305, %get3A_5 : vector<16xf32>
    tpu.vector_store_idx %arg13[%add3A_2304, %broadcast_in_dim3A_6], %mul3A_2306 : memref<512x1xf32, #tpu.memory_space<vmem>>[vector<16xi32>, vector<16xi32>], vector<16xf32>,
    %dma_start3A = arith.constant 0 : i32
    %dma_start3A_2307 = arith.constant 0 : i32
    %dma_start3A_2308 = tpu.memref_slice %arg16[%dma_start3A, %dma_start3A_2307] : memref<512x64xf32, #tpu.memory_space<vmem>> -> memref<128x64xf32, #tpu.memory_space<vmem>>
    %dma_start3A_2309 = arith.constant 0 : i32
    %dma_start3A_2310 = tpu.memref_slice %arg11[%dma_start3A_2309] : memref<512xi32, #tpu.memory_space<vmem>> -> memref<128xi32, #tpu.memory_space<vmem>>
    %dma_start3A_2311 = arith.constant 0 : i32
    %dma_start3A_2312 = arith.constant 0 : i32
    %dma_start3A_2313 = tpu.memref_slice %arg4[%dma_start3A_2311, %dma_start3A_2312] : memref<1000001x64xf32, #tpu.memory_space<hbm>> -> memref<1000001x64xf32, #tpu.memory_space<hbm>>
    tpu.enqueue_indirect_dma source(%dma_start3A_2313 : memref<1000001x64xf32, #tpu.memory_space<hbm>>) target(%dma_start3A_2308 : memref<128x64xf32, #tpu.memory_space<vmem>>) offsets(%dma_start3A_2310 : memref<128xi32, #tpu.memory_space<vmem>>) semaphore(%arg18 : memref<!tpu.dma_semaphore, #tpu.memory_space<semaphore_mem>>)
    %dma_start3A_2314 = arith.constant 0 : i32
    %dma_start3A_2315 = arith.constant 0 : i32
    %dma_start3A_2316 = tpu.memref_slice %arg17[%dma_start3A_2314, %dma_start3A_2315] : memref<512x64xf32, #tpu.memory_space<vmem>> -> memref<128x64xf32, #tpu.memory_space<vmem>>
    %dma_start3A_2317 = arith.constant 0 : i32
    %dma_start3A_2318 = tpu.memref_slice %arg12[%dma_start3A_2317] : memref<512xi32, #tpu.memory_space<vmem>> -> memref<128xi32, #tpu.memory_space<vmem>>
    %dma_start3A_2319 = arith.constant 0 : i32
    %dma_start3A_2320 = arith.constant 0 : i32
    %dma_start3A_2321 = tpu.memref_slice %arg5[%dma_start3A_2319, %dma_start3A_2320] : memref<11x64xf32, #tpu.memory_space<hbm>> -> memref<11x64xf32, #tpu.memory_space<hbm>>
    tpu.enqueue_indirect_dma source(%dma_start3A_2321 : memref<11x64xf32, #tpu.memory_space<hbm>>) target(%dma_start3A_2316 : memref<128x64xf32, #tpu.memory_space<vmem>>) offsets(%dma_start3A_2318 : memref<128xi32, #tpu.memory_space<vmem>>) semaphore(%arg19 : memref<!tpu.dma_semaphore, #tpu.memory_space<semaphore_mem>>)
    %dma_start3A_2322 = arith.constant 128 : i32
    %dma_start3A_2323 = arith.constant 0 : i32
    %dma_start3A_2324 = tpu.memref_slice %arg16[%dma_start3A_2322, %dma_start3A_2323] : memref<512x64xf32, #tpu.memory_space<vmem>> -> memref<128x64xf32, #tpu.memory_space<vmem>>
    %dma_start3A_2325 = arith.constant 128 : i32
    %dma_start3A_2326 = tpu.memref_slice %arg11[%dma_start3A_2325] : memref<512xi32, #tpu.memory_space<vmem>> -> memref<128xi32, #tpu.memory_space<vmem>>
    %dma_start3A_2327 = arith.constant 0 : i32
    %dma_start3A_2328 = arith.constant 0 : i32
    %dma_start3A_2329 = tpu.memref_slice %arg4[%dma_start3A_2327, %dma_start3A_2328] : memref<1000001x64xf32, #tpu.memory_space<hbm>> -> memref<1000001x64xf32, #tpu.memory_space<hbm>>
    tpu.enqueue_indirect_dma source(%dma_start3A_2329 : memref<1000001x64xf32, #tpu.memory_space<hbm>>) target(%dma_start3A_2324 : memref<128x64xf32, #tpu.memory_space<vmem>>) offsets(%dma_start3A_2326 : memref<128xi32, #tpu.memory_space<vmem>>) semaphore(%arg18 : memref<!tpu.dma_semaphore, #tpu.memory_space<semaphore_mem>>)
    %dma_start3A_2330 = arith.constant 128 : i32
    %dma_start3A_2331 = arith.constant 0 : i32
    %dma_start3A_2332 = tpu.memref_slice %arg17[%dma_start3A_2330, %dma_start3A_2331] : memref<512x64xf32, #tpu.memory_space<vmem>> -> memref<128x64xf32, #tpu.memory_space<vmem>>
    %dma_start3A_2333 = arith.constant 128 : i32
    %dma_start3A_2334 = tpu.memref_slice %arg12[%dma_start3A_2333] : memref<512xi32, #tpu.memory_space<vmem>> -> memref<128xi32, #tpu.memory_space<vmem>>
    %dma_start3A_2335 = arith.constant 0 : i32
    %dma_start3A_2336 = arith.constant 0 : i32
    %dma_start3A_2337 = tpu.memref_slice %arg5[%dma_start3A_2335, %dma_start3A_2336] : memref<11x64xf32, #tpu.memory_space<hbm>> -> memref<11x64xf32, #tpu.memory_space<hbm>>
    tpu.enqueue_indirect_dma source(%dma_start3A_2337 : memref<11x64xf32, #tpu.memory_space<hbm>>) target(%dma_start3A_2332 : memref<128x64xf32, #tpu.memory_space<vmem>>) offsets(%dma_start3A_2334 : memref<128xi32, #tpu.memory_space<vmem>>) semaphore(%arg19 : memref<!tpu.dma_semaphore, #tpu.memory_space<semaphore_mem>>)
    %dma_start3A_2338 = arith.constant 256 : i32
    %dma_start3A_2339 = arith.constant 0 : i32
    %dma_start3A_2340 = tpu.memref_slice %arg16[%dma_start3A_2338, %dma_start3A_2339] : memref<512x64xf32, #tpu.memory_space<vmem>> -> memref<128x64xf32, #tpu.memory_space<vmem>>
    %dma_start3A_2341 = arith.constant 256 : i32
    %dma_start3A_2342 = tpu.memref_slice %arg11[%dma_start3A_2341] : memref<512xi32, #tpu.memory_space<vmem>> -> memref<128xi32, #tpu.memory_space<vmem>>
    %dma_start3A_2343 = arith.constant 0 : i32
    %dma_start3A_2344 = arith.constant 0 : i32
    %dma_start3A_2345 = tpu.memref_slice %arg4[%dma_start3A_2343, %dma_start3A_2344] : memref<1000001x64xf32, #tpu.memory_space<hbm>> -> memref<1000001x64xf32, #tpu.memory_space<hbm>>
    tpu.enqueue_indirect_dma source(%dma_start3A_2345 : memref<1000001x64xf32, #tpu.memory_space<hbm>>) target(%dma_start3A_2340 : memref<128x64xf32, #tpu.memory_space<vmem>>) offsets(%dma_start3A_2342 : memref<128xi32, #tpu.memory_space<vmem>>) semaphore(%arg18 : memref<!tpu.dma_semaphore, #tpu.memory_space<semaphore_mem>>)
    %dma_start3A_2346 = arith.constant 256 : i32
    %dma_start3A_2347 = arith.constant 0 : i32
    %dma_start3A_2348 = tpu.memref_slice %arg17[%dma_start3A_2346, %dma_start3A_2347] : memref<512x64xf32, #tpu.memory_space<vmem>> -> memref<128x64xf32, #tpu.memory_space<vmem>>
    %dma_start3A_2349 = arith.constant 256 : i32
    %dma_start3A_2350 = tpu.memref_slice %arg12[%dma_start3A_2349] : memref<512xi32, #tpu.memory_space<vmem>> -> memref<128xi32, #tpu.memory_space<vmem>>
    %dma_start3A_2351 = arith.constant 0 : i32
    %dma_start3A_2352 = arith.constant 0 : i32
    %dma_start3A_2353 = tpu.memref_slice %arg5[%dma_start3A_2351, %dma_start3A_2352] : memref<11x64xf32, #tpu.memory_space<hbm>> -> memref<11x64xf32, #tpu.memory_space<hbm>>
    tpu.enqueue_indirect_dma source(%dma_start3A_2353 : memref<11x64xf32, #tpu.memory_space<hbm>>) target(%dma_start3A_2348 : memref<128x64xf32, #tpu.memory_space<vmem>>) offsets(%dma_start3A_2350 : memref<128xi32, #tpu.memory_space<vmem>>) semaphore(%arg19 : memref<!tpu.dma_semaphore, #tpu.memory_space<semaphore_mem>>)
    %dma_start3A_2354 = arith.constant 384 : i32
    %dma_start3A_2355 = arith.constant 0 : i32
    %dma_start3A_2356 = tpu.memref_slice %arg16[%dma_start3A_2354, %dma_start3A_2355] : memref<512x64xf32, #tpu.memory_space<vmem>> -> memref<128x64xf32, #tpu.memory_space<vmem>>
    %dma_start3A_2357 = arith.constant 384 : i32
    %dma_start3A_2358 = tpu.memref_slice %arg11[%dma_start3A_2357] : memref<512xi32, #tpu.memory_space<vmem>> -> memref<128xi32, #tpu.memory_space<vmem>>
    %dma_start3A_2359 = arith.constant 0 : i32
    %dma_start3A_2360 = arith.constant 0 : i32
    %dma_start3A_2361 = tpu.memref_slice %arg4[%dma_start3A_2359, %dma_start3A_2360] : memref<1000001x64xf32, #tpu.memory_space<hbm>> -> memref<1000001x64xf32, #tpu.memory_space<hbm>>
    tpu.enqueue_indirect_dma source(%dma_start3A_2361 : memref<1000001x64xf32, #tpu.memory_space<hbm>>) target(%dma_start3A_2356 : memref<128x64xf32, #tpu.memory_space<vmem>>) offsets(%dma_start3A_2358 : memref<128xi32, #tpu.memory_space<vmem>>) semaphore(%arg18 : memref<!tpu.dma_semaphore, #tpu.memory_space<semaphore_mem>>)
    %dma_start3A_2362 = arith.constant 384 : i32
    %dma_start3A_2363 = arith.constant 0 : i32
    %dma_start3A_2364 = tpu.memref_slice %arg17[%dma_start3A_2362, %dma_start3A_2363] : memref<512x64xf32, #tpu.memory_space<vmem>> -> memref<128x64xf32, #tpu.memory_space<vmem>>
    %dma_start3A_2365 = arith.constant 384 : i32
    %dma_start3A_2366 = tpu.memref_slice %arg12[%dma_start3A_2365] : memref<512xi32, #tpu.memory_space<vmem>> -> memref<128xi32, #tpu.memory_space<vmem>>
    %dma_start3A_2367 = arith.constant 0 : i32
    %dma_start3A_2368 = arith.constant 0 : i32
    %dma_start3A_2369 = tpu.memref_slice %arg5[%dma_start3A_2367, %dma_start3A_2368] : memref<11x64xf32, #tpu.memory_space<hbm>> -> memref<11x64xf32, #tpu.memory_space<hbm>>
    tpu.enqueue_indirect_dma source(%dma_start3A_2369 : memref<11x64xf32, #tpu.memory_space<hbm>>) target(%dma_start3A_2364 : memref<128x64xf32, #tpu.memory_space<vmem>>) offsets(%dma_start3A_2366 : memref<128xi32, #tpu.memory_space<vmem>>) semaphore(%arg19 : memref<!tpu.dma_semaphore, #tpu.memory_space<semaphore_mem>>)
    %dma_wait3A = arith.constant 0 : i32
    %dma_wait3A_2370 = arith.constant 0 : i32
    %dma_wait3A_2371 = tpu.memref_slice %arg16[%dma_wait3A, %dma_wait3A_2370] : memref<512x64xf32, #tpu.memory_space<vmem>> -> memref<128x64xf32, #tpu.memory_space<vmem>>
    %dma_wait3A_2372 = arith.constant 0 : i32
    %dma_wait3A_2373 = tpu.memref_slice %arg11[%dma_wait3A_2372] : memref<512xi32, #tpu.memory_space<vmem>> -> memref<128xi32, #tpu.memory_space<vmem>>
    %dma_wait3A_2374 = arith.constant 0 : i32
    %dma_wait3A_2375 = arith.constant 0 : i32
    %dma_wait3A_2376 = tpu.memref_slice %arg4[%dma_wait3A_2374, %dma_wait3A_2375] : memref<1000001x64xf32, #tpu.memory_space<hbm>> -> memref<1000001x64xf32, #tpu.memory_space<hbm>>
    tpu.wait_indirect_dma semaphore(%arg18 : memref<!tpu.dma_semaphore, #tpu.memory_space<semaphore_mem>>) src(%dma_wait3A_2376 : memref<1000001x64xf32, #tpu.memory_space<hbm>>) dst(%dma_wait3A_2371 : memref<128x64xf32, #tpu.memory_space<vmem>>)
    %dma_wait3A_2377 = arith.constant 128 : i32
    %dma_wait3A_2378 = arith.constant 0 : i32
    %dma_wait3A_2379 = tpu.memref_slice %arg16[%dma_wait3A_2377, %dma_wait3A_2378] : memref<512x64xf32, #tpu.memory_space<vmem>> -> memref<128x64xf32, #tpu.memory_space<vmem>>
    %dma_wait3A_2380 = arith.constant 128 : i32
    %dma_wait3A_2381 = tpu.memref_slice %arg11[%dma_wait3A_2380] : memref<512xi32, #tpu.memory_space<vmem>> -> memref<128xi32, #tpu.memory_space<vmem>>
    %dma_wait3A_2382 = arith.constant 0 : i32
    %dma_wait3A_2383 = arith.constant 0 : i32
    %dma_wait3A_2384 = tpu.memref_slice %arg4[%dma_wait3A_2382, %dma_wait3A_2383] : memref<1000001x64xf32, #tpu.memory_space<hbm>> -> memref<1000001x64xf32, #tpu.memory_space<hbm>>
    tpu.wait_indirect_dma semaphore(%arg18 : memref<!tpu.dma_semaphore, #tpu.memory_space<semaphore_mem>>) src(%dma_wait3A_2384 : memref<1000001x64xf32, #tpu.memory_space<hbm>>) dst(%dma_wait3A_2379 : memref<128x64xf32, #tpu.memory_space<vmem>>)
    %dma_wait3A_2385 = arith.constant 256 : i32
    %dma_wait3A_2386 = arith.constant 0 : i32
    %dma_wait3A_2387 = tpu.memref_slice %arg16[%dma_wait3A_2385, %dma_wait3A_2386] : memref<512x64xf32, #tpu.memory_space<vmem>> -> memref<128x64xf32, #tpu.memory_space<vmem>>
    %dma_wait3A_2388 = arith.constant 256 : i32
    %dma_wait3A_2389 = tpu.memref_slice %arg11[%dma_wait3A_2388] : memref<512xi32, #tpu.memory_space<vmem>> -> memref<128xi32, #tpu.memory_space<vmem>>
    %dma_wait3A_2390 = arith.constant 0 : i32
    %dma_wait3A_2391 = arith.constant 0 : i32
    %dma_wait3A_2392 = tpu.memref_slice %arg4[%dma_wait3A_2390, %dma_wait3A_2391] : memref<1000001x64xf32, #tpu.memory_space<hbm>> -> memref<1000001x64xf32, #tpu.memory_space<hbm>>
    tpu.wait_indirect_dma semaphore(%arg18 : memref<!tpu.dma_semaphore, #tpu.memory_space<semaphore_mem>>) src(%dma_wait3A_2392 : memref<1000001x64xf32, #tpu.memory_space<hbm>>) dst(%dma_wait3A_2387 : memref<128x64xf32, #tpu.memory_space<vmem>>)
    %dma_wait3A_2393 = arith.constant 384 : i32
    %dma_wait3A_2394 = arith.constant 0 : i32
    %dma_wait3A_2395 = tpu.memref_slice %arg16[%dma_wait3A_2393, %dma_wait3A_2394] : memref<512x64xf32, #tpu.memory_space<vmem>> -> memref<128x64xf32, #tpu.memory_space<vmem>>
    %dma_wait3A_2396 = arith.constant 384 : i32
    %dma_wait3A_2397 = tpu.memref_slice %arg11[%dma_wait3A_2396] : memref<512xi32, #tpu.memory_space<vmem>> -> memref<128xi32, #tpu.memory_space<vmem>>
    %dma_wait3A_2398 = arith.constant 0 : i32
    %dma_wait3A_2399 = arith.constant 0 : i32
    %dma_wait3A_2400 = tpu.memref_slice %arg4[%dma_wait3A_2398, %dma_wait3A_2399] : memref<1000001x64xf32, #tpu.memory_space<hbm>> -> memref<1000001x64xf32, #tpu.memory_space<hbm>>
    tpu.wait_indirect_dma semaphore(%arg18 : memref<!tpu.dma_semaphore, #tpu.memory_space<semaphore_mem>>) src(%dma_wait3A_2400 : memref<1000001x64xf32, #tpu.memory_space<hbm>>) dst(%dma_wait3A_2395 : memref<128x64xf32, #tpu.memory_space<vmem>>)
    %dma_wait3A_2401 = arith.constant 0 : i32
    %dma_wait3A_2402 = arith.constant 0 : i32
    %dma_wait3A_2403 = tpu.memref_slice %arg17[%dma_wait3A_2401, %dma_wait3A_2402] : memref<512x64xf32, #tpu.memory_space<vmem>> -> memref<128x64xf32, #tpu.memory_space<vmem>>
    %dma_wait3A_2404 = arith.constant 0 : i32
    %dma_wait3A_2405 = tpu.memref_slice %arg12[%dma_wait3A_2404] : memref<512xi32, #tpu.memory_space<vmem>> -> memref<128xi32, #tpu.memory_space<vmem>>
    %dma_wait3A_2406 = arith.constant 0 : i32
    %dma_wait3A_2407 = arith.constant 0 : i32
    %dma_wait3A_2408 = tpu.memref_slice %arg5[%dma_wait3A_2406, %dma_wait3A_2407] : memref<11x64xf32, #tpu.memory_space<hbm>> -> memref<11x64xf32, #tpu.memory_space<hbm>>
    tpu.wait_indirect_dma semaphore(%arg19 : memref<!tpu.dma_semaphore, #tpu.memory_space<semaphore_mem>>) src(%dma_wait3A_2408 : memref<11x64xf32, #tpu.memory_space<hbm>>) dst(%dma_wait3A_2403 : memref<128x64xf32, #tpu.memory_space<vmem>>)
    %dma_wait3A_2409 = arith.constant 128 : i32
    %dma_wait3A_2410 = arith.constant 0 : i32
    %dma_wait3A_2411 = tpu.memref_slice %arg17[%dma_wait3A_2409, %dma_wait3A_2410] : memref<512x64xf32, #tpu.memory_space<vmem>> -> memref<128x64xf32, #tpu.memory_space<vmem>>
    %dma_wait3A_2412 = arith.constant 128 : i32
    %dma_wait3A_2413 = tpu.memref_slice %arg12[%dma_wait3A_2412] : memref<512xi32, #tpu.memory_space<vmem>> -> memref<128xi32, #tpu.memory_space<vmem>>
    %dma_wait3A_2414 = arith.constant 0 : i32
    %dma_wait3A_2415 = arith.constant 0 : i32
    %dma_wait3A_2416 = tpu.memref_slice %arg5[%dma_wait3A_2414, %dma_wait3A_2415] : memref<11x64xf32, #tpu.memory_space<hbm>> -> memref<11x64xf32, #tpu.memory_space<hbm>>
    tpu.wait_indirect_dma semaphore(%arg19 : memref<!tpu.dma_semaphore, #tpu.memory_space<semaphore_mem>>) src(%dma_wait3A_2416 : memref<11x64xf32, #tpu.memory_space<hbm>>) dst(%dma_wait3A_2411 : memref<128x64xf32, #tpu.memory_space<vmem>>)
    %dma_wait3A_2417 = arith.constant 256 : i32
    %dma_wait3A_2418 = arith.constant 0 : i32
    %dma_wait3A_2419 = tpu.memref_slice %arg17[%dma_wait3A_2417, %dma_wait3A_2418] : memref<512x64xf32, #tpu.memory_space<vmem>> -> memref<128x64xf32, #tpu.memory_space<vmem>>
    %dma_wait3A_2420 = arith.constant 256 : i32
    %dma_wait3A_2421 = tpu.memref_slice %arg12[%dma_wait3A_2420] : memref<512xi32, #tpu.memory_space<vmem>> -> memref<128xi32, #tpu.memory_space<vmem>>
    %dma_wait3A_2422 = arith.constant 0 : i32
    %dma_wait3A_2423 = arith.constant 0 : i32
    %dma_wait3A_2424 = tpu.memref_slice %arg5[%dma_wait3A_2422, %dma_wait3A_2423] : memref<11x64xf32, #tpu.memory_space<hbm>> -> memref<11x64xf32, #tpu.memory_space<hbm>>
    tpu.wait_indirect_dma semaphore(%arg19 : memref<!tpu.dma_semaphore, #tpu.memory_space<semaphore_mem>>) src(%dma_wait3A_2424 : memref<11x64xf32, #tpu.memory_space<hbm>>) dst(%dma_wait3A_2419 : memref<128x64xf32, #tpu.memory_space<vmem>>)
    %dma_wait3A_2425 = arith.constant 384 : i32
    %dma_wait3A_2426 = arith.constant 0 : i32
    %dma_wait3A_2427 = tpu.memref_slice %arg17[%dma_wait3A_2425, %dma_wait3A_2426] : memref<512x64xf32, #tpu.memory_space<vmem>> -> memref<128x64xf32, #tpu.memory_space<vmem>>
    %dma_wait3A_2428 = arith.constant 384 : i32
    %dma_wait3A_2429 = tpu.memref_slice %arg12[%dma_wait3A_2428] : memref<512xi32, #tpu.memory_space<vmem>> -> memref<128xi32, #tpu.memory_space<vmem>>
    %dma_wait3A_2430 = arith.constant 0 : i32
    %dma_wait3A_2431 = arith.constant 0 : i32
    %dma_wait3A_2432 = tpu.memref_slice %arg5[%dma_wait3A_2430, %dma_wait3A_2431] : memref<11x64xf32, #tpu.memory_space<hbm>> -> memref<11x64xf32, #tpu.memory_space<hbm>>
    tpu.wait_indirect_dma semaphore(%arg19 : memref<!tpu.dma_semaphore, #tpu.memory_space<semaphore_mem>>) src(%dma_wait3A_2432 : memref<11x64xf32, #tpu.memory_space<hbm>>) dst(%dma_wait3A_2427 : memref<128x64xf32, #tpu.memory_space<vmem>>)
    "tpu.region"() ({
      %run_scoped3A = tpu.sem_alloc : memref<!tpu.dma_semaphore, #tpu.memory_space<semaphore_mem>>
      %dma_start3A_2433 = arith.constant 0 : i32
      %dma_start3A_2434 = tpu.memref_slice %arg8[%mul3A_2, %dma_start3A_2433] : memref<16384x129xf32, #tpu.memory_space<hbm>> -> memref<512x64xf32, #tpu.memory_space<hbm>>
      %dma_start3A_2435 = arith.constant 0 : i32
      %dma_start3A_2436 = tpu.memref_slice %arg8[%mul3A_2, %dma_start3A_2435] : memref<16384x129xf32, #tpu.memory_space<hbm>> -> memref<512x64xf32, #tpu.memory_space<hbm>>
      tpu.enqueue_dma source(%arg16 : memref<512x64xf32, #tpu.memory_space<vmem>>) target(%dma_start3A_2436 : memref<512x64xf32, #tpu.memory_space<hbm>>) target_semaphore(%run_scoped3A : memref<!tpu.dma_semaphore, #tpu.memory_space<semaphore_mem>>)
      %dma_wait3A_2437 = arith.constant 0 : i32
      %dma_wait3A_2438 = tpu.memref_slice %arg8[%mul3A_2, %dma_wait3A_2437] : memref<16384x129xf32, #tpu.memory_space<hbm>> -> memref<512x64xf32, #tpu.memory_space<hbm>>
      %dma_wait3A_2439 = arith.constant 0 : i32
      %dma_wait3A_2440 = tpu.memref_slice %arg8[%mul3A_2, %dma_wait3A_2439] : memref<16384x129xf32, #tpu.memory_space<hbm>> -> memref<512x64xf32, #tpu.memory_space<hbm>>
      tpu.wait_dma2 semaphore(%run_scoped3A : memref<!tpu.dma_semaphore, #tpu.memory_space<semaphore_mem>>) src(%arg16 : memref<512x64xf32, #tpu.memory_space<vmem>>) dst(%dma_wait3A_2440 : memref<512x64xf32, #tpu.memory_space<hbm>>)
      tpu.yield
    }) : () -> ()
    "tpu.region"() ({
      %run_scoped3A = tpu.sem_alloc : memref<!tpu.dma_semaphore, #tpu.memory_space<semaphore_mem>>
      %dma_start3A_2433 = arith.constant 64 : i32
      %dma_start3A_2434 = tpu.memref_slice %arg8[%mul3A_2, %dma_start3A_2433] : memref<16384x129xf32, #tpu.memory_space<hbm>> -> memref<512x64xf32, #tpu.memory_space<hbm>>
      %dma_start3A_2435 = arith.constant 64 : i32
      %dma_start3A_2436 = tpu.memref_slice %arg8[%mul3A_2, %dma_start3A_2435] : memref<16384x129xf32, #tpu.memory_space<hbm>> -> memref<512x64xf32, #tpu.memory_space<hbm>>
      tpu.enqueue_dma source(%arg17 : memref<512x64xf32, #tpu.memory_space<vmem>>) target(%dma_start3A_2436 : memref<512x64xf32, #tpu.memory_space<hbm>>) target_semaphore(%run_scoped3A : memref<!tpu.dma_semaphore, #tpu.memory_space<semaphore_mem>>)
      %dma_wait3A_2437 = arith.constant 64 : i32
      %dma_wait3A_2438 = tpu.memref_slice %arg8[%mul3A_2, %dma_wait3A_2437] : memref<16384x129xf32, #tpu.memory_space<hbm>> -> memref<512x64xf32, #tpu.memory_space<hbm>>
      %dma_wait3A_2439 = arith.constant 64 : i32
      %dma_wait3A_2440 = tpu.memref_slice %arg8[%mul3A_2, %dma_wait3A_2439] : memref<16384x129xf32, #tpu.memory_space<hbm>> -> memref<512x64xf32, #tpu.memory_space<hbm>>
      tpu.wait_dma2 semaphore(%run_scoped3A : memref<!tpu.dma_semaphore, #tpu.memory_space<semaphore_mem>>) src(%arg17 : memref<512x64xf32, #tpu.memory_space<vmem>>) dst(%dma_wait3A_2440 : memref<512x64xf32, #tpu.memory_space<hbm>>)
      tpu.yield
    }) : () -> ()
    "tpu.region"() ({
      %run_scoped3A = tpu.sem_alloc : memref<!tpu.dma_semaphore, #tpu.memory_space<semaphore_mem>>
      %dma_start3A_2433 = arith.constant 128 : i32
      %dma_start3A_2434 = tpu.memref_slice %arg8[%mul3A_2, %dma_start3A_2433] : memref<16384x129xf32, #tpu.memory_space<hbm>> -> memref<512x1xf32, #tpu.memory_space<hbm>>
      %dma_start3A_2435 = arith.constant 128 : i32
      %dma_start3A_2436 = tpu.memref_slice %arg8[%mul3A_2, %dma_start3A_2435] : memref<16384x129xf32, #tpu.memory_space<hbm>> -> memref<512x1xf32, #tpu.memory_space<hbm>>
      tpu.enqueue_dma source(%arg13 : memref<512x1xf32, #tpu.memory_space<vmem>>) target(%dma_start3A_2436 : memref<512x1xf32, #tpu.memory_space<hbm>>) target_semaphore(%run_scoped3A : memref<!tpu.dma_semaphore, #tpu.memory_space<semaphore_mem>>)
      %dma_wait3A_2437 = arith.constant 128 : i32
      %dma_wait3A_2438 = tpu.memref_slice %arg8[%mul3A_2, %dma_wait3A_2437] : memref<16384x129xf32, #tpu.memory_space<hbm>> -> memref<512x1xf32, #tpu.memory_space<hbm>>
      %dma_wait3A_2439 = arith.constant 128 : i32
      %dma_wait3A_2440 = tpu.memref_slice %arg8[%mul3A_2, %dma_wait3A_2439] : memref<16384x129xf32, #tpu.memory_space<hbm>> -> memref<512x1xf32, #tpu.memory_space<hbm>>
      tpu.wait_dma2 semaphore(%run_scoped3A : memref<!tpu.dma_semaphore, #tpu.memory_space<semaphore_mem>>) src(%arg13 : memref<512x1xf32, #tpu.memory_space<vmem>>) dst(%dma_wait3A_2440 : memref<512x1xf32, #tpu.memory_space<hbm>>)
      tpu.yield
    }) : () -> ()
    return
  }
}

</mosaic_0001>

<sc_bundles>
// kernel: kernel.3.cloned.1.call-start
scs
__scs_entry_jumppad:
0x0: {  	(pc) =	sbr.rel $0x88, $3  }
0x1: {  	(tag) =	ssettag $0x0;
	lr =	simm.s32 $0x1  }
0x2: {  	[smem:$0x3F9A] =	sst lr;
	_ =	strace $0xD0000000  }
0x3: {  	_ = 	snop  }
0x4: {  	_ = 	snop  }
0x5: {  	_ = 	snop  }
0x6: {  	_ = 	snop  }
0x7: {  	_ = 	snop  }
__scs_overlays_trampoline_lowered:
0x8: {  	[smem:$0x3FA9] =	sst s0  }
0x9: {  	[smem:$0x3FAA] =	sst s1  }
0xa: {  	[smem:$0x3FAB] =	sst s2  }
0xb: {  	[smem:$0x3FAC] =	sst s3  }
0xc: {  	[smem:$0x3FAD] =	sst s4  }
0xd: {  	[smem:$0x3FAE] =	sst s5  }
0xe: {  	[smem:$0x3FAF] =	sst s6  }
0xf: {  	[smem:$0x3FB0] =	sst s7  }
0x10: {  	[smem:$0x3FB1] =	sst s8  }
0x11: {  	[smem:$0x3FB2] =	sst s9;
	s0 =	simm.s32 @!p0 $0x0  }
0x12: {  	s1 =	sld [smem:$0x3F98];
	s0 =	simm.s32 @p0 $0x1  }
0x13: {  	[smem:$0x3FB3] =	sst s0;
	s0 =	simm.s32 @!p1 $0x0  }
0x14: {  	s2 =	sld [smem:$0x3F97];
	s0 =	simm.s32 @p1 $0x1  }
0x15: {  	[smem:$0x3FB4] =	sst s0;
	s0 =	simm.s32 @!p2 $0x0  }
0x16: {  	s3 =	sld [smem:$0x3FDB];
	s0 =	simm.s32 @p2 $0x1  }
0x17: {  	s4 =	simm.s32 $0x1BF5;
	[smem:$0x3FB6] =	sst s0  }
0x18: {  	s0 =	sld [smem:$0x3F99];
	_ =	swait.ge [sflag:s4], $0x0  }
0x19: {  	s7 =	sld [smem:$0x3F9A]  }
0x1a: {  	s8 =	sadd.s32 $0xFFFFE003, lr  }
0x1b: {  	s9 =	sadd.s32 $0xFFFFFEF7, lr;
	s5 =	simm.s32 $0xFFFFFFFF;
	p2 =	slt.u32 s8, $0xFFFFF086  }
0x1c: {  	p1 =	slt.u32 s9, $0xF7A;
	s5 =	simm.s32 @!p2 $0x0  }
0x1d: {  	s5 =	simm.s32 @p1 $0x1;
	p0 =	seq.s32 s7, s2  }
0x1e: {  	s7 =	smul.u32 @!p0 $0xF7A, s2;
	p2 =	seq.s32 @!p0 s5, $0x0  }
0x1f: {  	s9 =	smul.u32 $0xF7A, s1;
	s8 =	simm.s32 @!p0 $0x1BF5;
	p2 =	por !p2, p0  }
0x20: {  	[sflag:s8] =	ssyncset.s32 @!p0 $0xFFFFF086;
	s6 =	sadd.s32 @!p0 s3, s7;
	s7 =	simm.s32 @!p0 $0x108  }
0x21: {  	s3 =	sadd.s32 s3, s9;
	s6 =	sadd.s32 @!p0 $0x88, s6;
	s7 =	simm.s32 @p2 $0x1082  }
0x22: {  	[simem:s7], [sflag:s8] =	dma.local @!p0 [hbm:s6], $0xF7A  }
0x23: {  	s9 =	sor.u32 $0xD0000000, s2;
	s6 =	simm.s32 $0x108;
	_ =	swait.ge @!p0 [sflag:s8], $0x0  }
0x24: {  	s3 =	sadd.s32 $0x88, s3;
	s6 =	simm.s32 @!p1 $0x1082;
	[sflag:s4] =	ssyncset.s32 $0xFFFFF086  }
0x25: {  	[simem:s6], [sflag:s4] =	dma.local [hbm:s3], $0xF7A  }
0x26: {  	[smem:$0x3F9A] =	sst s1;
	(tag) =	ssettag s2;
	_ =	strace s9  }
0x27: {  	s1 =	sld [smem:$0x3FAA]  }
0x28: {  	s2 =	sld [smem:$0x3FAB]  }
0x29: {  	s4 =	sld [smem:$0x3FAD]  }
0x2a: {  	p0 =	seq.s32 s5, $0x0;
	s5 =	sld [smem:$0x3FAE]  }
0x2b: {  	s6 =	sld [smem:$0x3FAF]  }
0x2c: {  	s7 =	sld [smem:$0x3FB0]  }
0x2d: {  	s3 =	simm.s32 $0x108;
	s8 =	sld [smem:$0x3FB1]  }
0x2e: {  	s3 =	simm.s32 @!p0 $0x1082;
	s9 =	sld [smem:$0x3FB2]  }
0x2f: {  	lr =	sadd.s32 s0, s3;
	s0 =	sld [smem:$0x3FA9]  }
0x30: {  	s3 =	sld [smem:$0x3FAC]  }
0x31: {  	[smem:$0x3FB5] =	sst s10  }
0x32: {  	s10 =	sld [smem:$0x3FB3];
	_ =	sdelay $0x3  }
0x33: {  	p0 =	seq.s32 s10, $0x1;
	s10 =	sld [smem:$0x3FB5];
	_ =	sdelay $0x3  }
0x34: {  	[smem:$0x3FB5] =	sst s10  }
0x35: {  	s10 =	sld [smem:$0x3FB4];
	_ =	sdelay $0x3  }
0x36: {  	p1 =	seq.s32 s10, $0x1;
	s10 =	sld [smem:$0x3FB5];
	_ =	sdelay $0x3  }
0x37: {  	[smem:$0x3FB5] =	sst s10  }
0x38: {  	s10 =	sld [smem:$0x3FB6]  }
0x39: {  	_ = 	snop;
	(pc) =	sbr.ind lr, $3  }
0x3a: {  	_ = 	snop  }
0x3b: {  	_ = 	snop  }
0x3c: {  	p2 =	seq.s32 s10, $0x1;
	s10 =	sld [smem:$0x3FB5]  }
0x3d: {  	_ =	shalt  }
0x3e: {  	_ =	shalt  }
0x3f: {  	_ =	shalt  }
0x40: {  	_ =	shalt  }
0x41: {  	_ =	shalt  }
0x42: {  	_ =	shalt  }
0x43: {  	_ =	shalt  }
0x44: {  	_ =	shalt  }
0x45: {  	_ =	shalt  }
0x46: {  	_ =	shalt  }
0x47: {  	_ =	shalt  }
0x48: {  	_ =	shalt  }
0x49: {  	_ =	shalt  }
0x4a: {  	_ =	shalt  }
0x4b: {  	_ =	shalt  }
0x4c: {  	_ =	shalt  }
0x4d: {  	_ =	shalt  }
0x4e: {  	_ =	shalt  }
0x4f: {  	_ =	shalt  }
0x50: {  	_ =	shalt  }
0x51: {  	_ =	shalt  }
0x52: {  	_ =	shalt  }
0x53: {  	_ =	shalt  }
0x54: {  	_ =	shalt  }
0x55: {  	_ =	shalt  }
0x56: {  	_ =	shalt  }
0x57: {  	_ =	shalt  }
0x58: {  	_ =	shalt  }
0x59: {  	_ =	shalt  }
0x5a: {  	_ =	shalt  }
0x5b: {  	_ =	shalt  }
0x5c: {  	_ =	shalt  }
0x5d: {  	_ =	shalt  }
0x5e: {  	_ =	shalt  }
0x5f: {  	_ =	shalt  }
0x60: {  	_ =	shalt  }
0x61: {  	_ =	shalt  }
0x62: {  	_ =	shalt  }
0x63: {  	_ =	shalt  }
0x64: {  	_ =	shalt  }
0x65: {  	_ =	shalt  }
0x66: {  	_ =	shalt  }
0x67: {  	_ =	shalt  }
0x68: {  	_ =	shalt  }
0x69: {  	_ =	shalt  }
0x6a: {  	_ =	shalt  }
0x6b: {  	_ =	shalt  }
0x6c: {  	_ =	shalt  }
0x6d: {  	_ =	shalt  }
0x6e: {  	_ =	shalt  }
0x6f: {  	_ =	shalt  }
0x70: {  	_ =	shalt  }
0x71: {  	_ =	shalt  }
0x72: {  	_ =	shalt  }
0x73: {  	_ =	shalt  }
0x74: {  	_ =	shalt  }
0x75: {  	_ =	shalt  }
0x76: {  	_ =	shalt  }
0x77: {  	_ =	shalt  }
0x78: {  	_ =	shalt  }
0x79: {  	_ =	shalt  }
0x7a: {  	_ =	shalt  }
0x7b: {  	_ =	shalt  }
0x7c: {  	_ =	shalt  }
0x7d: {  	_ =	shalt  }
0x7e: {  	_ =	shalt  }
0x7f: {  	_ =	shalt  }
0x80: {  	_ =	shalt  }
0x81: {  	_ =	shalt  }
0x82: {  	_ =	shalt  }
0x83: {  	_ =	shalt  }
0x84: {  	_ =	shalt  }
0x85: {  	_ =	shalt  }
0x86: {  	_ =	shalt  }
0x87: {  	_ =	shalt  }
.Lfunc_end0:
.L_simem_size_0:
called_computation_lowered:
.L_overlay_start_0:
0x88: {  	s2 =	sld [smem:$0x3FD9]  }
0x89: {  	s3 =	sld [smem:$0x3FFE];
	_ =	sdelay $0x1  }
0x8a: {  	s1 =	srdreg.scid  }
0x8b: {  	s0 =	sand.u32 $0x1, s1  }
0x8c: {  	s17 =	sshll.u32 s0, $0xA;
	s2 =	sadd.s32 s3, s2  }
0x8d: {  	s2 =	sadd.s32 s2, s17  }
0x8e: {  	[smem:$0x3FC1] =	sst s2  }
0x8f: {  	_ = 	snop  }
0x90: {  	s2 =	sld [smem:$0x3FC9]  }
0x91: {  	s18 =	sld [smem:$0x3FC8]  }
0x92: {  	s4 =	sld [smem:$0x3FD0];
	(tm) =	ssettm $0x1  }
0x93: {  	s5 =	sld [smem:$0x3FFB];
	_ =	sdelay $0x3  }
0x94: {  	_ =	strace s5  }
0x95: {  	s5 =	sld [smem:$0x3FFC];
	_ =	sdelay $0x3  }
0x96: {  	_ =	strace s5  }
0x97: {  	s5 =	sld [smem:$0x3FFD];
	_ =	sdelay $0x3  }
0x98: {  	_ =	strace s5  }
0x99: {  	_ =	strace $0x8FFFFFFF  }
0x9a: {  	s19 =	sld [smem:$0x3FDB];
	_ =	sdelay $0x1  }
0x9b: {  	s6 =	simm.s32 $_scs_section_size  }
0x9c: {  	s7 =	simm.s32 $_size__tile_overlayer_lowered;
	s8 =	simm.s32 $_tile_overlayer_lowered  }
0x9d: {  	s22 =	simm.s32 $0x1BFF;
	s21 =	sshll.u32 s8, $0x1;
	s5 =	sadd.s32 s6, s19  }
0x9e: {  	s9 =	simm.s32 $0x0;
	s20 =	sshll.u32 s7, $0x1;
	s7 =	sadd.s32 s21, s5  }
0x9f: {  	[timem:s9], [sflag:s22] =	dma.local [hbm:s7], s20  }
0xa0: {  	_ =	swait.ge [sflag:s22], s20  }
0xa1: {  	s6 =	ssub.s32 $0x0, s20;
	[sflag:s22] =	ssyncset.done $0x0  }
0xa2: {  	[sflag:s22] =	ssyncadd.s32 s6;
	_ =	sdelay $0x1  }
0xa3: {  	s23 =	simm.s32 $0x1B8B  }
0xa4: {  	_ =	swait.ge [sflag:s23], $0x1  }
0xa5: {  	[sflag:s23] =	ssyncset.done $0x0  }
0xa6: {  	s25 =	simm.s32 $0x1B8E;
	s24 =	sld [smem:$0x3FFE];
	[sflag:s23] =	ssyncadd.s32 $0xFFFFFFFF  }
0xa7: {  	s26 =	simm.s32 $execute0_lowered;
	[smem:$0x3FD2] =	sst s25  }
0xa8: {  	s7 =	sshll.u32 s26, $0x1;
	_ =	strace $0x80000046;
	[dreg:$0x1] =	wrdreg $0xFFFFFFFF  }
0xa9: {  	s28 =	simm.s32 $_size_execute0_lowered;
	s5 =	sadd.s32 s5, s7;
	[dreg:$0x0] =	wrdreg $0x0  }
0xaa: {  	s7 =	sshll.u32 s28, $0x1;
	[dreg:$0x2] =	wrdreg s5  }
0xab: {  	[dreg:$0x3] =	wrdreg s7  }
0xac: {  	[dreg:$0x4] =	wrdreg $0xC0  }
0xad: {  	_ =	task [dreg:s9], $0x5FFFF  }
0xae: {  	[dreg:$0x1] =	wrdreg $0xFFFFFFFF  }
0xaf: {  	[dreg:$0x0] =	wrdreg $0x60  }
0xb0: {  	[dreg:$0x2] =	wrdreg s2  }
0xb1: {  	[dreg:$0x3] =	wrdreg s18  }
0xb2: {  	[dreg:$0x4] =	wrdreg s24  }
0xb3: {  	[dreg:$0x5] =	wrdreg s4  }
0xb4: {  	[dreg:$0x6] =	wrdreg $0x9  }
0xb5: {  	_ =	task.clear_ibuf [dreg:s9], $0x7FFFF;
	_ =	strace $0x90000046  }
0xb6: {  	s29 =	simm.s32 $0x9;
	_ =	strace $0x80000048  }
0xb7: {  	_ =	swait.ge [sflag:s29], $0x1  }
0xb8: {  	[sflag:s29] =	ssyncadd.s32 $0xFFFFFFFF  }
0xb9: {  	_ =	strace $0x90000048  }
0xba: {  	_ =	sfence  }
0xbb: {  	s30 =	sld [smem:$0x0];
	_ =	sdelay $0x2  }
0xbc: {  	s31 =	sshll.u32 s1, $0xD;
	s1 =	sshrl.u32 s1, $0x2  }
0xbd: {  	s3 =	sand.u32 $0x4000, s31;
	s1 =	sadd.s32 s1, s30  }
0xbe: {  	s0 =	sor.u32 s3, s0;
	s1 =	sshll.u32 s1, $0x11  }
0xbf: {  	s0 =	sor.u32 s1, s0  }
0xc0: {  	s0 =	sadd.s32 $0x8F2B, s0  }
0xc1: {  	[sflag:s0] =	ssyncadd.remote.s32 $0x1  }
0xc2: {  	_ =	sfence.sel $0xFFFF  }
0xc3: {  	[dreg:$0x0] =	wrdreg $0xFFFFFFFF;
	(pc) =	sbr.abs _section_cstart, $3  }
0xc4: {  	[dreg:$0x1] =	wrdreg $0xFFFFFFFF  }
0xc5: {  	_ =	task.clear_ibuf [dreg:s9], $0x2FFFF;
	_ =	strace $0x9FFFFFFF  }
0xc6: {  	(tm) =	ssettm $0x7FFFFFFF  }
0xc7: {  	_ =	shalt  }
tec
execute0_lowered:
.L_overlay_start_1:
0x0: {  	(tag) =	ssettag $0x1  }
0x1: {  	s0 =	rddreg [dreg:$0x0]  }
0x2: {  	s4 =	rddreg [dreg:$0x1]  }
0x3: {  	s5 =	rddreg [dreg:$0x2]  }
0x4: {  	s6 =	rddreg [dreg:$0x3]  }
0x5: {  	s2 =	simm.s32 $0x0;
	s3 =	srdreg.scid;
	s1 =	stileid.u32  }
0x6: {  	s25 =	simm.s32 $0x200;
	s26 =	simm.s32 $0x1800;
	s11 =	simm.s32 $0x400  }
0x7: {  	s12 =	simm.s32 $0x18C0;
	s13 =	simm.s32 $0x600;
	s14 =	simm.s32 $0x98C0  }
0x8: {  	s15 =	simm.s32 $0x480;
	s16 =	simm.s32 $0x38C0;
	s17 =	simm.s32 $0x680  }
0x9: {  	s28 =	simm.s32 $0x1;
	s29 =	simm.s32 $0x2;
	s30 =	simm.s32 $0x40  }
0xa: {  	v0 =	vlaneseq.u32;
	s31 =	simm.s32 $0x88;
	[smem:$0x7FF] =	sst s2;
	s7 =	sadd.s32 $0x800, s5  }
0xb: {  	s19 =	sadd.s32 $0xC00, s5;
	v0 =	vmul.u32 $0x8, v0;
	_ =	strace $0x80000047;
	[dreg:$0x5] =	wrdreg s7  }
0xc: {  	s8 =	sand.u32 $0x1, s3;
	s18 =	sshll.u32 s1, $0x1;
	[dreg:$0x6] =	wrdreg s19  }
0xd: {  	v1 =	vimm.s32 $0x0;
	s3 =	sor.u32 s8, s18;
	s22 =	ssub.s32 $0x2, s8;
	[dreg:$0xb] =	wrdreg s25;
	v2 =	vor.u32 $0x80, v0  }
0xe: {  	s7 =	simm.s32 $0x3;
	[dreg:$0xc] =	wrdreg s26;
	s18 =	simm.s32 $0xB8C0;
	v3 =	vor.u32 $0x100, v0;
	v4 =	vor.u32 $0x180, v0;
	v5 =	vor.u32 $0x200, v0  }
0xf: {  	s19 =	simm.s32 $0x500;
	s25 =	simm.s32 $0x780;
	s26 =	simm.s32 $0xF8C0;
	v6 =	vor.u32 $0x280, v0;
	v7 =	vor.u32 $0x300, v0;
	v8 =	vor.u32 $0x380, v0  }
0x10: {  	s9 =	sshll.u32 s3, $0x6;
	s10 =	smul.u32 $0x2200, s3;
	s3 =	sadd.s32 $0xF42E00, s5;
	v9 =	vor.u32 $0x400, v0;
	v10 =	vor.u32 $0x480, v0;
	v11 =	vor.u32 $0x500, v0  }
0x11: {  	s5 =	sadd.s32 $0xA00, s5;
	s24 =	sshrl.u32 s22, $0x1;
	v12 =	vor.u32 $0x580, v0;
	v13 =	vor.u32 $0x600, v0;
	v14 =	vor.u32 $0x680, v0;
	s0 =	sadd.s32 s0, s9  }
0x12: {  	v15 =	vor.u32 $0x700, v0;
	v16 =	vor.u32 $0x780, v0;
	v17 =	vor.u32 $0x800, v0;
	s20 =	sadd.s32 s4, s9;
	s9 =	simm.s32 $0x800;
	[dreg:$0x7] =	wrdreg s0  }
0x13: {  	v18 =	vor.u32 $0x880, v0;
	v19 =	vor.u32 $0x900, v0;
	v20 =	vor.u32 $0x980, v0;
	s4 =	sadd.s32 s6, s10;
	[dreg:$0x8] =	wrdreg s20;
	s6 =	ssub.s32 s22, s24  }
0x14: {  	v21 =	vor.u32 $0xA00, v0;
	v22 =	vor.u32 $0xA80, v0;
	v23 =	vor.u32 $0xB00, v0;
	s10 =	simm.s32 $0x80;
	s20 =	simm.s32 $0x58C0;
	s22 =	simm.s32 $0xD8C0  }
0x15: {  	v24 =	vor.u32 $0xB80, v0;
	v25 =	vor.u32 $0xC00, v0;
	v26 =	vor.u32 $0xC80, v0;
	s24 =	simm.s32 $0x78C0;
	s0 =	simm.s32 $0x8;
	s21 =	sadd.s32 $0x8, s4  }
0x16: {  	v27 =	vor.u32 $0xD00, v0;
	v28 =	vor.u32 $0xD80, v0;
	v29 =	vor.u32 $0xE00, v0;
	s23 =	sadd.s32 $0x10, s4;
	s6 =	smax.u32 s6, $0x1;
	[dreg:$0x9] =	wrdreg s21  }
0x17: {  	v30 =	vor.u32 $0xE80, v0;
	v31 =	vor.u32 $0xF00, v0;
	v32 =	vor.u32 $0xF80, v0;
	[dreg:$0xa] =	wrdreg s23;
	s21 =	simm.s32 $0x700;
	s23 =	simm.s32 $0x580  }
.LBB2_1:
0x18: {  	s1 =	rddreg [dreg:$0x7]  }
0x19: {  	[tilespmem:s2], [sflag:$0x3] =	stream.linear.gather [hbm4b:s1+s2], $0x200, $0x38;
	[tilespmem:$0x118C0] =	vst v63  }
0x1a: {  	_ =	swait.ge [sflag:s7], $0x200  }
0x1b: {  	s1 =	rddreg [dreg:$0x8];
	[sflag:s7] =	ssyncset.done $0x0  }
0x1c: {  	s8 =	rddreg [dreg:$0xb];
	[sflag:s7] =	ssyncadd.s32 $0xFFFFFE00  }
0x1d: {  	[tilespmem:s8], [sflag:$0x3] =	stream.linear.gather [hbm4b:s1+s2], $0x200, $0x38;
	[tilespmem:$0x118C0] =	vst v63  }
0x1e: {  	_ =	swait.ge [sflag:s7], $0x200  }
0x1f: {  	s1 =	rddreg [dreg:$0x5];
	[sflag:s7] =	ssyncset.done $0x0  }
0x20: {  	s8 =	rddreg [dreg:$0xc];
	[sflag:s7] =	ssyncadd.s32 $0xFFFFFE00  }
0x21: {  	[tilespmem:s8], [sflag:$0x3] =	stream.linear.gather [hbm4b:s1+s2], $0xA0, $0x38;
	[tilespmem:$0x118C0] =	vst v63  }
0x22: {  	_ =	swait.ge [sflag:s7], $0xA0  }
0x23: {  	[sflag:s7] =	ssyncset.done $0x0  }
0x24: {  	s8 =	simm.s32 $0x18A0;
	s1 =	rddreg [dreg:$0x6];
	[sflag:s7] =	ssyncadd.s32 $0xFFFFFF60  }
0x25: {  	[tilespmem:s8], [sflag:$0x3] =	stream.linear.gather [hbm4b:s1+s2], $0x20, $0x38;
	[tilespmem:$0x118C0] =	vst v63  }
0x26: {  	_ =	swait.ge [sflag:s7], $0x20  }
0x27: {  	[sflag:s7] =	ssyncset.done $0x0  }
0x28: {  	[sflag:s7] =	ssyncadd.s32 $0xFFFFFFE0  }
0x29: {  	v35 =	vld [tilespmem:$0x200]  }
0x2a: {  	v33 =	vld [tilespmem:$0x1800]  }
0x2b: {  	v34 =	vld [tilespmem:$0x1810]  }
0x2c: {  	v36 =	vld [tilespmem:$0x1820]  }
0x2d: {  	v37 =	vld [tilespmem:$0x1830]  }
0x2e: {  	v38 =	vld [tilespmem:$0x1840]  }
0x2f: {  	v39 =	vld [tilespmem:$0x1850]  }
0x30: {  	v53 =	vld [tilespmem:$0x1860]  }
0x31: {  	v54 =	vld [tilespmem:$0x1870];
	vm0 =	vge.f32 v35, v33;
	vm1 =	vge.f32 v35, v34;
	vm10 =	vge.f32 v35, v36  }
0x32: {  	v58 =	vld [tilespmem:$0x1880];
	vm11 =	vge.f32 v35, v37;
	v40 =	vsel vm0, $0x1, v1;
	v41 =	vsel vm1, $0x1, v1  }
0x33: {  	v60 =	vld [tilespmem:$0x1890];
	vm12 =	vge.f32 v35, v38;
	v55 =	vsel vm10, $0x1, v1;
	v40 =	vadd.s32 v40, v41  }
0x34: {  	v33 =	vld [tilespmem:$0x18A0];
	vm13 =	vge.f32 v35, v39;
	v57 =	vsel vm11, $0x1, v1;
	v56 =	vadd.s32 v55, v40  }
0x35: {  	v61 =	vld [tilespmem:$0x0];
	vm14 =	vge.f32 v35, v53;
	v59 =	vsel vm12, $0x1, v1;
	v37 =	vadd.s32 v57, v56  }
0x36: {  	v34 =	vld [tilespmem:$0x18B0];
	vm15 =	vge.f32 v35, v54;
	v62 =	vsel vm13, $0x1, v1;
	v37 =	vadd.s32 v59, v37  }
0x37: {  	vm4 =	vge.f32 v35, v58;
	v63 =	vsel vm14, $0x1, v1;
	v37 =	vadd.s32 v62, v37  }
0x38: {  	vm5 =	vge.f32 v35, v60;
	v43 =	vsel vm15, $0x1, v1;
	v42 =	vadd.s32 v63, v37  }
0x39: {  	v44 =	vsel vm4, $0x1, v1;
	v35 =	vsub.f32 v35, v33;
	v36 =	vadd.s32 v43, v42  }
0x3a: {  	v45 =	vadd.s32 $0x1, v61;
	v46 =	vsel vm5, $0x1, v1;
	v36 =	vadd.s32 v44, v36  }
0x3b: {  	[tilespmem:$0x400] =	vst v45;
	v35 =	vmul.f32 v35, v34;
	v36 =	vadd.s32 v46, v36  }
0x3c: {  	[tilespmem:$0x600] =	vst v36  }
0x3d: {  	[tilespmem:v0+s9+$0x0] =	vst.idx.msk $0xffff, v35  }
0x3e: {  	v35 =	vld [tilespmem:$0x10]  }
0x3f: {  	v47 =	vld [tilespmem:$0x210]  }
0x40: {  	v48 =	vld [tilespmem:$0x1800]  }
0x41: {  	v49 =	vld [tilespmem:$0x1810]  }
0x42: {  	v50 =	vld [tilespmem:$0x1820]  }
0x43: {  	v51 =	vld [tilespmem:$0x1830]  }
0x44: {  	v52 =	vld [tilespmem:$0x1840]  }
0x45: {  	v42 =	vld [tilespmem:$0x1850]  }
0x46: {  	v53 =	vld [tilespmem:$0x1860]  }
0x47: {  	v55 =	vld [tilespmem:$0x1870];
	vm6 =	vge.f32 v47, v48;
	vm7 =	vge.f32 v47, v49;
	vm8 =	vge.f32 v47, v50  }
0x48: {  	v58 =	vld [tilespmem:$0x1880];
	vm9 =	vge.f32 v47, v51;
	v54 =	vsel vm6, $0x1, v1;
	v43 =	vsel vm7, $0x1, v1  }
0x49: {  	v60 =	vld [tilespmem:$0x1890];
	vm10 =	vge.f32 v47, v52;
	v56 =	vsel vm8, $0x1, v1;
	v38 =	vadd.s32 v54, v43  }
0x4a: {  	vm11 =	vge.f32 v47, v42;
	v57 =	vsel vm9, $0x1, v1;
	v38 =	vadd.s32 v56, v38  }
0x4b: {  	vm12 =	vge.f32 v47, v53;
	v59 =	vsel vm10, $0x1, v1;
	v38 =	vadd.s32 v57, v38  }
0x4c: {  	vm13 =	vge.f32 v47, v55;
	v61 =	vsel vm11, $0x1, v1;
	v38 =	vadd.s32 v59, v38  }
0x4d: {  	vm14 =	vge.f32 v47, v58;
	v63 =	vsel vm12, $0x1, v1;
	v62 =	vadd.s32 v61, v38  }
0x4e: {  	vm15 =	vge.f32 v47, v60;
	v40 =	vsel vm13, $0x1, v1;
	v37 =	vadd.s32 v63, v62  }
0x4f: {  	v36 =	vsub.f32 v47, v33;
	v41 =	vsel vm14, $0x1, v1;
	v37 =	vadd.s32 v40, v37  }
0x50: {  	v35 =	vadd.s32 $0x1, v35;
	v43 =	vsel vm15, $0x1, v1;
	v37 =	vadd.s32 v41, v37  }
0x51: {  	[tilespmem:$0x410] =	vst v35;
	v36 =	vmul.f32 v36, v34;
	v44 =	vadd.s32 v43, v37  }
0x52: {  	[tilespmem:$0x610] =	vst v44  }
0x53: {  	[tilespmem:v2+s9+$0x0] =	vst.idx.msk $0xffff, v36  }
0x54: {  	v45 =	vld [tilespmem:$0x220]  }
0x55: {  	v36 =	vld [tilespmem:$0x1800]  }
0x56: {  	v46 =	vld [tilespmem:$0x1810]  }
0x57: {  	v47 =	vld [tilespmem:$0x1820]  }
0x58: {  	v48 =	vld [tilespmem:$0x1830]  }
0x59: {  	v49 =	vld [tilespmem:$0x1840]  }
0x5a: {  	v50 =	vld [tilespmem:$0x1850]  }
0x5b: {  	v51 =	vld [tilespmem:$0x1860]  }
0x5c: {  	v54 =	vld [tilespmem:$0x1870];
	vm4 =	vge.f32 v45, v36;
	vm5 =	vge.f32 v45, v46;
	vm6 =	vge.f32 v45, v47  }
0x5d: {  	v56 =	vld [tilespmem:$0x1880];
	vm7 =	vge.f32 v45, v48;
	v52 =	vsel vm4, $0x1, v1;
	v53 =	vsel vm5, $0x1, v1  }
0x5e: {  	v58 =	vld [tilespmem:$0x1890];
	vm8 =	vge.f32 v45, v49;
	v55 =	vsel vm6, $0x1, v1;
	v37 =	vadd.s32 v52, v53  }
0x5f: {  	vm9 =	vge.f32 v45, v50;
	v39 =	vsel vm7, $0x1, v1;
	v37 =	vadd.s32 v55, v37  }
0x60: {  	v59 =	vld [tilespmem:$0x20];
	vm10 =	vge.f32 v45, v51;
	v57 =	vsel vm8, $0x1, v1;
	v37 =	vadd.s32 v39, v37  }
0x61: {  	vm11 =	vge.f32 v45, v54;
	v60 =	vsel vm9, $0x1, v1;
	v37 =	vadd.s32 v57, v37  }
0x62: {  	vm12 =	vge.f32 v45, v56;
	v62 =	vsel vm10, $0x1, v1;
	v61 =	vadd.s32 v60, v37  }
0x63: {  	vm13 =	vge.f32 v45, v58;
	v63 =	vsel vm11, $0x1, v1;
	v36 =	vadd.s32 v62, v61  }
0x64: {  	v35 =	vsub.f32 v45, v33;
	v40 =	vsel vm12, $0x1, v1;
	v36 =	vadd.s32 v63, v36  }
0x65: {  	v43 =	vadd.s32 $0x1, v59;
	v44 =	vsel vm13, $0x1, v1;
	v36 =	vadd.s32 v40, v36  }
0x66: {  	[tilespmem:$0x420] =	vst v43;
	v35 =	vmul.f32 v35, v34;
	v36 =	vadd.s32 v44, v36  }
0x67: {  	[tilespmem:$0x620] =	vst v36  }
0x68: {  	[tilespmem:v3+s9+$0x0] =	vst.idx.msk $0xffff, v35  }
0x69: {  	v35 =	vld [tilespmem:$0x230]  }
0x6a: {  	v45 =	vld [tilespmem:$0x1800]  }
0x6b: {  	v46 =	vld [tilespmem:$0x1810]  }
0x6c: {  	v47 =	vld [tilespmem:$0x1820]  }
0x6d: {  	v48 =	vld [tilespmem:$0x1830]  }
0x6e: {  	v49 =	vld [tilespmem:$0x1840]  }
0x6f: {  	v50 =	vld [tilespmem:$0x1850]  }
0x70: {  	v51 =	vld [tilespmem:$0x1860]  }
0x71: {  	v54 =	vld [tilespmem:$0x1870];
	vm14 =	vge.f32 v35, v45;
	vm15 =	vge.f32 v35, v46;
	vm4 =	vge.f32 v35, v47  }
0x72: {  	v56 =	vld [tilespmem:$0x1880];
	vm5 =	vge.f32 v35, v48;
	v52 =	vsel vm14, $0x1, v1;
	v53 =	vsel vm15, $0x1, v1  }
0x73: {  	v58 =	vld [tilespmem:$0x1890];
	vm6 =	vge.f32 v35, v49;
	v55 =	vsel vm4, $0x1, v1;
	v37 =	vadd.s32 v52, v53  }
0x74: {  	vm7 =	vge.f32 v35, v50;
	v39 =	vsel vm5, $0x1, v1;
	v37 =	vadd.s32 v55, v37  }
0x75: {  	v59 =	vld [tilespmem:$0x30];
	vm8 =	vge.f32 v35, v51;
	v57 =	vsel vm6, $0x1, v1;
	v37 =	vadd.s32 v39, v37  }
0x76: {  	vm9 =	vge.f32 v35, v54;
	v60 =	vsel vm7, $0x1, v1;
	v37 =	vadd.s32 v57, v37  }
0x77: {  	vm10 =	vge.f32 v35, v56;
	v62 =	vsel vm8, $0x1, v1;
	v61 =	vadd.s32 v60, v37  }
0x78: {  	vm11 =	vge.f32 v35, v58;
	v63 =	vsel vm9, $0x1, v1;
	v36 =	vadd.s32 v62, v61  }
0x79: {  	v35 =	vsub.f32 v35, v33;
	v40 =	vsel vm10, $0x1, v1;
	v36 =	vadd.s32 v63, v36  }
0x7a: {  	v43 =	vadd.s32 $0x1, v59;
	v44 =	vsel vm11, $0x1, v1;
	v36 =	vadd.s32 v40, v36  }
0x7b: {  	[tilespmem:$0x430] =	vst v43;
	v35 =	vmul.f32 v35, v34;
	v36 =	vadd.s32 v44, v36  }
0x7c: {  	[tilespmem:$0x630] =	vst v36  }
0x7d: {  	[tilespmem:v4+s9+$0x0] =	vst.idx.msk $0xffff, v35  }
0x7e: {  	v35 =	vld [tilespmem:$0x240]  }
0x7f: {  	v45 =	vld [tilespmem:$0x1800]  }
0x80: {  	v46 =	vld [tilespmem:$0x1810]  }
0x81: {  	v47 =	vld [tilespmem:$0x1820]  }
0x82: {  	v48 =	vld [tilespmem:$0x1830]  }
0x83: {  	v49 =	vld [tilespmem:$0x1840]  }
0x84: {  	v50 =	vld [tilespmem:$0x1850]  }
0x85: {  	v51 =	vld [tilespmem:$0x1860]  }
0x86: {  	v54 =	vld [tilespmem:$0x1870];
	vm12 =	vge.f32 v35, v45;
	vm13 =	vge.f32 v35, v46;
	vm14 =	vge.f32 v35, v47  }
0x87: {  	v56 =	vld [tilespmem:$0x1880];
	vm15 =	vge.f32 v35, v48;
	v52 =	vsel vm12, $0x1, v1;
	v53 =	vsel vm13, $0x1, v1  }
0x88: {  	v58 =	vld [tilespmem:$0x1890];
	vm4 =	vge.f32 v35, v49;
	v55 =	vsel vm14, $0x1, v1;
	v37 =	vadd.s32 v52, v53  }
0x89: {  	vm5 =	vge.f32 v35, v50;
	v39 =	vsel vm15, $0x1, v1;
	v37 =	vadd.s32 v55, v37  }
0x8a: {  	v59 =	vld [tilespmem:$0x40];
	vm6 =	vge.f32 v35, v51;
	v57 =	vsel vm4, $0x1, v1;
	v37 =	vadd.s32 v39, v37  }
0x8b: {  	vm7 =	vge.f32 v35, v54;
	v60 =	vsel vm5, $0x1, v1;
	v37 =	vadd.s32 v57, v37  }
0x8c: {  	vm8 =	vge.f32 v35, v56;
	v62 =	vsel vm6, $0x1, v1;
	v61 =	vadd.s32 v60, v37  }
0x8d: {  	vm9 =	vge.f32 v35, v58;
	v63 =	vsel vm7, $0x1, v1;
	v36 =	vadd.s32 v62, v61  }
0x8e: {  	v35 =	vsub.f32 v35, v33;
	v40 =	vsel vm8, $0x1, v1;
	v36 =	vadd.s32 v63, v36  }
0x8f: {  	v43 =	vadd.s32 $0x1, v59;
	v44 =	vsel vm9, $0x1, v1;
	v36 =	vadd.s32 v40, v36  }
0x90: {  	[tilespmem:$0x440] =	vst v43;
	v35 =	vmul.f32 v35, v34;
	v36 =	vadd.s32 v44, v36  }
0x91: {  	[tilespmem:$0x640] =	vst v36  }
0x92: {  	[tilespmem:v5+s9+$0x0] =	vst.idx.msk $0xffff, v35  }
0x93: {  	v35 =	vld [tilespmem:$0x250]  }
0x94: {  	v45 =	vld [tilespmem:$0x1800]  }
0x95: {  	v46 =	vld [tilespmem:$0x1810]  }
0x96: {  	v47 =	vld [tilespmem:$0x1820]  }
0x97: {  	v48 =	vld [tilespmem:$0x1830]  }
0x98: {  	v49 =	vld [tilespmem:$0x1840]  }
0x99: {  	v50 =	vld [tilespmem:$0x1850]  }
0x9a: {  	v51 =	vld [tilespmem:$0x1860]  }
0x9b: {  	v54 =	vld [tilespmem:$0x1870];
	vm10 =	vge.f32 v35, v45;
	vm11 =	vge.f32 v35, v46;
	vm12 =	vge.f32 v35, v47  }
0x9c: {  	v56 =	vld [tilespmem:$0x1880];
	vm13 =	vge.f32 v35, v48;
	v52 =	vsel vm10, $0x1, v1;
	v53 =	vsel vm11, $0x1, v1  }
0x9d: {  	v58 =	vld [tilespmem:$0x1890];
	vm14 =	vge.f32 v35, v49;
	v55 =	vsel vm12, $0x1, v1;
	v37 =	vadd.s32 v52, v53  }
0x9e: {  	vm15 =	vge.f32 v35, v50;
	v39 =	vsel vm13, $0x1, v1;
	v37 =	vadd.s32 v55, v37  }
0x9f: {  	v59 =	vld [tilespmem:$0x50];
	vm4 =	vge.f32 v35, v51;
	v57 =	vsel vm14, $0x1, v1;
	v37 =	vadd.s32 v39, v37  }
0xa0: {  	vm5 =	vge.f32 v35, v54;
	v60 =	vsel vm15, $0x1, v1;
	v37 =	vadd.s32 v57, v37  }
0xa1: {  	vm6 =	vge.f32 v35, v56;
	v62 =	vsel vm4, $0x1, v1;
	v61 =	vadd.s32 v60, v37  }
0xa2: {  	vm7 =	vge.f32 v35, v58;
	v63 =	vsel vm5, $0x1, v1;
	v36 =	vadd.s32 v62, v61  }
0xa3: {  	v35 =	vsub.f32 v35, v33;
	v40 =	vsel vm6, $0x1, v1;
	v36 =	vadd.s32 v63, v36  }
0xa4: {  	v43 =	vadd.s32 $0x1, v59;
	v44 =	vsel vm7, $0x1, v1;
	v36 =	vadd.s32 v40, v36  }
0xa5: {  	[tilespmem:$0x450] =	vst v43;
	v35 =	vmul.f32 v35, v34;
	v36 =	vadd.s32 v44, v36  }
0xa6: {  	[tilespmem:$0x650] =	vst v36  }
0xa7: {  	[tilespmem:v6+s9+$0x0] =	vst.idx.msk $0xffff, v35  }
0xa8: {  	v35 =	vld [tilespmem:$0x260]  }
0xa9: {  	v45 =	vld [tilespmem:$0x1800]  }
0xaa: {  	v46 =	vld [tilespmem:$0x1810]  }
0xab: {  	v47 =	vld [tilespmem:$0x1820]  }
0xac: {  	v48 =	vld [tilespmem:$0x1830]  }
0xad: {  	v49 =	vld [tilespmem:$0x1840]  }
0xae: {  	v50 =	vld [tilespmem:$0x1850]  }
0xaf: {  	v51 =	vld [tilespmem:$0x1860]  }
0xb0: {  	v54 =	vld [tilespmem:$0x1870];
	vm8 =	vge.f32 v35, v45;
	vm9 =	vge.f32 v35, v46;
	vm10 =	vge.f32 v35, v47  }
0xb1: {  	v56 =	vld [tilespmem:$0x1880];
	vm11 =	vge.f32 v35, v48;
	v52 =	vsel vm8, $0x1, v1;
	v53 =	vsel vm9, $0x1, v1  }
0xb2: {  	v58 =	vld [tilespmem:$0x1890];
	vm12 =	vge.f32 v35, v49;
	v55 =	vsel vm10, $0x1, v1;
	v37 =	vadd.s32 v52, v53  }
0xb3: {  	vm13 =	vge.f32 v35, v50;
	v39 =	vsel vm11, $0x1, v1;
	v37 =	vadd.s32 v55, v37  }
0xb4: {  	v59 =	vld [tilespmem:$0x60];
	vm14 =	vge.f32 v35, v51;
	v57 =	vsel vm12, $0x1, v1;
	v37 =	vadd.s32 v39, v37  }
0xb5: {  	vm15 =	vge.f32 v35, v54;
	v60 =	vsel vm13, $0x1, v1;
	v37 =	vadd.s32 v57, v37  }
0xb6: {  	vm4 =	vge.f32 v35, v56;
	v62 =	vsel vm14, $0x1, v1;
	v61 =	vadd.s32 v60, v37  }
0xb7: {  	vm5 =	vge.f32 v35, v58;
	v63 =	vsel vm15, $0x1, v1;
	v36 =	vadd.s32 v62, v61  }
0xb8: {  	v35 =	vsub.f32 v35, v33;
	v40 =	vsel vm4, $0x1, v1;
	v36 =	vadd.s32 v63, v36  }
0xb9: {  	v43 =	vadd.s32 $0x1, v59;
	v44 =	vsel vm5, $0x1, v1;
	v36 =	vadd.s32 v40, v36  }
0xba: {  	[tilespmem:$0x460] =	vst v43;
	v35 =	vmul.f32 v35, v34;
	v36 =	vadd.s32 v44, v36  }
0xbb: {  	[tilespmem:$0x660] =	vst v36  }
0xbc: {  	[tilespmem:v7+s9+$0x0] =	vst.idx.msk $0xffff, v35  }
0xbd: {  	v35 =	vld [tilespmem:$0x270]  }
0xbe: {  	v45 =	vld [tilespmem:$0x1800]  }
0xbf: {  	v46 =	vld [tilespmem:$0x1810]  }
0xc0: {  	v47 =	vld [tilespmem:$0x1820]  }
0xc1: {  	v48 =	vld [tilespmem:$0x1830]  }
0xc2: {  	v49 =	vld [tilespmem:$0x1840]  }
0xc3: {  	v50 =	vld [tilespmem:$0x1850]  }
0xc4: {  	v51 =	vld [tilespmem:$0x1860]  }
0xc5: {  	v54 =	vld [tilespmem:$0x1870];
	vm6 =	vge.f32 v35, v45;
	vm7 =	vge.f32 v35, v46;
	vm8 =	vge.f32 v35, v47  }
0xc6: {  	v56 =	vld [tilespmem:$0x1880];
	vm9 =	vge.f32 v35, v48;
	v52 =	vsel vm6, $0x1, v1;
	v53 =	vsel vm7, $0x1, v1  }
0xc7: {  	v58 =	vld [tilespmem:$0x1890];
	vm10 =	vge.f32 v35, v49;
	v55 =	vsel vm8, $0x1, v1;
	v37 =	vadd.s32 v52, v53  }
0xc8: {  	vm11 =	vge.f32 v35, v50;
	v39 =	vsel vm9, $0x1, v1;
	v37 =	vadd.s32 v55, v37  }
0xc9: {  	v59 =	vld [tilespmem:$0x70];
	vm12 =	vge.f32 v35, v51;
	v57 =	vsel vm10, $0x1, v1;
	v37 =	vadd.s32 v39, v37  }
0xca: {  	vm13 =	vge.f32 v35, v54;
	v60 =	vsel vm11, $0x1, v1;
	v37 =	vadd.s32 v57, v37  }
0xcb: {  	vm14 =	vge.f32 v35, v56;
	v62 =	vsel vm12, $0x1, v1;
	v61 =	vadd.s32 v60, v37  }
0xcc: {  	vm15 =	vge.f32 v35, v58;
	v63 =	vsel vm13, $0x1, v1;
	v36 =	vadd.s32 v62, v61  }
0xcd: {  	v35 =	vsub.f32 v35, v33;
	v40 =	vsel vm14, $0x1, v1;
	v36 =	vadd.s32 v63, v36  }
0xce: {  	v43 =	vadd.s32 $0x1, v59;
	v44 =	vsel vm15, $0x1, v1;
	v36 =	vadd.s32 v40, v36  }
0xcf: {  	[tilespmem:$0x470] =	vst v43;
	v35 =	vmul.f32 v35, v34;
	v36 =	vadd.s32 v44, v36  }
0xd0: {  	[tilespmem:$0x670] =	vst v36  }
0xd1: {  	[tilespmem:v8+s9+$0x0] =	vst.idx.msk $0xffff, v35  }
0xd2: {  	v35 =	vld [tilespmem:$0x280]  }
0xd3: {  	v45 =	vld [tilespmem:$0x1800]  }
0xd4: {  	v46 =	vld [tilespmem:$0x1810]  }
0xd5: {  	v47 =	vld [tilespmem:$0x1820]  }
0xd6: {  	v48 =	vld [tilespmem:$0x1830]  }
0xd7: {  	v49 =	vld [tilespmem:$0x1840]  }
0xd8: {  	v50 =	vld [tilespmem:$0x1850]  }
0xd9: {  	v51 =	vld [tilespmem:$0x1860]  }
0xda: {  	v54 =	vld [tilespmem:$0x1870];
	vm4 =	vge.f32 v35, v45;
	vm5 =	vge.f32 v35, v46;
	vm6 =	vge.f32 v35, v47  }
0xdb: {  	v56 =	vld [tilespmem:$0x1880];
	vm7 =	vge.f32 v35, v48;
	v52 =	vsel vm4, $0x1, v1;
	v53 =	vsel vm5, $0x1, v1  }
0xdc: {  	v58 =	vld [tilespmem:$0x1890];
	vm8 =	vge.f32 v35, v49;
	v55 =	vsel vm6, $0x1, v1;
	v37 =	vadd.s32 v52, v53  }
0xdd: {  	vm9 =	vge.f32 v35, v50;
	v39 =	vsel vm7, $0x1, v1;
	v37 =	vadd.s32 v55, v37  }
0xde: {  	v59 =	vld [tilespmem:$0x80];
	vm10 =	vge.f32 v35, v51;
	v57 =	vsel vm8, $0x1, v1;
	v37 =	vadd.s32 v39, v37  }
0xdf: {  	vm11 =	vge.f32 v35, v54;
	v60 =	vsel vm9, $0x1, v1;
	v37 =	vadd.s32 v57, v37  }
0xe0: {  	vm12 =	vge.f32 v35, v56;
	v62 =	vsel vm10, $0x1, v1;
	v61 =	vadd.s32 v60, v37  }
0xe1: {  	vm13 =	vge.f32 v35, v58;
	v63 =	vsel vm11, $0x1, v1;
	v36 =	vadd.s32 v62, v61  }
0xe2: {  	v35 =	vsub.f32 v35, v33;
	v40 =	vsel vm12, $0x1, v1;
	v36 =	vadd.s32 v63, v36  }
0xe3: {  	v43 =	vadd.s32 $0x1, v59;
	v44 =	vsel vm13, $0x1, v1;
	v36 =	vadd.s32 v40, v36  }
0xe4: {  	[tilespmem:$0x480] =	vst v43;
	v35 =	vmul.f32 v35, v34;
	v36 =	vadd.s32 v44, v36  }
0xe5: {  	[tilespmem:$0x680] =	vst v36  }
0xe6: {  	[tilespmem:v9+s9+$0x0] =	vst.idx.msk $0xffff, v35  }
0xe7: {  	v35 =	vld [tilespmem:$0x290]  }
0xe8: {  	v45 =	vld [tilespmem:$0x1800]  }
0xe9: {  	v46 =	vld [tilespmem:$0x1810]  }
0xea: {  	v47 =	vld [tilespmem:$0x1820]  }
0xeb: {  	v48 =	vld [tilespmem:$0x1830]  }
0xec: {  	v49 =	vld [tilespmem:$0x1840]  }
0xed: {  	v50 =	vld [tilespmem:$0x1850]  }
0xee: {  	v51 =	vld [tilespmem:$0x1860]  }
0xef: {  	v54 =	vld [tilespmem:$0x1870];
	vm14 =	vge.f32 v35, v45;
	vm15 =	vge.f32 v35, v46;
	vm4 =	vge.f32 v35, v47  }
0xf0: {  	v56 =	vld [tilespmem:$0x1880];
	vm5 =	vge.f32 v35, v48;
	v52 =	vsel vm14, $0x1, v1;
	v53 =	vsel vm15, $0x1, v1  }
0xf1: {  	v58 =	vld [tilespmem:$0x1890];
	vm6 =	vge.f32 v35, v49;
	v55 =	vsel vm4, $0x1, v1;
	v37 =	vadd.s32 v52, v53  }
0xf2: {  	vm7 =	vge.f32 v35, v50;
	v39 =	vsel vm5, $0x1, v1;
	v37 =	vadd.s32 v55, v37  }
0xf3: {  	v59 =	vld [tilespmem:$0x90];
	vm8 =	vge.f32 v35, v51;
	v57 =	vsel vm6, $0x1, v1;
	v37 =	vadd.s32 v39, v37  }
0xf4: {  	vm9 =	vge.f32 v35, v54;
	v60 =	vsel vm7, $0x1, v1;
	v37 =	vadd.s32 v57, v37  }
0xf5: {  	vm10 =	vge.f32 v35, v56;
	v62 =	vsel vm8, $0x1, v1;
	v61 =	vadd.s32 v60, v37  }
0xf6: {  	vm11 =	vge.f32 v35, v58;
	v63 =	vsel vm9, $0x1, v1;
	v36 =	vadd.s32 v62, v61  }
0xf7: {  	v35 =	vsub.f32 v35, v33;
	v40 =	vsel vm10, $0x1, v1;
	v36 =	vadd.s32 v63, v36  }
0xf8: {  	v43 =	vadd.s32 $0x1, v59;
	v44 =	vsel vm11, $0x1, v1;
	v36 =	vadd.s32 v40, v36  }
0xf9: {  	[tilespmem:$0x490] =	vst v43;
	v35 =	vmul.f32 v35, v34;
	v36 =	vadd.s32 v44, v36  }
0xfa: {  	[tilespmem:$0x690] =	vst v36  }
0xfb: {  	[tilespmem:v10+s9+$0x0] =	vst.idx.msk $0xffff, v35  }
0xfc: {  	v35 =	vld [tilespmem:$0x2A0]  }
0xfd: {  	v45 =	vld [tilespmem:$0x1800]  }
0xfe: {  	v46 =	vld [tilespmem:$0x1810]  }
0xff: {  	v47 =	vld [tilespmem:$0x1820]  }
0x100: {  	v48 =	vld [tilespmem:$0x1830]  }
0x101: {  	v49 =	vld [tilespmem:$0x1840]  }
0x102: {  	v50 =	vld [tilespmem:$0x1850]  }
0x103: {  	v51 =	vld [tilespmem:$0x1860]  }
0x104: {  	v54 =	vld [tilespmem:$0x1870];
	vm12 =	vge.f32 v35, v45;
	vm13 =	vge.f32 v35, v46;
	vm14 =	vge.f32 v35, v47  }
0x105: {  	v56 =	vld [tilespmem:$0x1880];
	vm15 =	vge.f32 v35, v48;
	v52 =	vsel vm12, $0x1, v1;
	v53 =	vsel vm13, $0x1, v1  }
0x106: {  	v58 =	vld [tilespmem:$0x1890];
	vm4 =	vge.f32 v35, v49;
	v55 =	vsel vm14, $0x1, v1;
	v37 =	vadd.s32 v52, v53  }
0x107: {  	vm5 =	vge.f32 v35, v50;
	v39 =	vsel vm15, $0x1, v1;
	v37 =	vadd.s32 v55, v37  }
0x108: {  	v59 =	vld [tilespmem:$0xA0];
	vm6 =	vge.f32 v35, v51;
	v57 =	vsel vm4, $0x1, v1;
	v37 =	vadd.s32 v39, v37  }
0x109: {  	vm7 =	vge.f32 v35, v54;
	v60 =	vsel vm5, $0x1, v1;
	v37 =	vadd.s32 v57, v37  }
0x10a: {  	vm8 =	vge.f32 v35, v56;
	v62 =	vsel vm6, $0x1, v1;
	v61 =	vadd.s32 v60, v37  }
0x10b: {  	vm9 =	vge.f32 v35, v58;
	v63 =	vsel vm7, $0x1, v1;
	v36 =	vadd.s32 v62, v61  }
0x10c: {  	v35 =	vsub.f32 v35, v33;
	v40 =	vsel vm8, $0x1, v1;
	v36 =	vadd.s32 v63, v36  }
0x10d: {  	v43 =	vadd.s32 $0x1, v59;
	v44 =	vsel vm9, $0x1, v1;
	v36 =	vadd.s32 v40, v36  }
0x10e: {  	[tilespmem:$0x4A0] =	vst v43;
	v35 =	vmul.f32 v35, v34;
	v36 =	vadd.s32 v44, v36  }
0x10f: {  	[tilespmem:$0x6A0] =	vst v36  }
0x110: {  	[tilespmem:v11+s9+$0x0] =	vst.idx.msk $0xffff, v35  }
0x111: {  	v35 =	vld [tilespmem:$0x2B0]  }
0x112: {  	v45 =	vld [tilespmem:$0x1800]  }
0x113: {  	v46 =	vld [tilespmem:$0x1810]  }
0x114: {  	v47 =	vld [tilespmem:$0x1820]  }
0x115: {  	v48 =	vld [tilespmem:$0x1830]  }
0x116: {  	v49 =	vld [tilespmem:$0x1840]  }
0x117: {  	v50 =	vld [tilespmem:$0x1850]  }
0x118: {  	v51 =	vld [tilespmem:$0x1860]  }
0x119: {  	v54 =	vld [tilespmem:$0x1870];
	vm10 =	vge.f32 v35, v45;
	vm11 =	vge.f32 v35, v46;
	vm12 =	vge.f32 v35, v47  }
0x11a: {  	v56 =	vld [tilespmem:$0x1880];
	vm13 =	vge.f32 v35, v48;
	v52 =	vsel vm10, $0x1, v1;
	v53 =	vsel vm11, $0x1, v1  }
0x11b: {  	v58 =	vld [tilespmem:$0x1890];
	vm14 =	vge.f32 v35, v49;
	v55 =	vsel vm12, $0x1, v1;
	v37 =	vadd.s32 v52, v53  }
0x11c: {  	vm15 =	vge.f32 v35, v50;
	v39 =	vsel vm13, $0x1, v1;
	v37 =	vadd.s32 v55, v37  }
0x11d: {  	v59 =	vld [tilespmem:$0xB0];
	vm4 =	vge.f32 v35, v51;
	v57 =	vsel vm14, $0x1, v1;
	v37 =	vadd.s32 v39, v37  }
0x11e: {  	vm5 =	vge.f32 v35, v54;
	v60 =	vsel vm15, $0x1, v1;
	v37 =	vadd.s32 v57, v37  }
0x11f: {  	vm6 =	vge.f32 v35, v56;
	v62 =	vsel vm4, $0x1, v1;
	v61 =	vadd.s32 v60, v37  }
0x120: {  	vm7 =	vge.f32 v35, v58;
	v63 =	vsel vm5, $0x1, v1;
	v36 =	vadd.s32 v62, v61  }
0x121: {  	v35 =	vsub.f32 v35, v33;
	v40 =	vsel vm6, $0x1, v1;
	v36 =	vadd.s32 v63, v36  }
0x122: {  	v43 =	vadd.s32 $0x1, v59;
	v44 =	vsel vm7, $0x1, v1;
	v36 =	vadd.s32 v40, v36  }
0x123: {  	[tilespmem:$0x4B0] =	vst v43;
	v35 =	vmul.f32 v35, v34;
	v36 =	vadd.s32 v44, v36  }
0x124: {  	[tilespmem:$0x6B0] =	vst v36  }
0x125: {  	[tilespmem:v12+s9+$0x0] =	vst.idx.msk $0xffff, v35  }
0x126: {  	v35 =	vld [tilespmem:$0x2C0]  }
0x127: {  	v45 =	vld [tilespmem:$0x1800]  }
0x128: {  	v46 =	vld [tilespmem:$0x1810]  }
0x129: {  	v47 =	vld [tilespmem:$0x1820]  }
0x12a: {  	v48 =	vld [tilespmem:$0x1830]  }
0x12b: {  	v49 =	vld [tilespmem:$0x1840]  }
0x12c: {  	v50 =	vld [tilespmem:$0x1850]  }
0x12d: {  	v51 =	vld [tilespmem:$0x1860]  }
0x12e: {  	v54 =	vld [tilespmem:$0x1870];
	vm8 =	vge.f32 v35, v45;
	vm9 =	vge.f32 v35, v46;
	vm10 =	vge.f32 v35, v47  }
0x12f: {  	v56 =	vld [tilespmem:$0x1880];
	vm11 =	vge.f32 v35, v48;
	v52 =	vsel vm8, $0x1, v1;
	v53 =	vsel vm9, $0x1, v1  }
0x130: {  	v58 =	vld [tilespmem:$0x1890];
	vm12 =	vge.f32 v35, v49;
	v55 =	vsel vm10, $0x1, v1;
	v37 =	vadd.s32 v52, v53  }
0x131: {  	vm13 =	vge.f32 v35, v50;
	v39 =	vsel vm11, $0x1, v1;
	v37 =	vadd.s32 v55, v37  }
0x132: {  	v59 =	vld [tilespmem:$0xC0];
	vm14 =	vge.f32 v35, v51;
	v57 =	vsel vm12, $0x1, v1;
	v37 =	vadd.s32 v39, v37  }
0x133: {  	vm15 =	vge.f32 v35, v54;
	v60 =	vsel vm13, $0x1, v1;
	v37 =	vadd.s32 v57, v37  }
0x134: {  	vm4 =	vge.f32 v35, v56;
	v62 =	vsel vm14, $0x1, v1;
	v61 =	vadd.s32 v60, v37  }
0x135: {  	vm5 =	vge.f32 v35, v58;
	v63 =	vsel vm15, $0x1, v1;
	v36 =	vadd.s32 v62, v61  }
0x136: {  	v35 =	vsub.f32 v35, v33;
	v40 =	vsel vm4, $0x1, v1;
	v36 =	vadd.s32 v63, v36  }
0x137: {  	v43 =	vadd.s32 $0x1, v59;
	v44 =	vsel vm5, $0x1, v1;
	v36 =	vadd.s32 v40, v36  }
0x138: {  	[tilespmem:$0x4C0] =	vst v43;
	v35 =	vmul.f32 v35, v34;
	v36 =	vadd.s32 v44, v36  }
0x139: {  	[tilespmem:$0x6C0] =	vst v36  }
0x13a: {  	[tilespmem:v13+s9+$0x0] =	vst.idx.msk $0xffff, v35  }
0x13b: {  	v35 =	vld [tilespmem:$0x2D0]  }
0x13c: {  	v45 =	vld [tilespmem:$0x1800]  }
0x13d: {  	v46 =	vld [tilespmem:$0x1810]  }
0x13e: {  	v47 =	vld [tilespmem:$0x1820]  }
0x13f: {  	v48 =	vld [tilespmem:$0x1830]  }
0x140: {  	v49 =	vld [tilespmem:$0x1840]  }
0x141: {  	v50 =	vld [tilespmem:$0x1850]  }
0x142: {  	v51 =	vld [tilespmem:$0x1860]  }
0x143: {  	v54 =	vld [tilespmem:$0x1870];
	vm6 =	vge.f32 v35, v45;
	vm7 =	vge.f32 v35, v46;
	vm8 =	vge.f32 v35, v47  }
0x144: {  	v56 =	vld [tilespmem:$0x1880];
	vm9 =	vge.f32 v35, v48;
	v52 =	vsel vm6, $0x1, v1;
	v53 =	vsel vm7, $0x1, v1  }
0x145: {  	v58 =	vld [tilespmem:$0x1890];
	vm10 =	vge.f32 v35, v49;
	v55 =	vsel vm8, $0x1, v1;
	v37 =	vadd.s32 v52, v53  }
0x146: {  	vm11 =	vge.f32 v35, v50;
	v39 =	vsel vm9, $0x1, v1;
	v37 =	vadd.s32 v55, v37  }
0x147: {  	v59 =	vld [tilespmem:$0xD0];
	vm12 =	vge.f32 v35, v51;
	v57 =	vsel vm10, $0x1, v1;
	v37 =	vadd.s32 v39, v37  }
0x148: {  	vm13 =	vge.f32 v35, v54;
	v60 =	vsel vm11, $0x1, v1;
	v37 =	vadd.s32 v57, v37  }
0x149: {  	vm14 =	vge.f32 v35, v56;
	v62 =	vsel vm12, $0x1, v1;
	v61 =	vadd.s32 v60, v37  }
0x14a: {  	vm15 =	vge.f32 v35, v58;
	v63 =	vsel vm13, $0x1, v1;
	v36 =	vadd.s32 v62, v61  }
0x14b: {  	v35 =	vsub.f32 v35, v33;
	v40 =	vsel vm14, $0x1, v1;
	v36 =	vadd.s32 v63, v36  }
0x14c: {  	v43 =	vadd.s32 $0x1, v59;
	v44 =	vsel vm15, $0x1, v1;
	v36 =	vadd.s32 v40, v36  }
0x14d: {  	[tilespmem:$0x4D0] =	vst v43;
	v35 =	vmul.f32 v35, v34;
	v36 =	vadd.s32 v44, v36  }
0x14e: {  	[tilespmem:$0x6D0] =	vst v36  }
0x14f: {  	[tilespmem:v14+s9+$0x0] =	vst.idx.msk $0xffff, v35  }
0x150: {  	v35 =	vld [tilespmem:$0x2E0]  }
0x151: {  	v45 =	vld [tilespmem:$0x1800]  }
0x152: {  	v46 =	vld [tilespmem:$0x1810]  }
0x153: {  	v47 =	vld [tilespmem:$0x1820]  }
0x154: {  	v48 =	vld [tilespmem:$0x1830]  }
0x155: {  	v49 =	vld [tilespmem:$0x1840]  }
0x156: {  	v50 =	vld [tilespmem:$0x1850]  }
0x157: {  	v51 =	vld [tilespmem:$0x1860]  }
0x158: {  	v54 =	vld [tilespmem:$0x1870];
	vm4 =	vge.f32 v35, v45;
	vm5 =	vge.f32 v35, v46;
	vm6 =	vge.f32 v35, v47  }
0x159: {  	v56 =	vld [tilespmem:$0x1880];
	vm7 =	vge.f32 v35, v48;
	v52 =	vsel vm4, $0x1, v1;
	v53 =	vsel vm5, $0x1, v1  }
0x15a: {  	v58 =	vld [tilespmem:$0x1890];
	vm8 =	vge.f32 v35, v49;
	v55 =	vsel vm6, $0x1, v1;
	v37 =	vadd.s32 v52, v53  }
0x15b: {  	vm9 =	vge.f32 v35, v50;
	v39 =	vsel vm7, $0x1, v1;
	v37 =	vadd.s32 v55, v37  }
0x15c: {  	v59 =	vld [tilespmem:$0xE0];
	vm10 =	vge.f32 v35, v51;
	v57 =	vsel vm8, $0x1, v1;
	v37 =	vadd.s32 v39, v37  }
0x15d: {  	vm11 =	vge.f32 v35, v54;
	v60 =	vsel vm9, $0x1, v1;
	v37 =	vadd.s32 v57, v37  }
0x15e: {  	vm12 =	vge.f32 v35, v56;
	v62 =	vsel vm10, $0x1, v1;
	v61 =	vadd.s32 v60, v37  }
0x15f: {  	vm13 =	vge.f32 v35, v58;
	v63 =	vsel vm11, $0x1, v1;
	v36 =	vadd.s32 v62, v61  }
0x160: {  	v35 =	vsub.f32 v35, v33;
	v40 =	vsel vm12, $0x1, v1;
	v36 =	vadd.s32 v63, v36  }
0x161: {  	v43 =	vadd.s32 $0x1, v59;
	v44 =	vsel vm13, $0x1, v1;
	v36 =	vadd.s32 v40, v36  }
0x162: {  	[tilespmem:$0x4E0] =	vst v43;
	v35 =	vmul.f32 v35, v34;
	v36 =	vadd.s32 v44, v36  }
0x163: {  	[tilespmem:$0x6E0] =	vst v36  }
0x164: {  	[tilespmem:v15+s9+$0x0] =	vst.idx.msk $0xffff, v35  }
0x165: {  	v35 =	vld [tilespmem:$0x2F0]  }
0x166: {  	v45 =	vld [tilespmem:$0x1800]  }
0x167: {  	v46 =	vld [tilespmem:$0x1810]  }
0x168: {  	v47 =	vld [tilespmem:$0x1820]  }
0x169: {  	v48 =	vld [tilespmem:$0x1830]  }
0x16a: {  	v49 =	vld [tilespmem:$0x1840]  }
0x16b: {  	v50 =	vld [tilespmem:$0x1850]  }
0x16c: {  	v51 =	vld [tilespmem:$0x1860]  }
0x16d: {  	v54 =	vld [tilespmem:$0x1870];
	vm14 =	vge.f32 v35, v45;
	vm15 =	vge.f32 v35, v46;
	vm4 =	vge.f32 v35, v47  }
0x16e: {  	v56 =	vld [tilespmem:$0x1880];
	vm5 =	vge.f32 v35, v48;
	v52 =	vsel vm14, $0x1, v1;
	v53 =	vsel vm15, $0x1, v1  }
0x16f: {  	v58 =	vld [tilespmem:$0x1890];
	vm6 =	vge.f32 v35, v49;
	v55 =	vsel vm4, $0x1, v1;
	v37 =	vadd.s32 v52, v53  }
0x170: {  	vm7 =	vge.f32 v35, v50;
	v39 =	vsel vm5, $0x1, v1;
	v37 =	vadd.s32 v55, v37  }
0x171: {  	v59 =	vld [tilespmem:$0xF0];
	vm8 =	vge.f32 v35, v51;
	v57 =	vsel vm6, $0x1, v1;
	v37 =	vadd.s32 v39, v37  }
0x172: {  	vm9 =	vge.f32 v35, v54;
	v60 =	vsel vm7, $0x1, v1;
	v37 =	vadd.s32 v57, v37  }
0x173: {  	vm10 =	vge.f32 v35, v56;
	v62 =	vsel vm8, $0x1, v1;
	v61 =	vadd.s32 v60, v37  }
0x174: {  	vm11 =	vge.f32 v35, v58;
	v63 =	vsel vm9, $0x1, v1;
	v36 =	vadd.s32 v62, v61  }
0x175: {  	v35 =	vsub.f32 v35, v33;
	v40 =	vsel vm10, $0x1, v1;
	v36 =	vadd.s32 v63, v36  }
0x176: {  	v43 =	vadd.s32 $0x1, v59;
	v44 =	vsel vm11, $0x1, v1;
	v36 =	vadd.s32 v40, v36  }
0x177: {  	[tilespmem:$0x4F0] =	vst v43;
	v35 =	vmul.f32 v35, v34;
	v36 =	vadd.s32 v44, v36  }
0x178: {  	[tilespmem:$0x6F0] =	vst v36  }
0x179: {  	[tilespmem:v16+s9+$0x0] =	vst.idx.msk $0xffff, v35  }
0x17a: {  	v35 =	vld [tilespmem:$0x300]  }
0x17b: {  	v45 =	vld [tilespmem:$0x1800]  }
0x17c: {  	v46 =	vld [tilespmem:$0x1810]  }
0x17d: {  	v47 =	vld [tilespmem:$0x1820]  }
0x17e: {  	v48 =	vld [tilespmem:$0x1830]  }
0x17f: {  	v49 =	vld [tilespmem:$0x1840]  }
0x180: {  	v50 =	vld [tilespmem:$0x1850]  }
0x181: {  	v51 =	vld [tilespmem:$0x1860]  }
0x182: {  	v54 =	vld [tilespmem:$0x1870];
	vm12 =	vge.f32 v35, v45;
	vm13 =	vge.f32 v35, v46;
	vm14 =	vge.f32 v35, v47  }
0x183: {  	v56 =	vld [tilespmem:$0x1880];
	vm15 =	vge.f32 v35, v48;
	v52 =	vsel vm12, $0x1, v1;
	v53 =	vsel vm13, $0x1, v1  }
0x184: {  	v58 =	vld [tilespmem:$0x1890];
	vm4 =	vge.f32 v35, v49;
	v55 =	vsel vm14, $0x1, v1;
	v37 =	vadd.s32 v52, v53  }
0x185: {  	vm5 =	vge.f32 v35, v50;
	v39 =	vsel vm15, $0x1, v1;
	v37 =	vadd.s32 v55, v37  }
0x186: {  	v59 =	vld [tilespmem:$0x100];
	vm6 =	vge.f32 v35, v51;
	v57 =	vsel vm4, $0x1, v1;
	v37 =	vadd.s32 v39, v37  }
0x187: {  	vm7 =	vge.f32 v35, v54;
	v60 =	vsel vm5, $0x1, v1;
	v37 =	vadd.s32 v57, v37  }
0x188: {  	vm8 =	vge.f32 v35, v56;
	v62 =	vsel vm6, $0x1, v1;
	v61 =	vadd.s32 v60, v37  }
0x189: {  	vm9 =	vge.f32 v35, v58;
	v63 =	vsel vm7, $0x1, v1;
	v36 =	vadd.s32 v62, v61  }
0x18a: {  	v35 =	vsub.f32 v35, v33;
	v40 =	vsel vm8, $0x1, v1;
	v36 =	vadd.s32 v63, v36  }
0x18b: {  	v43 =	vadd.s32 $0x1, v59;
	v44 =	vsel vm9, $0x1, v1;
	v36 =	vadd.s32 v40, v36  }
0x18c: {  	[tilespmem:$0x500] =	vst v43;
	v35 =	vmul.f32 v35, v34;
	v36 =	vadd.s32 v44, v36  }
0x18d: {  	[tilespmem:$0x700] =	vst v36  }
0x18e: {  	[tilespmem:v17+s9+$0x0] =	vst.idx.msk $0xffff, v35  }
0x18f: {  	v35 =	vld [tilespmem:$0x310]  }
0x190: {  	v45 =	vld [tilespmem:$0x1800]  }
0x191: {  	v46 =	vld [tilespmem:$0x1810]  }
0x192: {  	v47 =	vld [tilespmem:$0x1820]  }
0x193: {  	v48 =	vld [tilespmem:$0x1830]  }
0x194: {  	v49 =	vld [tilespmem:$0x1840]  }
0x195: {  	v50 =	vld [tilespmem:$0x1850]  }
0x196: {  	v51 =	vld [tilespmem:$0x1860]  }
0x197: {  	v54 =	vld [tilespmem:$0x1870];
	vm10 =	vge.f32 v35, v45;
	vm11 =	vge.f32 v35, v46;
	vm12 =	vge.f32 v35, v47  }
0x198: {  	v56 =	vld [tilespmem:$0x1880];
	vm13 =	vge.f32 v35, v48;
	v52 =	vsel vm10, $0x1, v1;
	v53 =	vsel vm11, $0x1, v1  }
0x199: {  	v58 =	vld [tilespmem:$0x1890];
	vm14 =	vge.f32 v35, v49;
	v55 =	vsel vm12, $0x1, v1;
	v37 =	vadd.s32 v52, v53  }
0x19a: {  	vm15 =	vge.f32 v35, v50;
	v39 =	vsel vm13, $0x1, v1;
	v37 =	vadd.s32 v55, v37  }
0x19b: {  	v59 =	vld [tilespmem:$0x110];
	vm4 =	vge.f32 v35, v51;
	v57 =	vsel vm14, $0x1, v1;
	v37 =	vadd.s32 v39, v37  }
0x19c: {  	vm5 =	vge.f32 v35, v54;
	v60 =	vsel vm15, $0x1, v1;
	v37 =	vadd.s32 v57, v37  }
0x19d: {  	vm6 =	vge.f32 v35, v56;
	v62 =	vsel vm4, $0x1, v1;
	v61 =	vadd.s32 v60, v37  }
0x19e: {  	vm7 =	vge.f32 v35, v58;
	v63 =	vsel vm5, $0x1, v1;
	v36 =	vadd.s32 v62, v61  }
0x19f: {  	v35 =	vsub.f32 v35, v33;
	v40 =	vsel vm6, $0x1, v1;
	v36 =	vadd.s32 v63, v36  }
0x1a0: {  	v43 =	vadd.s32 $0x1, v59;
	v44 =	vsel vm7, $0x1, v1;
	v36 =	vadd.s32 v40, v36  }
0x1a1: {  	[tilespmem:$0x510] =	vst v43;
	v35 =	vmul.f32 v35, v34;
	v36 =	vadd.s32 v44, v36  }
0x1a2: {  	[tilespmem:$0x710] =	vst v36  }
0x1a3: {  	[tilespmem:v18+s9+$0x0] =	vst.idx.msk $0xffff, v35  }
0x1a4: {  	v35 =	vld [tilespmem:$0x320]  }
0x1a5: {  	v45 =	vld [tilespmem:$0x1800]  }
0x1a6: {  	v46 =	vld [tilespmem:$0x1810]  }
0x1a7: {  	v47 =	vld [tilespmem:$0x1820]  }
0x1a8: {  	v48 =	vld [tilespmem:$0x1830]  }
0x1a9: {  	v49 =	vld [tilespmem:$0x1840]  }
0x1aa: {  	v50 =	vld [tilespmem:$0x1850]  }
0x1ab: {  	v51 =	vld [tilespmem:$0x1860]  }
0x1ac: {  	v54 =	vld [tilespmem:$0x1870];
	vm8 =	vge.f32 v35, v45;
	vm9 =	vge.f32 v35, v46;
	vm10 =	vge.f32 v35, v47  }
0x1ad: {  	v56 =	vld [tilespmem:$0x1880];
	vm11 =	vge.f32 v35, v48;
	v52 =	vsel vm8, $0x1, v1;
	v53 =	vsel vm9, $0x1, v1  }
0x1ae: {  	v58 =	vld [tilespmem:$0x1890];
	vm12 =	vge.f32 v35, v49;
	v55 =	vsel vm10, $0x1, v1;
	v37 =	vadd.s32 v52, v53  }
0x1af: {  	vm13 =	vge.f32 v35, v50;
	v39 =	vsel vm11, $0x1, v1;
	v37 =	vadd.s32 v55, v37  }
0x1b0: {  	v59 =	vld [tilespmem:$0x120];
	vm14 =	vge.f32 v35, v51;
	v57 =	vsel vm12, $0x1, v1;
	v37 =	vadd.s32 v39, v37  }
0x1b1: {  	vm15 =	vge.f32 v35, v54;
	v60 =	vsel vm13, $0x1, v1;
	v37 =	vadd.s32 v57, v37  }
0x1b2: {  	vm4 =	vge.f32 v35, v56;
	v62 =	vsel vm14, $0x1, v1;
	v61 =	vadd.s32 v60, v37  }
0x1b3: {  	vm5 =	vge.f32 v35, v58;
	v63 =	vsel vm15, $0x1, v1;
	v36 =	vadd.s32 v62, v61  }
0x1b4: {  	v35 =	vsub.f32 v35, v33;
	v40 =	vsel vm4, $0x1, v1;
	v36 =	vadd.s32 v63, v36  }
0x1b5: {  	v43 =	vadd.s32 $0x1, v59;
	v44 =	vsel vm5, $0x1, v1;
	v36 =	vadd.s32 v40, v36  }
0x1b6: {  	[tilespmem:$0x520] =	vst v43;
	v35 =	vmul.f32 v35, v34;
	v36 =	vadd.s32 v44, v36  }
0x1b7: {  	[tilespmem:$0x720] =	vst v36  }
0x1b8: {  	[tilespmem:v19+s9+$0x0] =	vst.idx.msk $0xffff, v35  }
0x1b9: {  	v35 =	vld [tilespmem:$0x330]  }
0x1ba: {  	v45 =	vld [tilespmem:$0x1800]  }
0x1bb: {  	v46 =	vld [tilespmem:$0x1810]  }
0x1bc: {  	v47 =	vld [tilespmem:$0x1820]  }
0x1bd: {  	v48 =	vld [tilespmem:$0x1830]  }
0x1be: {  	v49 =	vld [tilespmem:$0x1840]  }
0x1bf: {  	v50 =	vld [tilespmem:$0x1850]  }
0x1c0: {  	v51 =	vld [tilespmem:$0x1860]  }
0x1c1: {  	v54 =	vld [tilespmem:$0x1870];
	vm6 =	vge.f32 v35, v45;
	vm7 =	vge.f32 v35, v46;
	vm8 =	vge.f32 v35, v47  }
0x1c2: {  	v56 =	vld [tilespmem:$0x1880];
	vm9 =	vge.f32 v35, v48;
	v52 =	vsel vm6, $0x1, v1;
	v53 =	vsel vm7, $0x1, v1  }
0x1c3: {  	v58 =	vld [tilespmem:$0x1890];
	vm10 =	vge.f32 v35, v49;
	v55 =	vsel vm8, $0x1, v1;
	v37 =	vadd.s32 v52, v53  }
0x1c4: {  	vm11 =	vge.f32 v35, v50;
	v39 =	vsel vm9, $0x1, v1;
	v37 =	vadd.s32 v55, v37  }
0x1c5: {  	v59 =	vld [tilespmem:$0x130];
	vm12 =	vge.f32 v35, v51;
	v57 =	vsel vm10, $0x1, v1;
	v37 =	vadd.s32 v39, v37  }
0x1c6: {  	vm13 =	vge.f32 v35, v54;
	v60 =	vsel vm11, $0x1, v1;
	v37 =	vadd.s32 v57, v37  }
0x1c7: {  	vm14 =	vge.f32 v35, v56;
	v62 =	vsel vm12, $0x1, v1;
	v61 =	vadd.s32 v60, v37  }
0x1c8: {  	vm15 =	vge.f32 v35, v58;
	v63 =	vsel vm13, $0x1, v1;
	v36 =	vadd.s32 v62, v61  }
0x1c9: {  	v35 =	vsub.f32 v35, v33;
	v40 =	vsel vm14, $0x1, v1;
	v36 =	vadd.s32 v63, v36  }
0x1ca: {  	v43 =	vadd.s32 $0x1, v59;
	v44 =	vsel vm15, $0x1, v1;
	v36 =	vadd.s32 v40, v36  }
0x1cb: {  	[tilespmem:$0x530] =	vst v43;
	v35 =	vmul.f32 v35, v34;
	v36 =	vadd.s32 v44, v36  }
0x1cc: {  	[tilespmem:$0x730] =	vst v36  }
0x1cd: {  	[tilespmem:v20+s9+$0x0] =	vst.idx.msk $0xffff, v35  }
0x1ce: {  	v35 =	vld [tilespmem:$0x340]  }
0x1cf: {  	v45 =	vld [tilespmem:$0x1800]  }
0x1d0: {  	v46 =	vld [tilespmem:$0x1810]  }
0x1d1: {  	v47 =	vld [tilespmem:$0x1820]  }
0x1d2: {  	v48 =	vld [tilespmem:$0x1830]  }
0x1d3: {  	v49 =	vld [tilespmem:$0x1840]  }
0x1d4: {  	v50 =	vld [tilespmem:$0x1850]  }
0x1d5: {  	v51 =	vld [tilespmem:$0x1860]  }
0x1d6: {  	v54 =	vld [tilespmem:$0x1870];
	vm4 =	vge.f32 v35, v45;
	vm5 =	vge.f32 v35, v46;
	vm6 =	vge.f32 v35, v47  }
0x1d7: {  	v56 =	vld [tilespmem:$0x1880];
	vm7 =	vge.f32 v35, v48;
	v52 =	vsel vm4, $0x1, v1;
	v53 =	vsel vm5, $0x1, v1  }
0x1d8: {  	v58 =	vld [tilespmem:$0x1890];
	vm8 =	vge.f32 v35, v49;
	v55 =	vsel vm6, $0x1, v1;
	v37 =	vadd.s32 v52, v53  }
0x1d9: {  	vm9 =	vge.f32 v35, v50;
	v39 =	vsel vm7, $0x1, v1;
	v37 =	vadd.s32 v55, v37  }
0x1da: {  	v59 =	vld [tilespmem:$0x140];
	vm10 =	vge.f32 v35, v51;
	v57 =	vsel vm8, $0x1, v1;
	v37 =	vadd.s32 v39, v37  }
0x1db: {  	vm11 =	vge.f32 v35, v54;
	v60 =	vsel vm9, $0x1, v1;
	v37 =	vadd.s32 v57, v37  }
0x1dc: {  	vm12 =	vge.f32 v35, v56;
	v62 =	vsel vm10, $0x1, v1;
	v61 =	vadd.s32 v60, v37  }
0x1dd: {  	vm13 =	vge.f32 v35, v58;
	v63 =	vsel vm11, $0x1, v1;
	v36 =	vadd.s32 v62, v61  }
0x1de: {  	v35 =	vsub.f32 v35, v33;
	v40 =	vsel vm12, $0x1, v1;
	v36 =	vadd.s32 v63, v36  }
0x1df: {  	v43 =	vadd.s32 $0x1, v59;
	v44 =	vsel vm13, $0x1, v1;
	v36 =	vadd.s32 v40, v36  }
0x1e0: {  	[tilespmem:$0x540] =	vst v43;
	v35 =	vmul.f32 v35, v34;
	v36 =	vadd.s32 v44, v36  }
0x1e1: {  	[tilespmem:$0x740] =	vst v36  }
0x1e2: {  	[tilespmem:v21+s9+$0x0] =	vst.idx.msk $0xffff, v35  }
0x1e3: {  	v35 =	vld [tilespmem:$0x350]  }
0x1e4: {  	v45 =	vld [tilespmem:$0x1800]  }
0x1e5: {  	v46 =	vld [tilespmem:$0x1810]  }
0x1e6: {  	v47 =	vld [tilespmem:$0x1820]  }
0x1e7: {  	v48 =	vld [tilespmem:$0x1830]  }
0x1e8: {  	v49 =	vld [tilespmem:$0x1840]  }
0x1e9: {  	v50 =	vld [tilespmem:$0x1850]  }
0x1ea: {  	v51 =	vld [tilespmem:$0x1860]  }
0x1eb: {  	v54 =	vld [tilespmem:$0x1870];
	vm14 =	vge.f32 v35, v45;
	vm15 =	vge.f32 v35, v46;
	vm4 =	vge.f32 v35, v47  }
0x1ec: {  	v56 =	vld [tilespmem:$0x1880];
	vm5 =	vge.f32 v35, v48;
	v52 =	vsel vm14, $0x1, v1;
	v53 =	vsel vm15, $0x1, v1  }
0x1ed: {  	v58 =	vld [tilespmem:$0x1890];
	vm6 =	vge.f32 v35, v49;
	v55 =	vsel vm4, $0x1, v1;
	v37 =	vadd.s32 v52, v53  }
0x1ee: {  	vm7 =	vge.f32 v35, v50;
	v39 =	vsel vm5, $0x1, v1;
	v37 =	vadd.s32 v55, v37  }
0x1ef: {  	v59 =	vld [tilespmem:$0x150];
	vm8 =	vge.f32 v35, v51;
	v57 =	vsel vm6, $0x1, v1;
	v37 =	vadd.s32 v39, v37  }
0x1f0: {  	vm9 =	vge.f32 v35, v54;
	v60 =	vsel vm7, $0x1, v1;
	v37 =	vadd.s32 v57, v37  }
0x1f1: {  	vm10 =	vge.f32 v35, v56;
	v62 =	vsel vm8, $0x1, v1;
	v61 =	vadd.s32 v60, v37  }
0x1f2: {  	vm11 =	vge.f32 v35, v58;
	v63 =	vsel vm9, $0x1, v1;
	v36 =	vadd.s32 v62, v61  }
0x1f3: {  	v35 =	vsub.f32 v35, v33;
	v40 =	vsel vm10, $0x1, v1;
	v36 =	vadd.s32 v63, v36  }
0x1f4: {  	v43 =	vadd.s32 $0x1, v59;
	v44 =	vsel vm11, $0x1, v1;
	v36 =	vadd.s32 v40, v36  }
0x1f5: {  	[tilespmem:$0x550] =	vst v43;
	v35 =	vmul.f32 v35, v34;
	v36 =	vadd.s32 v44, v36  }
0x1f6: {  	[tilespmem:$0x750] =	vst v36  }
0x1f7: {  	[tilespmem:v22+s9+$0x0] =	vst.idx.msk $0xffff, v35  }
0x1f8: {  	v35 =	vld [tilespmem:$0x360]  }
0x1f9: {  	v45 =	vld [tilespmem:$0x1800]  }
0x1fa: {  	v46 =	vld [tilespmem:$0x1810]  }
0x1fb: {  	v47 =	vld [tilespmem:$0x1820]  }
0x1fc: {  	v48 =	vld [tilespmem:$0x1830]  }
0x1fd: {  	v49 =	vld [tilespmem:$0x1840]  }
0x1fe: {  	v50 =	vld [tilespmem:$0x1850]  }
0x1ff: {  	v51 =	vld [tilespmem:$0x1860]  }
0x200: {  	v54 =	vld [tilespmem:$0x1870];
	vm12 =	vge.f32 v35, v45;
	vm13 =	vge.f32 v35, v46;
	vm14 =	vge.f32 v35, v47  }
0x201: {  	v56 =	vld [tilespmem:$0x1880];
	vm15 =	vge.f32 v35, v48;
	v52 =	vsel vm12, $0x1, v1;
	v53 =	vsel vm13, $0x1, v1  }
0x202: {  	v58 =	vld [tilespmem:$0x1890];
	vm4 =	vge.f32 v35, v49;
	v55 =	vsel vm14, $0x1, v1;
	v37 =	vadd.s32 v52, v53  }
0x203: {  	vm5 =	vge.f32 v35, v50;
	v39 =	vsel vm15, $0x1, v1;
	v37 =	vadd.s32 v55, v37  }
0x204: {  	v59 =	vld [tilespmem:$0x160];
	vm6 =	vge.f32 v35, v51;
	v57 =	vsel vm4, $0x1, v1;
	v37 =	vadd.s32 v39, v37  }
0x205: {  	vm7 =	vge.f32 v35, v54;
	v60 =	vsel vm5, $0x1, v1;
	v37 =	vadd.s32 v57, v37  }
0x206: {  	vm8 =	vge.f32 v35, v56;
	v62 =	vsel vm6, $0x1, v1;
	v61 =	vadd.s32 v60, v37  }
0x207: {  	vm9 =	vge.f32 v35, v58;
	v63 =	vsel vm7, $0x1, v1;
	v36 =	vadd.s32 v62, v61  }
0x208: {  	v35 =	vsub.f32 v35, v33;
	v40 =	vsel vm8, $0x1, v1;
	v36 =	vadd.s32 v63, v36  }
0x209: {  	v43 =	vadd.s32 $0x1, v59;
	v44 =	vsel vm9, $0x1, v1;
	v36 =	vadd.s32 v40, v36  }
0x20a: {  	[tilespmem:$0x560] =	vst v43;
	v35 =	vmul.f32 v35, v34;
	v36 =	vadd.s32 v44, v36  }
0x20b: {  	[tilespmem:$0x760] =	vst v36  }
0x20c: {  	[tilespmem:v23+s9+$0x0] =	vst.idx.msk $0xffff, v35  }
0x20d: {  	v35 =	vld [tilespmem:$0x370]  }
0x20e: {  	v45 =	vld [tilespmem:$0x1800]  }
0x20f: {  	v46 =	vld [tilespmem:$0x1810]  }
0x210: {  	v47 =	vld [tilespmem:$0x1820]  }
0x211: {  	v48 =	vld [tilespmem:$0x1830]  }
0x212: {  	v49 =	vld [tilespmem:$0x1840]  }
0x213: {  	v50 =	vld [tilespmem:$0x1850]  }
0x214: {  	v51 =	vld [tilespmem:$0x1860]  }
0x215: {  	v54 =	vld [tilespmem:$0x1870];
	vm10 =	vge.f32 v35, v45;
	vm11 =	vge.f32 v35, v46;
	vm12 =	vge.f32 v35, v47  }
0x216: {  	v56 =	vld [tilespmem:$0x1880];
	vm13 =	vge.f32 v35, v48;
	v52 =	vsel vm10, $0x1, v1;
	v53 =	vsel vm11, $0x1, v1  }
0x217: {  	v58 =	vld [tilespmem:$0x1890];
	vm14 =	vge.f32 v35, v49;
	v55 =	vsel vm12, $0x1, v1;
	v37 =	vadd.s32 v52, v53  }
0x218: {  	vm15 =	vge.f32 v35, v50;
	v39 =	vsel vm13, $0x1, v1;
	v37 =	vadd.s32 v55, v37  }
0x219: {  	v59 =	vld [tilespmem:$0x170];
	vm4 =	vge.f32 v35, v51;
	v57 =	vsel vm14, $0x1, v1;
	v37 =	vadd.s32 v39, v37  }
0x21a: {  	vm5 =	vge.f32 v35, v54;
	v60 =	vsel vm15, $0x1, v1;
	v37 =	vadd.s32 v57, v37  }
0x21b: {  	vm6 =	vge.f32 v35, v56;
	v62 =	vsel vm4, $0x1, v1;
	v61 =	vadd.s32 v60, v37  }
0x21c: {  	vm7 =	vge.f32 v35, v58;
	v63 =	vsel vm5, $0x1, v1;
	v36 =	vadd.s32 v62, v61  }
0x21d: {  	v35 =	vsub.f32 v35, v33;
	v40 =	vsel vm6, $0x1, v1;
	v36 =	vadd.s32 v63, v36  }
0x21e: {  	v43 =	vadd.s32 $0x1, v59;
	v44 =	vsel vm7, $0x1, v1;
	v36 =	vadd.s32 v40, v36  }
0x21f: {  	[tilespmem:$0x570] =	vst v43;
	v35 =	vmul.f32 v35, v34;
	v36 =	vadd.s32 v44, v36  }
0x220: {  	[tilespmem:$0x770] =	vst v36  }
0x221: {  	[tilespmem:v24+s9+$0x0] =	vst.idx.msk $0xffff, v35  }
0x222: {  	v35 =	vld [tilespmem:$0x380]  }
0x223: {  	v45 =	vld [tilespmem:$0x1800]  }
0x224: {  	v46 =	vld [tilespmem:$0x1810]  }
0x225: {  	v47 =	vld [tilespmem:$0x1820]  }
0x226: {  	v48 =	vld [tilespmem:$0x1830]  }
0x227: {  	v49 =	vld [tilespmem:$0x1840]  }
0x228: {  	v50 =	vld [tilespmem:$0x1850]  }
0x229: {  	v51 =	vld [tilespmem:$0x1860]  }
0x22a: {  	v54 =	vld [tilespmem:$0x1870];
	vm8 =	vge.f32 v35, v45;
	vm9 =	vge.f32 v35, v46;
	vm10 =	vge.f32 v35, v47  }
0x22b: {  	v56 =	vld [tilespmem:$0x1880];
	vm11 =	vge.f32 v35, v48;
	v52 =	vsel vm8, $0x1, v1;
	v53 =	vsel vm9, $0x1, v1  }
0x22c: {  	v58 =	vld [tilespmem:$0x1890];
	vm12 =	vge.f32 v35, v49;
	v55 =	vsel vm10, $0x1, v1;
	v37 =	vadd.s32 v52, v53  }
0x22d: {  	vm13 =	vge.f32 v35, v50;
	v39 =	vsel vm11, $0x1, v1;
	v37 =	vadd.s32 v55, v37  }
0x22e: {  	v59 =	vld [tilespmem:$0x180];
	vm14 =	vge.f32 v35, v51;
	v57 =	vsel vm12, $0x1, v1;
	v37 =	vadd.s32 v39, v37  }
0x22f: {  	vm15 =	vge.f32 v35, v54;
	v60 =	vsel vm13, $0x1, v1;
	v37 =	vadd.s32 v57, v37  }
0x230: {  	vm4 =	vge.f32 v35, v56;
	v62 =	vsel vm14, $0x1, v1;
	v61 =	vadd.s32 v60, v37  }
0x231: {  	vm5 =	vge.f32 v35, v58;
	v63 =	vsel vm15, $0x1, v1;
	v36 =	vadd.s32 v62, v61  }
0x232: {  	v35 =	vsub.f32 v35, v33;
	v40 =	vsel vm4, $0x1, v1;
	v36 =	vadd.s32 v63, v36  }
0x233: {  	v43 =	vadd.s32 $0x1, v59;
	v44 =	vsel vm5, $0x1, v1;
	v36 =	vadd.s32 v40, v36  }
0x234: {  	[tilespmem:$0x580] =	vst v43;
	v35 =	vmul.f32 v35, v34;
	v36 =	vadd.s32 v44, v36  }
0x235: {  	[tilespmem:$0x780] =	vst v36  }
0x236: {  	[tilespmem:v25+s9+$0x0] =	vst.idx.msk $0xffff, v35  }
0x237: {  	v35 =	vld [tilespmem:$0x390]  }
0x238: {  	v45 =	vld [tilespmem:$0x1800]  }
0x239: {  	v46 =	vld [tilespmem:$0x1810]  }
0x23a: {  	v47 =	vld [tilespmem:$0x1820]  }
0x23b: {  	v48 =	vld [tilespmem:$0x1830]  }
0x23c: {  	v49 =	vld [tilespmem:$0x1840]  }
0x23d: {  	v50 =	vld [tilespmem:$0x1850]  }
0x23e: {  	v51 =	vld [tilespmem:$0x1860]  }
0x23f: {  	v54 =	vld [tilespmem:$0x1870];
	vm6 =	vge.f32 v35, v45;
	vm7 =	vge.f32 v35, v46;
	vm8 =	vge.f32 v35, v47  }
0x240: {  	v56 =	vld [tilespmem:$0x1880];
	vm9 =	vge.f32 v35, v48;
	v52 =	vsel vm6, $0x1, v1;
	v53 =	vsel vm7, $0x1, v1  }
0x241: {  	v58 =	vld [tilespmem:$0x1890];
	vm10 =	vge.f32 v35, v49;
	v55 =	vsel vm8, $0x1, v1;
	v37 =	vadd.s32 v52, v53  }
0x242: {  	vm11 =	vge.f32 v35, v50;
	v39 =	vsel vm9, $0x1, v1;
	v37 =	vadd.s32 v55, v37  }
0x243: {  	v59 =	vld [tilespmem:$0x190];
	vm12 =	vge.f32 v35, v51;
	v57 =	vsel vm10, $0x1, v1;
	v37 =	vadd.s32 v39, v37  }
0x244: {  	vm13 =	vge.f32 v35, v54;
	v60 =	vsel vm11, $0x1, v1;
	v37 =	vadd.s32 v57, v37  }
0x245: {  	vm14 =	vge.f32 v35, v56;
	v62 =	vsel vm12, $0x1, v1;
	v61 =	vadd.s32 v60, v37  }
0x246: {  	vm15 =	vge.f32 v35, v58;
	v63 =	vsel vm13, $0x1, v1;
	v36 =	vadd.s32 v62, v61  }
0x247: {  	v35 =	vsub.f32 v35, v33;
	v40 =	vsel vm14, $0x1, v1;
	v36 =	vadd.s32 v63, v36  }
0x248: {  	v43 =	vadd.s32 $0x1, v59;
	v44 =	vsel vm15, $0x1, v1;
	v36 =	vadd.s32 v40, v36  }
0x249: {  	[tilespmem:$0x590] =	vst v43;
	v35 =	vmul.f32 v35, v34;
	v36 =	vadd.s32 v44, v36  }
0x24a: {  	[tilespmem:$0x790] =	vst v36  }
0x24b: {  	[tilespmem:v26+s9+$0x0] =	vst.idx.msk $0xffff, v35  }
0x24c: {  	v35 =	vld [tilespmem:$0x3A0]  }
0x24d: {  	v45 =	vld [tilespmem:$0x1800]  }
0x24e: {  	v46 =	vld [tilespmem:$0x1810]  }
0x24f: {  	v47 =	vld [tilespmem:$0x1820]  }
0x250: {  	v48 =	vld [tilespmem:$0x1830]  }
0x251: {  	v49 =	vld [tilespmem:$0x1840]  }
0x252: {  	v50 =	vld [tilespmem:$0x1850]  }
0x253: {  	v51 =	vld [tilespmem:$0x1860]  }
0x254: {  	v54 =	vld [tilespmem:$0x1870];
	vm4 =	vge.f32 v35, v45;
	vm5 =	vge.f32 v35, v46;
	vm6 =	vge.f32 v35, v47  }
0x255: {  	v56 =	vld [tilespmem:$0x1880];
	vm7 =	vge.f32 v35, v48;
	v52 =	vsel vm4, $0x1, v1;
	v53 =	vsel vm5, $0x1, v1  }
0x256: {  	v58 =	vld [tilespmem:$0x1890];
	vm8 =	vge.f32 v35, v49;
	v55 =	vsel vm6, $0x1, v1;
	v37 =	vadd.s32 v52, v53  }
0x257: {  	vm9 =	vge.f32 v35, v50;
	v39 =	vsel vm7, $0x1, v1;
	v37 =	vadd.s32 v55, v37  }
0x258: {  	v59 =	vld [tilespmem:$0x1A0];
	vm10 =	vge.f32 v35, v51;
	v57 =	vsel vm8, $0x1, v1;
	v37 =	vadd.s32 v39, v37  }
0x259: {  	vm11 =	vge.f32 v35, v54;
	v60 =	vsel vm9, $0x1, v1;
	v37 =	vadd.s32 v57, v37  }
0x25a: {  	vm12 =	vge.f32 v35, v56;
	v62 =	vsel vm10, $0x1, v1;
	v61 =	vadd.s32 v60, v37  }
0x25b: {  	vm13 =	vge.f32 v35, v58;
	v63 =	vsel vm11, $0x1, v1;
	v36 =	vadd.s32 v62, v61  }
0x25c: {  	v35 =	vsub.f32 v35, v33;
	v40 =	vsel vm12, $0x1, v1;
	v36 =	vadd.s32 v63, v36  }
0x25d: {  	v43 =	vadd.s32 $0x1, v59;
	v44 =	vsel vm13, $0x1, v1;
	v36 =	vadd.s32 v40, v36  }
0x25e: {  	[tilespmem:$0x5A0] =	vst v43;
	v35 =	vmul.f32 v35, v34;
	v36 =	vadd.s32 v44, v36  }
0x25f: {  	[tilespmem:$0x7A0] =	vst v36  }
0x260: {  	[tilespmem:v27+s9+$0x0] =	vst.idx.msk $0xffff, v35  }
0x261: {  	v35 =	vld [tilespmem:$0x3B0]  }
0x262: {  	v45 =	vld [tilespmem:$0x1800]  }
0x263: {  	v46 =	vld [tilespmem:$0x1810]  }
0x264: {  	v47 =	vld [tilespmem:$0x1820]  }
0x265: {  	v48 =	vld [tilespmem:$0x1830]  }
0x266: {  	v49 =	vld [tilespmem:$0x1840]  }
0x267: {  	v50 =	vld [tilespmem:$0x1850]  }
0x268: {  	v51 =	vld [tilespmem:$0x1860]  }
0x269: {  	v54 =	vld [tilespmem:$0x1870];
	vm14 =	vge.f32 v35, v45;
	vm15 =	vge.f32 v35, v46;
	vm4 =	vge.f32 v35, v47  }
0x26a: {  	v56 =	vld [tilespmem:$0x1880];
	vm5 =	vge.f32 v35, v48;
	v52 =	vsel vm14, $0x1, v1;
	v53 =	vsel vm15, $0x1, v1  }
0x26b: {  	v58 =	vld [tilespmem:$0x1890];
	vm6 =	vge.f32 v35, v49;
	v55 =	vsel vm4, $0x1, v1;
	v37 =	vadd.s32 v52, v53  }
0x26c: {  	vm7 =	vge.f32 v35, v50;
	v39 =	vsel vm5, $0x1, v1;
	v37 =	vadd.s32 v55, v37  }
0x26d: {  	v59 =	vld [tilespmem:$0x1B0];
	vm8 =	vge.f32 v35, v51;
	v57 =	vsel vm6, $0x1, v1;
	v37 =	vadd.s32 v39, v37  }
0x26e: {  	vm9 =	vge.f32 v35, v54;
	v60 =	vsel vm7, $0x1, v1;
	v37 =	vadd.s32 v57, v37  }
0x26f: {  	vm10 =	vge.f32 v35, v56;
	v62 =	vsel vm8, $0x1, v1;
	v61 =	vadd.s32 v60, v37  }
0x270: {  	vm11 =	vge.f32 v35, v58;
	v63 =	vsel vm9, $0x1, v1;
	v36 =	vadd.s32 v62, v61  }
0x271: {  	v35 =	vsub.f32 v35, v33;
	v40 =	vsel vm10, $0x1, v1;
	v36 =	vadd.s32 v63, v36  }
0x272: {  	v43 =	vadd.s32 $0x1, v59;
	v44 =	vsel vm11, $0x1, v1;
	v36 =	vadd.s32 v40, v36  }
0x273: {  	[tilespmem:$0x5B0] =	vst v43;
	v35 =	vmul.f32 v35, v34;
	v36 =	vadd.s32 v44, v36  }
0x274: {  	[tilespmem:$0x7B0] =	vst v36  }
0x275: {  	[tilespmem:v28+s9+$0x0] =	vst.idx.msk $0xffff, v35  }
0x276: {  	v35 =	vld [tilespmem:$0x3C0]  }
0x277: {  	v45 =	vld [tilespmem:$0x1800]  }
0x278: {  	v46 =	vld [tilespmem:$0x1810]  }
0x279: {  	v47 =	vld [tilespmem:$0x1820]  }
0x27a: {  	v48 =	vld [tilespmem:$0x1830]  }
0x27b: {  	v49 =	vld [tilespmem:$0x1840]  }
0x27c: {  	v50 =	vld [tilespmem:$0x1850]  }
0x27d: {  	v51 =	vld [tilespmem:$0x1860]  }
0x27e: {  	v54 =	vld [tilespmem:$0x1870];
	vm12 =	vge.f32 v35, v45;
	vm13 =	vge.f32 v35, v46;
	vm14 =	vge.f32 v35, v47  }
0x27f: {  	v56 =	vld [tilespmem:$0x1880];
	vm15 =	vge.f32 v35, v48;
	v52 =	vsel vm12, $0x1, v1;
	v53 =	vsel vm13, $0x1, v1  }
0x280: {  	v58 =	vld [tilespmem:$0x1890];
	vm4 =	vge.f32 v35, v49;
	v55 =	vsel vm14, $0x1, v1;
	v37 =	vadd.s32 v52, v53  }
0x281: {  	vm5 =	vge.f32 v35, v50;
	v39 =	vsel vm15, $0x1, v1;
	v37 =	vadd.s32 v55, v37  }
0x282: {  	v59 =	vld [tilespmem:$0x1C0];
	vm6 =	vge.f32 v35, v51;
	v57 =	vsel vm4, $0x1, v1;
	v37 =	vadd.s32 v39, v37  }
0x283: {  	vm7 =	vge.f32 v35, v54;
	v60 =	vsel vm5, $0x1, v1;
	v37 =	vadd.s32 v57, v37  }
0x284: {  	vm8 =	vge.f32 v35, v56;
	v62 =	vsel vm6, $0x1, v1;
	v61 =	vadd.s32 v60, v37  }
0x285: {  	vm9 =	vge.f32 v35, v58;
	v63 =	vsel vm7, $0x1, v1;
	v36 =	vadd.s32 v62, v61  }
0x286: {  	v35 =	vsub.f32 v35, v33;
	v40 =	vsel vm8, $0x1, v1;
	v36 =	vadd.s32 v63, v36  }
0x287: {  	v43 =	vadd.s32 $0x1, v59;
	v44 =	vsel vm9, $0x1, v1;
	v36 =	vadd.s32 v40, v36  }
0x288: {  	[tilespmem:$0x5C0] =	vst v43;
	v35 =	vmul.f32 v35, v34;
	v36 =	vadd.s32 v44, v36  }
0x289: {  	[tilespmem:$0x7C0] =	vst v36  }
0x28a: {  	[tilespmem:v29+s9+$0x0] =	vst.idx.msk $0xffff, v35  }
0x28b: {  	v35 =	vld [tilespmem:$0x3D0]  }
0x28c: {  	v45 =	vld [tilespmem:$0x1800]  }
0x28d: {  	v46 =	vld [tilespmem:$0x1810]  }
0x28e: {  	v47 =	vld [tilespmem:$0x1820]  }
0x28f: {  	v48 =	vld [tilespmem:$0x1830]  }
0x290: {  	v49 =	vld [tilespmem:$0x1840]  }
0x291: {  	v50 =	vld [tilespmem:$0x1850]  }
0x292: {  	v51 =	vld [tilespmem:$0x1860]  }
0x293: {  	v54 =	vld [tilespmem:$0x1870];
	vm10 =	vge.f32 v35, v45;
	vm11 =	vge.f32 v35, v46;
	vm12 =	vge.f32 v35, v47  }
0x294: {  	v56 =	vld [tilespmem:$0x1880];
	vm13 =	vge.f32 v35, v48;
	v52 =	vsel vm10, $0x1, v1;
	v53 =	vsel vm11, $0x1, v1  }
0x295: {  	v58 =	vld [tilespmem:$0x1890];
	vm14 =	vge.f32 v35, v49;
	v55 =	vsel vm12, $0x1, v1;
	v37 =	vadd.s32 v52, v53  }
0x296: {  	vm15 =	vge.f32 v35, v50;
	v39 =	vsel vm13, $0x1, v1;
	v37 =	vadd.s32 v55, v37  }
0x297: {  	v59 =	vld [tilespmem:$0x1D0];
	vm4 =	vge.f32 v35, v51;
	v57 =	vsel vm14, $0x1, v1;
	v37 =	vadd.s32 v39, v37  }
0x298: {  	vm5 =	vge.f32 v35, v54;
	v60 =	vsel vm15, $0x1, v1;
	v37 =	vadd.s32 v57, v37  }
0x299: {  	vm6 =	vge.f32 v35, v56;
	v62 =	vsel vm4, $0x1, v1;
	v61 =	vadd.s32 v60, v37  }
0x29a: {  	vm7 =	vge.f32 v35, v58;
	v63 =	vsel vm5, $0x1, v1;
	v36 =	vadd.s32 v62, v61  }
0x29b: {  	v35 =	vsub.f32 v35, v33;
	v40 =	vsel vm6, $0x1, v1;
	v36 =	vadd.s32 v63, v36  }
0x29c: {  	v43 =	vadd.s32 $0x1, v59;
	v44 =	vsel vm7, $0x1, v1;
	v36 =	vadd.s32 v40, v36  }
0x29d: {  	[tilespmem:$0x5D0] =	vst v43;
	v35 =	vmul.f32 v35, v34;
	v36 =	vadd.s32 v44, v36  }
0x29e: {  	[tilespmem:$0x7D0] =	vst v36  }
0x29f: {  	[tilespmem:v30+s9+$0x0] =	vst.idx.msk $0xffff, v35  }
0x2a0: {  	v35 =	vld [tilespmem:$0x3E0]  }
0x2a1: {  	v45 =	vld [tilespmem:$0x1800]  }
0x2a2: {  	v46 =	vld [tilespmem:$0x1810]  }
0x2a3: {  	v47 =	vld [tilespmem:$0x1820]  }
0x2a4: {  	v48 =	vld [tilespmem:$0x1830]  }
0x2a5: {  	v49 =	vld [tilespmem:$0x1840]  }
0x2a6: {  	v50 =	vld [tilespmem:$0x1850]  }
0x2a7: {  	v51 =	vld [tilespmem:$0x1860]  }
0x2a8: {  	v54 =	vld [tilespmem:$0x1870];
	vm8 =	vge.f32 v35, v45;
	vm9 =	vge.f32 v35, v46;
	vm10 =	vge.f32 v35, v47  }
0x2a9: {  	v56 =	vld [tilespmem:$0x1880];
	vm11 =	vge.f32 v35, v48;
	v52 =	vsel vm8, $0x1, v1;
	v53 =	vsel vm9, $0x1, v1  }
0x2aa: {  	v58 =	vld [tilespmem:$0x1890];
	vm12 =	vge.f32 v35, v49;
	v55 =	vsel vm10, $0x1, v1;
	v37 =	vadd.s32 v52, v53  }
0x2ab: {  	vm13 =	vge.f32 v35, v50;
	v39 =	vsel vm11, $0x1, v1;
	v37 =	vadd.s32 v55, v37  }
0x2ac: {  	v59 =	vld [tilespmem:$0x1E0];
	vm14 =	vge.f32 v35, v51;
	v57 =	vsel vm12, $0x1, v1;
	v37 =	vadd.s32 v39, v37  }
0x2ad: {  	vm15 =	vge.f32 v35, v54;
	v60 =	vsel vm13, $0x1, v1;
	v37 =	vadd.s32 v57, v37  }
0x2ae: {  	vm4 =	vge.f32 v35, v56;
	v62 =	vsel vm14, $0x1, v1;
	v61 =	vadd.s32 v60, v37  }
0x2af: {  	vm5 =	vge.f32 v35, v58;
	v63 =	vsel vm15, $0x1, v1;
	v36 =	vadd.s32 v62, v61  }
0x2b0: {  	v35 =	vsub.f32 v35, v33;
	v40 =	vsel vm4, $0x1, v1;
	v36 =	vadd.s32 v63, v36  }
0x2b1: {  	v42 =	vadd.s32 $0x1, v59;
	v43 =	vsel vm5, $0x1, v1;
	v36 =	vadd.s32 v40, v36  }
0x2b2: {  	[tilespmem:$0x5E0] =	vst v42;
	v35 =	vmul.f32 v35, v34;
	v36 =	vadd.s32 v43, v36  }
0x2b3: {  	[tilespmem:$0x7E0] =	vst v36  }
0x2b4: {  	[tilespmem:v31+s9+$0x0] =	vst.idx.msk $0xffff, v35  }
0x2b5: {  	v35 =	vld [tilespmem:$0x3F0]  }
0x2b6: {  	v44 =	vld [tilespmem:$0x1800]  }
0x2b7: {  	v45 =	vld [tilespmem:$0x1810]  }
0x2b8: {  	v46 =	vld [tilespmem:$0x1820]  }
0x2b9: {  	v47 =	vld [tilespmem:$0x1830]  }
0x2ba: {  	v48 =	vld [tilespmem:$0x1840]  }
0x2bb: {  	v49 =	vld [tilespmem:$0x1850]  }
0x2bc: {  	v50 =	vld [tilespmem:$0x1860]  }
0x2bd: {  	v53 =	vld [tilespmem:$0x1870];
	vm6 =	vge.f32 v35, v44;
	vm7 =	vge.f32 v35, v45;
	vm8 =	vge.f32 v35, v46  }
0x2be: {  	v55 =	vld [tilespmem:$0x1880];
	vm9 =	vge.f32 v35, v47;
	v51 =	vsel vm6, $0x1, v1;
	v52 =	vsel vm7, $0x1, v1  }
0x2bf: {  	v57 =	vld [tilespmem:$0x1890];
	vm10 =	vge.f32 v35, v48;
	v54 =	vsel vm8, $0x1, v1;
	v37 =	vadd.s32 v51, v52  }
0x2c0: {  	vm11 =	vge.f32 v35, v49;
	v39 =	vsel vm9, $0x1, v1;
	v37 =	vadd.s32 v54, v37  }
0x2c1: {  	v59 =	vld [tilespmem:$0x1F0];
	vm12 =	vge.f32 v35, v50;
	v56 =	vsel vm10, $0x1, v1;
	v37 =	vadd.s32 v39, v37  }
0x2c2: {  	vm13 =	vge.f32 v35, v53;
	v58 =	vsel vm11, $0x1, v1;
	v37 =	vadd.s32 v56, v37  }
0x2c3: {  	vm14 =	vge.f32 v35, v55;
	v60 =	vsel vm12, $0x1, v1;
	v37 =	vadd.s32 v58, v37  }
0x2c4: {  	vm15 =	vge.f32 v35, v57;
	v38 =	vsel vm13, $0x1, v1;
	v37 =	vadd.s32 v60, v37  }
0x2c5: {  	v33 =	vsub.f32 v35, v33;
	v61 =	vsel vm14, $0x1, v1;
	v37 =	vadd.s32 v38, v37  }
0x2c6: {  	v36 =	vadd.s32 $0x1, v59;
	v63 =	vsel vm15, $0x1, v1;
	v62 =	vadd.s32 v61, v37  }
0x2c7: {  	[tilespmem:$0x5F0] =	vst v36;
	v33 =	vmul.f32 v33, v34;
	v35 =	vadd.s32 v63, v62  }
0x2c8: {  	[tilespmem:$0x7F0] =	vst v35  }
0x2c9: {  	[tilespmem:v32+s9+$0x0] =	vst.idx.msk $0xffff, v33  }
0x2ca: {  	[tilespmem:s12], [sflag:$0x1] =	stream.indirect.gather [hbm4b:s3+s10], $0x40, s11, s10, $0xb8;
	[tilespmem:$0x118C0] =	vst v63  }
0x2cb: {  	_ = 	snop  }
0x2cc: {  	[tilespmem:s14], [sflag:$0x2] =	stream.indirect.gather [hbm4b:s5+s10], $0x40, s13, s10, $0xb8;
	[tilespmem:$0x118C0] =	vst v63  }
0x2cd: {  	_ = 	snop  }
0x2ce: {  	[tilespmem:s16], [sflag:$0x1] =	stream.indirect.gather [hbm4b:s3+s10], $0x40, s15, s10, $0xb8;
	[tilespmem:$0x118C0] =	vst v63  }
0x2cf: {  	_ = 	snop  }
0x2d0: {  	[tilespmem:s18], [sflag:$0x2] =	stream.indirect.gather [hbm4b:s5+s10], $0x40, s17, s10, $0xb8;
	[tilespmem:$0x118C0] =	vst v63  }
0x2d1: {  	_ = 	snop  }
0x2d2: {  	[tilespmem:s20], [sflag:$0x1] =	stream.indirect.gather [hbm4b:s3+s10], $0x40, s19, s10, $0xb8;
	[tilespmem:$0x118C0] =	vst v63  }
0x2d3: {  	_ = 	snop  }
0x2d4: {  	[tilespmem:s22], [sflag:$0x2] =	stream.indirect.gather [hbm4b:s5+s10], $0x40, s21, s10, $0xb8;
	[tilespmem:$0x118C0] =	vst v63  }
0x2d5: {  	_ = 	snop  }
0x2d6: {  	[tilespmem:s24], [sflag:$0x1] =	stream.indirect.gather [hbm4b:s3+s10], $0x40, s23, s10, $0xb8;
	[tilespmem:$0x118C0] =	vst v63  }
0x2d7: {  	_ = 	snop  }
0x2d8: {  	[tilespmem:s26], [sflag:$0x2] =	stream.indirect.gather [hbm4b:s5+s10], $0x40, s25, s10, $0xb8;
	[tilespmem:$0x118C0] =	vst v63  }
0x2d9: {  	_ =	swait.ge [sflag:s28], $0x2000  }
0x2da: {  	[sflag:s28] =	ssyncset.done $0x0  }
0x2db: {  	[sflag:s28] =	ssyncadd.s32 $0xFFFFE000  }
0x2dc: {  	_ =	swait.ge [sflag:s28], $0x2000  }
0x2dd: {  	[sflag:s28] =	ssyncset.done $0x0  }
0x2de: {  	[sflag:s28] =	ssyncadd.s32 $0xFFFFE000  }
0x2df: {  	_ =	swait.ge [sflag:s28], $0x2000  }
0x2e0: {  	[sflag:s28] =	ssyncset.done $0x0  }
0x2e1: {  	[sflag:s28] =	ssyncadd.s32 $0xFFFFE000  }
0x2e2: {  	_ =	swait.ge [sflag:s28], $0x2000  }
0x2e3: {  	[sflag:s28] =	ssyncset.done $0x0  }
0x2e4: {  	[sflag:s28] =	ssyncadd.s32 $0xFFFFE000  }
0x2e5: {  	_ =	swait.ge [sflag:s29], $0x2000  }
0x2e6: {  	[sflag:s29] =	ssyncset.done $0x0  }
0x2e7: {  	[sflag:s29] =	ssyncadd.s32 $0xFFFFE000  }
0x2e8: {  	_ =	swait.ge [sflag:s29], $0x2000  }
0x2e9: {  	[sflag:s29] =	ssyncset.done $0x0  }
0x2ea: {  	[sflag:s29] =	ssyncadd.s32 $0xFFFFE000  }
0x2eb: {  	_ =	swait.ge [sflag:s29], $0x2000  }
0x2ec: {  	[sflag:s29] =	ssyncset.done $0x0  }
0x2ed: {  	[sflag:s29] =	ssyncadd.s32 $0xFFFFE000  }
0x2ee: {  	_ =	swait.ge [sflag:s29], $0x2000  }
0x2ef: {  	[sflag:s29] =	ssyncset.done $0x0  }
0x2f0: {  	[sflag:s29] =	ssyncadd.s32 $0xFFFFE000  }
0x2f1: {  	[hbm4b:s4+s30] =	stream.strided.scatter [tilespmem:s12], [sflag:$0x3], $0x8000, s31, s30, $0x38;
	[tilespmem:$0x118C0] =	vst v63  }
0x2f2: {  	_ =	swait.ge [sflag:s7], $0x8000  }
0x2f3: {  	[sflag:s7] =	ssyncset.done $0x0  }
0x2f4: {  	s8 =	rddreg [dreg:$0x9];
	[sflag:s7] =	ssyncadd.s32 $0xFFFF8000  }
0x2f5: {  	[hbm4b:s8+s30] =	stream.strided.scatter [tilespmem:s14], [sflag:$0x3], $0x8000, s31, s30, $0x38;
	[tilespmem:$0x118C0] =	vst v63  }
0x2f6: {  	_ =	swait.ge [sflag:s7], $0x8000  }
0x2f7: {  	p0 =	sne.s32 s6, $0x1;
	[sflag:s7] =	ssyncset.done $0x0  }
.Ltmp0:
0x2f8: {  	s8 =	rddreg [dreg:$0xa];
	[sflag:s7] =	ssyncadd.s32 $0xFFFF8000;
	(pc) =	sbr.rel @p0 .LBB2_1-.Ltmp0, $4  }
0x2f9: {  	[hbm4b:s8+s0] =	stream.strided.scatter [tilespmem:s9], [sflag:$0x3], $0x1000, s31, s0, $0x38;
	[tilespmem:$0x118C0] =	vst v63  }
0x2fa: {  	_ =	swait.ge [sflag:s7], $0x1000  }
0x2fb: {  	[sflag:s7] =	ssyncset.done $0x0  }
0x2fc: {  	s6 =	sadd.s32 $0xFFFFFFFF, s6;
	[sflag:s7] =	ssyncadd.s32 $0xFFFFF000  }
0x2fd: {  	_ =	sfence.sel $0x180000  }
0x2fe: {  	[bflag:$0x0] =	sbarrier.arrive $0xFFFF  }
0x2ff: {  	_ =	strace $0x90000047  }
0x300: {  	s0 =	stileid.u32;
	[bflag:$0x2] =	sbarrier.arrive $0xFFFF  }
0x301: {  	p0 =	sne.s32 s0, $0x0;
	s0 =	rddreg [dreg:$0x4]  }
0x302: {  	s0 =	sadd.s32 @!p0 $0x100000, s0  }
0x303: {  	[sflag:s0] =	ssyncadd.tile.s32 @!p0 $0x1;
	_ =	shalt  }
.Lfunc_end2:
_tile_overlayer_lowered:
.L_overlay_start_2:
0x304: {  	(tag) =	ssettag $0x2  }
0x305: {  	s0 =	rddreg [dreg:$0x0];
	s2 =	stileid.u32  }
0x306: {  	s1 =	rddreg [dreg:$0x1];
	p0 =	sne.s32 s2, $0x0  }
0x307: {  	s3 =	rddreg [dreg:$0x2];
	[bflag:$0x3] =	sbarrier.arrive $0xFFFF;
	s2 =	simm.s32 @!p0 $0x1C03  }
0x308: {  	[timem:s3], [sflag:s2] =	dma.local @!p0 [hbm:s0], s1  }
0x309: {  	s0 =	simm.s32 @!p0 $0x3  }
0x30a: {  	_ =	swait.ge @!p0 [sflag:s0], s1  }
0x30b: {  	s1 =	ssub.s32 @!p0 $0x0, s1;
	[sflag:s0] =	ssyncset.done @!p0 $0x0  }
0x30c: {  	[sflag:s0] =	ssyncadd.s32 @!p0 s1  }
0x30d: {  	[bflag:$0x3] =	sbarrier.arrive $0xFFFF  }
0x30e: {  	_ =	shalt  }

</sc_bundles>
